<compile_context>
chip_gen: v7x
topology: tpu7x:2x2x1
jax: 0.10.2.dev20260603
libtpu: 0.0.44.dev20260713+nightly
codegen_flags: <defaults>
</compile_context>

<pallas_src>
import functools

import jax
import jax.numpy as jnp
from jax import lax
from jax.experimental import pallas as pl
from jax.experimental.pallas import tpu as pltpu
from jax.experimental.pallas import tpu_sc as plsc

_B = 16384
_CONT = 13
_NCAT = 26
_VOCAB = 100000
_D = 64
_NROW = _CONT + _NCAT

_NC, _NS = 2, 16
_NW = _NC * _NS
_CATR = _NCAT * _D
_CONR = _CONT * _D
_CATPW = _CATR // _NW
_CONPW = _CONR // _NW
_CHUNK = 4096
_NCH = _B // _CHUNK
_VPC = _CHUNK // 16
_UNROLL = 32
_NSPLIT = 4
_VOFF = (0, 25088, 50176, 75264)
_VSZ = (25088, 25088, 25088, 24704)
_VTAIL = 99968
_TAILN = 128


def _body(xt_hbm, xc_hbm, tab_hbm, tails_hbm, ctf_hbm, out_hbm,
          row_v, idx_v, ob0_v, ob1_v, ctf_v, ssem, osem0, osem1):
    wid = lax.axis_index("s") * _NC + lax.axis_index("c")
    obufs = (ob0_v, ob1_v)
    osems = (osem0, osem1)

    pltpu.sync_copy(ctf_hbm, ctf_v)

    def owait(c, row):
        pltpu.make_async_copy(
            obufs[c % 2], out_hbm.at[row, pl.ds((c % _NCH) * _CHUNK, _CHUNK)],
            osems[c % 2]).wait()

    def opost(c, row):
        pltpu.async_copy(
            obufs[c % 2], out_hbm.at[row, pl.ds((c % _NCH) * _CHUNK, _CHUNK)],
            osems[c % 2])

    def cont_row(i, fprev):
        r = wid * _CONPW + i
        f = r // _D

        @pl.when(f != fprev)
        def _():
            pltpu.sync_copy(xt_hbm.at[f, :], row_v.at[pl.ds(0, _B)])

        scale = plsc.load_gather(ctf_v, [jnp.full((16,), r, jnp.int32)])
        for c in range(_NCH):
            @pl.when(i * _NCH + c >= 2)
            def _():
                owait(c, r)

            def vec(v, carry):
                for u in range(_UNROLL):
                    o = (v * _UNROLL + u) * 16
                    xv = row_v[pl.ds(c * _CHUNK + o, 16)]
                    obufs[c % 2][pl.ds(o, 16)] = xv * scale
                return carry
            lax.fori_loop(0, _VPC // _UNROLL, vec, None)
            opost(c, r)
        return f

    lax.fori_loop(0, _CONPW, cont_row, jnp.int32(-1))
    for c in range(2):
        owait(c, 0)

    def cat_row(i, fprev):
        r = wid * _CATPW + i
        f = r // _D

        @pl.when(f != fprev)
        def _():
            pltpu.sync_copy(xc_hbm.at[f, :], idx_v)

        descs = [
            pltpu.async_copy(tab_hbm.at[r].at[pl.ds(_VOFF[k], _VSZ[k])],
                             row_v.at[pl.ds(_VOFF[k], _VSZ[k])], ssem)
            for k in range(_NSPLIT)
        ]
        descs.append(
            pltpu.async_copy(tails_hbm.at[r, :],
                             row_v.at[pl.ds(_VTAIL, _TAILN)], ssem))
        for d in descs:
            d.wait()

        for c in range(_NCH):
            @pl.when(i * _NCH + c >= 2)
            def _():
                owait(c, _CONR + r)

            def vec(v, carry):
                for u in range(_UNROLL):
                    o = (v * _UNROLL + u) * 16
                    iv = idx_v[pl.ds(c * _CHUNK + o, 16)]
                    obufs[c % 2][pl.ds(o, 16)] = plsc.load_gather(row_v, [iv])
                return carry
            lax.fori_loop(0, _VPC // _UNROLL, vec, None)
            opost(c, _CONR + r)
        return f

    lax.fori_loop(0, _CATPW, cat_row, jnp.int32(-1))
    for c in range(2):
        owait(c, _CONR)


_emb_call = functools.partial(
    pl.kernel,
    out_type=jax.ShapeDtypeStruct((_NROW * _D, _B), jnp.float32),
    compiler_params=pltpu.CompilerParams(needs_layout_passes=False),
    mesh=plsc.VectorSubcoreMesh(
        core_axis_name="c", subcore_axis_name="s",
        num_cores=_NC, num_subcores=_NS),
    scratch_types=[
        pltpu.VMEM((_VTAIL + _TAILN,), jnp.float32),
        pltpu.VMEM((_B,), jnp.int32),
        pltpu.VMEM((_CHUNK,), jnp.float32),
        pltpu.VMEM((_CHUNK,), jnp.float32),
        pltpu.VMEM((_CONR,), jnp.float32),
        pltpu.SemaphoreType.DMA,
        pltpu.SemaphoreType.DMA,
        pltpu.SemaphoreType.DMA,
    ],
)(_body)


def kernel(x_cont, x_cat, cat_tables, cont_table):
    xt = x_cont.T
    xc = x_cat.astype(jnp.int32).T
    tab = cat_tables.transpose(0, 2, 1).reshape(_CATR, _VOCAB)
    ctf = cont_table.reshape(_CONR)
    tails = jnp.pad(
        cat_tables[:, _VTAIL:, :].transpose(0, 2, 1).reshape(
            _CATR, _VOCAB - _VTAIL),
        ((0, 0), (0, _TAILN - (_VOCAB - _VTAIL))))
    out_t = _emb_call(xt, xc, tab, tails, ctf)
    return out_t.reshape(_NROW, _D, _B).transpose(2, 0, 1)

# --- scband reference (transcript-rebuilt; emitter-appended) ---
"""Pipeline reference for scband-embedding2d-layer-1675037245858 (READ-ONLY COPY).

The authoritative reference and input builder live on the scoring server;
editing this copy changes nothing except your own understanding.
"""

import jax, jax.numpy as jnp
import numpy as np

B = 16384
CONT_DIM = 13
N_CAT = 26
VOCAB = 100000
EMBED_DIM = 64


def setup_inputs(seed: int = 0) -> dict:
    key = jax.random.key(seed)
    k1, k2, k3, k4 = jax.random.split(key, 4)
    x_cont = jax.random.normal(k1, (B, CONT_DIM), dtype=jnp.float32)
    x_cat = jax.random.randint(k2, (B, N_CAT), 0, VOCAB, dtype=jnp.int64)
    # learned params: per-field categorical tables (stacked, equal cardinality)
    cat_tables = jax.random.normal(k3, (N_CAT, VOCAB, EMBED_DIM), dtype=jnp.float32)
    # continuous 'embedding' table (one row per continuous feature)
    cont_table = jax.random.normal(k4, (CONT_DIM, EMBED_DIM), dtype=jnp.float32)
    return {"x_cont": x_cont, "x_cat": x_cat, "cat_tables": cat_tables, "cont_table": cont_table}


def reference(x_cont, x_cat, cat_tables, cont_table):
    # Continuous branch: cont_idx = arange(CONT_DIM) expanded over batch,
    # cont_embed = x_cont.unsqueeze(2) * cont_embedding(cont_idx)
    cont_embed = x_cont[:, :, None] * cont_table[None, :, :]  # [B, CONT_DIM, D]
    # Categorical branch: per-field embedding lookup, then concat on dim=1
    field_idx = jnp.arange(N_CAT, dtype=jnp.int32)[None, :]  # [1, N_CAT]
    cat_embed = cat_tables[field_idx, x_cat]  # [B, N_CAT, D]
    embed = jnp.concatenate([cont_embed, cat_embed], axis=1)  # [B, CONT_DIM + N_CAT, D]
    return embed

if __name__ == "__main__":
    import jax
    _d = setup_inputs()
    print(jax.jit(kernel)(*tuple(_d.values())))

</pallas_src>

<mosaic_0001>
#map = affine_map<(d0, d1) -> (0, 0)>
#map1 = affine_map<(d0, d1) -> (0)>
module attributes {stable_mosaic.version = 14 : i64} {
  func.func @_body(%arg0: i32, %arg1: i32, %arg2: memref<13x16384xf32, #tpu.memory_space<hbm>>, %arg3: memref<26x16384xi32, #tpu.memory_space<hbm>>, %arg4: memref<1664x100000xf32, #tpu.memory_space<hbm>>, %arg5: memref<1664x128xf32, #tpu.memory_space<hbm>>, %arg6: memref<832xf32, #tpu.memory_space<hbm>>, %arg7: memref<2496x16384xf32, #tpu.memory_space<hbm>>, %arg8: memref<100096xf32, #tpu.memory_space<vmem>>, %arg9: memref<16384xi32, #tpu.memory_space<vmem>>, %arg10: memref<4096xf32, #tpu.memory_space<vmem>>, %arg11: memref<4096xf32, #tpu.memory_space<vmem>>, %arg12: memref<832xf32, #tpu.memory_space<vmem>>, %arg13: memref<!tpu.dma_semaphore, #tpu.memory_space<semaphore_mem>>, %arg14: memref<!tpu.dma_semaphore, #tpu.memory_space<semaphore_mem>>, %arg15: memref<!tpu.dma_semaphore, #tpu.memory_space<semaphore_mem>>) attributes {dimension_semantics = [#tpu.dimension_semantics<core_parallel>, #tpu.dimension_semantics<subcore_parallel>], iteration_bounds = array<i64: 2, 16>, scalar_prefetch = 0 : i64, scratch_operands = 8 : i64, tpu.core_type = #tpu.core_type<sc_vector_subcore>, window_params = [{transform_indices = #map}, {transform_indices = #map}, {transform_indices = #map}, {transform_indices = #map}, {transform_indices = #map1}, {transform_indices = #map}]} {
    %mul3A = arith.constant 2 : i32
    %mul3A_0 = arith.muli %arg1, %mul3A : i32
    %add3A = arith.addi %mul3A_0, %arg0 : i32
    "tpu.region"() ({
      %run_scoped3A = tpu.sem_alloc : memref<!tpu.dma_semaphore, #tpu.memory_space<semaphore_mem>>
      tpu.enqueue_dma source(%arg6 : memref<832xf32, #tpu.memory_space<hbm>>) target(%arg12 : memref<832xf32, #tpu.memory_space<vmem>>) target_semaphore(%run_scoped3A : memref<!tpu.dma_semaphore, #tpu.memory_space<semaphore_mem>>)
      tpu.wait_dma2 semaphore(%run_scoped3A : memref<!tpu.dma_semaphore, #tpu.memory_space<semaphore_mem>>) src(%arg6 : memref<832xf32, #tpu.memory_space<hbm>>) dst(%arg12 : memref<832xf32, #tpu.memory_space<vmem>>)
      tpu.yield
    }) : () -> ()
    %scan3A = arith.constant -1 : i32
    %scan3A_1 = arith.constant 0 : i32
    %scan3A_2 = arith.constant 26 : i32
    %scan3A_3 = arith.addi %scan3A_1, %scan3A_2 : i32
    %scan3A_4 = arith.constant 1 : i32
    %scan3A_5 = scf.for %scan3A_41 = %scan3A_1 to %scan3A_3 step %scan3A_4 iter_args(%scan3A_42 = %scan3A) -> (i32)  : i32 {
      %mul3A_43 = arith.constant 26 : i32
      %mul3A_44 = arith.muli %add3A, %mul3A_43 : i32
      %add3A_45 = arith.addi %mul3A_44, %scan3A_41 : i32
      %jit3A = arith.constant 64 : i32
      %div3A = arith.divsi %add3A_45, %jit3A : i32
      %sign3A = arith.constant 0 : i32
      %sign3A_46 = arith.cmpi sgt, %add3A_45, %sign3A : i32
      %sign3A_47 = arith.extui %sign3A_46 : i1 to i32
      %sign3A_48 = arith.constant 0 : i32
      %sign3A_49 = arith.cmpi slt, %add3A_45, %sign3A_48 : i32
      %sign3A_50 = arith.extui %sign3A_49 : i1 to i32
      %sign3A_51 = arith.subi %sign3A_47, %sign3A_50 : i32
      %sign3A_52 = arith.constant 0 : i32
      %sign3A_53 = arith.cmpi sgt, %jit3A, %sign3A_52 : i32
      %sign3A_54 = arith.extui %sign3A_53 : i1 to i32
      %sign3A_55 = arith.constant 0 : i32
      %sign3A_56 = arith.cmpi slt, %jit3A, %sign3A_55 : i32
      %sign3A_57 = arith.extui %sign3A_56 : i1 to i32
      %sign3A_58 = arith.subi %sign3A_54, %sign3A_57 : i32
      %ne3A = arith.cmpi ne, %sign3A_51, %sign3A_58 : i32
      %rem3A = arith.remsi %add3A_45, %jit3A : i32
      %ne3A_59 = arith.constant 0 : i32
      %ne3A_60 = arith.cmpi ne, %rem3A, %ne3A_59 : i32
      %and3A = arith.andi %ne3A, %ne3A_60 : i1
      %sub3A = arith.constant 1 : i32
      %sub3A_61 = arith.subi %div3A, %sub3A : i32
      %select_n3A = arith.select %and3A, %sub3A_61, %div3A : i32
      %ne3A_62 = arith.cmpi ne, %select_n3A, %scan3A_42 : i32
      %convert_element_type3A = arith.extui %ne3A_62 : i1 to i32
      %cond3A = arith.constant 0 : i32
      %cond3A_63 = arith.cmpi ne, %convert_element_type3A, %cond3A : i32
      scf.if %cond3A_63 {
        "tpu.region"() ({
          %run_scoped3A = tpu.sem_alloc : memref<!tpu.dma_semaphore, #tpu.memory_space<semaphore_mem>>
          %dma_start3A_142 = arith.constant 0 : i32
          %dma_start3A_143 = tpu.memref_slice %arg8[%dma_start3A_142] : memref<100096xf32, #tpu.memory_space<vmem>> -> memref<16384xf32, #tpu.memory_space<vmem>>
          %dma_start3A_144 = arith.constant 0 : i32
          %dma_start3A_145 = tpu.memref_slice %arg2[%select_n3A, %dma_start3A_144] : memref<13x16384xf32, #tpu.memory_space<hbm>> -> memref<1x16384xf32, #tpu.memory_space<hbm>>
          %dma_start3A_146 = tpu.memref_squeeze %dma_start3A_145 : memref<1x16384xf32, #tpu.memory_space<hbm>> -> memref<16384xf32, #tpu.memory_space<hbm>>
          %dma_start3A_147 = arith.constant 0 : i32
          %dma_start3A_148 = tpu.memref_slice %arg8[%dma_start3A_147] : memref<100096xf32, #tpu.memory_space<vmem>> -> memref<16384xf32, #tpu.memory_space<vmem>>
          %dma_start3A_149 = arith.constant 0 : i32
          %dma_start3A_150 = tpu.memref_slice %arg2[%select_n3A, %dma_start3A_149] : memref<13x16384xf32, #tpu.memory_space<hbm>> -> memref<1x16384xf32, #tpu.memory_space<hbm>>
          %dma_start3A_151 = tpu.memref_squeeze %dma_start3A_150 : memref<1x16384xf32, #tpu.memory_space<hbm>> -> memref<16384xf32, #tpu.memory_space<hbm>>
          tpu.enqueue_dma source(%dma_start3A_151 : memref<16384xf32, #tpu.memory_space<hbm>>) target(%dma_start3A_148 : memref<16384xf32, #tpu.memory_space<vmem>>) target_semaphore(%run_scoped3A : memref<!tpu.dma_semaphore, #tpu.memory_space<semaphore_mem>>)
          %dma_wait3A_152 = arith.constant 0 : i32
          %dma_wait3A_153 = tpu.memref_slice %arg8[%dma_wait3A_152] : memref<100096xf32, #tpu.memory_space<vmem>> -> memref<16384xf32, #tpu.memory_space<vmem>>
          %dma_wait3A_154 = arith.constant 0 : i32
          %dma_wait3A_155 = tpu.memref_slice %arg2[%select_n3A, %dma_wait3A_154] : memref<13x16384xf32, #tpu.memory_space<hbm>> -> memref<1x16384xf32, #tpu.memory_space<hbm>>
          %dma_wait3A_156 = tpu.memref_squeeze %dma_wait3A_155 : memref<1x16384xf32, #tpu.memory_space<hbm>> -> memref<16384xf32, #tpu.memory_space<hbm>>
          %dma_wait3A_157 = arith.constant 0 : i32
          %dma_wait3A_158 = tpu.memref_slice %arg8[%dma_wait3A_157] : memref<100096xf32, #tpu.memory_space<vmem>> -> memref<16384xf32, #tpu.memory_space<vmem>>
          %dma_wait3A_159 = arith.constant 0 : i32
          %dma_wait3A_160 = tpu.memref_slice %arg2[%select_n3A, %dma_wait3A_159] : memref<13x16384xf32, #tpu.memory_space<hbm>> -> memref<1x16384xf32, #tpu.memory_space<hbm>>
          %dma_wait3A_161 = tpu.memref_squeeze %dma_wait3A_160 : memref<1x16384xf32, #tpu.memory_space<hbm>> -> memref<16384xf32, #tpu.memory_space<hbm>>
          tpu.wait_dma2 semaphore(%run_scoped3A : memref<!tpu.dma_semaphore, #tpu.memory_space<semaphore_mem>>) src(%dma_wait3A_161 : memref<16384xf32, #tpu.memory_space<hbm>>) dst(%dma_wait3A_158 : memref<16384xf32, #tpu.memory_space<vmem>>)
          tpu.yield
        }) : () -> ()
      } else {
      }
      %broadcast_in_dim3A = vector.broadcast %add3A_45 : i32 to vector<16xi32>
      %gather3A = tpu.vector_load_idx %arg12[%broadcast_in_dim3A] : memref<832xf32, #tpu.memory_space<vmem>>[vector<16xi32>], vector<16xf32>,
      %mul3A_64 = arith.constant 4 : i32
      %mul3A_65 = arith.muli %scan3A_41, %mul3A_64 : i32
      %add3A_66 = arith.constant 0 : i32
      %add3A_67 = arith.addi %mul3A_65, %add3A_66 : i32
      %ge3A = arith.constant 2 : i32
      %ge3A_68 = arith.cmpi sge, %add3A_67, %ge3A : i32
      %convert_element_type3A_69 = arith.extui %ge3A_68 : i1 to i32
      %cond3A_70 = arith.constant 0 : i32
      %cond3A_71 = arith.cmpi ne, %convert_element_type3A_69, %cond3A_70 : i32
      scf.if %cond3A_71 {
        %dma_wait3A_142 = arith.constant 0 : i32
        %dma_wait3A_143 = tpu.memref_slice %arg7[%add3A_45, %dma_wait3A_142] : memref<2496x16384xf32, #tpu.memory_space<hbm>> -> memref<1x4096xf32, #tpu.memory_space<hbm>>
        %dma_wait3A_144 = tpu.memref_squeeze %dma_wait3A_143 : memref<1x4096xf32, #tpu.memory_space<hbm>> -> memref<4096xf32, #tpu.memory_space<hbm>>
        %dma_wait3A_145 = arith.constant 0 : i32
        %dma_wait3A_146 = tpu.memref_slice %arg7[%add3A_45, %dma_wait3A_145] : memref<2496x16384xf32, #tpu.memory_space<hbm>> -> memref<1x4096xf32, #tpu.memory_space<hbm>>
        %dma_wait3A_147 = tpu.memref_squeeze %dma_wait3A_146 : memref<1x4096xf32, #tpu.memory_space<hbm>> -> memref<4096xf32, #tpu.memory_space<hbm>>
        tpu.wait_dma2 semaphore(%arg14 : memref<!tpu.dma_semaphore, #tpu.memory_space<semaphore_mem>>) src(%arg10 : memref<4096xf32, #tpu.memory_space<vmem>>) dst(%dma_wait3A_147 : memref<4096xf32, #tpu.memory_space<hbm>>)
      } else {
      }
      %scan3A_72 = arith.constant 0 : i32
      %scan3A_73 = arith.constant 8 : i32
      %scan3A_74 = arith.addi %scan3A_72, %scan3A_73 : i32
      %scan3A_75 = arith.constant 1 : i32
      scf.for %scan3A_142 = %scan3A_72 to %scan3A_74 step %scan3A_75  : i32 {
        %mul3A_143 = arith.constant 32 : i32
        %mul3A_144 = arith.muli %scan3A_142, %mul3A_143 : i32
        %add3A_145 = arith.constant 0 : i32
        %add3A_146 = arith.addi %mul3A_144, %add3A_145 : i32
        %mul3A_147 = arith.constant 16 : i32
        %mul3A_148 = arith.muli %add3A_146, %mul3A_147 : i32
        %add3A_149 = arith.constant 0 : i32
        %add3A_150 = arith.addi %add3A_149, %mul3A_148 : i32
        %get3A = arith.index_cast %add3A_150 : i32 to index
        %get3A_151 = tpu.vector_load %arg8[%get3A] {strides = array<i32>} : memref<100096xf32, #tpu.memory_space<vmem>>, vector<16xf32>,
        %mul3A_152 = arith.mulf %get3A_151, %gather3A : vector<16xf32>
        %swap3A = arith.index_cast %mul3A_148 : i32 to index
        %swap3A_153 = tpu.vector_load %arg10[%swap3A] {strides = array<i32>} : memref<4096xf32, #tpu.memory_space<vmem>>, vector<16xf32>,
        tpu.vector_store %arg10[%swap3A], %mul3A_152 {strides = array<i32>} : memref<4096xf32, #tpu.memory_space<vmem>>, vector<16xf32>,
        %mul3A_154 = arith.constant 32 : i32
        %mul3A_155 = arith.muli %scan3A_142, %mul3A_154 : i32
        %add3A_156 = arith.constant 1 : i32
        %add3A_157 = arith.addi %mul3A_155, %add3A_156 : i32
        %mul3A_158 = arith.constant 16 : i32
        %mul3A_159 = arith.muli %add3A_157, %mul3A_158 : i32
        %add3A_160 = arith.constant 0 : i32
        %add3A_161 = arith.addi %add3A_160, %mul3A_159 : i32
        %get3A_162 = arith.index_cast %add3A_161 : i32 to index
        %get3A_163 = tpu.vector_load %arg8[%get3A_162] {strides = array<i32>} : memref<100096xf32, #tpu.memory_space<vmem>>, vector<16xf32>,
        %mul3A_164 = arith.mulf %get3A_163, %gather3A : vector<16xf32>
        %swap3A_165 = arith.index_cast %mul3A_159 : i32 to index
        %swap3A_166 = tpu.vector_load %arg10[%swap3A_165] {strides = array<i32>} : memref<4096xf32, #tpu.memory_space<vmem>>, vector<16xf32>,
        tpu.vector_store %arg10[%swap3A_165], %mul3A_164 {strides = array<i32>} : memref<4096xf32, #tpu.memory_space<vmem>>, vector<16xf32>,
        %mul3A_167 = arith.constant 32 : i32
        %mul3A_168 = arith.muli %scan3A_142, %mul3A_167 : i32
        %add3A_169 = arith.constant 2 : i32
        %add3A_170 = arith.addi %mul3A_168, %add3A_169 : i32
        %mul3A_171 = arith.constant 16 : i32
        %mul3A_172 = arith.muli %add3A_170, %mul3A_171 : i32
        %add3A_173 = arith.constant 0 : i32
        %add3A_174 = arith.addi %add3A_173, %mul3A_172 : i32
        %get3A_175 = arith.index_cast %add3A_174 : i32 to index
        %get3A_176 = tpu.vector_load %arg8[%get3A_175] {strides = array<i32>} : memref<100096xf32, #tpu.memory_space<vmem>>, vector<16xf32>,
        %mul3A_177 = arith.mulf %get3A_176, %gather3A : vector<16xf32>
        %swap3A_178 = arith.index_cast %mul3A_172 : i32 to index
        %swap3A_179 = tpu.vector_load %arg10[%swap3A_178] {strides = array<i32>} : memref<4096xf32, #tpu.memory_space<vmem>>, vector<16xf32>,
        tpu.vector_store %arg10[%swap3A_178], %mul3A_177 {strides = array<i32>} : memref<4096xf32, #tpu.memory_space<vmem>>, vector<16xf32>,
        %mul3A_180 = arith.constant 32 : i32
        %mul3A_181 = arith.muli %scan3A_142, %mul3A_180 : i32
        %add3A_182 = arith.constant 3 : i32
        %add3A_183 = arith.addi %mul3A_181, %add3A_182 : i32
        %mul3A_184 = arith.constant 16 : i32
        %mul3A_185 = arith.muli %add3A_183, %mul3A_184 : i32
        %add3A_186 = arith.constant 0 : i32
        %add3A_187 = arith.addi %add3A_186, %mul3A_185 : i32
        %get3A_188 = arith.index_cast %add3A_187 : i32 to index
        %get3A_189 = tpu.vector_load %arg8[%get3A_188] {strides = array<i32>} : memref<100096xf32, #tpu.memory_space<vmem>>, vector<16xf32>,
        %mul3A_190 = arith.mulf %get3A_189, %gather3A : vector<16xf32>
        %swap3A_191 = arith.index_cast %mul3A_185 : i32 to index
        %swap3A_192 = tpu.vector_load %arg10[%swap3A_191] {strides = array<i32>} : memref<4096xf32, #tpu.memory_space<vmem>>, vector<16xf32>,
        tpu.vector_store %arg10[%swap3A_191], %mul3A_190 {strides = array<i32>} : memref<4096xf32, #tpu.memory_space<vmem>>, vector<16xf32>,
        %mul3A_193 = arith.constant 32 : i32
        %mul3A_194 = arith.muli %scan3A_142, %mul3A_193 : i32
        %add3A_195 = arith.constant 4 : i32
        %add3A_196 = arith.addi %mul3A_194, %add3A_195 : i32
        %mul3A_197 = arith.constant 16 : i32
        %mul3A_198 = arith.muli %add3A_196, %mul3A_197 : i32
        %add3A_199 = arith.constant 0 : i32
        %add3A_200 = arith.addi %add3A_199, %mul3A_198 : i32
        %get3A_201 = arith.index_cast %add3A_200 : i32 to index
        %get3A_202 = tpu.vector_load %arg8[%get3A_201] {strides = array<i32>} : memref<100096xf32, #tpu.memory_space<vmem>>, vector<16xf32>,
        %mul3A_203 = arith.mulf %get3A_202, %gather3A : vector<16xf32>
        %swap3A_204 = arith.index_cast %mul3A_198 : i32 to index
        %swap3A_205 = tpu.vector_load %arg10[%swap3A_204] {strides = array<i32>} : memref<4096xf32, #tpu.memory_space<vmem>>, vector<16xf32>,
        tpu.vector_store %arg10[%swap3A_204], %mul3A_203 {strides = array<i32>} : memref<4096xf32, #tpu.memory_space<vmem>>, vector<16xf32>,
        %mul3A_206 = arith.constant 32 : i32
        %mul3A_207 = arith.muli %scan3A_142, %mul3A_206 : i32
        %add3A_208 = arith.constant 5 : i32
        %add3A_209 = arith.addi %mul3A_207, %add3A_208 : i32
        %mul3A_210 = arith.constant 16 : i32
        %mul3A_211 = arith.muli %add3A_209, %mul3A_210 : i32
        %add3A_212 = arith.constant 0 : i32
        %add3A_213 = arith.addi %add3A_212, %mul3A_211 : i32
        %get3A_214 = arith.index_cast %add3A_213 : i32 to index
        %get3A_215 = tpu.vector_load %arg8[%get3A_214] {strides = array<i32>} : memref<100096xf32, #tpu.memory_space<vmem>>, vector<16xf32>,
        %mul3A_216 = arith.mulf %get3A_215, %gather3A : vector<16xf32>
        %swap3A_217 = arith.index_cast %mul3A_211 : i32 to index
        %swap3A_218 = tpu.vector_load %arg10[%swap3A_217] {strides = array<i32>} : memref<4096xf32, #tpu.memory_space<vmem>>, vector<16xf32>,
        tpu.vector_store %arg10[%swap3A_217], %mul3A_216 {strides = array<i32>} : memref<4096xf32, #tpu.memory_space<vmem>>, vector<16xf32>,
        %mul3A_219 = arith.constant 32 : i32
        %mul3A_220 = arith.muli %scan3A_142, %mul3A_219 : i32
        %add3A_221 = arith.constant 6 : i32
        %add3A_222 = arith.addi %mul3A_220, %add3A_221 : i32
        %mul3A_223 = arith.constant 16 : i32
        %mul3A_224 = arith.muli %add3A_222, %mul3A_223 : i32
        %add3A_225 = arith.constant 0 : i32
        %add3A_226 = arith.addi %add3A_225, %mul3A_224 : i32
        %get3A_227 = arith.index_cast %add3A_226 : i32 to index
        %get3A_228 = tpu.vector_load %arg8[%get3A_227] {strides = array<i32>} : memref<100096xf32, #tpu.memory_space<vmem>>, vector<16xf32>,
        %mul3A_229 = arith.mulf %get3A_228, %gather3A : vector<16xf32>
        %swap3A_230 = arith.index_cast %mul3A_224 : i32 to index
        %swap3A_231 = tpu.vector_load %arg10[%swap3A_230] {strides = array<i32>} : memref<4096xf32, #tpu.memory_space<vmem>>, vector<16xf32>,
        tpu.vector_store %arg10[%swap3A_230], %mul3A_229 {strides = array<i32>} : memref<4096xf32, #tpu.memory_space<vmem>>, vector<16xf32>,
        %mul3A_232 = arith.constant 32 : i32
        %mul3A_233 = arith.muli %scan3A_142, %mul3A_232 : i32
        %add3A_234 = arith.constant 7 : i32
        %add3A_235 = arith.addi %mul3A_233, %add3A_234 : i32
        %mul3A_236 = arith.constant 16 : i32
        %mul3A_237 = arith.muli %add3A_235, %mul3A_236 : i32
        %add3A_238 = arith.constant 0 : i32
        %add3A_239 = arith.addi %add3A_238, %mul3A_237 : i32
        %get3A_240 = arith.index_cast %add3A_239 : i32 to index
        %get3A_241 = tpu.vector_load %arg8[%get3A_240] {strides = array<i32>} : memref<100096xf32, #tpu.memory_space<vmem>>, vector<16xf32>,
        %mul3A_242 = arith.mulf %get3A_241, %gather3A : vector<16xf32>
        %swap3A_243 = arith.index_cast %mul3A_237 : i32 to index
        %swap3A_244 = tpu.vector_load %arg10[%swap3A_243] {strides = array<i32>} : memref<4096xf32, #tpu.memory_space<vmem>>, vector<16xf32>,
        tpu.vector_store %arg10[%swap3A_243], %mul3A_242 {strides = array<i32>} : memref<4096xf32, #tpu.memory_space<vmem>>, vector<16xf32>,
        %mul3A_245 = arith.constant 32 : i32
        %mul3A_246 = arith.muli %scan3A_142, %mul3A_245 : i32
        %add3A_247 = arith.constant 8 : i32
        %add3A_248 = arith.addi %mul3A_246, %add3A_247 : i32
        %mul3A_249 = arith.constant 16 : i32
        %mul3A_250 = arith.muli %add3A_248, %mul3A_249 : i32
        %add3A_251 = arith.constant 0 : i32
        %add3A_252 = arith.addi %add3A_251, %mul3A_250 : i32
        %get3A_253 = arith.index_cast %add3A_252 : i32 to index
        %get3A_254 = tpu.vector_load %arg8[%get3A_253] {strides = array<i32>} : memref<100096xf32, #tpu.memory_space<vmem>>, vector<16xf32>,
        %mul3A_255 = arith.mulf %get3A_254, %gather3A : vector<16xf32>
        %swap3A_256 = arith.index_cast %mul3A_250 : i32 to index
        %swap3A_257 = tpu.vector_load %arg10[%swap3A_256] {strides = array<i32>} : memref<4096xf32, #tpu.memory_space<vmem>>, vector<16xf32>,
        tpu.vector_store %arg10[%swap3A_256], %mul3A_255 {strides = array<i32>} : memref<4096xf32, #tpu.memory_space<vmem>>, vector<16xf32>,
        %mul3A_258 = arith.constant 32 : i32
        %mul3A_259 = arith.muli %scan3A_142, %mul3A_258 : i32
        %add3A_260 = arith.constant 9 : i32
        %add3A_261 = arith.addi %mul3A_259, %add3A_260 : i32
        %mul3A_262 = arith.constant 16 : i32
        %mul3A_263 = arith.muli %add3A_261, %mul3A_262 : i32
        %add3A_264 = arith.constant 0 : i32
        %add3A_265 = arith.addi %add3A_264, %mul3A_263 : i32
        %get3A_266 = arith.index_cast %add3A_265 : i32 to index
        %get3A_267 = tpu.vector_load %arg8[%get3A_266] {strides = array<i32>} : memref<100096xf32, #tpu.memory_space<vmem>>, vector<16xf32>,
        %mul3A_268 = arith.mulf %get3A_267, %gather3A : vector<16xf32>
        %swap3A_269 = arith.index_cast %mul3A_263 : i32 to index
        %swap3A_270 = tpu.vector_load %arg10[%swap3A_269] {strides = array<i32>} : memref<4096xf32, #tpu.memory_space<vmem>>, vector<16xf32>,
        tpu.vector_store %arg10[%swap3A_269], %mul3A_268 {strides = array<i32>} : memref<4096xf32, #tpu.memory_space<vmem>>, vector<16xf32>,
        %mul3A_271 = arith.constant 32 : i32
        %mul3A_272 = arith.muli %scan3A_142, %mul3A_271 : i32
        %add3A_273 = arith.constant 10 : i32
        %add3A_274 = arith.addi %mul3A_272, %add3A_273 : i32
        %mul3A_275 = arith.constant 16 : i32
        %mul3A_276 = arith.muli %add3A_274, %mul3A_275 : i32
        %add3A_277 = arith.constant 0 : i32
        %add3A_278 = arith.addi %add3A_277, %mul3A_276 : i32
        %get3A_279 = arith.index_cast %add3A_278 : i32 to index
        %get3A_280 = tpu.vector_load %arg8[%get3A_279] {strides = array<i32>} : memref<100096xf32, #tpu.memory_space<vmem>>, vector<16xf32>,
        %mul3A_281 = arith.mulf %get3A_280, %gather3A : vector<16xf32>
        %swap3A_282 = arith.index_cast %mul3A_276 : i32 to index
        %swap3A_283 = tpu.vector_load %arg10[%swap3A_282] {strides = array<i32>} : memref<4096xf32, #tpu.memory_space<vmem>>, vector<16xf32>,
        tpu.vector_store %arg10[%swap3A_282], %mul3A_281 {strides = array<i32>} : memref<4096xf32, #tpu.memory_space<vmem>>, vector<16xf32>,
        %mul3A_284 = arith.constant 32 : i32
        %mul3A_285 = arith.muli %scan3A_142, %mul3A_284 : i32
        %add3A_286 = arith.constant 11 : i32
        %add3A_287 = arith.addi %mul3A_285, %add3A_286 : i32
        %mul3A_288 = arith.constant 16 : i32
        %mul3A_289 = arith.muli %add3A_287, %mul3A_288 : i32
        %add3A_290 = arith.constant 0 : i32
        %add3A_291 = arith.addi %add3A_290, %mul3A_289 : i32
        %get3A_292 = arith.index_cast %add3A_291 : i32 to index
        %get3A_293 = tpu.vector_load %arg8[%get3A_292] {strides = array<i32>} : memref<100096xf32, #tpu.memory_space<vmem>>, vector<16xf32>,
        %mul3A_294 = arith.mulf %get3A_293, %gather3A : vector<16xf32>
        %swap3A_295 = arith.index_cast %mul3A_289 : i32 to index
        %swap3A_296 = tpu.vector_load %arg10[%swap3A_295] {strides = array<i32>} : memref<4096xf32, #tpu.memory_space<vmem>>, vector<16xf32>,
        tpu.vector_store %arg10[%swap3A_295], %mul3A_294 {strides = array<i32>} : memref<4096xf32, #tpu.memory_space<vmem>>, vector<16xf32>,
        %mul3A_297 = arith.constant 32 : i32
        %mul3A_298 = arith.muli %scan3A_142, %mul3A_297 : i32
        %add3A_299 = arith.constant 12 : i32
        %add3A_300 = arith.addi %mul3A_298, %add3A_299 : i32
        %mul3A_301 = arith.constant 16 : i32
        %mul3A_302 = arith.muli %add3A_300, %mul3A_301 : i32
        %add3A_303 = arith.constant 0 : i32
        %add3A_304 = arith.addi %add3A_303, %mul3A_302 : i32
        %get3A_305 = arith.index_cast %add3A_304 : i32 to index
        %get3A_306 = tpu.vector_load %arg8[%get3A_305] {strides = array<i32>} : memref<100096xf32, #tpu.memory_space<vmem>>, vector<16xf32>,
        %mul3A_307 = arith.mulf %get3A_306, %gather3A : vector<16xf32>
        %swap3A_308 = arith.index_cast %mul3A_302 : i32 to index
        %swap3A_309 = tpu.vector_load %arg10[%swap3A_308] {strides = array<i32>} : memref<4096xf32, #tpu.memory_space<vmem>>, vector<16xf32>,
        tpu.vector_store %arg10[%swap3A_308], %mul3A_307 {strides = array<i32>} : memref<4096xf32, #tpu.memory_space<vmem>>, vector<16xf32>,
        %mul3A_310 = arith.constant 32 : i32
        %mul3A_311 = arith.muli %scan3A_142, %mul3A_310 : i32
        %add3A_312 = arith.constant 13 : i32
        %add3A_313 = arith.addi %mul3A_311, %add3A_312 : i32
        %mul3A_314 = arith.constant 16 : i32
        %mul3A_315 = arith.muli %add3A_313, %mul3A_314 : i32
        %add3A_316 = arith.constant 0 : i32
        %add3A_317 = arith.addi %add3A_316, %mul3A_315 : i32
        %get3A_318 = arith.index_cast %add3A_317 : i32 to index
        %get3A_319 = tpu.vector_load %arg8[%get3A_318] {strides = array<i32>} : memref<100096xf32, #tpu.memory_space<vmem>>, vector<16xf32>,
        %mul3A_320 = arith.mulf %get3A_319, %gather3A : vector<16xf32>
        %swap3A_321 = arith.index_cast %mul3A_315 : i32 to index
        %swap3A_322 = tpu.vector_load %arg10[%swap3A_321] {strides = array<i32>} : memref<4096xf32, #tpu.memory_space<vmem>>, vector<16xf32>,
        tpu.vector_store %arg10[%swap3A_321], %mul3A_320 {strides = array<i32>} : memref<4096xf32, #tpu.memory_space<vmem>>, vector<16xf32>,
        %mul3A_323 = arith.constant 32 : i32
        %mul3A_324 = arith.muli %scan3A_142, %mul3A_323 : i32
        %add3A_325 = arith.constant 14 : i32
        %add3A_326 = arith.addi %mul3A_324, %add3A_325 : i32
        %mul3A_327 = arith.constant 16 : i32
        %mul3A_328 = arith.muli %add3A_326, %mul3A_327 : i32
        %add3A_329 = arith.constant 0 : i32
        %add3A_330 = arith.addi %add3A_329, %mul3A_328 : i32
        %get3A_331 = arith.index_cast %add3A_330 : i32 to index
        %get3A_332 = tpu.vector_load %arg8[%get3A_331] {strides = array<i32>} : memref<100096xf32, #tpu.memory_space<vmem>>, vector<16xf32>,
        %mul3A_333 = arith.mulf %get3A_332, %gather3A : vector<16xf32>
        %swap3A_334 = arith.index_cast %mul3A_328 : i32 to index
        %swap3A_335 = tpu.vector_load %arg10[%swap3A_334] {strides = array<i32>} : memref<4096xf32, #tpu.memory_space<vmem>>, vector<16xf32>,
        tpu.vector_store %arg10[%swap3A_334], %mul3A_333 {strides = array<i32>} : memref<4096xf32, #tpu.memory_space<vmem>>, vector<16xf32>,
        %mul3A_336 = arith.constant 32 : i32
        %mul3A_337 = arith.muli %scan3A_142, %mul3A_336 : i32
        %add3A_338 = arith.constant 15 : i32
        %add3A_339 = arith.addi %mul3A_337, %add3A_338 : i32
        %mul3A_340 = arith.constant 16 : i32
        %mul3A_341 = arith.muli %add3A_339, %mul3A_340 : i32
        %add3A_342 = arith.constant 0 : i32
        %add3A_343 = arith.addi %add3A_342, %mul3A_341 : i32
        %get3A_344 = arith.index_cast %add3A_343 : i32 to index
        %get3A_345 = tpu.vector_load %arg8[%get3A_344] {strides = array<i32>} : memref<100096xf32, #tpu.memory_space<vmem>>, vector<16xf32>,
        %mul3A_346 = arith.mulf %get3A_345, %gather3A : vector<16xf32>
        %swap3A_347 = arith.index_cast %mul3A_341 : i32 to index
        %swap3A_348 = tpu.vector_load %arg10[%swap3A_347] {strides = array<i32>} : memref<4096xf32, #tpu.memory_space<vmem>>, vector<16xf32>,
        tpu.vector_store %arg10[%swap3A_347], %mul3A_346 {strides = array<i32>} : memref<4096xf32, #tpu.memory_space<vmem>>, vector<16xf32>,
        %mul3A_349 = arith.constant 32 : i32
        %mul3A_350 = arith.muli %scan3A_142, %mul3A_349 : i32
        %add3A_351 = arith.constant 16 : i32
        %add3A_352 = arith.addi %mul3A_350, %add3A_351 : i32
        %mul3A_353 = arith.constant 16 : i32
        %mul3A_354 = arith.muli %add3A_352, %mul3A_353 : i32
        %add3A_355 = arith.constant 0 : i32
        %add3A_356 = arith.addi %add3A_355, %mul3A_354 : i32
        %get3A_357 = arith.index_cast %add3A_356 : i32 to index
        %get3A_358 = tpu.vector_load %arg8[%get3A_357] {strides = array<i32>} : memref<100096xf32, #tpu.memory_space<vmem>>, vector<16xf32>,
        %mul3A_359 = arith.mulf %get3A_358, %gather3A : vector<16xf32>
        %swap3A_360 = arith.index_cast %mul3A_354 : i32 to index
        %swap3A_361 = tpu.vector_load %arg10[%swap3A_360] {strides = array<i32>} : memref<4096xf32, #tpu.memory_space<vmem>>, vector<16xf32>,
        tpu.vector_store %arg10[%swap3A_360], %mul3A_359 {strides = array<i32>} : memref<4096xf32, #tpu.memory_space<vmem>>, vector<16xf32>,
        %mul3A_362 = arith.constant 32 : i32
        %mul3A_363 = arith.muli %scan3A_142, %mul3A_362 : i32
        %add3A_364 = arith.constant 17 : i32
        %add3A_365 = arith.addi %mul3A_363, %add3A_364 : i32
        %mul3A_366 = arith.constant 16 : i32
        %mul3A_367 = arith.muli %add3A_365, %mul3A_366 : i32
        %add3A_368 = arith.constant 0 : i32
        %add3A_369 = arith.addi %add3A_368, %mul3A_367 : i32
        %get3A_370 = arith.index_cast %add3A_369 : i32 to index
        %get3A_371 = tpu.vector_load %arg8[%get3A_370] {strides = array<i32>} : memref<100096xf32, #tpu.memory_space<vmem>>, vector<16xf32>,
        %mul3A_372 = arith.mulf %get3A_371, %gather3A : vector<16xf32>
        %swap3A_373 = arith.index_cast %mul3A_367 : i32 to index
        %swap3A_374 = tpu.vector_load %arg10[%swap3A_373] {strides = array<i32>} : memref<4096xf32, #tpu.memory_space<vmem>>, vector<16xf32>,
        tpu.vector_store %arg10[%swap3A_373], %mul3A_372 {strides = array<i32>} : memref<4096xf32, #tpu.memory_space<vmem>>, vector<16xf32>,
        %mul3A_375 = arith.constant 32 : i32
        %mul3A_376 = arith.muli %scan3A_142, %mul3A_375 : i32
        %add3A_377 = arith.constant 18 : i32
        %add3A_378 = arith.addi %mul3A_376, %add3A_377 : i32
        %mul3A_379 = arith.constant 16 : i32
        %mul3A_380 = arith.muli %add3A_378, %mul3A_379 : i32
        %add3A_381 = arith.constant 0 : i32
        %add3A_382 = arith.addi %add3A_381, %mul3A_380 : i32
        %get3A_383 = arith.index_cast %add3A_382 : i32 to index
        %get3A_384 = tpu.vector_load %arg8[%get3A_383] {strides = array<i32>} : memref<100096xf32, #tpu.memory_space<vmem>>, vector<16xf32>,
        %mul3A_385 = arith.mulf %get3A_384, %gather3A : vector<16xf32>
        %swap3A_386 = arith.index_cast %mul3A_380 : i32 to index
        %swap3A_387 = tpu.vector_load %arg10[%swap3A_386] {strides = array<i32>} : memref<4096xf32, #tpu.memory_space<vmem>>, vector<16xf32>,
        tpu.vector_store %arg10[%swap3A_386], %mul3A_385 {strides = array<i32>} : memref<4096xf32, #tpu.memory_space<vmem>>, vector<16xf32>,
        %mul3A_388 = arith.constant 32 : i32
        %mul3A_389 = arith.muli %scan3A_142, %mul3A_388 : i32
        %add3A_390 = arith.constant 19 : i32
        %add3A_391 = arith.addi %mul3A_389, %add3A_390 : i32
        %mul3A_392 = arith.constant 16 : i32
        %mul3A_393 = arith.muli %add3A_391, %mul3A_392 : i32
        %add3A_394 = arith.constant 0 : i32
        %add3A_395 = arith.addi %add3A_394, %mul3A_393 : i32
        %get3A_396 = arith.index_cast %add3A_395 : i32 to index
        %get3A_397 = tpu.vector_load %arg8[%get3A_396] {strides = array<i32>} : memref<100096xf32, #tpu.memory_space<vmem>>, vector<16xf32>,
        %mul3A_398 = arith.mulf %get3A_397, %gather3A : vector<16xf32>
        %swap3A_399 = arith.index_cast %mul3A_393 : i32 to index
        %swap3A_400 = tpu.vector_load %arg10[%swap3A_399] {strides = array<i32>} : memref<4096xf32, #tpu.memory_space<vmem>>, vector<16xf32>,
        tpu.vector_store %arg10[%swap3A_399], %mul3A_398 {strides = array<i32>} : memref<4096xf32, #tpu.memory_space<vmem>>, vector<16xf32>,
        %mul3A_401 = arith.constant 32 : i32
        %mul3A_402 = arith.muli %scan3A_142, %mul3A_401 : i32
        %add3A_403 = arith.constant 20 : i32
        %add3A_404 = arith.addi %mul3A_402, %add3A_403 : i32
        %mul3A_405 = arith.constant 16 : i32
        %mul3A_406 = arith.muli %add3A_404, %mul3A_405 : i32
        %add3A_407 = arith.constant 0 : i32
        %add3A_408 = arith.addi %add3A_407, %mul3A_406 : i32
        %get3A_409 = arith.index_cast %add3A_408 : i32 to index
        %get3A_410 = tpu.vector_load %arg8[%get3A_409] {strides = array<i32>} : memref<100096xf32, #tpu.memory_space<vmem>>, vector<16xf32>,
        %mul3A_411 = arith.mulf %get3A_410, %gather3A : vector<16xf32>
        %swap3A_412 = arith.index_cast %mul3A_406 : i32 to index
        %swap3A_413 = tpu.vector_load %arg10[%swap3A_412] {strides = array<i32>} : memref<4096xf32, #tpu.memory_space<vmem>>, vector<16xf32>,
        tpu.vector_store %arg10[%swap3A_412], %mul3A_411 {strides = array<i32>} : memref<4096xf32, #tpu.memory_space<vmem>>, vector<16xf32>,
        %mul3A_414 = arith.constant 32 : i32
        %mul3A_415 = arith.muli %scan3A_142, %mul3A_414 : i32
        %add3A_416 = arith.constant 21 : i32
        %add3A_417 = arith.addi %mul3A_415, %add3A_416 : i32
        %mul3A_418 = arith.constant 16 : i32
        %mul3A_419 = arith.muli %add3A_417, %mul3A_418 : i32
        %add3A_420 = arith.constant 0 : i32
        %add3A_421 = arith.addi %add3A_420, %mul3A_419 : i32
        %get3A_422 = arith.index_cast %add3A_421 : i32 to index
        %get3A_423 = tpu.vector_load %arg8[%get3A_422] {strides = array<i32>} : memref<100096xf32, #tpu.memory_space<vmem>>, vector<16xf32>,
        %mul3A_424 = arith.mulf %get3A_423, %gather3A : vector<16xf32>
        %swap3A_425 = arith.index_cast %mul3A_419 : i32 to index
        %swap3A_426 = tpu.vector_load %arg10[%swap3A_425] {strides = array<i32>} : memref<4096xf32, #tpu.memory_space<vmem>>, vector<16xf32>,
        tpu.vector_store %arg10[%swap3A_425], %mul3A_424 {strides = array<i32>} : memref<4096xf32, #tpu.memory_space<vmem>>, vector<16xf32>,
        %mul3A_427 = arith.constant 32 : i32
        %mul3A_428 = arith.muli %scan3A_142, %mul3A_427 : i32
        %add3A_429 = arith.constant 22 : i32
        %add3A_430 = arith.addi %mul3A_428, %add3A_429 : i32
        %mul3A_431 = arith.constant 16 : i32
        %mul3A_432 = arith.muli %add3A_430, %mul3A_431 : i32
        %add3A_433 = arith.constant 0 : i32
        %add3A_434 = arith.addi %add3A_433, %mul3A_432 : i32
        %get3A_435 = arith.index_cast %add3A_434 : i32 to index
        %get3A_436 = tpu.vector_load %arg8[%get3A_435] {strides = array<i32>} : memref<100096xf32, #tpu.memory_space<vmem>>, vector<16xf32>,
        %mul3A_437 = arith.mulf %get3A_436, %gather3A : vector<16xf32>
        %swap3A_438 = arith.index_cast %mul3A_432 : i32 to index
        %swap3A_439 = tpu.vector_load %arg10[%swap3A_438] {strides = array<i32>} : memref<4096xf32, #tpu.memory_space<vmem>>, vector<16xf32>,
        tpu.vector_store %arg10[%swap3A_438], %mul3A_437 {strides = array<i32>} : memref<4096xf32, #tpu.memory_space<vmem>>, vector<16xf32>,
        %mul3A_440 = arith.constant 32 : i32
        %mul3A_441 = arith.muli %scan3A_142, %mul3A_440 : i32
        %add3A_442 = arith.constant 23 : i32
        %add3A_443 = arith.addi %mul3A_441, %add3A_442 : i32
        %mul3A_444 = arith.constant 16 : i32
        %mul3A_445 = arith.muli %add3A_443, %mul3A_444 : i32
        %add3A_446 = arith.constant 0 : i32
        %add3A_447 = arith.addi %add3A_446, %mul3A_445 : i32
        %get3A_448 = arith.index_cast %add3A_447 : i32 to index
        %get3A_449 = tpu.vector_load %arg8[%get3A_448] {strides = array<i32>} : memref<100096xf32, #tpu.memory_space<vmem>>, vector<16xf32>,
        %mul3A_450 = arith.mulf %get3A_449, %gather3A : vector<16xf32>
        %swap3A_451 = arith.index_cast %mul3A_445 : i32 to index
        %swap3A_452 = tpu.vector_load %arg10[%swap3A_451] {strides = array<i32>} : memref<4096xf32, #tpu.memory_space<vmem>>, vector<16xf32>,
        tpu.vector_store %arg10[%swap3A_451], %mul3A_450 {strides = array<i32>} : memref<4096xf32, #tpu.memory_space<vmem>>, vector<16xf32>,
        %mul3A_453 = arith.constant 32 : i32
        %mul3A_454 = arith.muli %scan3A_142, %mul3A_453 : i32
        %add3A_455 = arith.constant 24 : i32
        %add3A_456 = arith.addi %mul3A_454, %add3A_455 : i32
        %mul3A_457 = arith.constant 16 : i32
        %mul3A_458 = arith.muli %add3A_456, %mul3A_457 : i32
        %add3A_459 = arith.constant 0 : i32
        %add3A_460 = arith.addi %add3A_459, %mul3A_458 : i32
        %get3A_461 = arith.index_cast %add3A_460 : i32 to index
        %get3A_462 = tpu.vector_load %arg8[%get3A_461] {strides = array<i32>} : memref<100096xf32, #tpu.memory_space<vmem>>, vector<16xf32>,
        %mul3A_463 = arith.mulf %get3A_462, %gather3A : vector<16xf32>
        %swap3A_464 = arith.index_cast %mul3A_458 : i32 to index
        %swap3A_465 = tpu.vector_load %arg10[%swap3A_464] {strides = array<i32>} : memref<4096xf32, #tpu.memory_space<vmem>>, vector<16xf32>,
        tpu.vector_store %arg10[%swap3A_464], %mul3A_463 {strides = array<i32>} : memref<4096xf32, #tpu.memory_space<vmem>>, vector<16xf32>,
        %mul3A_466 = arith.constant 32 : i32
        %mul3A_467 = arith.muli %scan3A_142, %mul3A_466 : i32
        %add3A_468 = arith.constant 25 : i32
        %add3A_469 = arith.addi %mul3A_467, %add3A_468 : i32
        %mul3A_470 = arith.constant 16 : i32
        %mul3A_471 = arith.muli %add3A_469, %mul3A_470 : i32
        %add3A_472 = arith.constant 0 : i32
        %add3A_473 = arith.addi %add3A_472, %mul3A_471 : i32
        %get3A_474 = arith.index_cast %add3A_473 : i32 to index
        %get3A_475 = tpu.vector_load %arg8[%get3A_474] {strides = array<i32>} : memref<100096xf32, #tpu.memory_space<vmem>>, vector<16xf32>,
        %mul3A_476 = arith.mulf %get3A_475, %gather3A : vector<16xf32>
        %swap3A_477 = arith.index_cast %mul3A_471 : i32 to index
        %swap3A_478 = tpu.vector_load %arg10[%swap3A_477] {strides = array<i32>} : memref<4096xf32, #tpu.memory_space<vmem>>, vector<16xf32>,
        tpu.vector_store %arg10[%swap3A_477], %mul3A_476 {strides = array<i32>} : memref<4096xf32, #tpu.memory_space<vmem>>, vector<16xf32>,
        %mul3A_479 = arith.constant 32 : i32
        %mul3A_480 = arith.muli %scan3A_142, %mul3A_479 : i32
        %add3A_481 = arith.constant 26 : i32
        %add3A_482 = arith.addi %mul3A_480, %add3A_481 : i32
        %mul3A_483 = arith.constant 16 : i32
        %mul3A_484 = arith.muli %add3A_482, %mul3A_483 : i32
        %add3A_485 = arith.constant 0 : i32
        %add3A_486 = arith.addi %add3A_485, %mul3A_484 : i32
        %get3A_487 = arith.index_cast %add3A_486 : i32 to index
        %get3A_488 = tpu.vector_load %arg8[%get3A_487] {strides = array<i32>} : memref<100096xf32, #tpu.memory_space<vmem>>, vector<16xf32>,
        %mul3A_489 = arith.mulf %get3A_488, %gather3A : vector<16xf32>
        %swap3A_490 = arith.index_cast %mul3A_484 : i32 to index
        %swap3A_491 = tpu.vector_load %arg10[%swap3A_490] {strides = array<i32>} : memref<4096xf32, #tpu.memory_space<vmem>>, vector<16xf32>,
        tpu.vector_store %arg10[%swap3A_490], %mul3A_489 {strides = array<i32>} : memref<4096xf32, #tpu.memory_space<vmem>>, vector<16xf32>,
        %mul3A_492 = arith.constant 32 : i32
        %mul3A_493 = arith.muli %scan3A_142, %mul3A_492 : i32
        %add3A_494 = arith.constant 27 : i32
        %add3A_495 = arith.addi %mul3A_493, %add3A_494 : i32
        %mul3A_496 = arith.constant 16 : i32
        %mul3A_497 = arith.muli %add3A_495, %mul3A_496 : i32
        %add3A_498 = arith.constant 0 : i32
        %add3A_499 = arith.addi %add3A_498, %mul3A_497 : i32
        %get3A_500 = arith.index_cast %add3A_499 : i32 to index
        %get3A_501 = tpu.vector_load %arg8[%get3A_500] {strides = array<i32>} : memref<100096xf32, #tpu.memory_space<vmem>>, vector<16xf32>,
        %mul3A_502 = arith.mulf %get3A_501, %gather3A : vector<16xf32>
        %swap3A_503 = arith.index_cast %mul3A_497 : i32 to index
        %swap3A_504 = tpu.vector_load %arg10[%swap3A_503] {strides = array<i32>} : memref<4096xf32, #tpu.memory_space<vmem>>, vector<16xf32>,
        tpu.vector_store %arg10[%swap3A_503], %mul3A_502 {strides = array<i32>} : memref<4096xf32, #tpu.memory_space<vmem>>, vector<16xf32>,
        %mul3A_505 = arith.constant 32 : i32
        %mul3A_506 = arith.muli %scan3A_142, %mul3A_505 : i32
        %add3A_507 = arith.constant 28 : i32
        %add3A_508 = arith.addi %mul3A_506, %add3A_507 : i32
        %mul3A_509 = arith.constant 16 : i32
        %mul3A_510 = arith.muli %add3A_508, %mul3A_509 : i32
        %add3A_511 = arith.constant 0 : i32
        %add3A_512 = arith.addi %add3A_511, %mul3A_510 : i32
        %get3A_513 = arith.index_cast %add3A_512 : i32 to index
        %get3A_514 = tpu.vector_load %arg8[%get3A_513] {strides = array<i32>} : memref<100096xf32, #tpu.memory_space<vmem>>, vector<16xf32>,
        %mul3A_515 = arith.mulf %get3A_514, %gather3A : vector<16xf32>
        %swap3A_516 = arith.index_cast %mul3A_510 : i32 to index
        %swap3A_517 = tpu.vector_load %arg10[%swap3A_516] {strides = array<i32>} : memref<4096xf32, #tpu.memory_space<vmem>>, vector<16xf32>,
        tpu.vector_store %arg10[%swap3A_516], %mul3A_515 {strides = array<i32>} : memref<4096xf32, #tpu.memory_space<vmem>>, vector<16xf32>,
        %mul3A_518 = arith.constant 32 : i32
        %mul3A_519 = arith.muli %scan3A_142, %mul3A_518 : i32
        %add3A_520 = arith.constant 29 : i32
        %add3A_521 = arith.addi %mul3A_519, %add3A_520 : i32
        %mul3A_522 = arith.constant 16 : i32
        %mul3A_523 = arith.muli %add3A_521, %mul3A_522 : i32
        %add3A_524 = arith.constant 0 : i32
        %add3A_525 = arith.addi %add3A_524, %mul3A_523 : i32
        %get3A_526 = arith.index_cast %add3A_525 : i32 to index
        %get3A_527 = tpu.vector_load %arg8[%get3A_526] {strides = array<i32>} : memref<100096xf32, #tpu.memory_space<vmem>>, vector<16xf32>,
        %mul3A_528 = arith.mulf %get3A_527, %gather3A : vector<16xf32>
        %swap3A_529 = arith.index_cast %mul3A_523 : i32 to index
        %swap3A_530 = tpu.vector_load %arg10[%swap3A_529] {strides = array<i32>} : memref<4096xf32, #tpu.memory_space<vmem>>, vector<16xf32>,
        tpu.vector_store %arg10[%swap3A_529], %mul3A_528 {strides = array<i32>} : memref<4096xf32, #tpu.memory_space<vmem>>, vector<16xf32>,
        %mul3A_531 = arith.constant 32 : i32
        %mul3A_532 = arith.muli %scan3A_142, %mul3A_531 : i32
        %add3A_533 = arith.constant 30 : i32
        %add3A_534 = arith.addi %mul3A_532, %add3A_533 : i32
        %mul3A_535 = arith.constant 16 : i32
        %mul3A_536 = arith.muli %add3A_534, %mul3A_535 : i32
        %add3A_537 = arith.constant 0 : i32
        %add3A_538 = arith.addi %add3A_537, %mul3A_536 : i32
        %get3A_539 = arith.index_cast %add3A_538 : i32 to index
        %get3A_540 = tpu.vector_load %arg8[%get3A_539] {strides = array<i32>} : memref<100096xf32, #tpu.memory_space<vmem>>, vector<16xf32>,
        %mul3A_541 = arith.mulf %get3A_540, %gather3A : vector<16xf32>
        %swap3A_542 = arith.index_cast %mul3A_536 : i32 to index
        %swap3A_543 = tpu.vector_load %arg10[%swap3A_542] {strides = array<i32>} : memref<4096xf32, #tpu.memory_space<vmem>>, vector<16xf32>,
        tpu.vector_store %arg10[%swap3A_542], %mul3A_541 {strides = array<i32>} : memref<4096xf32, #tpu.memory_space<vmem>>, vector<16xf32>,
        %mul3A_544 = arith.constant 32 : i32
        %mul3A_545 = arith.muli %scan3A_142, %mul3A_544 : i32
        %add3A_546 = arith.constant 31 : i32
        %add3A_547 = arith.addi %mul3A_545, %add3A_546 : i32
        %mul3A_548 = arith.constant 16 : i32
        %mul3A_549 = arith.muli %add3A_547, %mul3A_548 : i32
        %add3A_550 = arith.constant 0 : i32
        %add3A_551 = arith.addi %add3A_550, %mul3A_549 : i32
        %get3A_552 = arith.index_cast %add3A_551 : i32 to index
        %get3A_553 = tpu.vector_load %arg8[%get3A_552] {strides = array<i32>} : memref<100096xf32, #tpu.memory_space<vmem>>, vector<16xf32>,
        %mul3A_554 = arith.mulf %get3A_553, %gather3A : vector<16xf32>
        %swap3A_555 = arith.index_cast %mul3A_549 : i32 to index
        %swap3A_556 = tpu.vector_load %arg10[%swap3A_555] {strides = array<i32>} : memref<4096xf32, #tpu.memory_space<vmem>>, vector<16xf32>,
        tpu.vector_store %arg10[%swap3A_555], %mul3A_554 {strides = array<i32>} : memref<4096xf32, #tpu.memory_space<vmem>>, vector<16xf32>,
      }
      %scan3A_76 = arith.constant 8 : i32
      %dma_start3A = arith.constant 0 : i32
      %dma_start3A_77 = tpu.memref_slice %arg7[%add3A_45, %dma_start3A] : memref<2496x16384xf32, #tpu.memory_space<hbm>> -> memref<1x4096xf32, #tpu.memory_space<hbm>>
      %dma_start3A_78 = tpu.memref_squeeze %dma_start3A_77 : memref<1x4096xf32, #tpu.memory_space<hbm>> -> memref<4096xf32, #tpu.memory_space<hbm>>
      %dma_start3A_79 = arith.constant 0 : i32
      %dma_start3A_80 = tpu.memref_slice %arg7[%add3A_45, %dma_start3A_79] : memref<2496x16384xf32, #tpu.memory_space<hbm>> -> memref<1x4096xf32, #tpu.memory_space<hbm>>
      %dma_start3A_81 = tpu.memref_squeeze %dma_start3A_80 : memref<1x4096xf32, #tpu.memory_space<hbm>> -> memref<4096xf32, #tpu.memory_space<hbm>>
      tpu.enqueue_dma source(%arg10 : memref<4096xf32, #tpu.memory_space<vmem>>) target(%dma_start3A_81 : memref<4096xf32, #tpu.memory_space<hbm>>) target_semaphore(%arg14 : memref<!tpu.dma_semaphore, #tpu.memory_space<semaphore_mem>>)
      %mul3A_82 = arith.constant 4 : i32
      %mul3A_83 = arith.muli %scan3A_41, %mul3A_82 : i32
      %add3A_84 = arith.constant 1 : i32
      %add3A_85 = arith.addi %mul3A_83, %add3A_84 : i32
      %ge3A_86 = arith.constant 2 : i32
      %ge3A_87 = arith.cmpi sge, %add3A_85, %ge3A_86 : i32
      %convert_element_type3A_88 = arith.extui %ge3A_87 : i1 to i32
      %cond3A_89 = arith.constant 0 : i32
      %cond3A_90 = arith.cmpi ne, %convert_element_type3A_88, %cond3A_89 : i32
      scf.if %cond3A_90 {
        %dma_wait3A_142 = arith.constant 4096 : i32
        %dma_wait3A_143 = tpu.memref_slice %arg7[%add3A_45, %dma_wait3A_142] : memref<2496x16384xf32, #tpu.memory_space<hbm>> -> memref<1x4096xf32, #tpu.memory_space<hbm>>
        %dma_wait3A_144 = tpu.memref_squeeze %dma_wait3A_143 : memref<1x4096xf32, #tpu.memory_space<hbm>> -> memref<4096xf32, #tpu.memory_space<hbm>>
        %dma_wait3A_145 = arith.constant 4096 : i32
        %dma_wait3A_146 = tpu.memref_slice %arg7[%add3A_45, %dma_wait3A_145] : memref<2496x16384xf32, #tpu.memory_space<hbm>> -> memref<1x4096xf32, #tpu.memory_space<hbm>>
        %dma_wait3A_147 = tpu.memref_squeeze %dma_wait3A_146 : memref<1x4096xf32, #tpu.memory_space<hbm>> -> memref<4096xf32, #tpu.memory_space<hbm>>
        tpu.wait_dma2 semaphore(%arg15 : memref<!tpu.dma_semaphore, #tpu.memory_space<semaphore_mem>>) src(%arg11 : memref<4096xf32, #tpu.memory_space<vmem>>) dst(%dma_wait3A_147 : memref<4096xf32, #tpu.memory_space<hbm>>)
      } else {
      }
      %scan3A_91 = arith.constant 0 : i32
      %scan3A_92 = arith.constant 8 : i32
      %scan3A_93 = arith.addi %scan3A_91, %scan3A_92 : i32
      %scan3A_94 = arith.constant 1 : i32
      scf.for %scan3A_142 = %scan3A_91 to %scan3A_93 step %scan3A_94  : i32 {
        %mul3A_143 = arith.constant 32 : i32
        %mul3A_144 = arith.muli %scan3A_142, %mul3A_143 : i32
        %add3A_145 = arith.constant 0 : i32
        %add3A_146 = arith.addi %mul3A_144, %add3A_145 : i32
        %mul3A_147 = arith.constant 16 : i32
        %mul3A_148 = arith.muli %add3A_146, %mul3A_147 : i32
        %add3A_149 = arith.constant 4096 : i32
        %add3A_150 = arith.addi %add3A_149, %mul3A_148 : i32
        %get3A = arith.index_cast %add3A_150 : i32 to index
        %get3A_151 = tpu.vector_load %arg8[%get3A] {strides = array<i32>} : memref<100096xf32, #tpu.memory_space<vmem>>, vector<16xf32>,
        %mul3A_152 = arith.mulf %get3A_151, %gather3A : vector<16xf32>
        %swap3A = arith.index_cast %mul3A_148 : i32 to index
        %swap3A_153 = tpu.vector_load %arg11[%swap3A] {strides = array<i32>} : memref<4096xf32, #tpu.memory_space<vmem>>, vector<16xf32>,
        tpu.vector_store %arg11[%swap3A], %mul3A_152 {strides = array<i32>} : memref<4096xf32, #tpu.memory_space<vmem>>, vector<16xf32>,
        %mul3A_154 = arith.constant 32 : i32
        %mul3A_155 = arith.muli %scan3A_142, %mul3A_154 : i32
        %add3A_156 = arith.constant 1 : i32
        %add3A_157 = arith.addi %mul3A_155, %add3A_156 : i32
        %mul3A_158 = arith.constant 16 : i32
        %mul3A_159 = arith.muli %add3A_157, %mul3A_158 : i32
        %add3A_160 = arith.constant 4096 : i32
        %add3A_161 = arith.addi %add3A_160, %mul3A_159 : i32
        %get3A_162 = arith.index_cast %add3A_161 : i32 to index
        %get3A_163 = tpu.vector_load %arg8[%get3A_162] {strides = array<i32>} : memref<100096xf32, #tpu.memory_space<vmem>>, vector<16xf32>,
        %mul3A_164 = arith.mulf %get3A_163, %gather3A : vector<16xf32>
        %swap3A_165 = arith.index_cast %mul3A_159 : i32 to index
        %swap3A_166 = tpu.vector_load %arg11[%swap3A_165] {strides = array<i32>} : memref<4096xf32, #tpu.memory_space<vmem>>, vector<16xf32>,
        tpu.vector_store %arg11[%swap3A_165], %mul3A_164 {strides = array<i32>} : memref<4096xf32, #tpu.memory_space<vmem>>, vector<16xf32>,
        %mul3A_167 = arith.constant 32 : i32
        %mul3A_168 = arith.muli %scan3A_142, %mul3A_167 : i32
        %add3A_169 = arith.constant 2 : i32
        %add3A_170 = arith.addi %mul3A_168, %add3A_169 : i32
        %mul3A_171 = arith.constant 16 : i32
        %mul3A_172 = arith.muli %add3A_170, %mul3A_171 : i32
        %add3A_173 = arith.constant 4096 : i32
        %add3A_174 = arith.addi %add3A_173, %mul3A_172 : i32
        %get3A_175 = arith.index_cast %add3A_174 : i32 to index
        %get3A_176 = tpu.vector_load %arg8[%get3A_175] {strides = array<i32>} : memref<100096xf32, #tpu.memory_space<vmem>>, vector<16xf32>,
        %mul3A_177 = arith.mulf %get3A_176, %gather3A : vector<16xf32>
        %swap3A_178 = arith.index_cast %mul3A_172 : i32 to index
        %swap3A_179 = tpu.vector_load %arg11[%swap3A_178] {strides = array<i32>} : memref<4096xf32, #tpu.memory_space<vmem>>, vector<16xf32>,
        tpu.vector_store %arg11[%swap3A_178], %mul3A_177 {strides = array<i32>} : memref<4096xf32, #tpu.memory_space<vmem>>, vector<16xf32>,
        %mul3A_180 = arith.constant 32 : i32
        %mul3A_181 = arith.muli %scan3A_142, %mul3A_180 : i32
        %add3A_182 = arith.constant 3 : i32
        %add3A_183 = arith.addi %mul3A_181, %add3A_182 : i32
        %mul3A_184 = arith.constant 16 : i32
        %mul3A_185 = arith.muli %add3A_183, %mul3A_184 : i32
        %add3A_186 = arith.constant 4096 : i32
        %add3A_187 = arith.addi %add3A_186, %mul3A_185 : i32
        %get3A_188 = arith.index_cast %add3A_187 : i32 to index
        %get3A_189 = tpu.vector_load %arg8[%get3A_188] {strides = array<i32>} : memref<100096xf32, #tpu.memory_space<vmem>>, vector<16xf32>,
        %mul3A_190 = arith.mulf %get3A_189, %gather3A : vector<16xf32>
        %swap3A_191 = arith.index_cast %mul3A_185 : i32 to index
        %swap3A_192 = tpu.vector_load %arg11[%swap3A_191] {strides = array<i32>} : memref<4096xf32, #tpu.memory_space<vmem>>, vector<16xf32>,
        tpu.vector_store %arg11[%swap3A_191], %mul3A_190 {strides = array<i32>} : memref<4096xf32, #tpu.memory_space<vmem>>, vector<16xf32>,
        %mul3A_193 = arith.constant 32 : i32
        %mul3A_194 = arith.muli %scan3A_142, %mul3A_193 : i32
        %add3A_195 = arith.constant 4 : i32
        %add3A_196 = arith.addi %mul3A_194, %add3A_195 : i32
        %mul3A_197 = arith.constant 16 : i32
        %mul3A_198 = arith.muli %add3A_196, %mul3A_197 : i32
        %add3A_199 = arith.constant 4096 : i32
        %add3A_200 = arith.addi %add3A_199, %mul3A_198 : i32
        %get3A_201 = arith.index_cast %add3A_200 : i32 to index
        %get3A_202 = tpu.vector_load %arg8[%get3A_201] {strides = array<i32>} : memref<100096xf32, #tpu.memory_space<vmem>>, vector<16xf32>,
        %mul3A_203 = arith.mulf %get3A_202, %gather3A : vector<16xf32>
        %swap3A_204 = arith.index_cast %mul3A_198 : i32 to index
        %swap3A_205 = tpu.vector_load %arg11[%swap3A_204] {strides = array<i32>} : memref<4096xf32, #tpu.memory_space<vmem>>, vector<16xf32>,
        tpu.vector_store %arg11[%swap3A_204], %mul3A_203 {strides = array<i32>} : memref<4096xf32, #tpu.memory_space<vmem>>, vector<16xf32>,
        %mul3A_206 = arith.constant 32 : i32
        %mul3A_207 = arith.muli %scan3A_142, %mul3A_206 : i32
        %add3A_208 = arith.constant 5 : i32
        %add3A_209 = arith.addi %mul3A_207, %add3A_208 : i32
        %mul3A_210 = arith.constant 16 : i32
        %mul3A_211 = arith.muli %add3A_209, %mul3A_210 : i32
        %add3A_212 = arith.constant 4096 : i32
        %add3A_213 = arith.addi %add3A_212, %mul3A_211 : i32
        %get3A_214 = arith.index_cast %add3A_213 : i32 to index
        %get3A_215 = tpu.vector_load %arg8[%get3A_214] {strides = array<i32>} : memref<100096xf32, #tpu.memory_space<vmem>>, vector<16xf32>,
        %mul3A_216 = arith.mulf %get3A_215, %gather3A : vector<16xf32>
        %swap3A_217 = arith.index_cast %mul3A_211 : i32 to index
        %swap3A_218 = tpu.vector_load %arg11[%swap3A_217] {strides = array<i32>} : memref<4096xf32, #tpu.memory_space<vmem>>, vector<16xf32>,
        tpu.vector_store %arg11[%swap3A_217], %mul3A_216 {strides = array<i32>} : memref<4096xf32, #tpu.memory_space<vmem>>, vector<16xf32>,
        %mul3A_219 = arith.constant 32 : i32
        %mul3A_220 = arith.muli %scan3A_142, %mul3A_219 : i32
        %add3A_221 = arith.constant 6 : i32
        %add3A_222 = arith.addi %mul3A_220, %add3A_221 : i32
        %mul3A_223 = arith.constant 16 : i32
        %mul3A_224 = arith.muli %add3A_222, %mul3A_223 : i32
        %add3A_225 = arith.constant 4096 : i32
        %add3A_226 = arith.addi %add3A_225, %mul3A_224 : i32
        %get3A_227 = arith.index_cast %add3A_226 : i32 to index
        %get3A_228 = tpu.vector_load %arg8[%get3A_227] {strides = array<i32>} : memref<100096xf32, #tpu.memory_space<vmem>>, vector<16xf32>,
        %mul3A_229 = arith.mulf %get3A_228, %gather3A : vector<16xf32>
        %swap3A_230 = arith.index_cast %mul3A_224 : i32 to index
        %swap3A_231 = tpu.vector_load %arg11[%swap3A_230] {strides = array<i32>} : memref<4096xf32, #tpu.memory_space<vmem>>, vector<16xf32>,
        tpu.vector_store %arg11[%swap3A_230], %mul3A_229 {strides = array<i32>} : memref<4096xf32, #tpu.memory_space<vmem>>, vector<16xf32>,
        %mul3A_232 = arith.constant 32 : i32
        %mul3A_233 = arith.muli %scan3A_142, %mul3A_232 : i32
        %add3A_234 = arith.constant 7 : i32
        %add3A_235 = arith.addi %mul3A_233, %add3A_234 : i32
        %mul3A_236 = arith.constant 16 : i32
        %mul3A_237 = arith.muli %add3A_235, %mul3A_236 : i32
        %add3A_238 = arith.constant 4096 : i32
        %add3A_239 = arith.addi %add3A_238, %mul3A_237 : i32
        %get3A_240 = arith.index_cast %add3A_239 : i32 to index
        %get3A_241 = tpu.vector_load %arg8[%get3A_240] {strides = array<i32>} : memref<100096xf32, #tpu.memory_space<vmem>>, vector<16xf32>,
        %mul3A_242 = arith.mulf %get3A_241, %gather3A : vector<16xf32>
        %swap3A_243 = arith.index_cast %mul3A_237 : i32 to index
        %swap3A_244 = tpu.vector_load %arg11[%swap3A_243] {strides = array<i32>} : memref<4096xf32, #tpu.memory_space<vmem>>, vector<16xf32>,
        tpu.vector_store %arg11[%swap3A_243], %mul3A_242 {strides = array<i32>} : memref<4096xf32, #tpu.memory_space<vmem>>, vector<16xf32>,
        %mul3A_245 = arith.constant 32 : i32
        %mul3A_246 = arith.muli %scan3A_142, %mul3A_245 : i32
        %add3A_247 = arith.constant 8 : i32
        %add3A_248 = arith.addi %mul3A_246, %add3A_247 : i32
        %mul3A_249 = arith.constant 16 : i32
        %mul3A_250 = arith.muli %add3A_248, %mul3A_249 : i32
        %add3A_251 = arith.constant 4096 : i32
        %add3A_252 = arith.addi %add3A_251, %mul3A_250 : i32
        %get3A_253 = arith.index_cast %add3A_252 : i32 to index
        %get3A_254 = tpu.vector_load %arg8[%get3A_253] {strides = array<i32>} : memref<100096xf32, #tpu.memory_space<vmem>>, vector<16xf32>,
        %mul3A_255 = arith.mulf %get3A_254, %gather3A : vector<16xf32>
        %swap3A_256 = arith.index_cast %mul3A_250 : i32 to index
        %swap3A_257 = tpu.vector_load %arg11[%swap3A_256] {strides = array<i32>} : memref<4096xf32, #tpu.memory_space<vmem>>, vector<16xf32>,
        tpu.vector_store %arg11[%swap3A_256], %mul3A_255 {strides = array<i32>} : memref<4096xf32, #tpu.memory_space<vmem>>, vector<16xf32>,
        %mul3A_258 = arith.constant 32 : i32
        %mul3A_259 = arith.muli %scan3A_142, %mul3A_258 : i32
        %add3A_260 = arith.constant 9 : i32
        %add3A_261 = arith.addi %mul3A_259, %add3A_260 : i32
        %mul3A_262 = arith.constant 16 : i32
        %mul3A_263 = arith.muli %add3A_261, %mul3A_262 : i32
        %add3A_264 = arith.constant 4096 : i32
        %add3A_265 = arith.addi %add3A_264, %mul3A_263 : i32
        %get3A_266 = arith.index_cast %add3A_265 : i32 to index
        %get3A_267 = tpu.vector_load %arg8[%get3A_266] {strides = array<i32>} : memref<100096xf32, #tpu.memory_space<vmem>>, vector<16xf32>,
        %mul3A_268 = arith.mulf %get3A_267, %gather3A : vector<16xf32>
        %swap3A_269 = arith.index_cast %mul3A_263 : i32 to index
        %swap3A_270 = tpu.vector_load %arg11[%swap3A_269] {strides = array<i32>} : memref<4096xf32, #tpu.memory_space<vmem>>, vector<16xf32>,
        tpu.vector_store %arg11[%swap3A_269], %mul3A_268 {strides = array<i32>} : memref<4096xf32, #tpu.memory_space<vmem>>, vector<16xf32>,
        %mul3A_271 = arith.constant 32 : i32
        %mul3A_272 = arith.muli %scan3A_142, %mul3A_271 : i32
        %add3A_273 = arith.constant 10 : i32
        %add3A_274 = arith.addi %mul3A_272, %add3A_273 : i32
        %mul3A_275 = arith.constant 16 : i32
        %mul3A_276 = arith.muli %add3A_274, %mul3A_275 : i32
        %add3A_277 = arith.constant 4096 : i32
        %add3A_278 = arith.addi %add3A_277, %mul3A_276 : i32
        %get3A_279 = arith.index_cast %add3A_278 : i32 to index
        %get3A_280 = tpu.vector_load %arg8[%get3A_279] {strides = array<i32>} : memref<100096xf32, #tpu.memory_space<vmem>>, vector<16xf32>,
        %mul3A_281 = arith.mulf %get3A_280, %gather3A : vector<16xf32>
        %swap3A_282 = arith.index_cast %mul3A_276 : i32 to index
        %swap3A_283 = tpu.vector_load %arg11[%swap3A_282] {strides = array<i32>} : memref<4096xf32, #tpu.memory_space<vmem>>, vector<16xf32>,
        tpu.vector_store %arg11[%swap3A_282], %mul3A_281 {strides = array<i32>} : memref<4096xf32, #tpu.memory_space<vmem>>, vector<16xf32>,
        %mul3A_284 = arith.constant 32 : i32
        %mul3A_285 = arith.muli %scan3A_142, %mul3A_284 : i32
        %add3A_286 = arith.constant 11 : i32
        %add3A_287 = arith.addi %mul3A_285, %add3A_286 : i32
        %mul3A_288 = arith.constant 16 : i32
        %mul3A_289 = arith.muli %add3A_287, %mul3A_288 : i32
        %add3A_290 = arith.constant 4096 : i32
        %add3A_291 = arith.addi %add3A_290, %mul3A_289 : i32
        %get3A_292 = arith.index_cast %add3A_291 : i32 to index
        %get3A_293 = tpu.vector_load %arg8[%get3A_292] {strides = array<i32>} : memref<100096xf32, #tpu.memory_space<vmem>>, vector<16xf32>,
        %mul3A_294 = arith.mulf %get3A_293, %gather3A : vector<16xf32>
        %swap3A_295 = arith.index_cast %mul3A_289 : i32 to index
        %swap3A_296 = tpu.vector_load %arg11[%swap3A_295] {strides = array<i32>} : memref<4096xf32, #tpu.memory_space<vmem>>, vector<16xf32>,
        tpu.vector_store %arg11[%swap3A_295], %mul3A_294 {strides = array<i32>} : memref<4096xf32, #tpu.memory_space<vmem>>, vector<16xf32>,
        %mul3A_297 = arith.constant 32 : i32
        %mul3A_298 = arith.muli %scan3A_142, %mul3A_297 : i32
        %add3A_299 = arith.constant 12 : i32
        %add3A_300 = arith.addi %mul3A_298, %add3A_299 : i32
        %mul3A_301 = arith.constant 16 : i32
        %mul3A_302 = arith.muli %add3A_300, %mul3A_301 : i32
        %add3A_303 = arith.constant 4096 : i32
        %add3A_304 = arith.addi %add3A_303, %mul3A_302 : i32
        %get3A_305 = arith.index_cast %add3A_304 : i32 to index
        %get3A_306 = tpu.vector_load %arg8[%get3A_305] {strides = array<i32>} : memref<100096xf32, #tpu.memory_space<vmem>>, vector<16xf32>,
        %mul3A_307 = arith.mulf %get3A_306, %gather3A : vector<16xf32>
        %swap3A_308 = arith.index_cast %mul3A_302 : i32 to index
        %swap3A_309 = tpu.vector_load %arg11[%swap3A_308] {strides = array<i32>} : memref<4096xf32, #tpu.memory_space<vmem>>, vector<16xf32>,
        tpu.vector_store %arg11[%swap3A_308], %mul3A_307 {strides = array<i32>} : memref<4096xf32, #tpu.memory_space<vmem>>, vector<16xf32>,
        %mul3A_310 = arith.constant 32 : i32
        %mul3A_311 = arith.muli %scan3A_142, %mul3A_310 : i32
        %add3A_312 = arith.constant 13 : i32
        %add3A_313 = arith.addi %mul3A_311, %add3A_312 : i32
        %mul3A_314 = arith.constant 16 : i32
        %mul3A_315 = arith.muli %add3A_313, %mul3A_314 : i32
        %add3A_316 = arith.constant 4096 : i32
        %add3A_317 = arith.addi %add3A_316, %mul3A_315 : i32
        %get3A_318 = arith.index_cast %add3A_317 : i32 to index
        %get3A_319 = tpu.vector_load %arg8[%get3A_318] {strides = array<i32>} : memref<100096xf32, #tpu.memory_space<vmem>>, vector<16xf32>,
        %mul3A_320 = arith.mulf %get3A_319, %gather3A : vector<16xf32>
        %swap3A_321 = arith.index_cast %mul3A_315 : i32 to index
        %swap3A_322 = tpu.vector_load %arg11[%swap3A_321] {strides = array<i32>} : memref<4096xf32, #tpu.memory_space<vmem>>, vector<16xf32>,
        tpu.vector_store %arg11[%swap3A_321], %mul3A_320 {strides = array<i32>} : memref<4096xf32, #tpu.memory_space<vmem>>, vector<16xf32>,
        %mul3A_323 = arith.constant 32 : i32
        %mul3A_324 = arith.muli %scan3A_142, %mul3A_323 : i32
        %add3A_325 = arith.constant 14 : i32
        %add3A_326 = arith.addi %mul3A_324, %add3A_325 : i32
        %mul3A_327 = arith.constant 16 : i32
        %mul3A_328 = arith.muli %add3A_326, %mul3A_327 : i32
        %add3A_329 = arith.constant 4096 : i32
        %add3A_330 = arith.addi %add3A_329, %mul3A_328 : i32
        %get3A_331 = arith.index_cast %add3A_330 : i32 to index
        %get3A_332 = tpu.vector_load %arg8[%get3A_331] {strides = array<i32>} : memref<100096xf32, #tpu.memory_space<vmem>>, vector<16xf32>,
        %mul3A_333 = arith.mulf %get3A_332, %gather3A : vector<16xf32>
        %swap3A_334 = arith.index_cast %mul3A_328 : i32 to index
        %swap3A_335 = tpu.vector_load %arg11[%swap3A_334] {strides = array<i32>} : memref<4096xf32, #tpu.memory_space<vmem>>, vector<16xf32>,
        tpu.vector_store %arg11[%swap3A_334], %mul3A_333 {strides = array<i32>} : memref<4096xf32, #tpu.memory_space<vmem>>, vector<16xf32>,
        %mul3A_336 = arith.constant 32 : i32
        %mul3A_337 = arith.muli %scan3A_142, %mul3A_336 : i32
        %add3A_338 = arith.constant 15 : i32
        %add3A_339 = arith.addi %mul3A_337, %add3A_338 : i32
        %mul3A_340 = arith.constant 16 : i32
        %mul3A_341 = arith.muli %add3A_339, %mul3A_340 : i32
        %add3A_342 = arith.constant 4096 : i32
        %add3A_343 = arith.addi %add3A_342, %mul3A_341 : i32
        %get3A_344 = arith.index_cast %add3A_343 : i32 to index
        %get3A_345 = tpu.vector_load %arg8[%get3A_344] {strides = array<i32>} : memref<100096xf32, #tpu.memory_space<vmem>>, vector<16xf32>,
        %mul3A_346 = arith.mulf %get3A_345, %gather3A : vector<16xf32>
        %swap3A_347 = arith.index_cast %mul3A_341 : i32 to index
        %swap3A_348 = tpu.vector_load %arg11[%swap3A_347] {strides = array<i32>} : memref<4096xf32, #tpu.memory_space<vmem>>, vector<16xf32>,
        tpu.vector_store %arg11[%swap3A_347], %mul3A_346 {strides = array<i32>} : memref<4096xf32, #tpu.memory_space<vmem>>, vector<16xf32>,
        %mul3A_349 = arith.constant 32 : i32
        %mul3A_350 = arith.muli %scan3A_142, %mul3A_349 : i32
        %add3A_351 = arith.constant 16 : i32
        %add3A_352 = arith.addi %mul3A_350, %add3A_351 : i32
        %mul3A_353 = arith.constant 16 : i32
        %mul3A_354 = arith.muli %add3A_352, %mul3A_353 : i32
        %add3A_355 = arith.constant 4096 : i32
        %add3A_356 = arith.addi %add3A_355, %mul3A_354 : i32
        %get3A_357 = arith.index_cast %add3A_356 : i32 to index
        %get3A_358 = tpu.vector_load %arg8[%get3A_357] {strides = array<i32>} : memref<100096xf32, #tpu.memory_space<vmem>>, vector<16xf32>,
        %mul3A_359 = arith.mulf %get3A_358, %gather3A : vector<16xf32>
        %swap3A_360 = arith.index_cast %mul3A_354 : i32 to index
        %swap3A_361 = tpu.vector_load %arg11[%swap3A_360] {strides = array<i32>} : memref<4096xf32, #tpu.memory_space<vmem>>, vector<16xf32>,
        tpu.vector_store %arg11[%swap3A_360], %mul3A_359 {strides = array<i32>} : memref<4096xf32, #tpu.memory_space<vmem>>, vector<16xf32>,
        %mul3A_362 = arith.constant 32 : i32
        %mul3A_363 = arith.muli %scan3A_142, %mul3A_362 : i32
        %add3A_364 = arith.constant 17 : i32
        %add3A_365 = arith.addi %mul3A_363, %add3A_364 : i32
        %mul3A_366 = arith.constant 16 : i32
        %mul3A_367 = arith.muli %add3A_365, %mul3A_366 : i32
        %add3A_368 = arith.constant 4096 : i32
        %add3A_369 = arith.addi %add3A_368, %mul3A_367 : i32
        %get3A_370 = arith.index_cast %add3A_369 : i32 to index
        %get3A_371 = tpu.vector_load %arg8[%get3A_370] {strides = array<i32>} : memref<100096xf32, #tpu.memory_space<vmem>>, vector<16xf32>,
        %mul3A_372 = arith.mulf %get3A_371, %gather3A : vector<16xf32>
        %swap3A_373 = arith.index_cast %mul3A_367 : i32 to index
        %swap3A_374 = tpu.vector_load %arg11[%swap3A_373] {strides = array<i32>} : memref<4096xf32, #tpu.memory_space<vmem>>, vector<16xf32>,
        tpu.vector_store %arg11[%swap3A_373], %mul3A_372 {strides = array<i32>} : memref<4096xf32, #tpu.memory_space<vmem>>, vector<16xf32>,
        %mul3A_375 = arith.constant 32 : i32
        %mul3A_376 = arith.muli %scan3A_142, %mul3A_375 : i32
        %add3A_377 = arith.constant 18 : i32
        %add3A_378 = arith.addi %mul3A_376, %add3A_377 : i32
        %mul3A_379 = arith.constant 16 : i32
        %mul3A_380 = arith.muli %add3A_378, %mul3A_379 : i32
        %add3A_381 = arith.constant 4096 : i32
        %add3A_382 = arith.addi %add3A_381, %mul3A_380 : i32
        %get3A_383 = arith.index_cast %add3A_382 : i32 to index
        %get3A_384 = tpu.vector_load %arg8[%get3A_383] {strides = array<i32>} : memref<100096xf32, #tpu.memory_space<vmem>>, vector<16xf32>,
        %mul3A_385 = arith.mulf %get3A_384, %gather3A : vector<16xf32>
        %swap3A_386 = arith.index_cast %mul3A_380 : i32 to index
        %swap3A_387 = tpu.vector_load %arg11[%swap3A_386] {strides = array<i32>} : memref<4096xf32, #tpu.memory_space<vmem>>, vector<16xf32>,
        tpu.vector_store %arg11[%swap3A_386], %mul3A_385 {strides = array<i32>} : memref<4096xf32, #tpu.memory_space<vmem>>, vector<16xf32>,
        %mul3A_388 = arith.constant 32 : i32
        %mul3A_389 = arith.muli %scan3A_142, %mul3A_388 : i32
        %add3A_390 = arith.constant 19 : i32
        %add3A_391 = arith.addi %mul3A_389, %add3A_390 : i32
        %mul3A_392 = arith.constant 16 : i32
        %mul3A_393 = arith.muli %add3A_391, %mul3A_392 : i32
        %add3A_394 = arith.constant 4096 : i32
        %add3A_395 = arith.addi %add3A_394, %mul3A_393 : i32
        %get3A_396 = arith.index_cast %add3A_395 : i32 to index
        %get3A_397 = tpu.vector_load %arg8[%get3A_396] {strides = array<i32>} : memref<100096xf32, #tpu.memory_space<vmem>>, vector<16xf32>,
        %mul3A_398 = arith.mulf %get3A_397, %gather3A : vector<16xf32>
        %swap3A_399 = arith.index_cast %mul3A_393 : i32 to index
        %swap3A_400 = tpu.vector_load %arg11[%swap3A_399] {strides = array<i32>} : memref<4096xf32, #tpu.memory_space<vmem>>, vector<16xf32>,
        tpu.vector_store %arg11[%swap3A_399], %mul3A_398 {strides = array<i32>} : memref<4096xf32, #tpu.memory_space<vmem>>, vector<16xf32>,
        %mul3A_401 = arith.constant 32 : i32
        %mul3A_402 = arith.muli %scan3A_142, %mul3A_401 : i32
        %add3A_403 = arith.constant 20 : i32
        %add3A_404 = arith.addi %mul3A_402, %add3A_403 : i32
        %mul3A_405 = arith.constant 16 : i32
        %mul3A_406 = arith.muli %add3A_404, %mul3A_405 : i32
        %add3A_407 = arith.constant 4096 : i32
        %add3A_408 = arith.addi %add3A_407, %mul3A_406 : i32
        %get3A_409 = arith.index_cast %add3A_408 : i32 to index
        %get3A_410 = tpu.vector_load %arg8[%get3A_409] {strides = array<i32>} : memref<100096xf32, #tpu.memory_space<vmem>>, vector<16xf32>,
        %mul3A_411 = arith.mulf %get3A_410, %gather3A : vector<16xf32>
        %swap3A_412 = arith.index_cast %mul3A_406 : i32 to index
        %swap3A_413 = tpu.vector_load %arg11[%swap3A_412] {strides = array<i32>} : memref<4096xf32, #tpu.memory_space<vmem>>, vector<16xf32>,
        tpu.vector_store %arg11[%swap3A_412], %mul3A_411 {strides = array<i32>} : memref<4096xf32, #tpu.memory_space<vmem>>, vector<16xf32>,
        %mul3A_414 = arith.constant 32 : i32
        %mul3A_415 = arith.muli %scan3A_142, %mul3A_414 : i32
        %add3A_416 = arith.constant 21 : i32
        %add3A_417 = arith.addi %mul3A_415, %add3A_416 : i32
        %mul3A_418 = arith.constant 16 : i32
        %mul3A_419 = arith.muli %add3A_417, %mul3A_418 : i32
        %add3A_420 = arith.constant 4096 : i32
        %add3A_421 = arith.addi %add3A_420, %mul3A_419 : i32
        %get3A_422 = arith.index_cast %add3A_421 : i32 to index
        %get3A_423 = tpu.vector_load %arg8[%get3A_422] {strides = array<i32>} : memref<100096xf32, #tpu.memory_space<vmem>>, vector<16xf32>,
        %mul3A_424 = arith.mulf %get3A_423, %gather3A : vector<16xf32>
        %swap3A_425 = arith.index_cast %mul3A_419 : i32 to index
        %swap3A_426 = tpu.vector_load %arg11[%swap3A_425] {strides = array<i32>} : memref<4096xf32, #tpu.memory_space<vmem>>, vector<16xf32>,
        tpu.vector_store %arg11[%swap3A_425], %mul3A_424 {strides = array<i32>} : memref<4096xf32, #tpu.memory_space<vmem>>, vector<16xf32>,
        %mul3A_427 = arith.constant 32 : i32
        %mul3A_428 = arith.muli %scan3A_142, %mul3A_427 : i32
        %add3A_429 = arith.constant 22 : i32
        %add3A_430 = arith.addi %mul3A_428, %add3A_429 : i32
        %mul3A_431 = arith.constant 16 : i32
        %mul3A_432 = arith.muli %add3A_430, %mul3A_431 : i32
        %add3A_433 = arith.constant 4096 : i32
        %add3A_434 = arith.addi %add3A_433, %mul3A_432 : i32
        %get3A_435 = arith.index_cast %add3A_434 : i32 to index
        %get3A_436 = tpu.vector_load %arg8[%get3A_435] {strides = array<i32>} : memref<100096xf32, #tpu.memory_space<vmem>>, vector<16xf32>,
        %mul3A_437 = arith.mulf %get3A_436, %gather3A : vector<16xf32>
        %swap3A_438 = arith.index_cast %mul3A_432 : i32 to index
        %swap3A_439 = tpu.vector_load %arg11[%swap3A_438] {strides = array<i32>} : memref<4096xf32, #tpu.memory_space<vmem>>, vector<16xf32>,
        tpu.vector_store %arg11[%swap3A_438], %mul3A_437 {strides = array<i32>} : memref<4096xf32, #tpu.memory_space<vmem>>, vector<16xf32>,
        %mul3A_440 = arith.constant 32 : i32
        %mul3A_441 = arith.muli %scan3A_142, %mul3A_440 : i32
        %add3A_442 = arith.constant 23 : i32
        %add3A_443 = arith.addi %mul3A_441, %add3A_442 : i32
        %mul3A_444 = arith.constant 16 : i32
        %mul3A_445 = arith.muli %add3A_443, %mul3A_444 : i32
        %add3A_446 = arith.constant 4096 : i32
        %add3A_447 = arith.addi %add3A_446, %mul3A_445 : i32
        %get3A_448 = arith.index_cast %add3A_447 : i32 to index
        %get3A_449 = tpu.vector_load %arg8[%get3A_448] {strides = array<i32>} : memref<100096xf32, #tpu.memory_space<vmem>>, vector<16xf32>,
        %mul3A_450 = arith.mulf %get3A_449, %gather3A : vector<16xf32>
        %swap3A_451 = arith.index_cast %mul3A_445 : i32 to index
        %swap3A_452 = tpu.vector_load %arg11[%swap3A_451] {strides = array<i32>} : memref<4096xf32, #tpu.memory_space<vmem>>, vector<16xf32>,
        tpu.vector_store %arg11[%swap3A_451], %mul3A_450 {strides = array<i32>} : memref<4096xf32, #tpu.memory_space<vmem>>, vector<16xf32>,
        %mul3A_453 = arith.constant 32 : i32
        %mul3A_454 = arith.muli %scan3A_142, %mul3A_453 : i32
        %add3A_455 = arith.constant 24 : i32
        %add3A_456 = arith.addi %mul3A_454, %add3A_455 : i32
        %mul3A_457 = arith.constant 16 : i32
        %mul3A_458 = arith.muli %add3A_456, %mul3A_457 : i32
        %add3A_459 = arith.constant 4096 : i32
        %add3A_460 = arith.addi %add3A_459, %mul3A_458 : i32
        %get3A_461 = arith.index_cast %add3A_460 : i32 to index
        %get3A_462 = tpu.vector_load %arg8[%get3A_461] {strides = array<i32>} : memref<100096xf32, #tpu.memory_space<vmem>>, vector<16xf32>,
        %mul3A_463 = arith.mulf %get3A_462, %gather3A : vector<16xf32>
        %swap3A_464 = arith.index_cast %mul3A_458 : i32 to index
        %swap3A_465 = tpu.vector_load %arg11[%swap3A_464] {strides = array<i32>} : memref<4096xf32, #tpu.memory_space<vmem>>, vector<16xf32>,
        tpu.vector_store %arg11[%swap3A_464], %mul3A_463 {strides = array<i32>} : memref<4096xf32, #tpu.memory_space<vmem>>, vector<16xf32>,
        %mul3A_466 = arith.constant 32 : i32
        %mul3A_467 = arith.muli %scan3A_142, %mul3A_466 : i32
        %add3A_468 = arith.constant 25 : i32
        %add3A_469 = arith.addi %mul3A_467, %add3A_468 : i32
        %mul3A_470 = arith.constant 16 : i32
        %mul3A_471 = arith.muli %add3A_469, %mul3A_470 : i32
        %add3A_472 = arith.constant 4096 : i32
        %add3A_473 = arith.addi %add3A_472, %mul3A_471 : i32
        %get3A_474 = arith.index_cast %add3A_473 : i32 to index
        %get3A_475 = tpu.vector_load %arg8[%get3A_474] {strides = array<i32>} : memref<100096xf32, #tpu.memory_space<vmem>>, vector<16xf32>,
        %mul3A_476 = arith.mulf %get3A_475, %gather3A : vector<16xf32>
        %swap3A_477 = arith.index_cast %mul3A_471 : i32 to index
        %swap3A_478 = tpu.vector_load %arg11[%swap3A_477] {strides = array<i32>} : memref<4096xf32, #tpu.memory_space<vmem>>, vector<16xf32>,
        tpu.vector_store %arg11[%swap3A_477], %mul3A_476 {strides = array<i32>} : memref<4096xf32, #tpu.memory_space<vmem>>, vector<16xf32>,
        %mul3A_479 = arith.constant 32 : i32
        %mul3A_480 = arith.muli %scan3A_142, %mul3A_479 : i32
        %add3A_481 = arith.constant 26 : i32
        %add3A_482 = arith.addi %mul3A_480, %add3A_481 : i32
        %mul3A_483 = arith.constant 16 : i32
        %mul3A_484 = arith.muli %add3A_482, %mul3A_483 : i32
        %add3A_485 = arith.constant 4096 : i32
        %add3A_486 = arith.addi %add3A_485, %mul3A_484 : i32
        %get3A_487 = arith.index_cast %add3A_486 : i32 to index
        %get3A_488 = tpu.vector_load %arg8[%get3A_487] {strides = array<i32>} : memref<100096xf32, #tpu.memory_space<vmem>>, vector<16xf32>,
        %mul3A_489 = arith.mulf %get3A_488, %gather3A : vector<16xf32>
        %swap3A_490 = arith.index_cast %mul3A_484 : i32 to index
        %swap3A_491 = tpu.vector_load %arg11[%swap3A_490] {strides = array<i32>} : memref<4096xf32, #tpu.memory_space<vmem>>, vector<16xf32>,
        tpu.vector_store %arg11[%swap3A_490], %mul3A_489 {strides = array<i32>} : memref<4096xf32, #tpu.memory_space<vmem>>, vector<16xf32>,
        %mul3A_492 = arith.constant 32 : i32
        %mul3A_493 = arith.muli %scan3A_142, %mul3A_492 : i32
        %add3A_494 = arith.constant 27 : i32
        %add3A_495 = arith.addi %mul3A_493, %add3A_494 : i32
        %mul3A_496 = arith.constant 16 : i32
        %mul3A_497 = arith.muli %add3A_495, %mul3A_496 : i32
        %add3A_498 = arith.constant 4096 : i32
        %add3A_499 = arith.addi %add3A_498, %mul3A_497 : i32
        %get3A_500 = arith.index_cast %add3A_499 : i32 to index
        %get3A_501 = tpu.vector_load %arg8[%get3A_500] {strides = array<i32>} : memref<100096xf32, #tpu.memory_space<vmem>>, vector<16xf32>,
        %mul3A_502 = arith.mulf %get3A_501, %gather3A : vector<16xf32>
        %swap3A_503 = arith.index_cast %mul3A_497 : i32 to index
        %swap3A_504 = tpu.vector_load %arg11[%swap3A_503] {strides = array<i32>} : memref<4096xf32, #tpu.memory_space<vmem>>, vector<16xf32>,
        tpu.vector_store %arg11[%swap3A_503], %mul3A_502 {strides = array<i32>} : memref<4096xf32, #tpu.memory_space<vmem>>, vector<16xf32>,
        %mul3A_505 = arith.constant 32 : i32
        %mul3A_506 = arith.muli %scan3A_142, %mul3A_505 : i32
        %add3A_507 = arith.constant 28 : i32
        %add3A_508 = arith.addi %mul3A_506, %add3A_507 : i32
        %mul3A_509 = arith.constant 16 : i32
        %mul3A_510 = arith.muli %add3A_508, %mul3A_509 : i32
        %add3A_511 = arith.constant 4096 : i32
        %add3A_512 = arith.addi %add3A_511, %mul3A_510 : i32
        %get3A_513 = arith.index_cast %add3A_512 : i32 to index
        %get3A_514 = tpu.vector_load %arg8[%get3A_513] {strides = array<i32>} : memref<100096xf32, #tpu.memory_space<vmem>>, vector<16xf32>,
        %mul3A_515 = arith.mulf %get3A_514, %gather3A : vector<16xf32>
        %swap3A_516 = arith.index_cast %mul3A_510 : i32 to index
        %swap3A_517 = tpu.vector_load %arg11[%swap3A_516] {strides = array<i32>} : memref<4096xf32, #tpu.memory_space<vmem>>, vector<16xf32>,
        tpu.vector_store %arg11[%swap3A_516], %mul3A_515 {strides = array<i32>} : memref<4096xf32, #tpu.memory_space<vmem>>, vector<16xf32>,
        %mul3A_518 = arith.constant 32 : i32
        %mul3A_519 = arith.muli %scan3A_142, %mul3A_518 : i32
        %add3A_520 = arith.constant 29 : i32
        %add3A_521 = arith.addi %mul3A_519, %add3A_520 : i32
        %mul3A_522 = arith.constant 16 : i32
        %mul3A_523 = arith.muli %add3A_521, %mul3A_522 : i32
        %add3A_524 = arith.constant 4096 : i32
        %add3A_525 = arith.addi %add3A_524, %mul3A_523 : i32
        %get3A_526 = arith.index_cast %add3A_525 : i32 to index
        %get3A_527 = tpu.vector_load %arg8[%get3A_526] {strides = array<i32>} : memref<100096xf32, #tpu.memory_space<vmem>>, vector<16xf32>,
        %mul3A_528 = arith.mulf %get3A_527, %gather3A : vector<16xf32>
        %swap3A_529 = arith.index_cast %mul3A_523 : i32 to index
        %swap3A_530 = tpu.vector_load %arg11[%swap3A_529] {strides = array<i32>} : memref<4096xf32, #tpu.memory_space<vmem>>, vector<16xf32>,
        tpu.vector_store %arg11[%swap3A_529], %mul3A_528 {strides = array<i32>} : memref<4096xf32, #tpu.memory_space<vmem>>, vector<16xf32>,
        %mul3A_531 = arith.constant 32 : i32
        %mul3A_532 = arith.muli %scan3A_142, %mul3A_531 : i32
        %add3A_533 = arith.constant 30 : i32
        %add3A_534 = arith.addi %mul3A_532, %add3A_533 : i32
        %mul3A_535 = arith.constant 16 : i32
        %mul3A_536 = arith.muli %add3A_534, %mul3A_535 : i32
        %add3A_537 = arith.constant 4096 : i32
        %add3A_538 = arith.addi %add3A_537, %mul3A_536 : i32
        %get3A_539 = arith.index_cast %add3A_538 : i32 to index
        %get3A_540 = tpu.vector_load %arg8[%get3A_539] {strides = array<i32>} : memref<100096xf32, #tpu.memory_space<vmem>>, vector<16xf32>,
        %mul3A_541 = arith.mulf %get3A_540, %gather3A : vector<16xf32>
        %swap3A_542 = arith.index_cast %mul3A_536 : i32 to index
        %swap3A_543 = tpu.vector_load %arg11[%swap3A_542] {strides = array<i32>} : memref<4096xf32, #tpu.memory_space<vmem>>, vector<16xf32>,
        tpu.vector_store %arg11[%swap3A_542], %mul3A_541 {strides = array<i32>} : memref<4096xf32, #tpu.memory_space<vmem>>, vector<16xf32>,
        %mul3A_544 = arith.constant 32 : i32
        %mul3A_545 = arith.muli %scan3A_142, %mul3A_544 : i32
        %add3A_546 = arith.constant 31 : i32
        %add3A_547 = arith.addi %mul3A_545, %add3A_546 : i32
        %mul3A_548 = arith.constant 16 : i32
        %mul3A_549 = arith.muli %add3A_547, %mul3A_548 : i32
        %add3A_550 = arith.constant 4096 : i32
        %add3A_551 = arith.addi %add3A_550, %mul3A_549 : i32
        %get3A_552 = arith.index_cast %add3A_551 : i32 to index
        %get3A_553 = tpu.vector_load %arg8[%get3A_552] {strides = array<i32>} : memref<100096xf32, #tpu.memory_space<vmem>>, vector<16xf32>,
        %mul3A_554 = arith.mulf %get3A_553, %gather3A : vector<16xf32>
        %swap3A_555 = arith.index_cast %mul3A_549 : i32 to index
        %swap3A_556 = tpu.vector_load %arg11[%swap3A_555] {strides = array<i32>} : memref<4096xf32, #tpu.memory_space<vmem>>, vector<16xf32>,
        tpu.vector_store %arg11[%swap3A_555], %mul3A_554 {strides = array<i32>} : memref<4096xf32, #tpu.memory_space<vmem>>, vector<16xf32>,
      }
      %scan3A_95 = arith.constant 8 : i32
      %dma_start3A_96 = arith.constant 4096 : i32
      %dma_start3A_97 = tpu.memref_slice %arg7[%add3A_45, %dma_start3A_96] : memref<2496x16384xf32, #tpu.memory_space<hbm>> -> memref<1x4096xf32, #tpu.memory_space<hbm>>
      %dma_start3A_98 = tpu.memref_squeeze %dma_start3A_97 : memref<1x4096xf32, #tpu.memory_space<hbm>> -> memref<4096xf32, #tpu.memory_space<hbm>>
      %dma_start3A_99 = arith.constant 4096 : i32
      %dma_start3A_100 = tpu.memref_slice %arg7[%add3A_45, %dma_start3A_99] : memref<2496x16384xf32, #tpu.memory_space<hbm>> -> memref<1x4096xf32, #tpu.memory_space<hbm>>
      %dma_start3A_101 = tpu.memref_squeeze %dma_start3A_100 : memref<1x4096xf32, #tpu.memory_space<hbm>> -> memref<4096xf32, #tpu.memory_space<hbm>>
      tpu.enqueue_dma source(%arg11 : memref<4096xf32, #tpu.memory_space<vmem>>) target(%dma_start3A_101 : memref<4096xf32, #tpu.memory_space<hbm>>) target_semaphore(%arg15 : memref<!tpu.dma_semaphore, #tpu.memory_space<semaphore_mem>>)
      %mul3A_102 = arith.constant 4 : i32
      %mul3A_103 = arith.muli %scan3A_41, %mul3A_102 : i32
      %add3A_104 = arith.constant 2 : i32
      %add3A_105 = arith.addi %mul3A_103, %add3A_104 : i32
      %ge3A_106 = arith.constant 2 : i32
      %ge3A_107 = arith.cmpi sge, %add3A_105, %ge3A_106 : i32
      %convert_element_type3A_108 = arith.extui %ge3A_107 : i1 to i32
      %cond3A_109 = arith.constant 0 : i32
      %cond3A_110 = arith.cmpi ne, %convert_element_type3A_108, %cond3A_109 : i32
      scf.if %cond3A_110 {
        %dma_wait3A_142 = arith.constant 8192 : i32
        %dma_wait3A_143 = tpu.memref_slice %arg7[%add3A_45, %dma_wait3A_142] : memref<2496x16384xf32, #tpu.memory_space<hbm>> -> memref<1x4096xf32, #tpu.memory_space<hbm>>
        %dma_wait3A_144 = tpu.memref_squeeze %dma_wait3A_143 : memref<1x4096xf32, #tpu.memory_space<hbm>> -> memref<4096xf32, #tpu.memory_space<hbm>>
        %dma_wait3A_145 = arith.constant 8192 : i32
        %dma_wait3A_146 = tpu.memref_slice %arg7[%add3A_45, %dma_wait3A_145] : memref<2496x16384xf32, #tpu.memory_space<hbm>> -> memref<1x4096xf32, #tpu.memory_space<hbm>>
        %dma_wait3A_147 = tpu.memref_squeeze %dma_wait3A_146 : memref<1x4096xf32, #tpu.memory_space<hbm>> -> memref<4096xf32, #tpu.memory_space<hbm>>
        tpu.wait_dma2 semaphore(%arg14 : memref<!tpu.dma_semaphore, #tpu.memory_space<semaphore_mem>>) src(%arg10 : memref<4096xf32, #tpu.memory_space<vmem>>) dst(%dma_wait3A_147 : memref<4096xf32, #tpu.memory_space<hbm>>)
      } else {
      }
      %scan3A_111 = arith.constant 0 : i32
      %scan3A_112 = arith.constant 8 : i32
      %scan3A_113 = arith.addi %scan3A_111, %scan3A_112 : i32
      %scan3A_114 = arith.constant 1 : i32
      scf.for %scan3A_142 = %scan3A_111 to %scan3A_113 step %scan3A_114  : i32 {
        %mul3A_143 = arith.constant 32 : i32
        %mul3A_144 = arith.muli %scan3A_142, %mul3A_143 : i32
        %add3A_145 = arith.constant 0 : i32
        %add3A_146 = arith.addi %mul3A_144, %add3A_145 : i32
        %mul3A_147 = arith.constant 16 : i32
        %mul3A_148 = arith.muli %add3A_146, %mul3A_147 : i32
        %add3A_149 = arith.constant 8192 : i32
        %add3A_150 = arith.addi %add3A_149, %mul3A_148 : i32
        %get3A = arith.index_cast %add3A_150 : i32 to index
        %get3A_151 = tpu.vector_load %arg8[%get3A] {strides = array<i32>} : memref<100096xf32, #tpu.memory_space<vmem>>, vector<16xf32>,
        %mul3A_152 = arith.mulf %get3A_151, %gather3A : vector<16xf32>
        %swap3A = arith.index_cast %mul3A_148 : i32 to index
        %swap3A_153 = tpu.vector_load %arg10[%swap3A] {strides = array<i32>} : memref<4096xf32, #tpu.memory_space<vmem>>, vector<16xf32>,
        tpu.vector_store %arg10[%swap3A], %mul3A_152 {strides = array<i32>} : memref<4096xf32, #tpu.memory_space<vmem>>, vector<16xf32>,
        %mul3A_154 = arith.constant 32 : i32
        %mul3A_155 = arith.muli %scan3A_142, %mul3A_154 : i32
        %add3A_156 = arith.constant 1 : i32
        %add3A_157 = arith.addi %mul3A_155, %add3A_156 : i32
        %mul3A_158 = arith.constant 16 : i32
        %mul3A_159 = arith.muli %add3A_157, %mul3A_158 : i32
        %add3A_160 = arith.constant 8192 : i32
        %add3A_161 = arith.addi %add3A_160, %mul3A_159 : i32
        %get3A_162 = arith.index_cast %add3A_161 : i32 to index
        %get3A_163 = tpu.vector_load %arg8[%get3A_162] {strides = array<i32>} : memref<100096xf32, #tpu.memory_space<vmem>>, vector<16xf32>,
        %mul3A_164 = arith.mulf %get3A_163, %gather3A : vector<16xf32>
        %swap3A_165 = arith.index_cast %mul3A_159 : i32 to index
        %swap3A_166 = tpu.vector_load %arg10[%swap3A_165] {strides = array<i32>} : memref<4096xf32, #tpu.memory_space<vmem>>, vector<16xf32>,
        tpu.vector_store %arg10[%swap3A_165], %mul3A_164 {strides = array<i32>} : memref<4096xf32, #tpu.memory_space<vmem>>, vector<16xf32>,
        %mul3A_167 = arith.constant 32 : i32
        %mul3A_168 = arith.muli %scan3A_142, %mul3A_167 : i32
        %add3A_169 = arith.constant 2 : i32
        %add3A_170 = arith.addi %mul3A_168, %add3A_169 : i32
        %mul3A_171 = arith.constant 16 : i32
        %mul3A_172 = arith.muli %add3A_170, %mul3A_171 : i32
        %add3A_173 = arith.constant 8192 : i32
        %add3A_174 = arith.addi %add3A_173, %mul3A_172 : i32
        %get3A_175 = arith.index_cast %add3A_174 : i32 to index
        %get3A_176 = tpu.vector_load %arg8[%get3A_175] {strides = array<i32>} : memref<100096xf32, #tpu.memory_space<vmem>>, vector<16xf32>,
        %mul3A_177 = arith.mulf %get3A_176, %gather3A : vector<16xf32>
        %swap3A_178 = arith.index_cast %mul3A_172 : i32 to index
        %swap3A_179 = tpu.vector_load %arg10[%swap3A_178] {strides = array<i32>} : memref<4096xf32, #tpu.memory_space<vmem>>, vector<16xf32>,
        tpu.vector_store %arg10[%swap3A_178], %mul3A_177 {strides = array<i32>} : memref<4096xf32, #tpu.memory_space<vmem>>, vector<16xf32>,
        %mul3A_180 = arith.constant 32 : i32
        %mul3A_181 = arith.muli %scan3A_142, %mul3A_180 : i32
        %add3A_182 = arith.constant 3 : i32
        %add3A_183 = arith.addi %mul3A_181, %add3A_182 : i32
        %mul3A_184 = arith.constant 16 : i32
        %mul3A_185 = arith.muli %add3A_183, %mul3A_184 : i32
        %add3A_186 = arith.constant 8192 : i32
        %add3A_187 = arith.addi %add3A_186, %mul3A_185 : i32
        %get3A_188 = arith.index_cast %add3A_187 : i32 to index
        %get3A_189 = tpu.vector_load %arg8[%get3A_188] {strides = array<i32>} : memref<100096xf32, #tpu.memory_space<vmem>>, vector<16xf32>,
        %mul3A_190 = arith.mulf %get3A_189, %gather3A : vector<16xf32>
        %swap3A_191 = arith.index_cast %mul3A_185 : i32 to index
        %swap3A_192 = tpu.vector_load %arg10[%swap3A_191] {strides = array<i32>} : memref<4096xf32, #tpu.memory_space<vmem>>, vector<16xf32>,
        tpu.vector_store %arg10[%swap3A_191], %mul3A_190 {strides = array<i32>} : memref<4096xf32, #tpu.memory_space<vmem>>, vector<16xf32>,
        %mul3A_193 = arith.constant 32 : i32
        %mul3A_194 = arith.muli %scan3A_142, %mul3A_193 : i32
        %add3A_195 = arith.constant 4 : i32
        %add3A_196 = arith.addi %mul3A_194, %add3A_195 : i32
        %mul3A_197 = arith.constant 16 : i32
        %mul3A_198 = arith.muli %add3A_196, %mul3A_197 : i32
        %add3A_199 = arith.constant 8192 : i32
        %add3A_200 = arith.addi %add3A_199, %mul3A_198 : i32
        %get3A_201 = arith.index_cast %add3A_200 : i32 to index
        %get3A_202 = tpu.vector_load %arg8[%get3A_201] {strides = array<i32>} : memref<100096xf32, #tpu.memory_space<vmem>>, vector<16xf32>,
        %mul3A_203 = arith.mulf %get3A_202, %gather3A : vector<16xf32>
        %swap3A_204 = arith.index_cast %mul3A_198 : i32 to index
        %swap3A_205 = tpu.vector_load %arg10[%swap3A_204] {strides = array<i32>} : memref<4096xf32, #tpu.memory_space<vmem>>, vector<16xf32>,
        tpu.vector_store %arg10[%swap3A_204], %mul3A_203 {strides = array<i32>} : memref<4096xf32, #tpu.memory_space<vmem>>, vector<16xf32>,
        %mul3A_206 = arith.constant 32 : i32
        %mul3A_207 = arith.muli %scan3A_142, %mul3A_206 : i32
        %add3A_208 = arith.constant 5 : i32
        %add3A_209 = arith.addi %mul3A_207, %add3A_208 : i32
        %mul3A_210 = arith.constant 16 : i32
        %mul3A_211 = arith.muli %add3A_209, %mul3A_210 : i32
        %add3A_212 = arith.constant 8192 : i32
        %add3A_213 = arith.addi %add3A_212, %mul3A_211 : i32
        %get3A_214 = arith.index_cast %add3A_213 : i32 to index
        %get3A_215 = tpu.vector_load %arg8[%get3A_214] {strides = array<i32>} : memref<100096xf32, #tpu.memory_space<vmem>>, vector<16xf32>,
        %mul3A_216 = arith.mulf %get3A_215, %gather3A : vector<16xf32>
        %swap3A_217 = arith.index_cast %mul3A_211 : i32 to index
        %swap3A_218 = tpu.vector_load %arg10[%swap3A_217] {strides = array<i32>} : memref<4096xf32, #tpu.memory_space<vmem>>, vector<16xf32>,
        tpu.vector_store %arg10[%swap3A_217], %mul3A_216 {strides = array<i32>} : memref<4096xf32, #tpu.memory_space<vmem>>, vector<16xf32>,
        %mul3A_219 = arith.constant 32 : i32
        %mul3A_220 = arith.muli %scan3A_142, %mul3A_219 : i32
        %add3A_221 = arith.constant 6 : i32
        %add3A_222 = arith.addi %mul3A_220, %add3A_221 : i32
        %mul3A_223 = arith.constant 16 : i32
        %mul3A_224 = arith.muli %add3A_222, %mul3A_223 : i32
        %add3A_225 = arith.constant 8192 : i32
        %add3A_226 = arith.addi %add3A_225, %mul3A_224 : i32
        %get3A_227 = arith.index_cast %add3A_226 : i32 to index
        %get3A_228 = tpu.vector_load %arg8[%get3A_227] {strides = array<i32>} : memref<100096xf32, #tpu.memory_space<vmem>>, vector<16xf32>,
        %mul3A_229 = arith.mulf %get3A_228, %gather3A : vector<16xf32>
        %swap3A_230 = arith.index_cast %mul3A_224 : i32 to index
        %swap3A_231 = tpu.vector_load %arg10[%swap3A_230] {strides = array<i32>} : memref<4096xf32, #tpu.memory_space<vmem>>, vector<16xf32>,
        tpu.vector_store %arg10[%swap3A_230], %mul3A_229 {strides = array<i32>} : memref<4096xf32, #tpu.memory_space<vmem>>, vector<16xf32>,
        %mul3A_232 = arith.constant 32 : i32
        %mul3A_233 = arith.muli %scan3A_142, %mul3A_232 : i32
        %add3A_234 = arith.constant 7 : i32
        %add3A_235 = arith.addi %mul3A_233, %add3A_234 : i32
        %mul3A_236 = arith.constant 16 : i32
        %mul3A_237 = arith.muli %add3A_235, %mul3A_236 : i32
        %add3A_238 = arith.constant 8192 : i32
        %add3A_239 = arith.addi %add3A_238, %mul3A_237 : i32
        %get3A_240 = arith.index_cast %add3A_239 : i32 to index
        %get3A_241 = tpu.vector_load %arg8[%get3A_240] {strides = array<i32>} : memref<100096xf32, #tpu.memory_space<vmem>>, vector<16xf32>,
        %mul3A_242 = arith.mulf %get3A_241, %gather3A : vector<16xf32>
        %swap3A_243 = arith.index_cast %mul3A_237 : i32 to index
        %swap3A_244 = tpu.vector_load %arg10[%swap3A_243] {strides = array<i32>} : memref<4096xf32, #tpu.memory_space<vmem>>, vector<16xf32>,
        tpu.vector_store %arg10[%swap3A_243], %mul3A_242 {strides = array<i32>} : memref<4096xf32, #tpu.memory_space<vmem>>, vector<16xf32>,
        %mul3A_245 = arith.constant 32 : i32
        %mul3A_246 = arith.muli %scan3A_142, %mul3A_245 : i32
        %add3A_247 = arith.constant 8 : i32
        %add3A_248 = arith.addi %mul3A_246, %add3A_247 : i32
        %mul3A_249 = arith.constant 16 : i32
        %mul3A_250 = arith.muli %add3A_248, %mul3A_249 : i32
        %add3A_251 = arith.constant 8192 : i32
        %add3A_252 = arith.addi %add3A_251, %mul3A_250 : i32
        %get3A_253 = arith.index_cast %add3A_252 : i32 to index
        %get3A_254 = tpu.vector_load %arg8[%get3A_253] {strides = array<i32>} : memref<100096xf32, #tpu.memory_space<vmem>>, vector<16xf32>,
        %mul3A_255 = arith.mulf %get3A_254, %gather3A : vector<16xf32>
        %swap3A_256 = arith.index_cast %mul3A_250 : i32 to index
        %swap3A_257 = tpu.vector_load %arg10[%swap3A_256] {strides = array<i32>} : memref<4096xf32, #tpu.memory_space<vmem>>, vector<16xf32>,
        tpu.vector_store %arg10[%swap3A_256], %mul3A_255 {strides = array<i32>} : memref<4096xf32, #tpu.memory_space<vmem>>, vector<16xf32>,
        %mul3A_258 = arith.constant 32 : i32
        %mul3A_259 = arith.muli %scan3A_142, %mul3A_258 : i32
        %add3A_260 = arith.constant 9 : i32
        %add3A_261 = arith.addi %mul3A_259, %add3A_260 : i32
        %mul3A_262 = arith.constant 16 : i32
        %mul3A_263 = arith.muli %add3A_261, %mul3A_262 : i32
        %add3A_264 = arith.constant 8192 : i32
        %add3A_265 = arith.addi %add3A_264, %mul3A_263 : i32
        %get3A_266 = arith.index_cast %add3A_265 : i32 to index
        %get3A_267 = tpu.vector_load %arg8[%get3A_266] {strides = array<i32>} : memref<100096xf32, #tpu.memory_space<vmem>>, vector<16xf32>,
        %mul3A_268 = arith.mulf %get3A_267, %gather3A : vector<16xf32>
        %swap3A_269 = arith.index_cast %mul3A_263 : i32 to index
        %swap3A_270 = tpu.vector_load %arg10[%swap3A_269] {strides = array<i32>} : memref<4096xf32, #tpu.memory_space<vmem>>, vector<16xf32>,
        tpu.vector_store %arg10[%swap3A_269], %mul3A_268 {strides = array<i32>} : memref<4096xf32, #tpu.memory_space<vmem>>, vector<16xf32>,
        %mul3A_271 = arith.constant 32 : i32
        %mul3A_272 = arith.muli %scan3A_142, %mul3A_271 : i32
        %add3A_273 = arith.constant 10 : i32
        %add3A_274 = arith.addi %mul3A_272, %add3A_273 : i32
        %mul3A_275 = arith.constant 16 : i32
        %mul3A_276 = arith.muli %add3A_274, %mul3A_275 : i32
        %add3A_277 = arith.constant 8192 : i32
        %add3A_278 = arith.addi %add3A_277, %mul3A_276 : i32
        %get3A_279 = arith.index_cast %add3A_278 : i32 to index
        %get3A_280 = tpu.vector_load %arg8[%get3A_279] {strides = array<i32>} : memref<100096xf32, #tpu.memory_space<vmem>>, vector<16xf32>,
        %mul3A_281 = arith.mulf %get3A_280, %gather3A : vector<16xf32>
        %swap3A_282 = arith.index_cast %mul3A_276 : i32 to index
        %swap3A_283 = tpu.vector_load %arg10[%swap3A_282] {strides = array<i32>} : memref<4096xf32, #tpu.memory_space<vmem>>, vector<16xf32>,
        tpu.vector_store %arg10[%swap3A_282], %mul3A_281 {strides = array<i32>} : memref<4096xf32, #tpu.memory_space<vmem>>, vector<16xf32>,
        %mul3A_284 = arith.constant 32 : i32
        %mul3A_285 = arith.muli %scan3A_142, %mul3A_284 : i32
        %add3A_286 = arith.constant 11 : i32
        %add3A_287 = arith.addi %mul3A_285, %add3A_286 : i32
        %mul3A_288 = arith.constant 16 : i32
        %mul3A_289 = arith.muli %add3A_287, %mul3A_288 : i32
        %add3A_290 = arith.constant 8192 : i32
        %add3A_291 = arith.addi %add3A_290, %mul3A_289 : i32
        %get3A_292 = arith.index_cast %add3A_291 : i32 to index
        %get3A_293 = tpu.vector_load %arg8[%get3A_292] {strides = array<i32>} : memref<100096xf32, #tpu.memory_space<vmem>>, vector<16xf32>,
        %mul3A_294 = arith.mulf %get3A_293, %gather3A : vector<16xf32>
        %swap3A_295 = arith.index_cast %mul3A_289 : i32 to index
        %swap3A_296 = tpu.vector_load %arg10[%swap3A_295] {strides = array<i32>} : memref<4096xf32, #tpu.memory_space<vmem>>, vector<16xf32>,
        tpu.vector_store %arg10[%swap3A_295], %mul3A_294 {strides = array<i32>} : memref<4096xf32, #tpu.memory_space<vmem>>, vector<16xf32>,
        %mul3A_297 = arith.constant 32 : i32
        %mul3A_298 = arith.muli %scan3A_142, %mul3A_297 : i32
        %add3A_299 = arith.constant 12 : i32
        %add3A_300 = arith.addi %mul3A_298, %add3A_299 : i32
        %mul3A_301 = arith.constant 16 : i32
        %mul3A_302 = arith.muli %add3A_300, %mul3A_301 : i32
        %add3A_303 = arith.constant 8192 : i32
        %add3A_304 = arith.addi %add3A_303, %mul3A_302 : i32
        %get3A_305 = arith.index_cast %add3A_304 : i32 to index
        %get3A_306 = tpu.vector_load %arg8[%get3A_305] {strides = array<i32>} : memref<100096xf32, #tpu.memory_space<vmem>>, vector<16xf32>,
        %mul3A_307 = arith.mulf %get3A_306, %gather3A : vector<16xf32>
        %swap3A_308 = arith.index_cast %mul3A_302 : i32 to index
        %swap3A_309 = tpu.vector_load %arg10[%swap3A_308] {strides = array<i32>} : memref<4096xf32, #tpu.memory_space<vmem>>, vector<16xf32>,
        tpu.vector_store %arg10[%swap3A_308], %mul3A_307 {strides = array<i32>} : memref<4096xf32, #tpu.memory_space<vmem>>, vector<16xf32>,
        %mul3A_310 = arith.constant 32 : i32
        %mul3A_311 = arith.muli %scan3A_142, %mul3A_310 : i32
        %add3A_312 = arith.constant 13 : i32
        %add3A_313 = arith.addi %mul3A_311, %add3A_312 : i32
        %mul3A_314 = arith.constant 16 : i32
        %mul3A_315 = arith.muli %add3A_313, %mul3A_314 : i32
        %add3A_316 = arith.constant 8192 : i32
        %add3A_317 = arith.addi %add3A_316, %mul3A_315 : i32
        %get3A_318 = arith.index_cast %add3A_317 : i32 to index
        %get3A_319 = tpu.vector_load %arg8[%get3A_318] {strides = array<i32>} : memref<100096xf32, #tpu.memory_space<vmem>>, vector<16xf32>,
        %mul3A_320 = arith.mulf %get3A_319, %gather3A : vector<16xf32>
        %swap3A_321 = arith.index_cast %mul3A_315 : i32 to index
        %swap3A_322 = tpu.vector_load %arg10[%swap3A_321] {strides = array<i32>} : memref<4096xf32, #tpu.memory_space<vmem>>, vector<16xf32>,
        tpu.vector_store %arg10[%swap3A_321], %mul3A_320 {strides = array<i32>} : memref<4096xf32, #tpu.memory_space<vmem>>, vector<16xf32>,
        %mul3A_323 = arith.constant 32 : i32
        %mul3A_324 = arith.muli %scan3A_142, %mul3A_323 : i32
        %add3A_325 = arith.constant 14 : i32
        %add3A_326 = arith.addi %mul3A_324, %add3A_325 : i32
        %mul3A_327 = arith.constant 16 : i32
        %mul3A_328 = arith.muli %add3A_326, %mul3A_327 : i32
        %add3A_329 = arith.constant 8192 : i32
        %add3A_330 = arith.addi %add3A_329, %mul3A_328 : i32
        %get3A_331 = arith.index_cast %add3A_330 : i32 to index
        %get3A_332 = tpu.vector_load %arg8[%get3A_331] {strides = array<i32>} : memref<100096xf32, #tpu.memory_space<vmem>>, vector<16xf32>,
        %mul3A_333 = arith.mulf %get3A_332, %gather3A : vector<16xf32>
        %swap3A_334 = arith.index_cast %mul3A_328 : i32 to index
        %swap3A_335 = tpu.vector_load %arg10[%swap3A_334] {strides = array<i32>} : memref<4096xf32, #tpu.memory_space<vmem>>, vector<16xf32>,
        tpu.vector_store %arg10[%swap3A_334], %mul3A_333 {strides = array<i32>} : memref<4096xf32, #tpu.memory_space<vmem>>, vector<16xf32>,
        %mul3A_336 = arith.constant 32 : i32
        %mul3A_337 = arith.muli %scan3A_142, %mul3A_336 : i32
        %add3A_338 = arith.constant 15 : i32
        %add3A_339 = arith.addi %mul3A_337, %add3A_338 : i32
        %mul3A_340 = arith.constant 16 : i32
        %mul3A_341 = arith.muli %add3A_339, %mul3A_340 : i32
        %add3A_342 = arith.constant 8192 : i32
        %add3A_343 = arith.addi %add3A_342, %mul3A_341 : i32
        %get3A_344 = arith.index_cast %add3A_343 : i32 to index
        %get3A_345 = tpu.vector_load %arg8[%get3A_344] {strides = array<i32>} : memref<100096xf32, #tpu.memory_space<vmem>>, vector<16xf32>,
        %mul3A_346 = arith.mulf %get3A_345, %gather3A : vector<16xf32>
        %swap3A_347 = arith.index_cast %mul3A_341 : i32 to index
        %swap3A_348 = tpu.vector_load %arg10[%swap3A_347] {strides = array<i32>} : memref<4096xf32, #tpu.memory_space<vmem>>, vector<16xf32>,
        tpu.vector_store %arg10[%swap3A_347], %mul3A_346 {strides = array<i32>} : memref<4096xf32, #tpu.memory_space<vmem>>, vector<16xf32>,
        %mul3A_349 = arith.constant 32 : i32
        %mul3A_350 = arith.muli %scan3A_142, %mul3A_349 : i32
        %add3A_351 = arith.constant 16 : i32
        %add3A_352 = arith.addi %mul3A_350, %add3A_351 : i32
        %mul3A_353 = arith.constant 16 : i32
        %mul3A_354 = arith.muli %add3A_352, %mul3A_353 : i32
        %add3A_355 = arith.constant 8192 : i32
        %add3A_356 = arith.addi %add3A_355, %mul3A_354 : i32
        %get3A_357 = arith.index_cast %add3A_356 : i32 to index
        %get3A_358 = tpu.vector_load %arg8[%get3A_357] {strides = array<i32>} : memref<100096xf32, #tpu.memory_space<vmem>>, vector<16xf32>,
        %mul3A_359 = arith.mulf %get3A_358, %gather3A : vector<16xf32>
        %swap3A_360 = arith.index_cast %mul3A_354 : i32 to index
        %swap3A_361 = tpu.vector_load %arg10[%swap3A_360] {strides = array<i32>} : memref<4096xf32, #tpu.memory_space<vmem>>, vector<16xf32>,
        tpu.vector_store %arg10[%swap3A_360], %mul3A_359 {strides = array<i32>} : memref<4096xf32, #tpu.memory_space<vmem>>, vector<16xf32>,
        %mul3A_362 = arith.constant 32 : i32
        %mul3A_363 = arith.muli %scan3A_142, %mul3A_362 : i32
        %add3A_364 = arith.constant 17 : i32
        %add3A_365 = arith.addi %mul3A_363, %add3A_364 : i32
        %mul3A_366 = arith.constant 16 : i32
        %mul3A_367 = arith.muli %add3A_365, %mul3A_366 : i32
        %add3A_368 = arith.constant 8192 : i32
        %add3A_369 = arith.addi %add3A_368, %mul3A_367 : i32
        %get3A_370 = arith.index_cast %add3A_369 : i32 to index
        %get3A_371 = tpu.vector_load %arg8[%get3A_370] {strides = array<i32>} : memref<100096xf32, #tpu.memory_space<vmem>>, vector<16xf32>,
        %mul3A_372 = arith.mulf %get3A_371, %gather3A : vector<16xf32>
        %swap3A_373 = arith.index_cast %mul3A_367 : i32 to index
        %swap3A_374 = tpu.vector_load %arg10[%swap3A_373] {strides = array<i32>} : memref<4096xf32, #tpu.memory_space<vmem>>, vector<16xf32>,
        tpu.vector_store %arg10[%swap3A_373], %mul3A_372 {strides = array<i32>} : memref<4096xf32, #tpu.memory_space<vmem>>, vector<16xf32>,
        %mul3A_375 = arith.constant 32 : i32
        %mul3A_376 = arith.muli %scan3A_142, %mul3A_375 : i32
        %add3A_377 = arith.constant 18 : i32
        %add3A_378 = arith.addi %mul3A_376, %add3A_377 : i32
        %mul3A_379 = arith.constant 16 : i32
        %mul3A_380 = arith.muli %add3A_378, %mul3A_379 : i32
        %add3A_381 = arith.constant 8192 : i32
        %add3A_382 = arith.addi %add3A_381, %mul3A_380 : i32
        %get3A_383 = arith.index_cast %add3A_382 : i32 to index
        %get3A_384 = tpu.vector_load %arg8[%get3A_383] {strides = array<i32>} : memref<100096xf32, #tpu.memory_space<vmem>>, vector<16xf32>,
        %mul3A_385 = arith.mulf %get3A_384, %gather3A : vector<16xf32>
        %swap3A_386 = arith.index_cast %mul3A_380 : i32 to index
        %swap3A_387 = tpu.vector_load %arg10[%swap3A_386] {strides = array<i32>} : memref<4096xf32, #tpu.memory_space<vmem>>, vector<16xf32>,
        tpu.vector_store %arg10[%swap3A_386], %mul3A_385 {strides = array<i32>} : memref<4096xf32, #tpu.memory_space<vmem>>, vector<16xf32>,
        %mul3A_388 = arith.constant 32 : i32
        %mul3A_389 = arith.muli %scan3A_142, %mul3A_388 : i32
        %add3A_390 = arith.constant 19 : i32
        %add3A_391 = arith.addi %mul3A_389, %add3A_390 : i32
        %mul3A_392 = arith.constant 16 : i32
        %mul3A_393 = arith.muli %add3A_391, %mul3A_392 : i32
        %add3A_394 = arith.constant 8192 : i32
        %add3A_395 = arith.addi %add3A_394, %mul3A_393 : i32
        %get3A_396 = arith.index_cast %add3A_395 : i32 to index
        %get3A_397 = tpu.vector_load %arg8[%get3A_396] {strides = array<i32>} : memref<100096xf32, #tpu.memory_space<vmem>>, vector<16xf32>,
        %mul3A_398 = arith.mulf %get3A_397, %gather3A : vector<16xf32>
        %swap3A_399 = arith.index_cast %mul3A_393 : i32 to index
        %swap3A_400 = tpu.vector_load %arg10[%swap3A_399] {strides = array<i32>} : memref<4096xf32, #tpu.memory_space<vmem>>, vector<16xf32>,
        tpu.vector_store %arg10[%swap3A_399], %mul3A_398 {strides = array<i32>} : memref<4096xf32, #tpu.memory_space<vmem>>, vector<16xf32>,
        %mul3A_401 = arith.constant 32 : i32
        %mul3A_402 = arith.muli %scan3A_142, %mul3A_401 : i32
        %add3A_403 = arith.constant 20 : i32
        %add3A_404 = arith.addi %mul3A_402, %add3A_403 : i32
        %mul3A_405 = arith.constant 16 : i32
        %mul3A_406 = arith.muli %add3A_404, %mul3A_405 : i32
        %add3A_407 = arith.constant 8192 : i32
        %add3A_408 = arith.addi %add3A_407, %mul3A_406 : i32
        %get3A_409 = arith.index_cast %add3A_408 : i32 to index
        %get3A_410 = tpu.vector_load %arg8[%get3A_409] {strides = array<i32>} : memref<100096xf32, #tpu.memory_space<vmem>>, vector<16xf32>,
        %mul3A_411 = arith.mulf %get3A_410, %gather3A : vector<16xf32>
        %swap3A_412 = arith.index_cast %mul3A_406 : i32 to index
        %swap3A_413 = tpu.vector_load %arg10[%swap3A_412] {strides = array<i32>} : memref<4096xf32, #tpu.memory_space<vmem>>, vector<16xf32>,
        tpu.vector_store %arg10[%swap3A_412], %mul3A_411 {strides = array<i32>} : memref<4096xf32, #tpu.memory_space<vmem>>, vector<16xf32>,
        %mul3A_414 = arith.constant 32 : i32
        %mul3A_415 = arith.muli %scan3A_142, %mul3A_414 : i32
        %add3A_416 = arith.constant 21 : i32
        %add3A_417 = arith.addi %mul3A_415, %add3A_416 : i32
        %mul3A_418 = arith.constant 16 : i32
        %mul3A_419 = arith.muli %add3A_417, %mul3A_418 : i32
        %add3A_420 = arith.constant 8192 : i32
        %add3A_421 = arith.addi %add3A_420, %mul3A_419 : i32
        %get3A_422 = arith.index_cast %add3A_421 : i32 to index
        %get3A_423 = tpu.vector_load %arg8[%get3A_422] {strides = array<i32>} : memref<100096xf32, #tpu.memory_space<vmem>>, vector<16xf32>,
        %mul3A_424 = arith.mulf %get3A_423, %gather3A : vector<16xf32>
        %swap3A_425 = arith.index_cast %mul3A_419 : i32 to index
        %swap3A_426 = tpu.vector_load %arg10[%swap3A_425] {strides = array<i32>} : memref<4096xf32, #tpu.memory_space<vmem>>, vector<16xf32>,
        tpu.vector_store %arg10[%swap3A_425], %mul3A_424 {strides = array<i32>} : memref<4096xf32, #tpu.memory_space<vmem>>, vector<16xf32>,
        %mul3A_427 = arith.constant 32 : i32
        %mul3A_428 = arith.muli %scan3A_142, %mul3A_427 : i32
        %add3A_429 = arith.constant 22 : i32
        %add3A_430 = arith.addi %mul3A_428, %add3A_429 : i32
        %mul3A_431 = arith.constant 16 : i32
        %mul3A_432 = arith.muli %add3A_430, %mul3A_431 : i32
        %add3A_433 = arith.constant 8192 : i32
        %add3A_434 = arith.addi %add3A_433, %mul3A_432 : i32
        %get3A_435 = arith.index_cast %add3A_434 : i32 to index
        %get3A_436 = tpu.vector_load %arg8[%get3A_435] {strides = array<i32>} : memref<100096xf32, #tpu.memory_space<vmem>>, vector<16xf32>,
        %mul3A_437 = arith.mulf %get3A_436, %gather3A : vector<16xf32>
        %swap3A_438 = arith.index_cast %mul3A_432 : i32 to index
        %swap3A_439 = tpu.vector_load %arg10[%swap3A_438] {strides = array<i32>} : memref<4096xf32, #tpu.memory_space<vmem>>, vector<16xf32>,
        tpu.vector_store %arg10[%swap3A_438], %mul3A_437 {strides = array<i32>} : memref<4096xf32, #tpu.memory_space<vmem>>, vector<16xf32>,
        %mul3A_440 = arith.constant 32 : i32
        %mul3A_441 = arith.muli %scan3A_142, %mul3A_440 : i32
        %add3A_442 = arith.constant 23 : i32
        %add3A_443 = arith.addi %mul3A_441, %add3A_442 : i32
        %mul3A_444 = arith.constant 16 : i32
        %mul3A_445 = arith.muli %add3A_443, %mul3A_444 : i32
        %add3A_446 = arith.constant 8192 : i32
        %add3A_447 = arith.addi %add3A_446, %mul3A_445 : i32
        %get3A_448 = arith.index_cast %add3A_447 : i32 to index
        %get3A_449 = tpu.vector_load %arg8[%get3A_448] {strides = array<i32>} : memref<100096xf32, #tpu.memory_space<vmem>>, vector<16xf32>,
        %mul3A_450 = arith.mulf %get3A_449, %gather3A : vector<16xf32>
        %swap3A_451 = arith.index_cast %mul3A_445 : i32 to index
        %swap3A_452 = tpu.vector_load %arg10[%swap3A_451] {strides = array<i32>} : memref<4096xf32, #tpu.memory_space<vmem>>, vector<16xf32>,
        tpu.vector_store %arg10[%swap3A_451], %mul3A_450 {strides = array<i32>} : memref<4096xf32, #tpu.memory_space<vmem>>, vector<16xf32>,
        %mul3A_453 = arith.constant 32 : i32
        %mul3A_454 = arith.muli %scan3A_142, %mul3A_453 : i32
        %add3A_455 = arith.constant 24 : i32
        %add3A_456 = arith.addi %mul3A_454, %add3A_455 : i32
        %mul3A_457 = arith.constant 16 : i32
        %mul3A_458 = arith.muli %add3A_456, %mul3A_457 : i32
        %add3A_459 = arith.constant 8192 : i32
        %add3A_460 = arith.addi %add3A_459, %mul3A_458 : i32
        %get3A_461 = arith.index_cast %add3A_460 : i32 to index
        %get3A_462 = tpu.vector_load %arg8[%get3A_461] {strides = array<i32>} : memref<100096xf32, #tpu.memory_space<vmem>>, vector<16xf32>,
        %mul3A_463 = arith.mulf %get3A_462, %gather3A : vector<16xf32>
        %swap3A_464 = arith.index_cast %mul3A_458 : i32 to index
        %swap3A_465 = tpu.vector_load %arg10[%swap3A_464] {strides = array<i32>} : memref<4096xf32, #tpu.memory_space<vmem>>, vector<16xf32>,
        tpu.vector_store %arg10[%swap3A_464], %mul3A_463 {strides = array<i32>} : memref<4096xf32, #tpu.memory_space<vmem>>, vector<16xf32>,
        %mul3A_466 = arith.constant 32 : i32
        %mul3A_467 = arith.muli %scan3A_142, %mul3A_466 : i32
        %add3A_468 = arith.constant 25 : i32
        %add3A_469 = arith.addi %mul3A_467, %add3A_468 : i32
        %mul3A_470 = arith.constant 16 : i32
        %mul3A_471 = arith.muli %add3A_469, %mul3A_470 : i32
        %add3A_472 = arith.constant 8192 : i32
        %add3A_473 = arith.addi %add3A_472, %mul3A_471 : i32
        %get3A_474 = arith.index_cast %add3A_473 : i32 to index
        %get3A_475 = tpu.vector_load %arg8[%get3A_474] {strides = array<i32>} : memref<100096xf32, #tpu.memory_space<vmem>>, vector<16xf32>,
        %mul3A_476 = arith.mulf %get3A_475, %gather3A : vector<16xf32>
        %swap3A_477 = arith.index_cast %mul3A_471 : i32 to index
        %swap3A_478 = tpu.vector_load %arg10[%swap3A_477] {strides = array<i32>} : memref<4096xf32, #tpu.memory_space<vmem>>, vector<16xf32>,
        tpu.vector_store %arg10[%swap3A_477], %mul3A_476 {strides = array<i32>} : memref<4096xf32, #tpu.memory_space<vmem>>, vector<16xf32>,
        %mul3A_479 = arith.constant 32 : i32
        %mul3A_480 = arith.muli %scan3A_142, %mul3A_479 : i32
        %add3A_481 = arith.constant 26 : i32
        %add3A_482 = arith.addi %mul3A_480, %add3A_481 : i32
        %mul3A_483 = arith.constant 16 : i32
        %mul3A_484 = arith.muli %add3A_482, %mul3A_483 : i32
        %add3A_485 = arith.constant 8192 : i32
        %add3A_486 = arith.addi %add3A_485, %mul3A_484 : i32
        %get3A_487 = arith.index_cast %add3A_486 : i32 to index
        %get3A_488 = tpu.vector_load %arg8[%get3A_487] {strides = array<i32>} : memref<100096xf32, #tpu.memory_space<vmem>>, vector<16xf32>,
        %mul3A_489 = arith.mulf %get3A_488, %gather3A : vector<16xf32>
        %swap3A_490 = arith.index_cast %mul3A_484 : i32 to index
        %swap3A_491 = tpu.vector_load %arg10[%swap3A_490] {strides = array<i32>} : memref<4096xf32, #tpu.memory_space<vmem>>, vector<16xf32>,
        tpu.vector_store %arg10[%swap3A_490], %mul3A_489 {strides = array<i32>} : memref<4096xf32, #tpu.memory_space<vmem>>, vector<16xf32>,
        %mul3A_492 = arith.constant 32 : i32
        %mul3A_493 = arith.muli %scan3A_142, %mul3A_492 : i32
        %add3A_494 = arith.constant 27 : i32
        %add3A_495 = arith.addi %mul3A_493, %add3A_494 : i32
        %mul3A_496 = arith.constant 16 : i32
        %mul3A_497 = arith.muli %add3A_495, %mul3A_496 : i32
        %add3A_498 = arith.constant 8192 : i32
        %add3A_499 = arith.addi %add3A_498, %mul3A_497 : i32
        %get3A_500 = arith.index_cast %add3A_499 : i32 to index
        %get3A_501 = tpu.vector_load %arg8[%get3A_500] {strides = array<i32>} : memref<100096xf32, #tpu.memory_space<vmem>>, vector<16xf32>,
        %mul3A_502 = arith.mulf %get3A_501, %gather3A : vector<16xf32>
        %swap3A_503 = arith.index_cast %mul3A_497 : i32 to index
        %swap3A_504 = tpu.vector_load %arg10[%swap3A_503] {strides = array<i32>} : memref<4096xf32, #tpu.memory_space<vmem>>, vector<16xf32>,
        tpu.vector_store %arg10[%swap3A_503], %mul3A_502 {strides = array<i32>} : memref<4096xf32, #tpu.memory_space<vmem>>, vector<16xf32>,
        %mul3A_505 = arith.constant 32 : i32
        %mul3A_506 = arith.muli %scan3A_142, %mul3A_505 : i32
        %add3A_507 = arith.constant 28 : i32
        %add3A_508 = arith.addi %mul3A_506, %add3A_507 : i32
        %mul3A_509 = arith.constant 16 : i32
        %mul3A_510 = arith.muli %add3A_508, %mul3A_509 : i32
        %add3A_511 = arith.constant 8192 : i32
        %add3A_512 = arith.addi %add3A_511, %mul3A_510 : i32
        %get3A_513 = arith.index_cast %add3A_512 : i32 to index
        %get3A_514 = tpu.vector_load %arg8[%get3A_513] {strides = array<i32>} : memref<100096xf32, #tpu.memory_space<vmem>>, vector<16xf32>,
        %mul3A_515 = arith.mulf %get3A_514, %gather3A : vector<16xf32>
        %swap3A_516 = arith.index_cast %mul3A_510 : i32 to index
        %swap3A_517 = tpu.vector_load %arg10[%swap3A_516] {strides = array<i32>} : memref<4096xf32, #tpu.memory_space<vmem>>, vector<16xf32>,
        tpu.vector_store %arg10[%swap3A_516], %mul3A_515 {strides = array<i32>} : memref<4096xf32, #tpu.memory_space<vmem>>, vector<16xf32>,
        %mul3A_518 = arith.constant 32 : i32
        %mul3A_519 = arith.muli %scan3A_142, %mul3A_518 : i32
        %add3A_520 = arith.constant 29 : i32
        %add3A_521 = arith.addi %mul3A_519, %add3A_520 : i32
        %mul3A_522 = arith.constant 16 : i32
        %mul3A_523 = arith.muli %add3A_521, %mul3A_522 : i32
        %add3A_524 = arith.constant 8192 : i32
        %add3A_525 = arith.addi %add3A_524, %mul3A_523 : i32
        %get3A_526 = arith.index_cast %add3A_525 : i32 to index
        %get3A_527 = tpu.vector_load %arg8[%get3A_526] {strides = array<i32>} : memref<100096xf32, #tpu.memory_space<vmem>>, vector<16xf32>,
        %mul3A_528 = arith.mulf %get3A_527, %gather3A : vector<16xf32>
        %swap3A_529 = arith.index_cast %mul3A_523 : i32 to index
        %swap3A_530 = tpu.vector_load %arg10[%swap3A_529] {strides = array<i32>} : memref<4096xf32, #tpu.memory_space<vmem>>, vector<16xf32>,
        tpu.vector_store %arg10[%swap3A_529], %mul3A_528 {strides = array<i32>} : memref<4096xf32, #tpu.memory_space<vmem>>, vector<16xf32>,
        %mul3A_531 = arith.constant 32 : i32
        %mul3A_532 = arith.muli %scan3A_142, %mul3A_531 : i32
        %add3A_533 = arith.constant 30 : i32
        %add3A_534 = arith.addi %mul3A_532, %add3A_533 : i32
        %mul3A_535 = arith.constant 16 : i32
        %mul3A_536 = arith.muli %add3A_534, %mul3A_535 : i32
        %add3A_537 = arith.constant 8192 : i32
        %add3A_538 = arith.addi %add3A_537, %mul3A_536 : i32
        %get3A_539 = arith.index_cast %add3A_538 : i32 to index
        %get3A_540 = tpu.vector_load %arg8[%get3A_539] {strides = array<i32>} : memref<100096xf32, #tpu.memory_space<vmem>>, vector<16xf32>,
        %mul3A_541 = arith.mulf %get3A_540, %gather3A : vector<16xf32>
        %swap3A_542 = arith.index_cast %mul3A_536 : i32 to index
        %swap3A_543 = tpu.vector_load %arg10[%swap3A_542] {strides = array<i32>} : memref<4096xf32, #tpu.memory_space<vmem>>, vector<16xf32>,
        tpu.vector_store %arg10[%swap3A_542], %mul3A_541 {strides = array<i32>} : memref<4096xf32, #tpu.memory_space<vmem>>, vector<16xf32>,
        %mul3A_544 = arith.constant 32 : i32
        %mul3A_545 = arith.muli %scan3A_142, %mul3A_544 : i32
        %add3A_546 = arith.constant 31 : i32
        %add3A_547 = arith.addi %mul3A_545, %add3A_546 : i32
        %mul3A_548 = arith.constant 16 : i32
        %mul3A_549 = arith.muli %add3A_547, %mul3A_548 : i32
        %add3A_550 = arith.constant 8192 : i32
        %add3A_551 = arith.addi %add3A_550, %mul3A_549 : i32
        %get3A_552 = arith.index_cast %add3A_551 : i32 to index
        %get3A_553 = tpu.vector_load %arg8[%get3A_552] {strides = array<i32>} : memref<100096xf32, #tpu.memory_space<vmem>>, vector<16xf32>,
        %mul3A_554 = arith.mulf %get3A_553, %gather3A : vector<16xf32>
        %swap3A_555 = arith.index_cast %mul3A_549 : i32 to index
        %swap3A_556 = tpu.vector_load %arg10[%swap3A_555] {strides = array<i32>} : memref<4096xf32, #tpu.memory_space<vmem>>, vector<16xf32>,
        tpu.vector_store %arg10[%swap3A_555], %mul3A_554 {strides = array<i32>} : memref<4096xf32, #tpu.memory_space<vmem>>, vector<16xf32>,
      }
      %scan3A_115 = arith.constant 8 : i32
      %dma_start3A_116 = arith.constant 8192 : i32
      %dma_start3A_117 = tpu.memref_slice %arg7[%add3A_45, %dma_start3A_116] : memref<2496x16384xf32, #tpu.memory_space<hbm>> -> memref<1x4096xf32, #tpu.memory_space<hbm>>
      %dma_start3A_118 = tpu.memref_squeeze %dma_start3A_117 : memref<1x4096xf32, #tpu.memory_space<hbm>> -> memref<4096xf32, #tpu.memory_space<hbm>>
      %dma_start3A_119 = arith.constant 8192 : i32
      %dma_start3A_120 = tpu.memref_slice %arg7[%add3A_45, %dma_start3A_119] : memref<2496x16384xf32, #tpu.memory_space<hbm>> -> memref<1x4096xf32, #tpu.memory_space<hbm>>
      %dma_start3A_121 = tpu.memref_squeeze %dma_start3A_120 : memref<1x4096xf32, #tpu.memory_space<hbm>> -> memref<4096xf32, #tpu.memory_space<hbm>>
      tpu.enqueue_dma source(%arg10 : memref<4096xf32, #tpu.memory_space<vmem>>) target(%dma_start3A_121 : memref<4096xf32, #tpu.memory_space<hbm>>) target_semaphore(%arg14 : memref<!tpu.dma_semaphore, #tpu.memory_space<semaphore_mem>>)
      %mul3A_122 = arith.constant 4 : i32
      %mul3A_123 = arith.muli %scan3A_41, %mul3A_122 : i32
      %add3A_124 = arith.constant 3 : i32
      %add3A_125 = arith.addi %mul3A_123, %add3A_124 : i32
      %ge3A_126 = arith.constant 2 : i32
      %ge3A_127 = arith.cmpi sge, %add3A_125, %ge3A_126 : i32
      %convert_element_type3A_128 = arith.extui %ge3A_127 : i1 to i32
      %cond3A_129 = arith.constant 0 : i32
      %cond3A_130 = arith.cmpi ne, %convert_element_type3A_128, %cond3A_129 : i32
      scf.if %cond3A_130 {
        %dma_wait3A_142 = arith.constant 12288 : i32
        %dma_wait3A_143 = tpu.memref_slice %arg7[%add3A_45, %dma_wait3A_142] : memref<2496x16384xf32, #tpu.memory_space<hbm>> -> memref<1x4096xf32, #tpu.memory_space<hbm>>
        %dma_wait3A_144 = tpu.memref_squeeze %dma_wait3A_143 : memref<1x4096xf32, #tpu.memory_space<hbm>> -> memref<4096xf32, #tpu.memory_space<hbm>>
        %dma_wait3A_145 = arith.constant 12288 : i32
        %dma_wait3A_146 = tpu.memref_slice %arg7[%add3A_45, %dma_wait3A_145] : memref<2496x16384xf32, #tpu.memory_space<hbm>> -> memref<1x4096xf32, #tpu.memory_space<hbm>>
        %dma_wait3A_147 = tpu.memref_squeeze %dma_wait3A_146 : memref<1x4096xf32, #tpu.memory_space<hbm>> -> memref<4096xf32, #tpu.memory_space<hbm>>
        tpu.wait_dma2 semaphore(%arg15 : memref<!tpu.dma_semaphore, #tpu.memory_space<semaphore_mem>>) src(%arg11 : memref<4096xf32, #tpu.memory_space<vmem>>) dst(%dma_wait3A_147 : memref<4096xf32, #tpu.memory_space<hbm>>)
      } else {
      }
      %scan3A_131 = arith.constant 0 : i32
      %scan3A_132 = arith.constant 8 : i32
      %scan3A_133 = arith.addi %scan3A_131, %scan3A_132 : i32
      %scan3A_134 = arith.constant 1 : i32
      scf.for %scan3A_142 = %scan3A_131 to %scan3A_133 step %scan3A_134  : i32 {
        %mul3A_143 = arith.constant 32 : i32
        %mul3A_144 = arith.muli %scan3A_142, %mul3A_143 : i32
        %add3A_145 = arith.constant 0 : i32
        %add3A_146 = arith.addi %mul3A_144, %add3A_145 : i32
        %mul3A_147 = arith.constant 16 : i32
        %mul3A_148 = arith.muli %add3A_146, %mul3A_147 : i32
        %add3A_149 = arith.constant 12288 : i32
        %add3A_150 = arith.addi %add3A_149, %mul3A_148 : i32
        %get3A = arith.index_cast %add3A_150 : i32 to index
        %get3A_151 = tpu.vector_load %arg8[%get3A] {strides = array<i32>} : memref<100096xf32, #tpu.memory_space<vmem>>, vector<16xf32>,
        %mul3A_152 = arith.mulf %get3A_151, %gather3A : vector<16xf32>
        %swap3A = arith.index_cast %mul3A_148 : i32 to index
        %swap3A_153 = tpu.vector_load %arg11[%swap3A] {strides = array<i32>} : memref<4096xf32, #tpu.memory_space<vmem>>, vector<16xf32>,
        tpu.vector_store %arg11[%swap3A], %mul3A_152 {strides = array<i32>} : memref<4096xf32, #tpu.memory_space<vmem>>, vector<16xf32>,
        %mul3A_154 = arith.constant 32 : i32
        %mul3A_155 = arith.muli %scan3A_142, %mul3A_154 : i32
        %add3A_156 = arith.constant 1 : i32
        %add3A_157 = arith.addi %mul3A_155, %add3A_156 : i32
        %mul3A_158 = arith.constant 16 : i32
        %mul3A_159 = arith.muli %add3A_157, %mul3A_158 : i32
        %add3A_160 = arith.constant 12288 : i32
        %add3A_161 = arith.addi %add3A_160, %mul3A_159 : i32
        %get3A_162 = arith.index_cast %add3A_161 : i32 to index
        %get3A_163 = tpu.vector_load %arg8[%get3A_162] {strides = array<i32>} : memref<100096xf32, #tpu.memory_space<vmem>>, vector<16xf32>,
        %mul3A_164 = arith.mulf %get3A_163, %gather3A : vector<16xf32>
        %swap3A_165 = arith.index_cast %mul3A_159 : i32 to index
        %swap3A_166 = tpu.vector_load %arg11[%swap3A_165] {strides = array<i32>} : memref<4096xf32, #tpu.memory_space<vmem>>, vector<16xf32>,
        tpu.vector_store %arg11[%swap3A_165], %mul3A_164 {strides = array<i32>} : memref<4096xf32, #tpu.memory_space<vmem>>, vector<16xf32>,
        %mul3A_167 = arith.constant 32 : i32
        %mul3A_168 = arith.muli %scan3A_142, %mul3A_167 : i32
        %add3A_169 = arith.constant 2 : i32
        %add3A_170 = arith.addi %mul3A_168, %add3A_169 : i32
        %mul3A_171 = arith.constant 16 : i32
        %mul3A_172 = arith.muli %add3A_170, %mul3A_171 : i32
        %add3A_173 = arith.constant 12288 : i32
        %add3A_174 = arith.addi %add3A_173, %mul3A_172 : i32
        %get3A_175 = arith.index_cast %add3A_174 : i32 to index
        %get3A_176 = tpu.vector_load %arg8[%get3A_175] {strides = array<i32>} : memref<100096xf32, #tpu.memory_space<vmem>>, vector<16xf32>,
        %mul3A_177 = arith.mulf %get3A_176, %gather3A : vector<16xf32>
        %swap3A_178 = arith.index_cast %mul3A_172 : i32 to index
        %swap3A_179 = tpu.vector_load %arg11[%swap3A_178] {strides = array<i32>} : memref<4096xf32, #tpu.memory_space<vmem>>, vector<16xf32>,
        tpu.vector_store %arg11[%swap3A_178], %mul3A_177 {strides = array<i32>} : memref<4096xf32, #tpu.memory_space<vmem>>, vector<16xf32>,
        %mul3A_180 = arith.constant 32 : i32
        %mul3A_181 = arith.muli %scan3A_142, %mul3A_180 : i32
        %add3A_182 = arith.constant 3 : i32
        %add3A_183 = arith.addi %mul3A_181, %add3A_182 : i32
        %mul3A_184 = arith.constant 16 : i32
        %mul3A_185 = arith.muli %add3A_183, %mul3A_184 : i32
        %add3A_186 = arith.constant 12288 : i32
        %add3A_187 = arith.addi %add3A_186, %mul3A_185 : i32
        %get3A_188 = arith.index_cast %add3A_187 : i32 to index
        %get3A_189 = tpu.vector_load %arg8[%get3A_188] {strides = array<i32>} : memref<100096xf32, #tpu.memory_space<vmem>>, vector<16xf32>,
        %mul3A_190 = arith.mulf %get3A_189, %gather3A : vector<16xf32>
        %swap3A_191 = arith.index_cast %mul3A_185 : i32 to index
        %swap3A_192 = tpu.vector_load %arg11[%swap3A_191] {strides = array<i32>} : memref<4096xf32, #tpu.memory_space<vmem>>, vector<16xf32>,
        tpu.vector_store %arg11[%swap3A_191], %mul3A_190 {strides = array<i32>} : memref<4096xf32, #tpu.memory_space<vmem>>, vector<16xf32>,
        %mul3A_193 = arith.constant 32 : i32
        %mul3A_194 = arith.muli %scan3A_142, %mul3A_193 : i32
        %add3A_195 = arith.constant 4 : i32
        %add3A_196 = arith.addi %mul3A_194, %add3A_195 : i32
        %mul3A_197 = arith.constant 16 : i32
        %mul3A_198 = arith.muli %add3A_196, %mul3A_197 : i32
        %add3A_199 = arith.constant 12288 : i32
        %add3A_200 = arith.addi %add3A_199, %mul3A_198 : i32
        %get3A_201 = arith.index_cast %add3A_200 : i32 to index
        %get3A_202 = tpu.vector_load %arg8[%get3A_201] {strides = array<i32>} : memref<100096xf32, #tpu.memory_space<vmem>>, vector<16xf32>,
        %mul3A_203 = arith.mulf %get3A_202, %gather3A : vector<16xf32>
        %swap3A_204 = arith.index_cast %mul3A_198 : i32 to index
        %swap3A_205 = tpu.vector_load %arg11[%swap3A_204] {strides = array<i32>} : memref<4096xf32, #tpu.memory_space<vmem>>, vector<16xf32>,
        tpu.vector_store %arg11[%swap3A_204], %mul3A_203 {strides = array<i32>} : memref<4096xf32, #tpu.memory_space<vmem>>, vector<16xf32>,
        %mul3A_206 = arith.constant 32 : i32
        %mul3A_207 = arith.muli %scan3A_142, %mul3A_206 : i32
        %add3A_208 = arith.constant 5 : i32
        %add3A_209 = arith.addi %mul3A_207, %add3A_208 : i32
        %mul3A_210 = arith.constant 16 : i32
        %mul3A_211 = arith.muli %add3A_209, %mul3A_210 : i32
        %add3A_212 = arith.constant 12288 : i32
        %add3A_213 = arith.addi %add3A_212, %mul3A_211 : i32
        %get3A_214 = arith.index_cast %add3A_213 : i32 to index
        %get3A_215 = tpu.vector_load %arg8[%get3A_214] {strides = array<i32>} : memref<100096xf32, #tpu.memory_space<vmem>>, vector<16xf32>,
        %mul3A_216 = arith.mulf %get3A_215, %gather3A : vector<16xf32>
        %swap3A_217 = arith.index_cast %mul3A_211 : i32 to index
        %swap3A_218 = tpu.vector_load %arg11[%swap3A_217] {strides = array<i32>} : memref<4096xf32, #tpu.memory_space<vmem>>, vector<16xf32>,
        tpu.vector_store %arg11[%swap3A_217], %mul3A_216 {strides = array<i32>} : memref<4096xf32, #tpu.memory_space<vmem>>, vector<16xf32>,
        %mul3A_219 = arith.constant 32 : i32
        %mul3A_220 = arith.muli %scan3A_142, %mul3A_219 : i32
        %add3A_221 = arith.constant 6 : i32
        %add3A_222 = arith.addi %mul3A_220, %add3A_221 : i32
        %mul3A_223 = arith.constant 16 : i32
        %mul3A_224 = arith.muli %add3A_222, %mul3A_223 : i32
        %add3A_225 = arith.constant 12288 : i32
        %add3A_226 = arith.addi %add3A_225, %mul3A_224 : i32
        %get3A_227 = arith.index_cast %add3A_226 : i32 to index
        %get3A_228 = tpu.vector_load %arg8[%get3A_227] {strides = array<i32>} : memref<100096xf32, #tpu.memory_space<vmem>>, vector<16xf32>,
        %mul3A_229 = arith.mulf %get3A_228, %gather3A : vector<16xf32>
        %swap3A_230 = arith.index_cast %mul3A_224 : i32 to index
        %swap3A_231 = tpu.vector_load %arg11[%swap3A_230] {strides = array<i32>} : memref<4096xf32, #tpu.memory_space<vmem>>, vector<16xf32>,
        tpu.vector_store %arg11[%swap3A_230], %mul3A_229 {strides = array<i32>} : memref<4096xf32, #tpu.memory_space<vmem>>, vector<16xf32>,
        %mul3A_232 = arith.constant 32 : i32
        %mul3A_233 = arith.muli %scan3A_142, %mul3A_232 : i32
        %add3A_234 = arith.constant 7 : i32
        %add3A_235 = arith.addi %mul3A_233, %add3A_234 : i32
        %mul3A_236 = arith.constant 16 : i32
        %mul3A_237 = arith.muli %add3A_235, %mul3A_236 : i32
        %add3A_238 = arith.constant 12288 : i32
        %add3A_239 = arith.addi %add3A_238, %mul3A_237 : i32
        %get3A_240 = arith.index_cast %add3A_239 : i32 to index
        %get3A_241 = tpu.vector_load %arg8[%get3A_240] {strides = array<i32>} : memref<100096xf32, #tpu.memory_space<vmem>>, vector<16xf32>,
        %mul3A_242 = arith.mulf %get3A_241, %gather3A : vector<16xf32>
        %swap3A_243 = arith.index_cast %mul3A_237 : i32 to index
        %swap3A_244 = tpu.vector_load %arg11[%swap3A_243] {strides = array<i32>} : memref<4096xf32, #tpu.memory_space<vmem>>, vector<16xf32>,
        tpu.vector_store %arg11[%swap3A_243], %mul3A_242 {strides = array<i32>} : memref<4096xf32, #tpu.memory_space<vmem>>, vector<16xf32>,
        %mul3A_245 = arith.constant 32 : i32
        %mul3A_246 = arith.muli %scan3A_142, %mul3A_245 : i32
        %add3A_247 = arith.constant 8 : i32
        %add3A_248 = arith.addi %mul3A_246, %add3A_247 : i32
        %mul3A_249 = arith.constant 16 : i32
        %mul3A_250 = arith.muli %add3A_248, %mul3A_249 : i32
        %add3A_251 = arith.constant 12288 : i32
        %add3A_252 = arith.addi %add3A_251, %mul3A_250 : i32
        %get3A_253 = arith.index_cast %add3A_252 : i32 to index
        %get3A_254 = tpu.vector_load %arg8[%get3A_253] {strides = array<i32>} : memref<100096xf32, #tpu.memory_space<vmem>>, vector<16xf32>,
        %mul3A_255 = arith.mulf %get3A_254, %gather3A : vector<16xf32>
        %swap3A_256 = arith.index_cast %mul3A_250 : i32 to index
        %swap3A_257 = tpu.vector_load %arg11[%swap3A_256] {strides = array<i32>} : memref<4096xf32, #tpu.memory_space<vmem>>, vector<16xf32>,
        tpu.vector_store %arg11[%swap3A_256], %mul3A_255 {strides = array<i32>} : memref<4096xf32, #tpu.memory_space<vmem>>, vector<16xf32>,
        %mul3A_258 = arith.constant 32 : i32
        %mul3A_259 = arith.muli %scan3A_142, %mul3A_258 : i32
        %add3A_260 = arith.constant 9 : i32
        %add3A_261 = arith.addi %mul3A_259, %add3A_260 : i32
        %mul3A_262 = arith.constant 16 : i32
        %mul3A_263 = arith.muli %add3A_261, %mul3A_262 : i32
        %add3A_264 = arith.constant 12288 : i32
        %add3A_265 = arith.addi %add3A_264, %mul3A_263 : i32
        %get3A_266 = arith.index_cast %add3A_265 : i32 to index
        %get3A_267 = tpu.vector_load %arg8[%get3A_266] {strides = array<i32>} : memref<100096xf32, #tpu.memory_space<vmem>>, vector<16xf32>,
        %mul3A_268 = arith.mulf %get3A_267, %gather3A : vector<16xf32>
        %swap3A_269 = arith.index_cast %mul3A_263 : i32 to index
        %swap3A_270 = tpu.vector_load %arg11[%swap3A_269] {strides = array<i32>} : memref<4096xf32, #tpu.memory_space<vmem>>, vector<16xf32>,
        tpu.vector_store %arg11[%swap3A_269], %mul3A_268 {strides = array<i32>} : memref<4096xf32, #tpu.memory_space<vmem>>, vector<16xf32>,
        %mul3A_271 = arith.constant 32 : i32
        %mul3A_272 = arith.muli %scan3A_142, %mul3A_271 : i32
        %add3A_273 = arith.constant 10 : i32
        %add3A_274 = arith.addi %mul3A_272, %add3A_273 : i32
        %mul3A_275 = arith.constant 16 : i32
        %mul3A_276 = arith.muli %add3A_274, %mul3A_275 : i32
        %add3A_277 = arith.constant 12288 : i32
        %add3A_278 = arith.addi %add3A_277, %mul3A_276 : i32
        %get3A_279 = arith.index_cast %add3A_278 : i32 to index
        %get3A_280 = tpu.vector_load %arg8[%get3A_279] {strides = array<i32>} : memref<100096xf32, #tpu.memory_space<vmem>>, vector<16xf32>,
        %mul3A_281 = arith.mulf %get3A_280, %gather3A : vector<16xf32>
        %swap3A_282 = arith.index_cast %mul3A_276 : i32 to index
        %swap3A_283 = tpu.vector_load %arg11[%swap3A_282] {strides = array<i32>} : memref<4096xf32, #tpu.memory_space<vmem>>, vector<16xf32>,
        tpu.vector_store %arg11[%swap3A_282], %mul3A_281 {strides = array<i32>} : memref<4096xf32, #tpu.memory_space<vmem>>, vector<16xf32>,
        %mul3A_284 = arith.constant 32 : i32
        %mul3A_285 = arith.muli %scan3A_142, %mul3A_284 : i32
        %add3A_286 = arith.constant 11 : i32
        %add3A_287 = arith.addi %mul3A_285, %add3A_286 : i32
        %mul3A_288 = arith.constant 16 : i32
        %mul3A_289 = arith.muli %add3A_287, %mul3A_288 : i32
        %add3A_290 = arith.constant 12288 : i32
        %add3A_291 = arith.addi %add3A_290, %mul3A_289 : i32
        %get3A_292 = arith.index_cast %add3A_291 : i32 to index
        %get3A_293 = tpu.vector_load %arg8[%get3A_292] {strides = array<i32>} : memref<100096xf32, #tpu.memory_space<vmem>>, vector<16xf32>,
        %mul3A_294 = arith.mulf %get3A_293, %gather3A : vector<16xf32>
        %swap3A_295 = arith.index_cast %mul3A_289 : i32 to index
        %swap3A_296 = tpu.vector_load %arg11[%swap3A_295] {strides = array<i32>} : memref<4096xf32, #tpu.memory_space<vmem>>, vector<16xf32>,
        tpu.vector_store %arg11[%swap3A_295], %mul3A_294 {strides = array<i32>} : memref<4096xf32, #tpu.memory_space<vmem>>, vector<16xf32>,
        %mul3A_297 = arith.constant 32 : i32
        %mul3A_298 = arith.muli %scan3A_142, %mul3A_297 : i32
        %add3A_299 = arith.constant 12 : i32
        %add3A_300 = arith.addi %mul3A_298, %add3A_299 : i32
        %mul3A_301 = arith.constant 16 : i32
        %mul3A_302 = arith.muli %add3A_300, %mul3A_301 : i32
        %add3A_303 = arith.constant 12288 : i32
        %add3A_304 = arith.addi %add3A_303, %mul3A_302 : i32
        %get3A_305 = arith.index_cast %add3A_304 : i32 to index
        %get3A_306 = tpu.vector_load %arg8[%get3A_305] {strides = array<i32>} : memref<100096xf32, #tpu.memory_space<vmem>>, vector<16xf32>,
        %mul3A_307 = arith.mulf %get3A_306, %gather3A : vector<16xf32>
        %swap3A_308 = arith.index_cast %mul3A_302 : i32 to index
        %swap3A_309 = tpu.vector_load %arg11[%swap3A_308] {strides = array<i32>} : memref<4096xf32, #tpu.memory_space<vmem>>, vector<16xf32>,
        tpu.vector_store %arg11[%swap3A_308], %mul3A_307 {strides = array<i32>} : memref<4096xf32, #tpu.memory_space<vmem>>, vector<16xf32>,
        %mul3A_310 = arith.constant 32 : i32
        %mul3A_311 = arith.muli %scan3A_142, %mul3A_310 : i32
        %add3A_312 = arith.constant 13 : i32
        %add3A_313 = arith.addi %mul3A_311, %add3A_312 : i32
        %mul3A_314 = arith.constant 16 : i32
        %mul3A_315 = arith.muli %add3A_313, %mul3A_314 : i32
        %add3A_316 = arith.constant 12288 : i32
        %add3A_317 = arith.addi %add3A_316, %mul3A_315 : i32
        %get3A_318 = arith.index_cast %add3A_317 : i32 to index
        %get3A_319 = tpu.vector_load %arg8[%get3A_318] {strides = array<i32>} : memref<100096xf32, #tpu.memory_space<vmem>>, vector<16xf32>,
        %mul3A_320 = arith.mulf %get3A_319, %gather3A : vector<16xf32>
        %swap3A_321 = arith.index_cast %mul3A_315 : i32 to index
        %swap3A_322 = tpu.vector_load %arg11[%swap3A_321] {strides = array<i32>} : memref<4096xf32, #tpu.memory_space<vmem>>, vector<16xf32>,
        tpu.vector_store %arg11[%swap3A_321], %mul3A_320 {strides = array<i32>} : memref<4096xf32, #tpu.memory_space<vmem>>, vector<16xf32>,
        %mul3A_323 = arith.constant 32 : i32
        %mul3A_324 = arith.muli %scan3A_142, %mul3A_323 : i32
        %add3A_325 = arith.constant 14 : i32
        %add3A_326 = arith.addi %mul3A_324, %add3A_325 : i32
        %mul3A_327 = arith.constant 16 : i32
        %mul3A_328 = arith.muli %add3A_326, %mul3A_327 : i32
        %add3A_329 = arith.constant 12288 : i32
        %add3A_330 = arith.addi %add3A_329, %mul3A_328 : i32
        %get3A_331 = arith.index_cast %add3A_330 : i32 to index
        %get3A_332 = tpu.vector_load %arg8[%get3A_331] {strides = array<i32>} : memref<100096xf32, #tpu.memory_space<vmem>>, vector<16xf32>,
        %mul3A_333 = arith.mulf %get3A_332, %gather3A : vector<16xf32>
        %swap3A_334 = arith.index_cast %mul3A_328 : i32 to index
        %swap3A_335 = tpu.vector_load %arg11[%swap3A_334] {strides = array<i32>} : memref<4096xf32, #tpu.memory_space<vmem>>, vector<16xf32>,
        tpu.vector_store %arg11[%swap3A_334], %mul3A_333 {strides = array<i32>} : memref<4096xf32, #tpu.memory_space<vmem>>, vector<16xf32>,
        %mul3A_336 = arith.constant 32 : i32
        %mul3A_337 = arith.muli %scan3A_142, %mul3A_336 : i32
        %add3A_338 = arith.constant 15 : i32
        %add3A_339 = arith.addi %mul3A_337, %add3A_338 : i32
        %mul3A_340 = arith.constant 16 : i32
        %mul3A_341 = arith.muli %add3A_339, %mul3A_340 : i32
        %add3A_342 = arith.constant 12288 : i32
        %add3A_343 = arith.addi %add3A_342, %mul3A_341 : i32
        %get3A_344 = arith.index_cast %add3A_343 : i32 to index
        %get3A_345 = tpu.vector_load %arg8[%get3A_344] {strides = array<i32>} : memref<100096xf32, #tpu.memory_space<vmem>>, vector<16xf32>,
        %mul3A_346 = arith.mulf %get3A_345, %gather3A : vector<16xf32>
        %swap3A_347 = arith.index_cast %mul3A_341 : i32 to index
        %swap3A_348 = tpu.vector_load %arg11[%swap3A_347] {strides = array<i32>} : memref<4096xf32, #tpu.memory_space<vmem>>, vector<16xf32>,
        tpu.vector_store %arg11[%swap3A_347], %mul3A_346 {strides = array<i32>} : memref<4096xf32, #tpu.memory_space<vmem>>, vector<16xf32>,
        %mul3A_349 = arith.constant 32 : i32
        %mul3A_350 = arith.muli %scan3A_142, %mul3A_349 : i32
        %add3A_351 = arith.constant 16 : i32
        %add3A_352 = arith.addi %mul3A_350, %add3A_351 : i32
        %mul3A_353 = arith.constant 16 : i32
        %mul3A_354 = arith.muli %add3A_352, %mul3A_353 : i32
        %add3A_355 = arith.constant 12288 : i32
        %add3A_356 = arith.addi %add3A_355, %mul3A_354 : i32
        %get3A_357 = arith.index_cast %add3A_356 : i32 to index
        %get3A_358 = tpu.vector_load %arg8[%get3A_357] {strides = array<i32>} : memref<100096xf32, #tpu.memory_space<vmem>>, vector<16xf32>,
        %mul3A_359 = arith.mulf %get3A_358, %gather3A : vector<16xf32>
        %swap3A_360 = arith.index_cast %mul3A_354 : i32 to index
        %swap3A_361 = tpu.vector_load %arg11[%swap3A_360] {strides = array<i32>} : memref<4096xf32, #tpu.memory_space<vmem>>, vector<16xf32>,
        tpu.vector_store %arg11[%swap3A_360], %mul3A_359 {strides = array<i32>} : memref<4096xf32, #tpu.memory_space<vmem>>, vector<16xf32>,
        %mul3A_362 = arith.constant 32 : i32
        %mul3A_363 = arith.muli %scan3A_142, %mul3A_362 : i32
        %add3A_364 = arith.constant 17 : i32
        %add3A_365 = arith.addi %mul3A_363, %add3A_364 : i32
        %mul3A_366 = arith.constant 16 : i32
        %mul3A_367 = arith.muli %add3A_365, %mul3A_366 : i32
        %add3A_368 = arith.constant 12288 : i32
        %add3A_369 = arith.addi %add3A_368, %mul3A_367 : i32
        %get3A_370 = arith.index_cast %add3A_369 : i32 to index
        %get3A_371 = tpu.vector_load %arg8[%get3A_370] {strides = array<i32>} : memref<100096xf32, #tpu.memory_space<vmem>>, vector<16xf32>,
        %mul3A_372 = arith.mulf %get3A_371, %gather3A : vector<16xf32>
        %swap3A_373 = arith.index_cast %mul3A_367 : i32 to index
        %swap3A_374 = tpu.vector_load %arg11[%swap3A_373] {strides = array<i32>} : memref<4096xf32, #tpu.memory_space<vmem>>, vector<16xf32>,
        tpu.vector_store %arg11[%swap3A_373], %mul3A_372 {strides = array<i32>} : memref<4096xf32, #tpu.memory_space<vmem>>, vector<16xf32>,
        %mul3A_375 = arith.constant 32 : i32
        %mul3A_376 = arith.muli %scan3A_142, %mul3A_375 : i32
        %add3A_377 = arith.constant 18 : i32
        %add3A_378 = arith.addi %mul3A_376, %add3A_377 : i32
        %mul3A_379 = arith.constant 16 : i32
        %mul3A_380 = arith.muli %add3A_378, %mul3A_379 : i32
        %add3A_381 = arith.constant 12288 : i32
        %add3A_382 = arith.addi %add3A_381, %mul3A_380 : i32
        %get3A_383 = arith.index_cast %add3A_382 : i32 to index
        %get3A_384 = tpu.vector_load %arg8[%get3A_383] {strides = array<i32>} : memref<100096xf32, #tpu.memory_space<vmem>>, vector<16xf32>,
        %mul3A_385 = arith.mulf %get3A_384, %gather3A : vector<16xf32>
        %swap3A_386 = arith.index_cast %mul3A_380 : i32 to index
        %swap3A_387 = tpu.vector_load %arg11[%swap3A_386] {strides = array<i32>} : memref<4096xf32, #tpu.memory_space<vmem>>, vector<16xf32>,
        tpu.vector_store %arg11[%swap3A_386], %mul3A_385 {strides = array<i32>} : memref<4096xf32, #tpu.memory_space<vmem>>, vector<16xf32>,
        %mul3A_388 = arith.constant 32 : i32
        %mul3A_389 = arith.muli %scan3A_142, %mul3A_388 : i32
        %add3A_390 = arith.constant 19 : i32
        %add3A_391 = arith.addi %mul3A_389, %add3A_390 : i32
        %mul3A_392 = arith.constant 16 : i32
        %mul3A_393 = arith.muli %add3A_391, %mul3A_392 : i32
        %add3A_394 = arith.constant 12288 : i32
        %add3A_395 = arith.addi %add3A_394, %mul3A_393 : i32
        %get3A_396 = arith.index_cast %add3A_395 : i32 to index
        %get3A_397 = tpu.vector_load %arg8[%get3A_396] {strides = array<i32>} : memref<100096xf32, #tpu.memory_space<vmem>>, vector<16xf32>,
        %mul3A_398 = arith.mulf %get3A_397, %gather3A : vector<16xf32>
        %swap3A_399 = arith.index_cast %mul3A_393 : i32 to index
        %swap3A_400 = tpu.vector_load %arg11[%swap3A_399] {strides = array<i32>} : memref<4096xf32, #tpu.memory_space<vmem>>, vector<16xf32>,
        tpu.vector_store %arg11[%swap3A_399], %mul3A_398 {strides = array<i32>} : memref<4096xf32, #tpu.memory_space<vmem>>, vector<16xf32>,
        %mul3A_401 = arith.constant 32 : i32
        %mul3A_402 = arith.muli %scan3A_142, %mul3A_401 : i32
        %add3A_403 = arith.constant 20 : i32
        %add3A_404 = arith.addi %mul3A_402, %add3A_403 : i32
        %mul3A_405 = arith.constant 16 : i32
        %mul3A_406 = arith.muli %add3A_404, %mul3A_405 : i32
        %add3A_407 = arith.constant 12288 : i32
        %add3A_408 = arith.addi %add3A_407, %mul3A_406 : i32
        %get3A_409 = arith.index_cast %add3A_408 : i32 to index
        %get3A_410 = tpu.vector_load %arg8[%get3A_409] {strides = array<i32>} : memref<100096xf32, #tpu.memory_space<vmem>>, vector<16xf32>,
        %mul3A_411 = arith.mulf %get3A_410, %gather3A : vector<16xf32>
        %swap3A_412 = arith.index_cast %mul3A_406 : i32 to index
        %swap3A_413 = tpu.vector_load %arg11[%swap3A_412] {strides = array<i32>} : memref<4096xf32, #tpu.memory_space<vmem>>, vector<16xf32>,
        tpu.vector_store %arg11[%swap3A_412], %mul3A_411 {strides = array<i32>} : memref<4096xf32, #tpu.memory_space<vmem>>, vector<16xf32>,
        %mul3A_414 = arith.constant 32 : i32
        %mul3A_415 = arith.muli %scan3A_142, %mul3A_414 : i32
        %add3A_416 = arith.constant 21 : i32
        %add3A_417 = arith.addi %mul3A_415, %add3A_416 : i32
        %mul3A_418 = arith.constant 16 : i32
        %mul3A_419 = arith.muli %add3A_417, %mul3A_418 : i32
        %add3A_420 = arith.constant 12288 : i32
        %add3A_421 = arith.addi %add3A_420, %mul3A_419 : i32
        %get3A_422 = arith.index_cast %add3A_421 : i32 to index
        %get3A_423 = tpu.vector_load %arg8[%get3A_422] {strides = array<i32>} : memref<100096xf32, #tpu.memory_space<vmem>>, vector<16xf32>,
        %mul3A_424 = arith.mulf %get3A_423, %gather3A : vector<16xf32>
        %swap3A_425 = arith.index_cast %mul3A_419 : i32 to index
        %swap3A_426 = tpu.vector_load %arg11[%swap3A_425] {strides = array<i32>} : memref<4096xf32, #tpu.memory_space<vmem>>, vector<16xf32>,
        tpu.vector_store %arg11[%swap3A_425], %mul3A_424 {strides = array<i32>} : memref<4096xf32, #tpu.memory_space<vmem>>, vector<16xf32>,
        %mul3A_427 = arith.constant 32 : i32
        %mul3A_428 = arith.muli %scan3A_142, %mul3A_427 : i32
        %add3A_429 = arith.constant 22 : i32
        %add3A_430 = arith.addi %mul3A_428, %add3A_429 : i32
        %mul3A_431 = arith.constant 16 : i32
        %mul3A_432 = arith.muli %add3A_430, %mul3A_431 : i32
        %add3A_433 = arith.constant 12288 : i32
        %add3A_434 = arith.addi %add3A_433, %mul3A_432 : i32
        %get3A_435 = arith.index_cast %add3A_434 : i32 to index
        %get3A_436 = tpu.vector_load %arg8[%get3A_435] {strides = array<i32>} : memref<100096xf32, #tpu.memory_space<vmem>>, vector<16xf32>,
        %mul3A_437 = arith.mulf %get3A_436, %gather3A : vector<16xf32>
        %swap3A_438 = arith.index_cast %mul3A_432 : i32 to index
        %swap3A_439 = tpu.vector_load %arg11[%swap3A_438] {strides = array<i32>} : memref<4096xf32, #tpu.memory_space<vmem>>, vector<16xf32>,
        tpu.vector_store %arg11[%swap3A_438], %mul3A_437 {strides = array<i32>} : memref<4096xf32, #tpu.memory_space<vmem>>, vector<16xf32>,
        %mul3A_440 = arith.constant 32 : i32
        %mul3A_441 = arith.muli %scan3A_142, %mul3A_440 : i32
        %add3A_442 = arith.constant 23 : i32
        %add3A_443 = arith.addi %mul3A_441, %add3A_442 : i32
        %mul3A_444 = arith.constant 16 : i32
        %mul3A_445 = arith.muli %add3A_443, %mul3A_444 : i32
        %add3A_446 = arith.constant 12288 : i32
        %add3A_447 = arith.addi %add3A_446, %mul3A_445 : i32
        %get3A_448 = arith.index_cast %add3A_447 : i32 to index
        %get3A_449 = tpu.vector_load %arg8[%get3A_448] {strides = array<i32>} : memref<100096xf32, #tpu.memory_space<vmem>>, vector<16xf32>,
        %mul3A_450 = arith.mulf %get3A_449, %gather3A : vector<16xf32>
        %swap3A_451 = arith.index_cast %mul3A_445 : i32 to index
        %swap3A_452 = tpu.vector_load %arg11[%swap3A_451] {strides = array<i32>} : memref<4096xf32, #tpu.memory_space<vmem>>, vector<16xf32>,
        tpu.vector_store %arg11[%swap3A_451], %mul3A_450 {strides = array<i32>} : memref<4096xf32, #tpu.memory_space<vmem>>, vector<16xf32>,
        %mul3A_453 = arith.constant 32 : i32
        %mul3A_454 = arith.muli %scan3A_142, %mul3A_453 : i32
        %add3A_455 = arith.constant 24 : i32
        %add3A_456 = arith.addi %mul3A_454, %add3A_455 : i32
        %mul3A_457 = arith.constant 16 : i32
        %mul3A_458 = arith.muli %add3A_456, %mul3A_457 : i32
        %add3A_459 = arith.constant 12288 : i32
        %add3A_460 = arith.addi %add3A_459, %mul3A_458 : i32
        %get3A_461 = arith.index_cast %add3A_460 : i32 to index
        %get3A_462 = tpu.vector_load %arg8[%get3A_461] {strides = array<i32>} : memref<100096xf32, #tpu.memory_space<vmem>>, vector<16xf32>,
        %mul3A_463 = arith.mulf %get3A_462, %gather3A : vector<16xf32>
        %swap3A_464 = arith.index_cast %mul3A_458 : i32 to index
        %swap3A_465 = tpu.vector_load %arg11[%swap3A_464] {strides = array<i32>} : memref<4096xf32, #tpu.memory_space<vmem>>, vector<16xf32>,
        tpu.vector_store %arg11[%swap3A_464], %mul3A_463 {strides = array<i32>} : memref<4096xf32, #tpu.memory_space<vmem>>, vector<16xf32>,
        %mul3A_466 = arith.constant 32 : i32
        %mul3A_467 = arith.muli %scan3A_142, %mul3A_466 : i32
        %add3A_468 = arith.constant 25 : i32
        %add3A_469 = arith.addi %mul3A_467, %add3A_468 : i32
        %mul3A_470 = arith.constant 16 : i32
        %mul3A_471 = arith.muli %add3A_469, %mul3A_470 : i32
        %add3A_472 = arith.constant 12288 : i32
        %add3A_473 = arith.addi %add3A_472, %mul3A_471 : i32
        %get3A_474 = arith.index_cast %add3A_473 : i32 to index
        %get3A_475 = tpu.vector_load %arg8[%get3A_474] {strides = array<i32>} : memref<100096xf32, #tpu.memory_space<vmem>>, vector<16xf32>,
        %mul3A_476 = arith.mulf %get3A_475, %gather3A : vector<16xf32>
        %swap3A_477 = arith.index_cast %mul3A_471 : i32 to index
        %swap3A_478 = tpu.vector_load %arg11[%swap3A_477] {strides = array<i32>} : memref<4096xf32, #tpu.memory_space<vmem>>, vector<16xf32>,
        tpu.vector_store %arg11[%swap3A_477], %mul3A_476 {strides = array<i32>} : memref<4096xf32, #tpu.memory_space<vmem>>, vector<16xf32>,
        %mul3A_479 = arith.constant 32 : i32
        %mul3A_480 = arith.muli %scan3A_142, %mul3A_479 : i32
        %add3A_481 = arith.constant 26 : i32
        %add3A_482 = arith.addi %mul3A_480, %add3A_481 : i32
        %mul3A_483 = arith.constant 16 : i32
        %mul3A_484 = arith.muli %add3A_482, %mul3A_483 : i32
        %add3A_485 = arith.constant 12288 : i32
        %add3A_486 = arith.addi %add3A_485, %mul3A_484 : i32
        %get3A_487 = arith.index_cast %add3A_486 : i32 to index
        %get3A_488 = tpu.vector_load %arg8[%get3A_487] {strides = array<i32>} : memref<100096xf32, #tpu.memory_space<vmem>>, vector<16xf32>,
        %mul3A_489 = arith.mulf %get3A_488, %gather3A : vector<16xf32>
        %swap3A_490 = arith.index_cast %mul3A_484 : i32 to index
        %swap3A_491 = tpu.vector_load %arg11[%swap3A_490] {strides = array<i32>} : memref<4096xf32, #tpu.memory_space<vmem>>, vector<16xf32>,
        tpu.vector_store %arg11[%swap3A_490], %mul3A_489 {strides = array<i32>} : memref<4096xf32, #tpu.memory_space<vmem>>, vector<16xf32>,
        %mul3A_492 = arith.constant 32 : i32
        %mul3A_493 = arith.muli %scan3A_142, %mul3A_492 : i32
        %add3A_494 = arith.constant 27 : i32
        %add3A_495 = arith.addi %mul3A_493, %add3A_494 : i32
        %mul3A_496 = arith.constant 16 : i32
        %mul3A_497 = arith.muli %add3A_495, %mul3A_496 : i32
        %add3A_498 = arith.constant 12288 : i32
        %add3A_499 = arith.addi %add3A_498, %mul3A_497 : i32
        %get3A_500 = arith.index_cast %add3A_499 : i32 to index
        %get3A_501 = tpu.vector_load %arg8[%get3A_500] {strides = array<i32>} : memref<100096xf32, #tpu.memory_space<vmem>>, vector<16xf32>,
        %mul3A_502 = arith.mulf %get3A_501, %gather3A : vector<16xf32>
        %swap3A_503 = arith.index_cast %mul3A_497 : i32 to index
        %swap3A_504 = tpu.vector_load %arg11[%swap3A_503] {strides = array<i32>} : memref<4096xf32, #tpu.memory_space<vmem>>, vector<16xf32>,
        tpu.vector_store %arg11[%swap3A_503], %mul3A_502 {strides = array<i32>} : memref<4096xf32, #tpu.memory_space<vmem>>, vector<16xf32>,
        %mul3A_505 = arith.constant 32 : i32
        %mul3A_506 = arith.muli %scan3A_142, %mul3A_505 : i32
        %add3A_507 = arith.constant 28 : i32
        %add3A_508 = arith.addi %mul3A_506, %add3A_507 : i32
        %mul3A_509 = arith.constant 16 : i32
        %mul3A_510 = arith.muli %add3A_508, %mul3A_509 : i32
        %add3A_511 = arith.constant 12288 : i32
        %add3A_512 = arith.addi %add3A_511, %mul3A_510 : i32
        %get3A_513 = arith.index_cast %add3A_512 : i32 to index
        %get3A_514 = tpu.vector_load %arg8[%get3A_513] {strides = array<i32>} : memref<100096xf32, #tpu.memory_space<vmem>>, vector<16xf32>,
        %mul3A_515 = arith.mulf %get3A_514, %gather3A : vector<16xf32>
        %swap3A_516 = arith.index_cast %mul3A_510 : i32 to index
        %swap3A_517 = tpu.vector_load %arg11[%swap3A_516] {strides = array<i32>} : memref<4096xf32, #tpu.memory_space<vmem>>, vector<16xf32>,
        tpu.vector_store %arg11[%swap3A_516], %mul3A_515 {strides = array<i32>} : memref<4096xf32, #tpu.memory_space<vmem>>, vector<16xf32>,
        %mul3A_518 = arith.constant 32 : i32
        %mul3A_519 = arith.muli %scan3A_142, %mul3A_518 : i32
        %add3A_520 = arith.constant 29 : i32
        %add3A_521 = arith.addi %mul3A_519, %add3A_520 : i32
        %mul3A_522 = arith.constant 16 : i32
        %mul3A_523 = arith.muli %add3A_521, %mul3A_522 : i32
        %add3A_524 = arith.constant 12288 : i32
        %add3A_525 = arith.addi %add3A_524, %mul3A_523 : i32
        %get3A_526 = arith.index_cast %add3A_525 : i32 to index
        %get3A_527 = tpu.vector_load %arg8[%get3A_526] {strides = array<i32>} : memref<100096xf32, #tpu.memory_space<vmem>>, vector<16xf32>,
        %mul3A_528 = arith.mulf %get3A_527, %gather3A : vector<16xf32>
        %swap3A_529 = arith.index_cast %mul3A_523 : i32 to index
        %swap3A_530 = tpu.vector_load %arg11[%swap3A_529] {strides = array<i32>} : memref<4096xf32, #tpu.memory_space<vmem>>, vector<16xf32>,
        tpu.vector_store %arg11[%swap3A_529], %mul3A_528 {strides = array<i32>} : memref<4096xf32, #tpu.memory_space<vmem>>, vector<16xf32>,
        %mul3A_531 = arith.constant 32 : i32
        %mul3A_532 = arith.muli %scan3A_142, %mul3A_531 : i32
        %add3A_533 = arith.constant 30 : i32
        %add3A_534 = arith.addi %mul3A_532, %add3A_533 : i32
        %mul3A_535 = arith.constant 16 : i32
        %mul3A_536 = arith.muli %add3A_534, %mul3A_535 : i32
        %add3A_537 = arith.constant 12288 : i32
        %add3A_538 = arith.addi %add3A_537, %mul3A_536 : i32
        %get3A_539 = arith.index_cast %add3A_538 : i32 to index
        %get3A_540 = tpu.vector_load %arg8[%get3A_539] {strides = array<i32>} : memref<100096xf32, #tpu.memory_space<vmem>>, vector<16xf32>,
        %mul3A_541 = arith.mulf %get3A_540, %gather3A : vector<16xf32>
        %swap3A_542 = arith.index_cast %mul3A_536 : i32 to index
        %swap3A_543 = tpu.vector_load %arg11[%swap3A_542] {strides = array<i32>} : memref<4096xf32, #tpu.memory_space<vmem>>, vector<16xf32>,
        tpu.vector_store %arg11[%swap3A_542], %mul3A_541 {strides = array<i32>} : memref<4096xf32, #tpu.memory_space<vmem>>, vector<16xf32>,
        %mul3A_544 = arith.constant 32 : i32
        %mul3A_545 = arith.muli %scan3A_142, %mul3A_544 : i32
        %add3A_546 = arith.constant 31 : i32
        %add3A_547 = arith.addi %mul3A_545, %add3A_546 : i32
        %mul3A_548 = arith.constant 16 : i32
        %mul3A_549 = arith.muli %add3A_547, %mul3A_548 : i32
        %add3A_550 = arith.constant 12288 : i32
        %add3A_551 = arith.addi %add3A_550, %mul3A_549 : i32
        %get3A_552 = arith.index_cast %add3A_551 : i32 to index
        %get3A_553 = tpu.vector_load %arg8[%get3A_552] {strides = array<i32>} : memref<100096xf32, #tpu.memory_space<vmem>>, vector<16xf32>,
        %mul3A_554 = arith.mulf %get3A_553, %gather3A : vector<16xf32>
        %swap3A_555 = arith.index_cast %mul3A_549 : i32 to index
        %swap3A_556 = tpu.vector_load %arg11[%swap3A_555] {strides = array<i32>} : memref<4096xf32, #tpu.memory_space<vmem>>, vector<16xf32>,
        tpu.vector_store %arg11[%swap3A_555], %mul3A_554 {strides = array<i32>} : memref<4096xf32, #tpu.memory_space<vmem>>, vector<16xf32>,
      }
      %scan3A_135 = arith.constant 8 : i32
      %dma_start3A_136 = arith.constant 12288 : i32
      %dma_start3A_137 = tpu.memref_slice %arg7[%add3A_45, %dma_start3A_136] : memref<2496x16384xf32, #tpu.memory_space<hbm>> -> memref<1x4096xf32, #tpu.memory_space<hbm>>
      %dma_start3A_138 = tpu.memref_squeeze %dma_start3A_137 : memref<1x4096xf32, #tpu.memory_space<hbm>> -> memref<4096xf32, #tpu.memory_space<hbm>>
      %dma_start3A_139 = arith.constant 12288 : i32
      %dma_start3A_140 = tpu.memref_slice %arg7[%add3A_45, %dma_start3A_139] : memref<2496x16384xf32, #tpu.memory_space<hbm>> -> memref<1x4096xf32, #tpu.memory_space<hbm>>
      %dma_start3A_141 = tpu.memref_squeeze %dma_start3A_140 : memref<1x4096xf32, #tpu.memory_space<hbm>> -> memref<4096xf32, #tpu.memory_space<hbm>>
      tpu.enqueue_dma source(%arg11 : memref<4096xf32, #tpu.memory_space<vmem>>) target(%dma_start3A_141 : memref<4096xf32, #tpu.memory_space<hbm>>) target_semaphore(%arg15 : memref<!tpu.dma_semaphore, #tpu.memory_space<semaphore_mem>>)
      scf.yield %select_n3A : i32
    }
    %scan3A_6 = arith.constant 26 : i32
    %dma_wait3A = arith.constant 0 : i32
    %dma_wait3A_7 = arith.constant 0 : i32
    %dma_wait3A_8 = tpu.memref_slice %arg7[%dma_wait3A, %dma_wait3A_7] : memref<2496x16384xf32, #tpu.memory_space<hbm>> -> memref<1x4096xf32, #tpu.memory_space<hbm>>
    %dma_wait3A_9 = tpu.memref_squeeze %dma_wait3A_8 : memref<1x4096xf32, #tpu.memory_space<hbm>> -> memref<4096xf32, #tpu.memory_space<hbm>>
    %dma_wait3A_10 = arith.constant 0 : i32
    %dma_wait3A_11 = tpu.memref_slice %arg7[%dma_wait3A, %dma_wait3A_10] : memref<2496x16384xf32, #tpu.memory_space<hbm>> -> memref<1x4096xf32, #tpu.memory_space<hbm>>
    %dma_wait3A_12 = tpu.memref_squeeze %dma_wait3A_11 : memref<1x4096xf32, #tpu.memory_space<hbm>> -> memref<4096xf32, #tpu.memory_space<hbm>>
    tpu.wait_dma2 semaphore(%arg14 : memref<!tpu.dma_semaphore, #tpu.memory_space<semaphore_mem>>) src(%arg10 : memref<4096xf32, #tpu.memory_space<vmem>>) dst(%dma_wait3A_12 : memref<4096xf32, #tpu.memory_space<hbm>>)
    %dma_wait3A_13 = arith.constant 0 : i32
    %dma_wait3A_14 = arith.constant 4096 : i32
    %dma_wait3A_15 = tpu.memref_slice %arg7[%dma_wait3A_13, %dma_wait3A_14] : memref<2496x16384xf32, #tpu.memory_space<hbm>> -> memref<1x4096xf32, #tpu.memory_space<hbm>>
    %dma_wait3A_16 = tpu.memref_squeeze %dma_wait3A_15 : memref<1x4096xf32, #tpu.memory_space<hbm>> -> memref<4096xf32, #tpu.memory_space<hbm>>
    %dma_wait3A_17 = arith.constant 4096 : i32
    %dma_wait3A_18 = tpu.memref_slice %arg7[%dma_wait3A_13, %dma_wait3A_17] : memref<2496x16384xf32, #tpu.memory_space<hbm>> -> memref<1x4096xf32, #tpu.memory_space<hbm>>
    %dma_wait3A_19 = tpu.memref_squeeze %dma_wait3A_18 : memref<1x4096xf32, #tpu.memory_space<hbm>> -> memref<4096xf32, #tpu.memory_space<hbm>>
    tpu.wait_dma2 semaphore(%arg15 : memref<!tpu.dma_semaphore, #tpu.memory_space<semaphore_mem>>) src(%arg11 : memref<4096xf32, #tpu.memory_space<vmem>>) dst(%dma_wait3A_19 : memref<4096xf32, #tpu.memory_space<hbm>>)
    %scan3A_20 = arith.constant -1 : i32
    %scan3A_21 = arith.constant 0 : i32
    %scan3A_22 = arith.constant 52 : i32
    %scan3A_23 = arith.addi %scan3A_21, %scan3A_22 : i32
    %scan3A_24 = arith.constant 1 : i32
    %scan3A_25 = scf.for %scan3A_41 = %scan3A_21 to %scan3A_23 step %scan3A_24 iter_args(%scan3A_42 = %scan3A_20) -> (i32)  : i32 {
      %mul3A_43 = arith.constant 52 : i32
      %mul3A_44 = arith.muli %add3A, %mul3A_43 : i32
      %add3A_45 = arith.addi %mul3A_44, %scan3A_41 : i32
      %jit3A = arith.constant 64 : i32
      %div3A = arith.divsi %add3A_45, %jit3A : i32
      %sign3A = arith.constant 0 : i32
      %sign3A_46 = arith.cmpi sgt, %add3A_45, %sign3A : i32
      %sign3A_47 = arith.extui %sign3A_46 : i1 to i32
      %sign3A_48 = arith.constant 0 : i32
      %sign3A_49 = arith.cmpi slt, %add3A_45, %sign3A_48 : i32
      %sign3A_50 = arith.extui %sign3A_49 : i1 to i32
      %sign3A_51 = arith.subi %sign3A_47, %sign3A_50 : i32
      %sign3A_52 = arith.constant 0 : i32
      %sign3A_53 = arith.cmpi sgt, %jit3A, %sign3A_52 : i32
      %sign3A_54 = arith.extui %sign3A_53 : i1 to i32
      %sign3A_55 = arith.constant 0 : i32
      %sign3A_56 = arith.cmpi slt, %jit3A, %sign3A_55 : i32
      %sign3A_57 = arith.extui %sign3A_56 : i1 to i32
      %sign3A_58 = arith.subi %sign3A_54, %sign3A_57 : i32
      %ne3A = arith.cmpi ne, %sign3A_51, %sign3A_58 : i32
      %rem3A = arith.remsi %add3A_45, %jit3A : i32
      %ne3A_59 = arith.constant 0 : i32
      %ne3A_60 = arith.cmpi ne, %rem3A, %ne3A_59 : i32
      %and3A = arith.andi %ne3A, %ne3A_60 : i1
      %sub3A = arith.constant 1 : i32
      %sub3A_61 = arith.subi %div3A, %sub3A : i32
      %select_n3A = arith.select %and3A, %sub3A_61, %div3A : i32
      %ne3A_62 = arith.cmpi ne, %select_n3A, %scan3A_42 : i32
      %convert_element_type3A = arith.extui %ne3A_62 : i1 to i32
      %cond3A = arith.constant 0 : i32
      %cond3A_63 = arith.cmpi ne, %convert_element_type3A, %cond3A : i32
      scf.if %cond3A_63 {
        "tpu.region"() ({
          %run_scoped3A = tpu.sem_alloc : memref<!tpu.dma_semaphore, #tpu.memory_space<semaphore_mem>>
          %dma_start3A_282 = arith.constant 0 : i32
          %dma_start3A_283 = tpu.memref_slice %arg3[%select_n3A, %dma_start3A_282] : memref<26x16384xi32, #tpu.memory_space<hbm>> -> memref<1x16384xi32, #tpu.memory_space<hbm>>
          %dma_start3A_284 = tpu.memref_squeeze %dma_start3A_283 : memref<1x16384xi32, #tpu.memory_space<hbm>> -> memref<16384xi32, #tpu.memory_space<hbm>>
          %dma_start3A_285 = arith.constant 0 : i32
          %dma_start3A_286 = tpu.memref_slice %arg3[%select_n3A, %dma_start3A_285] : memref<26x16384xi32, #tpu.memory_space<hbm>> -> memref<1x16384xi32, #tpu.memory_space<hbm>>
          %dma_start3A_287 = tpu.memref_squeeze %dma_start3A_286 : memref<1x16384xi32, #tpu.memory_space<hbm>> -> memref<16384xi32, #tpu.memory_space<hbm>>
          tpu.enqueue_dma source(%dma_start3A_287 : memref<16384xi32, #tpu.memory_space<hbm>>) target(%arg9 : memref<16384xi32, #tpu.memory_space<vmem>>) target_semaphore(%run_scoped3A : memref<!tpu.dma_semaphore, #tpu.memory_space<semaphore_mem>>)
          %dma_wait3A_288 = arith.constant 0 : i32
          %dma_wait3A_289 = tpu.memref_slice %arg3[%select_n3A, %dma_wait3A_288] : memref<26x16384xi32, #tpu.memory_space<hbm>> -> memref<1x16384xi32, #tpu.memory_space<hbm>>
          %dma_wait3A_290 = tpu.memref_squeeze %dma_wait3A_289 : memref<1x16384xi32, #tpu.memory_space<hbm>> -> memref<16384xi32, #tpu.memory_space<hbm>>
          %dma_wait3A_291 = arith.constant 0 : i32
          %dma_wait3A_292 = tpu.memref_slice %arg3[%select_n3A, %dma_wait3A_291] : memref<26x16384xi32, #tpu.memory_space<hbm>> -> memref<1x16384xi32, #tpu.memory_space<hbm>>
          %dma_wait3A_293 = tpu.memref_squeeze %dma_wait3A_292 : memref<1x16384xi32, #tpu.memory_space<hbm>> -> memref<16384xi32, #tpu.memory_space<hbm>>
          tpu.wait_dma2 semaphore(%run_scoped3A : memref<!tpu.dma_semaphore, #tpu.memory_space<semaphore_mem>>) src(%dma_wait3A_293 : memref<16384xi32, #tpu.memory_space<hbm>>) dst(%arg9 : memref<16384xi32, #tpu.memory_space<vmem>>)
          tpu.yield
        }) : () -> ()
      } else {
      }
      %dma_start3A = arith.constant 0 : i32
      %dma_start3A_64 = tpu.memref_slice %arg8[%dma_start3A] : memref<100096xf32, #tpu.memory_space<vmem>> -> memref<25088xf32, #tpu.memory_space<vmem>>
      %dma_start3A_65 = arith.constant 0 : i32
      %dma_start3A_66 = tpu.memref_slice %arg4[%add3A_45, %dma_start3A_65] : memref<1664x100000xf32, #tpu.memory_space<hbm>> -> memref<1x100000xf32, #tpu.memory_space<hbm>>
      %dma_start3A_67 = tpu.memref_squeeze %dma_start3A_66 : memref<1x100000xf32, #tpu.memory_space<hbm>> -> memref<100000xf32, #tpu.memory_space<hbm>>
      %dma_start3A_68 = arith.constant 0 : i32
      %dma_start3A_69 = tpu.memref_slice %dma_start3A_67[%dma_start3A_68] : memref<100000xf32, #tpu.memory_space<hbm>> -> memref<25088xf32, #tpu.memory_space<hbm>>
      %dma_start3A_70 = arith.constant 0 : i32
      %dma_start3A_71 = tpu.memref_slice %arg8[%dma_start3A_70] : memref<100096xf32, #tpu.memory_space<vmem>> -> memref<25088xf32, #tpu.memory_space<vmem>>
      %dma_start3A_72 = arith.constant 0 : i32
      %dma_start3A_73 = tpu.memref_slice %arg4[%add3A_45, %dma_start3A_72] : memref<1664x100000xf32, #tpu.memory_space<hbm>> -> memref<1x100000xf32, #tpu.memory_space<hbm>>
      %dma_start3A_74 = tpu.memref_squeeze %dma_start3A_73 : memref<1x100000xf32, #tpu.memory_space<hbm>> -> memref<100000xf32, #tpu.memory_space<hbm>>
      %dma_start3A_75 = arith.constant 0 : i32
      %dma_start3A_76 = tpu.memref_slice %dma_start3A_74[%dma_start3A_75] : memref<100000xf32, #tpu.memory_space<hbm>> -> memref<25088xf32, #tpu.memory_space<hbm>>
      tpu.enqueue_dma source(%dma_start3A_76 : memref<25088xf32, #tpu.memory_space<hbm>>) target(%dma_start3A_71 : memref<25088xf32, #tpu.memory_space<vmem>>) target_semaphore(%arg13 : memref<!tpu.dma_semaphore, #tpu.memory_space<semaphore_mem>>)
      %dma_start3A_77 = arith.constant 25088 : i32
      %dma_start3A_78 = tpu.memref_slice %arg8[%dma_start3A_77] : memref<100096xf32, #tpu.memory_space<vmem>> -> memref<25088xf32, #tpu.memory_space<vmem>>
      %dma_start3A_79 = arith.constant 0 : i32
      %dma_start3A_80 = tpu.memref_slice %arg4[%add3A_45, %dma_start3A_79] : memref<1664x100000xf32, #tpu.memory_space<hbm>> -> memref<1x100000xf32, #tpu.memory_space<hbm>>
      %dma_start3A_81 = tpu.memref_squeeze %dma_start3A_80 : memref<1x100000xf32, #tpu.memory_space<hbm>> -> memref<100000xf32, #tpu.memory_space<hbm>>
      %dma_start3A_82 = arith.constant 25088 : i32
      %dma_start3A_83 = tpu.memref_slice %dma_start3A_81[%dma_start3A_82] : memref<100000xf32, #tpu.memory_space<hbm>> -> memref<25088xf32, #tpu.memory_space<hbm>>
      %dma_start3A_84 = arith.constant 25088 : i32
      %dma_start3A_85 = tpu.memref_slice %arg8[%dma_start3A_84] : memref<100096xf32, #tpu.memory_space<vmem>> -> memref<25088xf32, #tpu.memory_space<vmem>>
      %dma_start3A_86 = arith.constant 0 : i32
      %dma_start3A_87 = tpu.memref_slice %arg4[%add3A_45, %dma_start3A_86] : memref<1664x100000xf32, #tpu.memory_space<hbm>> -> memref<1x100000xf32, #tpu.memory_space<hbm>>
      %dma_start3A_88 = tpu.memref_squeeze %dma_start3A_87 : memref<1x100000xf32, #tpu.memory_space<hbm>> -> memref<100000xf32, #tpu.memory_space<hbm>>
      %dma_start3A_89 = arith.constant 25088 : i32
      %dma_start3A_90 = tpu.memref_slice %dma_start3A_88[%dma_start3A_89] : memref<100000xf32, #tpu.memory_space<hbm>> -> memref<25088xf32, #tpu.memory_space<hbm>>
      tpu.enqueue_dma source(%dma_start3A_90 : memref<25088xf32, #tpu.memory_space<hbm>>) target(%dma_start3A_85 : memref<25088xf32, #tpu.memory_space<vmem>>) target_semaphore(%arg13 : memref<!tpu.dma_semaphore, #tpu.memory_space<semaphore_mem>>)
      %dma_start3A_91 = arith.constant 50176 : i32
      %dma_start3A_92 = tpu.memref_slice %arg8[%dma_start3A_91] : memref<100096xf32, #tpu.memory_space<vmem>> -> memref<25088xf32, #tpu.memory_space<vmem>>
      %dma_start3A_93 = arith.constant 0 : i32
      %dma_start3A_94 = tpu.memref_slice %arg4[%add3A_45, %dma_start3A_93] : memref<1664x100000xf32, #tpu.memory_space<hbm>> -> memref<1x100000xf32, #tpu.memory_space<hbm>>
      %dma_start3A_95 = tpu.memref_squeeze %dma_start3A_94 : memref<1x100000xf32, #tpu.memory_space<hbm>> -> memref<100000xf32, #tpu.memory_space<hbm>>
      %dma_start3A_96 = arith.constant 50176 : i32
      %dma_start3A_97 = tpu.memref_slice %dma_start3A_95[%dma_start3A_96] : memref<100000xf32, #tpu.memory_space<hbm>> -> memref<25088xf32, #tpu.memory_space<hbm>>
      %dma_start3A_98 = arith.constant 50176 : i32
      %dma_start3A_99 = tpu.memref_slice %arg8[%dma_start3A_98] : memref<100096xf32, #tpu.memory_space<vmem>> -> memref<25088xf32, #tpu.memory_space<vmem>>
      %dma_start3A_100 = arith.constant 0 : i32
      %dma_start3A_101 = tpu.memref_slice %arg4[%add3A_45, %dma_start3A_100] : memref<1664x100000xf32, #tpu.memory_space<hbm>> -> memref<1x100000xf32, #tpu.memory_space<hbm>>
      %dma_start3A_102 = tpu.memref_squeeze %dma_start3A_101 : memref<1x100000xf32, #tpu.memory_space<hbm>> -> memref<100000xf32, #tpu.memory_space<hbm>>
      %dma_start3A_103 = arith.constant 50176 : i32
      %dma_start3A_104 = tpu.memref_slice %dma_start3A_102[%dma_start3A_103] : memref<100000xf32, #tpu.memory_space<hbm>> -> memref<25088xf32, #tpu.memory_space<hbm>>
      tpu.enqueue_dma source(%dma_start3A_104 : memref<25088xf32, #tpu.memory_space<hbm>>) target(%dma_start3A_99 : memref<25088xf32, #tpu.memory_space<vmem>>) target_semaphore(%arg13 : memref<!tpu.dma_semaphore, #tpu.memory_space<semaphore_mem>>)
      %dma_start3A_105 = arith.constant 75264 : i32
      %dma_start3A_106 = tpu.memref_slice %arg8[%dma_start3A_105] : memref<100096xf32, #tpu.memory_space<vmem>> -> memref<24704xf32, #tpu.memory_space<vmem>>
      %dma_start3A_107 = arith.constant 0 : i32
      %dma_start3A_108 = tpu.memref_slice %arg4[%add3A_45, %dma_start3A_107] : memref<1664x100000xf32, #tpu.memory_space<hbm>> -> memref<1x100000xf32, #tpu.memory_space<hbm>>
      %dma_start3A_109 = tpu.memref_squeeze %dma_start3A_108 : memref<1x100000xf32, #tpu.memory_space<hbm>> -> memref<100000xf32, #tpu.memory_space<hbm>>
      %dma_start3A_110 = arith.constant 75264 : i32
      %dma_start3A_111 = tpu.memref_slice %dma_start3A_109[%dma_start3A_110] : memref<100000xf32, #tpu.memory_space<hbm>> -> memref<24704xf32, #tpu.memory_space<hbm>>
      %dma_start3A_112 = arith.constant 75264 : i32
      %dma_start3A_113 = tpu.memref_slice %arg8[%dma_start3A_112] : memref<100096xf32, #tpu.memory_space<vmem>> -> memref<24704xf32, #tpu.memory_space<vmem>>
      %dma_start3A_114 = arith.constant 0 : i32
      %dma_start3A_115 = tpu.memref_slice %arg4[%add3A_45, %dma_start3A_114] : memref<1664x100000xf32, #tpu.memory_space<hbm>> -> memref<1x100000xf32, #tpu.memory_space<hbm>>
      %dma_start3A_116 = tpu.memref_squeeze %dma_start3A_115 : memref<1x100000xf32, #tpu.memory_space<hbm>> -> memref<100000xf32, #tpu.memory_space<hbm>>
      %dma_start3A_117 = arith.constant 75264 : i32
      %dma_start3A_118 = tpu.memref_slice %dma_start3A_116[%dma_start3A_117] : memref<100000xf32, #tpu.memory_space<hbm>> -> memref<24704xf32, #tpu.memory_space<hbm>>
      tpu.enqueue_dma source(%dma_start3A_118 : memref<24704xf32, #tpu.memory_space<hbm>>) target(%dma_start3A_113 : memref<24704xf32, #tpu.memory_space<vmem>>) target_semaphore(%arg13 : memref<!tpu.dma_semaphore, #tpu.memory_space<semaphore_mem>>)
      %dma_start3A_119 = arith.constant 99968 : i32
      %dma_start3A_120 = tpu.memref_slice %arg8[%dma_start3A_119] : memref<100096xf32, #tpu.memory_space<vmem>> -> memref<128xf32, #tpu.memory_space<vmem>>
      %dma_start3A_121 = arith.constant 0 : i32
      %dma_start3A_122 = tpu.memref_slice %arg5[%add3A_45, %dma_start3A_121] : memref<1664x128xf32, #tpu.memory_space<hbm>> -> memref<1x128xf32, #tpu.memory_space<hbm>>
      %dma_start3A_123 = tpu.memref_squeeze %dma_start3A_122 : memref<1x128xf32, #tpu.memory_space<hbm>> -> memref<128xf32, #tpu.memory_space<hbm>>
      %dma_start3A_124 = arith.constant 99968 : i32
      %dma_start3A_125 = tpu.memref_slice %arg8[%dma_start3A_124] : memref<100096xf32, #tpu.memory_space<vmem>> -> memref<128xf32, #tpu.memory_space<vmem>>
      %dma_start3A_126 = arith.constant 0 : i32
      %dma_start3A_127 = tpu.memref_slice %arg5[%add3A_45, %dma_start3A_126] : memref<1664x128xf32, #tpu.memory_space<hbm>> -> memref<1x128xf32, #tpu.memory_space<hbm>>
      %dma_start3A_128 = tpu.memref_squeeze %dma_start3A_127 : memref<1x128xf32, #tpu.memory_space<hbm>> -> memref<128xf32, #tpu.memory_space<hbm>>
      tpu.enqueue_dma source(%dma_start3A_128 : memref<128xf32, #tpu.memory_space<hbm>>) target(%dma_start3A_125 : memref<128xf32, #tpu.memory_space<vmem>>) target_semaphore(%arg13 : memref<!tpu.dma_semaphore, #tpu.memory_space<semaphore_mem>>)
      %dma_wait3A_129 = arith.constant 0 : i32
      %dma_wait3A_130 = tpu.memref_slice %arg8[%dma_wait3A_129] : memref<100096xf32, #tpu.memory_space<vmem>> -> memref<25088xf32, #tpu.memory_space<vmem>>
      %dma_wait3A_131 = arith.constant 0 : i32
      %dma_wait3A_132 = tpu.memref_slice %arg4[%add3A_45, %dma_wait3A_131] : memref<1664x100000xf32, #tpu.memory_space<hbm>> -> memref<1x100000xf32, #tpu.memory_space<hbm>>
      %dma_wait3A_133 = tpu.memref_squeeze %dma_wait3A_132 : memref<1x100000xf32, #tpu.memory_space<hbm>> -> memref<100000xf32, #tpu.memory_space<hbm>>
      %dma_wait3A_134 = arith.constant 0 : i32
      %dma_wait3A_135 = tpu.memref_slice %dma_wait3A_133[%dma_wait3A_134] : memref<100000xf32, #tpu.memory_space<hbm>> -> memref<25088xf32, #tpu.memory_space<hbm>>
      %dma_wait3A_136 = arith.constant 0 : i32
      %dma_wait3A_137 = tpu.memref_slice %arg8[%dma_wait3A_136] : memref<100096xf32, #tpu.memory_space<vmem>> -> memref<25088xf32, #tpu.memory_space<vmem>>
      %dma_wait3A_138 = arith.constant 0 : i32
      %dma_wait3A_139 = tpu.memref_slice %arg4[%add3A_45, %dma_wait3A_138] : memref<1664x100000xf32, #tpu.memory_space<hbm>> -> memref<1x100000xf32, #tpu.memory_space<hbm>>
      %dma_wait3A_140 = tpu.memref_squeeze %dma_wait3A_139 : memref<1x100000xf32, #tpu.memory_space<hbm>> -> memref<100000xf32, #tpu.memory_space<hbm>>
      %dma_wait3A_141 = arith.constant 0 : i32
      %dma_wait3A_142 = tpu.memref_slice %dma_wait3A_140[%dma_wait3A_141] : memref<100000xf32, #tpu.memory_space<hbm>> -> memref<25088xf32, #tpu.memory_space<hbm>>
      tpu.wait_dma2 semaphore(%arg13 : memref<!tpu.dma_semaphore, #tpu.memory_space<semaphore_mem>>) src(%dma_wait3A_142 : memref<25088xf32, #tpu.memory_space<hbm>>) dst(%dma_wait3A_137 : memref<25088xf32, #tpu.memory_space<vmem>>)
      %dma_wait3A_143 = arith.constant 25088 : i32
      %dma_wait3A_144 = tpu.memref_slice %arg8[%dma_wait3A_143] : memref<100096xf32, #tpu.memory_space<vmem>> -> memref<25088xf32, #tpu.memory_space<vmem>>
      %dma_wait3A_145 = arith.constant 0 : i32
      %dma_wait3A_146 = tpu.memref_slice %arg4[%add3A_45, %dma_wait3A_145] : memref<1664x100000xf32, #tpu.memory_space<hbm>> -> memref<1x100000xf32, #tpu.memory_space<hbm>>
      %dma_wait3A_147 = tpu.memref_squeeze %dma_wait3A_146 : memref<1x100000xf32, #tpu.memory_space<hbm>> -> memref<100000xf32, #tpu.memory_space<hbm>>
      %dma_wait3A_148 = arith.constant 25088 : i32
      %dma_wait3A_149 = tpu.memref_slice %dma_wait3A_147[%dma_wait3A_148] : memref<100000xf32, #tpu.memory_space<hbm>> -> memref<25088xf32, #tpu.memory_space<hbm>>
      %dma_wait3A_150 = arith.constant 25088 : i32
      %dma_wait3A_151 = tpu.memref_slice %arg8[%dma_wait3A_150] : memref<100096xf32, #tpu.memory_space<vmem>> -> memref<25088xf32, #tpu.memory_space<vmem>>
      %dma_wait3A_152 = arith.constant 0 : i32
      %dma_wait3A_153 = tpu.memref_slice %arg4[%add3A_45, %dma_wait3A_152] : memref<1664x100000xf32, #tpu.memory_space<hbm>> -> memref<1x100000xf32, #tpu.memory_space<hbm>>
      %dma_wait3A_154 = tpu.memref_squeeze %dma_wait3A_153 : memref<1x100000xf32, #tpu.memory_space<hbm>> -> memref<100000xf32, #tpu.memory_space<hbm>>
      %dma_wait3A_155 = arith.constant 25088 : i32
      %dma_wait3A_156 = tpu.memref_slice %dma_wait3A_154[%dma_wait3A_155] : memref<100000xf32, #tpu.memory_space<hbm>> -> memref<25088xf32, #tpu.memory_space<hbm>>
      tpu.wait_dma2 semaphore(%arg13 : memref<!tpu.dma_semaphore, #tpu.memory_space<semaphore_mem>>) src(%dma_wait3A_156 : memref<25088xf32, #tpu.memory_space<hbm>>) dst(%dma_wait3A_151 : memref<25088xf32, #tpu.memory_space<vmem>>)
      %dma_wait3A_157 = arith.constant 50176 : i32
      %dma_wait3A_158 = tpu.memref_slice %arg8[%dma_wait3A_157] : memref<100096xf32, #tpu.memory_space<vmem>> -> memref<25088xf32, #tpu.memory_space<vmem>>
      %dma_wait3A_159 = arith.constant 0 : i32
      %dma_wait3A_160 = tpu.memref_slice %arg4[%add3A_45, %dma_wait3A_159] : memref<1664x100000xf32, #tpu.memory_space<hbm>> -> memref<1x100000xf32, #tpu.memory_space<hbm>>
      %dma_wait3A_161 = tpu.memref_squeeze %dma_wait3A_160 : memref<1x100000xf32, #tpu.memory_space<hbm>> -> memref<100000xf32, #tpu.memory_space<hbm>>
      %dma_wait3A_162 = arith.constant 50176 : i32
      %dma_wait3A_163 = tpu.memref_slice %dma_wait3A_161[%dma_wait3A_162] : memref<100000xf32, #tpu.memory_space<hbm>> -> memref<25088xf32, #tpu.memory_space<hbm>>
      %dma_wait3A_164 = arith.constant 50176 : i32
      %dma_wait3A_165 = tpu.memref_slice %arg8[%dma_wait3A_164] : memref<100096xf32, #tpu.memory_space<vmem>> -> memref<25088xf32, #tpu.memory_space<vmem>>
      %dma_wait3A_166 = arith.constant 0 : i32
      %dma_wait3A_167 = tpu.memref_slice %arg4[%add3A_45, %dma_wait3A_166] : memref<1664x100000xf32, #tpu.memory_space<hbm>> -> memref<1x100000xf32, #tpu.memory_space<hbm>>
      %dma_wait3A_168 = tpu.memref_squeeze %dma_wait3A_167 : memref<1x100000xf32, #tpu.memory_space<hbm>> -> memref<100000xf32, #tpu.memory_space<hbm>>
      %dma_wait3A_169 = arith.constant 50176 : i32
      %dma_wait3A_170 = tpu.memref_slice %dma_wait3A_168[%dma_wait3A_169] : memref<100000xf32, #tpu.memory_space<hbm>> -> memref<25088xf32, #tpu.memory_space<hbm>>
      tpu.wait_dma2 semaphore(%arg13 : memref<!tpu.dma_semaphore, #tpu.memory_space<semaphore_mem>>) src(%dma_wait3A_170 : memref<25088xf32, #tpu.memory_space<hbm>>) dst(%dma_wait3A_165 : memref<25088xf32, #tpu.memory_space<vmem>>)
      %dma_wait3A_171 = arith.constant 75264 : i32
      %dma_wait3A_172 = tpu.memref_slice %arg8[%dma_wait3A_171] : memref<100096xf32, #tpu.memory_space<vmem>> -> memref<24704xf32, #tpu.memory_space<vmem>>
      %dma_wait3A_173 = arith.constant 0 : i32
      %dma_wait3A_174 = tpu.memref_slice %arg4[%add3A_45, %dma_wait3A_173] : memref<1664x100000xf32, #tpu.memory_space<hbm>> -> memref<1x100000xf32, #tpu.memory_space<hbm>>
      %dma_wait3A_175 = tpu.memref_squeeze %dma_wait3A_174 : memref<1x100000xf32, #tpu.memory_space<hbm>> -> memref<100000xf32, #tpu.memory_space<hbm>>
      %dma_wait3A_176 = arith.constant 75264 : i32
      %dma_wait3A_177 = tpu.memref_slice %dma_wait3A_175[%dma_wait3A_176] : memref<100000xf32, #tpu.memory_space<hbm>> -> memref<24704xf32, #tpu.memory_space<hbm>>
      %dma_wait3A_178 = arith.constant 75264 : i32
      %dma_wait3A_179 = tpu.memref_slice %arg8[%dma_wait3A_178] : memref<100096xf32, #tpu.memory_space<vmem>> -> memref<24704xf32, #tpu.memory_space<vmem>>
      %dma_wait3A_180 = arith.constant 0 : i32
      %dma_wait3A_181 = tpu.memref_slice %arg4[%add3A_45, %dma_wait3A_180] : memref<1664x100000xf32, #tpu.memory_space<hbm>> -> memref<1x100000xf32, #tpu.memory_space<hbm>>
      %dma_wait3A_182 = tpu.memref_squeeze %dma_wait3A_181 : memref<1x100000xf32, #tpu.memory_space<hbm>> -> memref<100000xf32, #tpu.memory_space<hbm>>
      %dma_wait3A_183 = arith.constant 75264 : i32
      %dma_wait3A_184 = tpu.memref_slice %dma_wait3A_182[%dma_wait3A_183] : memref<100000xf32, #tpu.memory_space<hbm>> -> memref<24704xf32, #tpu.memory_space<hbm>>
      tpu.wait_dma2 semaphore(%arg13 : memref<!tpu.dma_semaphore, #tpu.memory_space<semaphore_mem>>) src(%dma_wait3A_184 : memref<24704xf32, #tpu.memory_space<hbm>>) dst(%dma_wait3A_179 : memref<24704xf32, #tpu.memory_space<vmem>>)
      %dma_wait3A_185 = arith.constant 99968 : i32
      %dma_wait3A_186 = tpu.memref_slice %arg8[%dma_wait3A_185] : memref<100096xf32, #tpu.memory_space<vmem>> -> memref<128xf32, #tpu.memory_space<vmem>>
      %dma_wait3A_187 = arith.constant 0 : i32
      %dma_wait3A_188 = tpu.memref_slice %arg5[%add3A_45, %dma_wait3A_187] : memref<1664x128xf32, #tpu.memory_space<hbm>> -> memref<1x128xf32, #tpu.memory_space<hbm>>
      %dma_wait3A_189 = tpu.memref_squeeze %dma_wait3A_188 : memref<1x128xf32, #tpu.memory_space<hbm>> -> memref<128xf32, #tpu.memory_space<hbm>>
      %dma_wait3A_190 = arith.constant 99968 : i32
      %dma_wait3A_191 = tpu.memref_slice %arg8[%dma_wait3A_190] : memref<100096xf32, #tpu.memory_space<vmem>> -> memref<128xf32, #tpu.memory_space<vmem>>
      %dma_wait3A_192 = arith.constant 0 : i32
      %dma_wait3A_193 = tpu.memref_slice %arg5[%add3A_45, %dma_wait3A_192] : memref<1664x128xf32, #tpu.memory_space<hbm>> -> memref<1x128xf32, #tpu.memory_space<hbm>>
      %dma_wait3A_194 = tpu.memref_squeeze %dma_wait3A_193 : memref<1x128xf32, #tpu.memory_space<hbm>> -> memref<128xf32, #tpu.memory_space<hbm>>
      tpu.wait_dma2 semaphore(%arg13 : memref<!tpu.dma_semaphore, #tpu.memory_space<semaphore_mem>>) src(%dma_wait3A_194 : memref<128xf32, #tpu.memory_space<hbm>>) dst(%dma_wait3A_191 : memref<128xf32, #tpu.memory_space<vmem>>)
      %mul3A_195 = arith.constant 4 : i32
      %mul3A_196 = arith.muli %scan3A_41, %mul3A_195 : i32
      %add3A_197 = arith.constant 0 : i32
      %add3A_198 = arith.addi %mul3A_196, %add3A_197 : i32
      %ge3A = arith.constant 2 : i32
      %ge3A_199 = arith.cmpi sge, %add3A_198, %ge3A : i32
      %convert_element_type3A_200 = arith.extui %ge3A_199 : i1 to i32
      %cond3A_201 = arith.constant 0 : i32
      %cond3A_202 = arith.cmpi ne, %convert_element_type3A_200, %cond3A_201 : i32
      scf.if %cond3A_202 {
        %add3A_282 = arith.constant 832 : i32
        %add3A_283 = arith.addi %add3A_282, %add3A_45 : i32
        %dma_wait3A_284 = arith.constant 0 : i32
        %dma_wait3A_285 = tpu.memref_slice %arg7[%add3A_283, %dma_wait3A_284] : memref<2496x16384xf32, #tpu.memory_space<hbm>> -> memref<1x4096xf32, #tpu.memory_space<hbm>>
        %dma_wait3A_286 = tpu.memref_squeeze %dma_wait3A_285 : memref<1x4096xf32, #tpu.memory_space<hbm>> -> memref<4096xf32, #tpu.memory_space<hbm>>
        %dma_wait3A_287 = arith.constant 0 : i32
        %dma_wait3A_288 = tpu.memref_slice %arg7[%add3A_283, %dma_wait3A_287] : memref<2496x16384xf32, #tpu.memory_space<hbm>> -> memref<1x4096xf32, #tpu.memory_space<hbm>>
        %dma_wait3A_289 = tpu.memref_squeeze %dma_wait3A_288 : memref<1x4096xf32, #tpu.memory_space<hbm>> -> memref<4096xf32, #tpu.memory_space<hbm>>
        tpu.wait_dma2 semaphore(%arg14 : memref<!tpu.dma_semaphore, #tpu.memory_space<semaphore_mem>>) src(%arg10 : memref<4096xf32, #tpu.memory_space<vmem>>) dst(%dma_wait3A_289 : memref<4096xf32, #tpu.memory_space<hbm>>)
      } else {
      }
      %scan3A_203 = arith.constant 0 : i32
      %scan3A_204 = arith.constant 8 : i32
      %scan3A_205 = arith.addi %scan3A_203, %scan3A_204 : i32
      %scan3A_206 = arith.constant 1 : i32
      scf.for %scan3A_282 = %scan3A_203 to %scan3A_205 step %scan3A_206  : i32 {
        %mul3A_283 = arith.constant 32 : i32
        %mul3A_284 = arith.muli %scan3A_282, %mul3A_283 : i32
        %add3A_285 = arith.constant 0 : i32
        %add3A_286 = arith.addi %mul3A_284, %add3A_285 : i32
        %mul3A_287 = arith.constant 16 : i32
        %mul3A_288 = arith.muli %add3A_286, %mul3A_287 : i32
        %add3A_289 = arith.constant 0 : i32
        %add3A_290 = arith.addi %add3A_289, %mul3A_288 : i32
        %get3A = arith.index_cast %add3A_290 : i32 to index
        %get3A_291 = tpu.vector_load %arg9[%get3A] {strides = array<i32>} : memref<16384xi32, #tpu.memory_space<vmem>>, vector<16xi32>,
        %gather3A = tpu.vector_load_idx %arg8[%get3A_291] : memref<100096xf32, #tpu.memory_space<vmem>>[vector<16xi32>], vector<16xf32>,
        %swap3A = arith.index_cast %mul3A_288 : i32 to index
        %swap3A_292 = tpu.vector_load %arg10[%swap3A] {strides = array<i32>} : memref<4096xf32, #tpu.memory_space<vmem>>, vector<16xf32>,
        tpu.vector_store %arg10[%swap3A], %gather3A {strides = array<i32>} : memref<4096xf32, #tpu.memory_space<vmem>>, vector<16xf32>,
        %mul3A_293 = arith.constant 32 : i32
        %mul3A_294 = arith.muli %scan3A_282, %mul3A_293 : i32
        %add3A_295 = arith.constant 1 : i32
        %add3A_296 = arith.addi %mul3A_294, %add3A_295 : i32
        %mul3A_297 = arith.constant 16 : i32
        %mul3A_298 = arith.muli %add3A_296, %mul3A_297 : i32
        %add3A_299 = arith.constant 0 : i32
        %add3A_300 = arith.addi %add3A_299, %mul3A_298 : i32
        %get3A_301 = arith.index_cast %add3A_300 : i32 to index
        %get3A_302 = tpu.vector_load %arg9[%get3A_301] {strides = array<i32>} : memref<16384xi32, #tpu.memory_space<vmem>>, vector<16xi32>,
        %gather3A_303 = tpu.vector_load_idx %arg8[%get3A_302] : memref<100096xf32, #tpu.memory_space<vmem>>[vector<16xi32>], vector<16xf32>,
        %swap3A_304 = arith.index_cast %mul3A_298 : i32 to index
        %swap3A_305 = tpu.vector_load %arg10[%swap3A_304] {strides = array<i32>} : memref<4096xf32, #tpu.memory_space<vmem>>, vector<16xf32>,
        tpu.vector_store %arg10[%swap3A_304], %gather3A_303 {strides = array<i32>} : memref<4096xf32, #tpu.memory_space<vmem>>, vector<16xf32>,
        %mul3A_306 = arith.constant 32 : i32
        %mul3A_307 = arith.muli %scan3A_282, %mul3A_306 : i32
        %add3A_308 = arith.constant 2 : i32
        %add3A_309 = arith.addi %mul3A_307, %add3A_308 : i32
        %mul3A_310 = arith.constant 16 : i32
        %mul3A_311 = arith.muli %add3A_309, %mul3A_310 : i32
        %add3A_312 = arith.constant 0 : i32
        %add3A_313 = arith.addi %add3A_312, %mul3A_311 : i32
        %get3A_314 = arith.index_cast %add3A_313 : i32 to index
        %get3A_315 = tpu.vector_load %arg9[%get3A_314] {strides = array<i32>} : memref<16384xi32, #tpu.memory_space<vmem>>, vector<16xi32>,
        %gather3A_316 = tpu.vector_load_idx %arg8[%get3A_315] : memref<100096xf32, #tpu.memory_space<vmem>>[vector<16xi32>], vector<16xf32>,
        %swap3A_317 = arith.index_cast %mul3A_311 : i32 to index
        %swap3A_318 = tpu.vector_load %arg10[%swap3A_317] {strides = array<i32>} : memref<4096xf32, #tpu.memory_space<vmem>>, vector<16xf32>,
        tpu.vector_store %arg10[%swap3A_317], %gather3A_316 {strides = array<i32>} : memref<4096xf32, #tpu.memory_space<vmem>>, vector<16xf32>,
        %mul3A_319 = arith.constant 32 : i32
        %mul3A_320 = arith.muli %scan3A_282, %mul3A_319 : i32
        %add3A_321 = arith.constant 3 : i32
        %add3A_322 = arith.addi %mul3A_320, %add3A_321 : i32
        %mul3A_323 = arith.constant 16 : i32
        %mul3A_324 = arith.muli %add3A_322, %mul3A_323 : i32
        %add3A_325 = arith.constant 0 : i32
        %add3A_326 = arith.addi %add3A_325, %mul3A_324 : i32
        %get3A_327 = arith.index_cast %add3A_326 : i32 to index
        %get3A_328 = tpu.vector_load %arg9[%get3A_327] {strides = array<i32>} : memref<16384xi32, #tpu.memory_space<vmem>>, vector<16xi32>,
        %gather3A_329 = tpu.vector_load_idx %arg8[%get3A_328] : memref<100096xf32, #tpu.memory_space<vmem>>[vector<16xi32>], vector<16xf32>,
        %swap3A_330 = arith.index_cast %mul3A_324 : i32 to index
        %swap3A_331 = tpu.vector_load %arg10[%swap3A_330] {strides = array<i32>} : memref<4096xf32, #tpu.memory_space<vmem>>, vector<16xf32>,
        tpu.vector_store %arg10[%swap3A_330], %gather3A_329 {strides = array<i32>} : memref<4096xf32, #tpu.memory_space<vmem>>, vector<16xf32>,
        %mul3A_332 = arith.constant 32 : i32
        %mul3A_333 = arith.muli %scan3A_282, %mul3A_332 : i32
        %add3A_334 = arith.constant 4 : i32
        %add3A_335 = arith.addi %mul3A_333, %add3A_334 : i32
        %mul3A_336 = arith.constant 16 : i32
        %mul3A_337 = arith.muli %add3A_335, %mul3A_336 : i32
        %add3A_338 = arith.constant 0 : i32
        %add3A_339 = arith.addi %add3A_338, %mul3A_337 : i32
        %get3A_340 = arith.index_cast %add3A_339 : i32 to index
        %get3A_341 = tpu.vector_load %arg9[%get3A_340] {strides = array<i32>} : memref<16384xi32, #tpu.memory_space<vmem>>, vector<16xi32>,
        %gather3A_342 = tpu.vector_load_idx %arg8[%get3A_341] : memref<100096xf32, #tpu.memory_space<vmem>>[vector<16xi32>], vector<16xf32>,
        %swap3A_343 = arith.index_cast %mul3A_337 : i32 to index
        %swap3A_344 = tpu.vector_load %arg10[%swap3A_343] {strides = array<i32>} : memref<4096xf32, #tpu.memory_space<vmem>>, vector<16xf32>,
        tpu.vector_store %arg10[%swap3A_343], %gather3A_342 {strides = array<i32>} : memref<4096xf32, #tpu.memory_space<vmem>>, vector<16xf32>,
        %mul3A_345 = arith.constant 32 : i32
        %mul3A_346 = arith.muli %scan3A_282, %mul3A_345 : i32
        %add3A_347 = arith.constant 5 : i32
        %add3A_348 = arith.addi %mul3A_346, %add3A_347 : i32
        %mul3A_349 = arith.constant 16 : i32
        %mul3A_350 = arith.muli %add3A_348, %mul3A_349 : i32
        %add3A_351 = arith.constant 0 : i32
        %add3A_352 = arith.addi %add3A_351, %mul3A_350 : i32
        %get3A_353 = arith.index_cast %add3A_352 : i32 to index
        %get3A_354 = tpu.vector_load %arg9[%get3A_353] {strides = array<i32>} : memref<16384xi32, #tpu.memory_space<vmem>>, vector<16xi32>,
        %gather3A_355 = tpu.vector_load_idx %arg8[%get3A_354] : memref<100096xf32, #tpu.memory_space<vmem>>[vector<16xi32>], vector<16xf32>,
        %swap3A_356 = arith.index_cast %mul3A_350 : i32 to index
        %swap3A_357 = tpu.vector_load %arg10[%swap3A_356] {strides = array<i32>} : memref<4096xf32, #tpu.memory_space<vmem>>, vector<16xf32>,
        tpu.vector_store %arg10[%swap3A_356], %gather3A_355 {strides = array<i32>} : memref<4096xf32, #tpu.memory_space<vmem>>, vector<16xf32>,
        %mul3A_358 = arith.constant 32 : i32
        %mul3A_359 = arith.muli %scan3A_282, %mul3A_358 : i32
        %add3A_360 = arith.constant 6 : i32
        %add3A_361 = arith.addi %mul3A_359, %add3A_360 : i32
        %mul3A_362 = arith.constant 16 : i32
        %mul3A_363 = arith.muli %add3A_361, %mul3A_362 : i32
        %add3A_364 = arith.constant 0 : i32
        %add3A_365 = arith.addi %add3A_364, %mul3A_363 : i32
        %get3A_366 = arith.index_cast %add3A_365 : i32 to index
        %get3A_367 = tpu.vector_load %arg9[%get3A_366] {strides = array<i32>} : memref<16384xi32, #tpu.memory_space<vmem>>, vector<16xi32>,
        %gather3A_368 = tpu.vector_load_idx %arg8[%get3A_367] : memref<100096xf32, #tpu.memory_space<vmem>>[vector<16xi32>], vector<16xf32>,
        %swap3A_369 = arith.index_cast %mul3A_363 : i32 to index
        %swap3A_370 = tpu.vector_load %arg10[%swap3A_369] {strides = array<i32>} : memref<4096xf32, #tpu.memory_space<vmem>>, vector<16xf32>,
        tpu.vector_store %arg10[%swap3A_369], %gather3A_368 {strides = array<i32>} : memref<4096xf32, #tpu.memory_space<vmem>>, vector<16xf32>,
        %mul3A_371 = arith.constant 32 : i32
        %mul3A_372 = arith.muli %scan3A_282, %mul3A_371 : i32
        %add3A_373 = arith.constant 7 : i32
        %add3A_374 = arith.addi %mul3A_372, %add3A_373 : i32
        %mul3A_375 = arith.constant 16 : i32
        %mul3A_376 = arith.muli %add3A_374, %mul3A_375 : i32
        %add3A_377 = arith.constant 0 : i32
        %add3A_378 = arith.addi %add3A_377, %mul3A_376 : i32
        %get3A_379 = arith.index_cast %add3A_378 : i32 to index
        %get3A_380 = tpu.vector_load %arg9[%get3A_379] {strides = array<i32>} : memref<16384xi32, #tpu.memory_space<vmem>>, vector<16xi32>,
        %gather3A_381 = tpu.vector_load_idx %arg8[%get3A_380] : memref<100096xf32, #tpu.memory_space<vmem>>[vector<16xi32>], vector<16xf32>,
        %swap3A_382 = arith.index_cast %mul3A_376 : i32 to index
        %swap3A_383 = tpu.vector_load %arg10[%swap3A_382] {strides = array<i32>} : memref<4096xf32, #tpu.memory_space<vmem>>, vector<16xf32>,
        tpu.vector_store %arg10[%swap3A_382], %gather3A_381 {strides = array<i32>} : memref<4096xf32, #tpu.memory_space<vmem>>, vector<16xf32>,
        %mul3A_384 = arith.constant 32 : i32
        %mul3A_385 = arith.muli %scan3A_282, %mul3A_384 : i32
        %add3A_386 = arith.constant 8 : i32
        %add3A_387 = arith.addi %mul3A_385, %add3A_386 : i32
        %mul3A_388 = arith.constant 16 : i32
        %mul3A_389 = arith.muli %add3A_387, %mul3A_388 : i32
        %add3A_390 = arith.constant 0 : i32
        %add3A_391 = arith.addi %add3A_390, %mul3A_389 : i32
        %get3A_392 = arith.index_cast %add3A_391 : i32 to index
        %get3A_393 = tpu.vector_load %arg9[%get3A_392] {strides = array<i32>} : memref<16384xi32, #tpu.memory_space<vmem>>, vector<16xi32>,
        %gather3A_394 = tpu.vector_load_idx %arg8[%get3A_393] : memref<100096xf32, #tpu.memory_space<vmem>>[vector<16xi32>], vector<16xf32>,
        %swap3A_395 = arith.index_cast %mul3A_389 : i32 to index
        %swap3A_396 = tpu.vector_load %arg10[%swap3A_395] {strides = array<i32>} : memref<4096xf32, #tpu.memory_space<vmem>>, vector<16xf32>,
        tpu.vector_store %arg10[%swap3A_395], %gather3A_394 {strides = array<i32>} : memref<4096xf32, #tpu.memory_space<vmem>>, vector<16xf32>,
        %mul3A_397 = arith.constant 32 : i32
        %mul3A_398 = arith.muli %scan3A_282, %mul3A_397 : i32
        %add3A_399 = arith.constant 9 : i32
        %add3A_400 = arith.addi %mul3A_398, %add3A_399 : i32
        %mul3A_401 = arith.constant 16 : i32
        %mul3A_402 = arith.muli %add3A_400, %mul3A_401 : i32
        %add3A_403 = arith.constant 0 : i32
        %add3A_404 = arith.addi %add3A_403, %mul3A_402 : i32
        %get3A_405 = arith.index_cast %add3A_404 : i32 to index
        %get3A_406 = tpu.vector_load %arg9[%get3A_405] {strides = array<i32>} : memref<16384xi32, #tpu.memory_space<vmem>>, vector<16xi32>,
        %gather3A_407 = tpu.vector_load_idx %arg8[%get3A_406] : memref<100096xf32, #tpu.memory_space<vmem>>[vector<16xi32>], vector<16xf32>,
        %swap3A_408 = arith.index_cast %mul3A_402 : i32 to index
        %swap3A_409 = tpu.vector_load %arg10[%swap3A_408] {strides = array<i32>} : memref<4096xf32, #tpu.memory_space<vmem>>, vector<16xf32>,
        tpu.vector_store %arg10[%swap3A_408], %gather3A_407 {strides = array<i32>} : memref<4096xf32, #tpu.memory_space<vmem>>, vector<16xf32>,
        %mul3A_410 = arith.constant 32 : i32
        %mul3A_411 = arith.muli %scan3A_282, %mul3A_410 : i32
        %add3A_412 = arith.constant 10 : i32
        %add3A_413 = arith.addi %mul3A_411, %add3A_412 : i32
        %mul3A_414 = arith.constant 16 : i32
        %mul3A_415 = arith.muli %add3A_413, %mul3A_414 : i32
        %add3A_416 = arith.constant 0 : i32
        %add3A_417 = arith.addi %add3A_416, %mul3A_415 : i32
        %get3A_418 = arith.index_cast %add3A_417 : i32 to index
        %get3A_419 = tpu.vector_load %arg9[%get3A_418] {strides = array<i32>} : memref<16384xi32, #tpu.memory_space<vmem>>, vector<16xi32>,
        %gather3A_420 = tpu.vector_load_idx %arg8[%get3A_419] : memref<100096xf32, #tpu.memory_space<vmem>>[vector<16xi32>], vector<16xf32>,
        %swap3A_421 = arith.index_cast %mul3A_415 : i32 to index
        %swap3A_422 = tpu.vector_load %arg10[%swap3A_421] {strides = array<i32>} : memref<4096xf32, #tpu.memory_space<vmem>>, vector<16xf32>,
        tpu.vector_store %arg10[%swap3A_421], %gather3A_420 {strides = array<i32>} : memref<4096xf32, #tpu.memory_space<vmem>>, vector<16xf32>,
        %mul3A_423 = arith.constant 32 : i32
        %mul3A_424 = arith.muli %scan3A_282, %mul3A_423 : i32
        %add3A_425 = arith.constant 11 : i32
        %add3A_426 = arith.addi %mul3A_424, %add3A_425 : i32
        %mul3A_427 = arith.constant 16 : i32
        %mul3A_428 = arith.muli %add3A_426, %mul3A_427 : i32
        %add3A_429 = arith.constant 0 : i32
        %add3A_430 = arith.addi %add3A_429, %mul3A_428 : i32
        %get3A_431 = arith.index_cast %add3A_430 : i32 to index
        %get3A_432 = tpu.vector_load %arg9[%get3A_431] {strides = array<i32>} : memref<16384xi32, #tpu.memory_space<vmem>>, vector<16xi32>,
        %gather3A_433 = tpu.vector_load_idx %arg8[%get3A_432] : memref<100096xf32, #tpu.memory_space<vmem>>[vector<16xi32>], vector<16xf32>,
        %swap3A_434 = arith.index_cast %mul3A_428 : i32 to index
        %swap3A_435 = tpu.vector_load %arg10[%swap3A_434] {strides = array<i32>} : memref<4096xf32, #tpu.memory_space<vmem>>, vector<16xf32>,
        tpu.vector_store %arg10[%swap3A_434], %gather3A_433 {strides = array<i32>} : memref<4096xf32, #tpu.memory_space<vmem>>, vector<16xf32>,
        %mul3A_436 = arith.constant 32 : i32
        %mul3A_437 = arith.muli %scan3A_282, %mul3A_436 : i32
        %add3A_438 = arith.constant 12 : i32
        %add3A_439 = arith.addi %mul3A_437, %add3A_438 : i32
        %mul3A_440 = arith.constant 16 : i32
        %mul3A_441 = arith.muli %add3A_439, %mul3A_440 : i32
        %add3A_442 = arith.constant 0 : i32
        %add3A_443 = arith.addi %add3A_442, %mul3A_441 : i32
        %get3A_444 = arith.index_cast %add3A_443 : i32 to index
        %get3A_445 = tpu.vector_load %arg9[%get3A_444] {strides = array<i32>} : memref<16384xi32, #tpu.memory_space<vmem>>, vector<16xi32>,
        %gather3A_446 = tpu.vector_load_idx %arg8[%get3A_445] : memref<100096xf32, #tpu.memory_space<vmem>>[vector<16xi32>], vector<16xf32>,
        %swap3A_447 = arith.index_cast %mul3A_441 : i32 to index
        %swap3A_448 = tpu.vector_load %arg10[%swap3A_447] {strides = array<i32>} : memref<4096xf32, #tpu.memory_space<vmem>>, vector<16xf32>,
        tpu.vector_store %arg10[%swap3A_447], %gather3A_446 {strides = array<i32>} : memref<4096xf32, #tpu.memory_space<vmem>>, vector<16xf32>,
        %mul3A_449 = arith.constant 32 : i32
        %mul3A_450 = arith.muli %scan3A_282, %mul3A_449 : i32
        %add3A_451 = arith.constant 13 : i32
        %add3A_452 = arith.addi %mul3A_450, %add3A_451 : i32
        %mul3A_453 = arith.constant 16 : i32
        %mul3A_454 = arith.muli %add3A_452, %mul3A_453 : i32
        %add3A_455 = arith.constant 0 : i32
        %add3A_456 = arith.addi %add3A_455, %mul3A_454 : i32
        %get3A_457 = arith.index_cast %add3A_456 : i32 to index
        %get3A_458 = tpu.vector_load %arg9[%get3A_457] {strides = array<i32>} : memref<16384xi32, #tpu.memory_space<vmem>>, vector<16xi32>,
        %gather3A_459 = tpu.vector_load_idx %arg8[%get3A_458] : memref<100096xf32, #tpu.memory_space<vmem>>[vector<16xi32>], vector<16xf32>,
        %swap3A_460 = arith.index_cast %mul3A_454 : i32 to index
        %swap3A_461 = tpu.vector_load %arg10[%swap3A_460] {strides = array<i32>} : memref<4096xf32, #tpu.memory_space<vmem>>, vector<16xf32>,
        tpu.vector_store %arg10[%swap3A_460], %gather3A_459 {strides = array<i32>} : memref<4096xf32, #tpu.memory_space<vmem>>, vector<16xf32>,
        %mul3A_462 = arith.constant 32 : i32
        %mul3A_463 = arith.muli %scan3A_282, %mul3A_462 : i32
        %add3A_464 = arith.constant 14 : i32
        %add3A_465 = arith.addi %mul3A_463, %add3A_464 : i32
        %mul3A_466 = arith.constant 16 : i32
        %mul3A_467 = arith.muli %add3A_465, %mul3A_466 : i32
        %add3A_468 = arith.constant 0 : i32
        %add3A_469 = arith.addi %add3A_468, %mul3A_467 : i32
        %get3A_470 = arith.index_cast %add3A_469 : i32 to index
        %get3A_471 = tpu.vector_load %arg9[%get3A_470] {strides = array<i32>} : memref<16384xi32, #tpu.memory_space<vmem>>, vector<16xi32>,
        %gather3A_472 = tpu.vector_load_idx %arg8[%get3A_471] : memref<100096xf32, #tpu.memory_space<vmem>>[vector<16xi32>], vector<16xf32>,
        %swap3A_473 = arith.index_cast %mul3A_467 : i32 to index
        %swap3A_474 = tpu.vector_load %arg10[%swap3A_473] {strides = array<i32>} : memref<4096xf32, #tpu.memory_space<vmem>>, vector<16xf32>,
        tpu.vector_store %arg10[%swap3A_473], %gather3A_472 {strides = array<i32>} : memref<4096xf32, #tpu.memory_space<vmem>>, vector<16xf32>,
        %mul3A_475 = arith.constant 32 : i32
        %mul3A_476 = arith.muli %scan3A_282, %mul3A_475 : i32
        %add3A_477 = arith.constant 15 : i32
        %add3A_478 = arith.addi %mul3A_476, %add3A_477 : i32
        %mul3A_479 = arith.constant 16 : i32
        %mul3A_480 = arith.muli %add3A_478, %mul3A_479 : i32
        %add3A_481 = arith.constant 0 : i32
        %add3A_482 = arith.addi %add3A_481, %mul3A_480 : i32
        %get3A_483 = arith.index_cast %add3A_482 : i32 to index
        %get3A_484 = tpu.vector_load %arg9[%get3A_483] {strides = array<i32>} : memref<16384xi32, #tpu.memory_space<vmem>>, vector<16xi32>,
        %gather3A_485 = tpu.vector_load_idx %arg8[%get3A_484] : memref<100096xf32, #tpu.memory_space<vmem>>[vector<16xi32>], vector<16xf32>,
        %swap3A_486 = arith.index_cast %mul3A_480 : i32 to index
        %swap3A_487 = tpu.vector_load %arg10[%swap3A_486] {strides = array<i32>} : memref<4096xf32, #tpu.memory_space<vmem>>, vector<16xf32>,
        tpu.vector_store %arg10[%swap3A_486], %gather3A_485 {strides = array<i32>} : memref<4096xf32, #tpu.memory_space<vmem>>, vector<16xf32>,
        %mul3A_488 = arith.constant 32 : i32
        %mul3A_489 = arith.muli %scan3A_282, %mul3A_488 : i32
        %add3A_490 = arith.constant 16 : i32
        %add3A_491 = arith.addi %mul3A_489, %add3A_490 : i32
        %mul3A_492 = arith.constant 16 : i32
        %mul3A_493 = arith.muli %add3A_491, %mul3A_492 : i32
        %add3A_494 = arith.constant 0 : i32
        %add3A_495 = arith.addi %add3A_494, %mul3A_493 : i32
        %get3A_496 = arith.index_cast %add3A_495 : i32 to index
        %get3A_497 = tpu.vector_load %arg9[%get3A_496] {strides = array<i32>} : memref<16384xi32, #tpu.memory_space<vmem>>, vector<16xi32>,
        %gather3A_498 = tpu.vector_load_idx %arg8[%get3A_497] : memref<100096xf32, #tpu.memory_space<vmem>>[vector<16xi32>], vector<16xf32>,
        %swap3A_499 = arith.index_cast %mul3A_493 : i32 to index
        %swap3A_500 = tpu.vector_load %arg10[%swap3A_499] {strides = array<i32>} : memref<4096xf32, #tpu.memory_space<vmem>>, vector<16xf32>,
        tpu.vector_store %arg10[%swap3A_499], %gather3A_498 {strides = array<i32>} : memref<4096xf32, #tpu.memory_space<vmem>>, vector<16xf32>,
        %mul3A_501 = arith.constant 32 : i32
        %mul3A_502 = arith.muli %scan3A_282, %mul3A_501 : i32
        %add3A_503 = arith.constant 17 : i32
        %add3A_504 = arith.addi %mul3A_502, %add3A_503 : i32
        %mul3A_505 = arith.constant 16 : i32
        %mul3A_506 = arith.muli %add3A_504, %mul3A_505 : i32
        %add3A_507 = arith.constant 0 : i32
        %add3A_508 = arith.addi %add3A_507, %mul3A_506 : i32
        %get3A_509 = arith.index_cast %add3A_508 : i32 to index
        %get3A_510 = tpu.vector_load %arg9[%get3A_509] {strides = array<i32>} : memref<16384xi32, #tpu.memory_space<vmem>>, vector<16xi32>,
        %gather3A_511 = tpu.vector_load_idx %arg8[%get3A_510] : memref<100096xf32, #tpu.memory_space<vmem>>[vector<16xi32>], vector<16xf32>,
        %swap3A_512 = arith.index_cast %mul3A_506 : i32 to index
        %swap3A_513 = tpu.vector_load %arg10[%swap3A_512] {strides = array<i32>} : memref<4096xf32, #tpu.memory_space<vmem>>, vector<16xf32>,
        tpu.vector_store %arg10[%swap3A_512], %gather3A_511 {strides = array<i32>} : memref<4096xf32, #tpu.memory_space<vmem>>, vector<16xf32>,
        %mul3A_514 = arith.constant 32 : i32
        %mul3A_515 = arith.muli %scan3A_282, %mul3A_514 : i32
        %add3A_516 = arith.constant 18 : i32
        %add3A_517 = arith.addi %mul3A_515, %add3A_516 : i32
        %mul3A_518 = arith.constant 16 : i32
        %mul3A_519 = arith.muli %add3A_517, %mul3A_518 : i32
        %add3A_520 = arith.constant 0 : i32
        %add3A_521 = arith.addi %add3A_520, %mul3A_519 : i32
        %get3A_522 = arith.index_cast %add3A_521 : i32 to index
        %get3A_523 = tpu.vector_load %arg9[%get3A_522] {strides = array<i32>} : memref<16384xi32, #tpu.memory_space<vmem>>, vector<16xi32>,
        %gather3A_524 = tpu.vector_load_idx %arg8[%get3A_523] : memref<100096xf32, #tpu.memory_space<vmem>>[vector<16xi32>], vector<16xf32>,
        %swap3A_525 = arith.index_cast %mul3A_519 : i32 to index
        %swap3A_526 = tpu.vector_load %arg10[%swap3A_525] {strides = array<i32>} : memref<4096xf32, #tpu.memory_space<vmem>>, vector<16xf32>,
        tpu.vector_store %arg10[%swap3A_525], %gather3A_524 {strides = array<i32>} : memref<4096xf32, #tpu.memory_space<vmem>>, vector<16xf32>,
        %mul3A_527 = arith.constant 32 : i32
        %mul3A_528 = arith.muli %scan3A_282, %mul3A_527 : i32
        %add3A_529 = arith.constant 19 : i32
        %add3A_530 = arith.addi %mul3A_528, %add3A_529 : i32
        %mul3A_531 = arith.constant 16 : i32
        %mul3A_532 = arith.muli %add3A_530, %mul3A_531 : i32
        %add3A_533 = arith.constant 0 : i32
        %add3A_534 = arith.addi %add3A_533, %mul3A_532 : i32
        %get3A_535 = arith.index_cast %add3A_534 : i32 to index
        %get3A_536 = tpu.vector_load %arg9[%get3A_535] {strides = array<i32>} : memref<16384xi32, #tpu.memory_space<vmem>>, vector<16xi32>,
        %gather3A_537 = tpu.vector_load_idx %arg8[%get3A_536] : memref<100096xf32, #tpu.memory_space<vmem>>[vector<16xi32>], vector<16xf32>,
        %swap3A_538 = arith.index_cast %mul3A_532 : i32 to index
        %swap3A_539 = tpu.vector_load %arg10[%swap3A_538] {strides = array<i32>} : memref<4096xf32, #tpu.memory_space<vmem>>, vector<16xf32>,
        tpu.vector_store %arg10[%swap3A_538], %gather3A_537 {strides = array<i32>} : memref<4096xf32, #tpu.memory_space<vmem>>, vector<16xf32>,
        %mul3A_540 = arith.constant 32 : i32
        %mul3A_541 = arith.muli %scan3A_282, %mul3A_540 : i32
        %add3A_542 = arith.constant 20 : i32
        %add3A_543 = arith.addi %mul3A_541, %add3A_542 : i32
        %mul3A_544 = arith.constant 16 : i32
        %mul3A_545 = arith.muli %add3A_543, %mul3A_544 : i32
        %add3A_546 = arith.constant 0 : i32
        %add3A_547 = arith.addi %add3A_546, %mul3A_545 : i32
        %get3A_548 = arith.index_cast %add3A_547 : i32 to index
        %get3A_549 = tpu.vector_load %arg9[%get3A_548] {strides = array<i32>} : memref<16384xi32, #tpu.memory_space<vmem>>, vector<16xi32>,
        %gather3A_550 = tpu.vector_load_idx %arg8[%get3A_549] : memref<100096xf32, #tpu.memory_space<vmem>>[vector<16xi32>], vector<16xf32>,
        %swap3A_551 = arith.index_cast %mul3A_545 : i32 to index
        %swap3A_552 = tpu.vector_load %arg10[%swap3A_551] {strides = array<i32>} : memref<4096xf32, #tpu.memory_space<vmem>>, vector<16xf32>,
        tpu.vector_store %arg10[%swap3A_551], %gather3A_550 {strides = array<i32>} : memref<4096xf32, #tpu.memory_space<vmem>>, vector<16xf32>,
        %mul3A_553 = arith.constant 32 : i32
        %mul3A_554 = arith.muli %scan3A_282, %mul3A_553 : i32
        %add3A_555 = arith.constant 21 : i32
        %add3A_556 = arith.addi %mul3A_554, %add3A_555 : i32
        %mul3A_557 = arith.constant 16 : i32
        %mul3A_558 = arith.muli %add3A_556, %mul3A_557 : i32
        %add3A_559 = arith.constant 0 : i32
        %add3A_560 = arith.addi %add3A_559, %mul3A_558 : i32
        %get3A_561 = arith.index_cast %add3A_560 : i32 to index
        %get3A_562 = tpu.vector_load %arg9[%get3A_561] {strides = array<i32>} : memref<16384xi32, #tpu.memory_space<vmem>>, vector<16xi32>,
        %gather3A_563 = tpu.vector_load_idx %arg8[%get3A_562] : memref<100096xf32, #tpu.memory_space<vmem>>[vector<16xi32>], vector<16xf32>,
        %swap3A_564 = arith.index_cast %mul3A_558 : i32 to index
        %swap3A_565 = tpu.vector_load %arg10[%swap3A_564] {strides = array<i32>} : memref<4096xf32, #tpu.memory_space<vmem>>, vector<16xf32>,
        tpu.vector_store %arg10[%swap3A_564], %gather3A_563 {strides = array<i32>} : memref<4096xf32, #tpu.memory_space<vmem>>, vector<16xf32>,
        %mul3A_566 = arith.constant 32 : i32
        %mul3A_567 = arith.muli %scan3A_282, %mul3A_566 : i32
        %add3A_568 = arith.constant 22 : i32
        %add3A_569 = arith.addi %mul3A_567, %add3A_568 : i32
        %mul3A_570 = arith.constant 16 : i32
        %mul3A_571 = arith.muli %add3A_569, %mul3A_570 : i32
        %add3A_572 = arith.constant 0 : i32
        %add3A_573 = arith.addi %add3A_572, %mul3A_571 : i32
        %get3A_574 = arith.index_cast %add3A_573 : i32 to index
        %get3A_575 = tpu.vector_load %arg9[%get3A_574] {strides = array<i32>} : memref<16384xi32, #tpu.memory_space<vmem>>, vector<16xi32>,
        %gather3A_576 = tpu.vector_load_idx %arg8[%get3A_575] : memref<100096xf32, #tpu.memory_space<vmem>>[vector<16xi32>], vector<16xf32>,
        %swap3A_577 = arith.index_cast %mul3A_571 : i32 to index
        %swap3A_578 = tpu.vector_load %arg10[%swap3A_577] {strides = array<i32>} : memref<4096xf32, #tpu.memory_space<vmem>>, vector<16xf32>,
        tpu.vector_store %arg10[%swap3A_577], %gather3A_576 {strides = array<i32>} : memref<4096xf32, #tpu.memory_space<vmem>>, vector<16xf32>,
        %mul3A_579 = arith.constant 32 : i32
        %mul3A_580 = arith.muli %scan3A_282, %mul3A_579 : i32
        %add3A_581 = arith.constant 23 : i32
        %add3A_582 = arith.addi %mul3A_580, %add3A_581 : i32
        %mul3A_583 = arith.constant 16 : i32
        %mul3A_584 = arith.muli %add3A_582, %mul3A_583 : i32
        %add3A_585 = arith.constant 0 : i32
        %add3A_586 = arith.addi %add3A_585, %mul3A_584 : i32
        %get3A_587 = arith.index_cast %add3A_586 : i32 to index
        %get3A_588 = tpu.vector_load %arg9[%get3A_587] {strides = array<i32>} : memref<16384xi32, #tpu.memory_space<vmem>>, vector<16xi32>,
        %gather3A_589 = tpu.vector_load_idx %arg8[%get3A_588] : memref<100096xf32, #tpu.memory_space<vmem>>[vector<16xi32>], vector<16xf32>,
        %swap3A_590 = arith.index_cast %mul3A_584 : i32 to index
        %swap3A_591 = tpu.vector_load %arg10[%swap3A_590] {strides = array<i32>} : memref<4096xf32, #tpu.memory_space<vmem>>, vector<16xf32>,
        tpu.vector_store %arg10[%swap3A_590], %gather3A_589 {strides = array<i32>} : memref<4096xf32, #tpu.memory_space<vmem>>, vector<16xf32>,
        %mul3A_592 = arith.constant 32 : i32
        %mul3A_593 = arith.muli %scan3A_282, %mul3A_592 : i32
        %add3A_594 = arith.constant 24 : i32
        %add3A_595 = arith.addi %mul3A_593, %add3A_594 : i32
        %mul3A_596 = arith.constant 16 : i32
        %mul3A_597 = arith.muli %add3A_595, %mul3A_596 : i32
        %add3A_598 = arith.constant 0 : i32
        %add3A_599 = arith.addi %add3A_598, %mul3A_597 : i32
        %get3A_600 = arith.index_cast %add3A_599 : i32 to index
        %get3A_601 = tpu.vector_load %arg9[%get3A_600] {strides = array<i32>} : memref<16384xi32, #tpu.memory_space<vmem>>, vector<16xi32>,
        %gather3A_602 = tpu.vector_load_idx %arg8[%get3A_601] : memref<100096xf32, #tpu.memory_space<vmem>>[vector<16xi32>], vector<16xf32>,
        %swap3A_603 = arith.index_cast %mul3A_597 : i32 to index
        %swap3A_604 = tpu.vector_load %arg10[%swap3A_603] {strides = array<i32>} : memref<4096xf32, #tpu.memory_space<vmem>>, vector<16xf32>,
        tpu.vector_store %arg10[%swap3A_603], %gather3A_602 {strides = array<i32>} : memref<4096xf32, #tpu.memory_space<vmem>>, vector<16xf32>,
        %mul3A_605 = arith.constant 32 : i32
        %mul3A_606 = arith.muli %scan3A_282, %mul3A_605 : i32
        %add3A_607 = arith.constant 25 : i32
        %add3A_608 = arith.addi %mul3A_606, %add3A_607 : i32
        %mul3A_609 = arith.constant 16 : i32
        %mul3A_610 = arith.muli %add3A_608, %mul3A_609 : i32
        %add3A_611 = arith.constant 0 : i32
        %add3A_612 = arith.addi %add3A_611, %mul3A_610 : i32
        %get3A_613 = arith.index_cast %add3A_612 : i32 to index
        %get3A_614 = tpu.vector_load %arg9[%get3A_613] {strides = array<i32>} : memref<16384xi32, #tpu.memory_space<vmem>>, vector<16xi32>,
        %gather3A_615 = tpu.vector_load_idx %arg8[%get3A_614] : memref<100096xf32, #tpu.memory_space<vmem>>[vector<16xi32>], vector<16xf32>,
        %swap3A_616 = arith.index_cast %mul3A_610 : i32 to index
        %swap3A_617 = tpu.vector_load %arg10[%swap3A_616] {strides = array<i32>} : memref<4096xf32, #tpu.memory_space<vmem>>, vector<16xf32>,
        tpu.vector_store %arg10[%swap3A_616], %gather3A_615 {strides = array<i32>} : memref<4096xf32, #tpu.memory_space<vmem>>, vector<16xf32>,
        %mul3A_618 = arith.constant 32 : i32
        %mul3A_619 = arith.muli %scan3A_282, %mul3A_618 : i32
        %add3A_620 = arith.constant 26 : i32
        %add3A_621 = arith.addi %mul3A_619, %add3A_620 : i32
        %mul3A_622 = arith.constant 16 : i32
        %mul3A_623 = arith.muli %add3A_621, %mul3A_622 : i32
        %add3A_624 = arith.constant 0 : i32
        %add3A_625 = arith.addi %add3A_624, %mul3A_623 : i32
        %get3A_626 = arith.index_cast %add3A_625 : i32 to index
        %get3A_627 = tpu.vector_load %arg9[%get3A_626] {strides = array<i32>} : memref<16384xi32, #tpu.memory_space<vmem>>, vector<16xi32>,
        %gather3A_628 = tpu.vector_load_idx %arg8[%get3A_627] : memref<100096xf32, #tpu.memory_space<vmem>>[vector<16xi32>], vector<16xf32>,
        %swap3A_629 = arith.index_cast %mul3A_623 : i32 to index
        %swap3A_630 = tpu.vector_load %arg10[%swap3A_629] {strides = array<i32>} : memref<4096xf32, #tpu.memory_space<vmem>>, vector<16xf32>,
        tpu.vector_store %arg10[%swap3A_629], %gather3A_628 {strides = array<i32>} : memref<4096xf32, #tpu.memory_space<vmem>>, vector<16xf32>,
        %mul3A_631 = arith.constant 32 : i32
        %mul3A_632 = arith.muli %scan3A_282, %mul3A_631 : i32
        %add3A_633 = arith.constant 27 : i32
        %add3A_634 = arith.addi %mul3A_632, %add3A_633 : i32
        %mul3A_635 = arith.constant 16 : i32
        %mul3A_636 = arith.muli %add3A_634, %mul3A_635 : i32
        %add3A_637 = arith.constant 0 : i32
        %add3A_638 = arith.addi %add3A_637, %mul3A_636 : i32
        %get3A_639 = arith.index_cast %add3A_638 : i32 to index
        %get3A_640 = tpu.vector_load %arg9[%get3A_639] {strides = array<i32>} : memref<16384xi32, #tpu.memory_space<vmem>>, vector<16xi32>,
        %gather3A_641 = tpu.vector_load_idx %arg8[%get3A_640] : memref<100096xf32, #tpu.memory_space<vmem>>[vector<16xi32>], vector<16xf32>,
        %swap3A_642 = arith.index_cast %mul3A_636 : i32 to index
        %swap3A_643 = tpu.vector_load %arg10[%swap3A_642] {strides = array<i32>} : memref<4096xf32, #tpu.memory_space<vmem>>, vector<16xf32>,
        tpu.vector_store %arg10[%swap3A_642], %gather3A_641 {strides = array<i32>} : memref<4096xf32, #tpu.memory_space<vmem>>, vector<16xf32>,
        %mul3A_644 = arith.constant 32 : i32
        %mul3A_645 = arith.muli %scan3A_282, %mul3A_644 : i32
        %add3A_646 = arith.constant 28 : i32
        %add3A_647 = arith.addi %mul3A_645, %add3A_646 : i32
        %mul3A_648 = arith.constant 16 : i32
        %mul3A_649 = arith.muli %add3A_647, %mul3A_648 : i32
        %add3A_650 = arith.constant 0 : i32
        %add3A_651 = arith.addi %add3A_650, %mul3A_649 : i32
        %get3A_652 = arith.index_cast %add3A_651 : i32 to index
        %get3A_653 = tpu.vector_load %arg9[%get3A_652] {strides = array<i32>} : memref<16384xi32, #tpu.memory_space<vmem>>, vector<16xi32>,
        %gather3A_654 = tpu.vector_load_idx %arg8[%get3A_653] : memref<100096xf32, #tpu.memory_space<vmem>>[vector<16xi32>], vector<16xf32>,
        %swap3A_655 = arith.index_cast %mul3A_649 : i32 to index
        %swap3A_656 = tpu.vector_load %arg10[%swap3A_655] {strides = array<i32>} : memref<4096xf32, #tpu.memory_space<vmem>>, vector<16xf32>,
        tpu.vector_store %arg10[%swap3A_655], %gather3A_654 {strides = array<i32>} : memref<4096xf32, #tpu.memory_space<vmem>>, vector<16xf32>,
        %mul3A_657 = arith.constant 32 : i32
        %mul3A_658 = arith.muli %scan3A_282, %mul3A_657 : i32
        %add3A_659 = arith.constant 29 : i32
        %add3A_660 = arith.addi %mul3A_658, %add3A_659 : i32
        %mul3A_661 = arith.constant 16 : i32
        %mul3A_662 = arith.muli %add3A_660, %mul3A_661 : i32
        %add3A_663 = arith.constant 0 : i32
        %add3A_664 = arith.addi %add3A_663, %mul3A_662 : i32
        %get3A_665 = arith.index_cast %add3A_664 : i32 to index
        %get3A_666 = tpu.vector_load %arg9[%get3A_665] {strides = array<i32>} : memref<16384xi32, #tpu.memory_space<vmem>>, vector<16xi32>,
        %gather3A_667 = tpu.vector_load_idx %arg8[%get3A_666] : memref<100096xf32, #tpu.memory_space<vmem>>[vector<16xi32>], vector<16xf32>,
        %swap3A_668 = arith.index_cast %mul3A_662 : i32 to index
        %swap3A_669 = tpu.vector_load %arg10[%swap3A_668] {strides = array<i32>} : memref<4096xf32, #tpu.memory_space<vmem>>, vector<16xf32>,
        tpu.vector_store %arg10[%swap3A_668], %gather3A_667 {strides = array<i32>} : memref<4096xf32, #tpu.memory_space<vmem>>, vector<16xf32>,
        %mul3A_670 = arith.constant 32 : i32
        %mul3A_671 = arith.muli %scan3A_282, %mul3A_670 : i32
        %add3A_672 = arith.constant 30 : i32
        %add3A_673 = arith.addi %mul3A_671, %add3A_672 : i32
        %mul3A_674 = arith.constant 16 : i32
        %mul3A_675 = arith.muli %add3A_673, %mul3A_674 : i32
        %add3A_676 = arith.constant 0 : i32
        %add3A_677 = arith.addi %add3A_676, %mul3A_675 : i32
        %get3A_678 = arith.index_cast %add3A_677 : i32 to index
        %get3A_679 = tpu.vector_load %arg9[%get3A_678] {strides = array<i32>} : memref<16384xi32, #tpu.memory_space<vmem>>, vector<16xi32>,
        %gather3A_680 = tpu.vector_load_idx %arg8[%get3A_679] : memref<100096xf32, #tpu.memory_space<vmem>>[vector<16xi32>], vector<16xf32>,
        %swap3A_681 = arith.index_cast %mul3A_675 : i32 to index
        %swap3A_682 = tpu.vector_load %arg10[%swap3A_681] {strides = array<i32>} : memref<4096xf32, #tpu.memory_space<vmem>>, vector<16xf32>,
        tpu.vector_store %arg10[%swap3A_681], %gather3A_680 {strides = array<i32>} : memref<4096xf32, #tpu.memory_space<vmem>>, vector<16xf32>,
        %mul3A_683 = arith.constant 32 : i32
        %mul3A_684 = arith.muli %scan3A_282, %mul3A_683 : i32
        %add3A_685 = arith.constant 31 : i32
        %add3A_686 = arith.addi %mul3A_684, %add3A_685 : i32
        %mul3A_687 = arith.constant 16 : i32
        %mul3A_688 = arith.muli %add3A_686, %mul3A_687 : i32
        %add3A_689 = arith.constant 0 : i32
        %add3A_690 = arith.addi %add3A_689, %mul3A_688 : i32
        %get3A_691 = arith.index_cast %add3A_690 : i32 to index
        %get3A_692 = tpu.vector_load %arg9[%get3A_691] {strides = array<i32>} : memref<16384xi32, #tpu.memory_space<vmem>>, vector<16xi32>,
        %gather3A_693 = tpu.vector_load_idx %arg8[%get3A_692] : memref<100096xf32, #tpu.memory_space<vmem>>[vector<16xi32>], vector<16xf32>,
        %swap3A_694 = arith.index_cast %mul3A_688 : i32 to index
        %swap3A_695 = tpu.vector_load %arg10[%swap3A_694] {strides = array<i32>} : memref<4096xf32, #tpu.memory_space<vmem>>, vector<16xf32>,
        tpu.vector_store %arg10[%swap3A_694], %gather3A_693 {strides = array<i32>} : memref<4096xf32, #tpu.memory_space<vmem>>, vector<16xf32>,
      }
      %scan3A_207 = arith.constant 8 : i32
      %add3A_208 = arith.constant 832 : i32
      %add3A_209 = arith.addi %add3A_208, %add3A_45 : i32
      %dma_start3A_210 = arith.constant 0 : i32
      %dma_start3A_211 = tpu.memref_slice %arg7[%add3A_209, %dma_start3A_210] : memref<2496x16384xf32, #tpu.memory_space<hbm>> -> memref<1x4096xf32, #tpu.memory_space<hbm>>
      %dma_start3A_212 = tpu.memref_squeeze %dma_start3A_211 : memref<1x4096xf32, #tpu.memory_space<hbm>> -> memref<4096xf32, #tpu.memory_space<hbm>>
      %dma_start3A_213 = arith.constant 0 : i32
      %dma_start3A_214 = tpu.memref_slice %arg7[%add3A_209, %dma_start3A_213] : memref<2496x16384xf32, #tpu.memory_space<hbm>> -> memref<1x4096xf32, #tpu.memory_space<hbm>>
      %dma_start3A_215 = tpu.memref_squeeze %dma_start3A_214 : memref<1x4096xf32, #tpu.memory_space<hbm>> -> memref<4096xf32, #tpu.memory_space<hbm>>
      tpu.enqueue_dma source(%arg10 : memref<4096xf32, #tpu.memory_space<vmem>>) target(%dma_start3A_215 : memref<4096xf32, #tpu.memory_space<hbm>>) target_semaphore(%arg14 : memref<!tpu.dma_semaphore, #tpu.memory_space<semaphore_mem>>)
      %mul3A_216 = arith.constant 4 : i32
      %mul3A_217 = arith.muli %scan3A_41, %mul3A_216 : i32
      %add3A_218 = arith.constant 1 : i32
      %add3A_219 = arith.addi %mul3A_217, %add3A_218 : i32
      %ge3A_220 = arith.constant 2 : i32
      %ge3A_221 = arith.cmpi sge, %add3A_219, %ge3A_220 : i32
      %convert_element_type3A_222 = arith.extui %ge3A_221 : i1 to i32
      %cond3A_223 = arith.constant 0 : i32
      %cond3A_224 = arith.cmpi ne, %convert_element_type3A_222, %cond3A_223 : i32
      scf.if %cond3A_224 {
        %add3A_282 = arith.constant 832 : i32
        %add3A_283 = arith.addi %add3A_282, %add3A_45 : i32
        %dma_wait3A_284 = arith.constant 4096 : i32
        %dma_wait3A_285 = tpu.memref_slice %arg7[%add3A_283, %dma_wait3A_284] : memref<2496x16384xf32, #tpu.memory_space<hbm>> -> memref<1x4096xf32, #tpu.memory_space<hbm>>
        %dma_wait3A_286 = tpu.memref_squeeze %dma_wait3A_285 : memref<1x4096xf32, #tpu.memory_space<hbm>> -> memref<4096xf32, #tpu.memory_space<hbm>>
        %dma_wait3A_287 = arith.constant 4096 : i32
        %dma_wait3A_288 = tpu.memref_slice %arg7[%add3A_283, %dma_wait3A_287] : memref<2496x16384xf32, #tpu.memory_space<hbm>> -> memref<1x4096xf32, #tpu.memory_space<hbm>>
        %dma_wait3A_289 = tpu.memref_squeeze %dma_wait3A_288 : memref<1x4096xf32, #tpu.memory_space<hbm>> -> memref<4096xf32, #tpu.memory_space<hbm>>
        tpu.wait_dma2 semaphore(%arg15 : memref<!tpu.dma_semaphore, #tpu.memory_space<semaphore_mem>>) src(%arg11 : memref<4096xf32, #tpu.memory_space<vmem>>) dst(%dma_wait3A_289 : memref<4096xf32, #tpu.memory_space<hbm>>)
      } else {
      }
      %scan3A_225 = arith.constant 0 : i32
      %scan3A_226 = arith.constant 8 : i32
      %scan3A_227 = arith.addi %scan3A_225, %scan3A_226 : i32
      %scan3A_228 = arith.constant 1 : i32
      scf.for %scan3A_282 = %scan3A_225 to %scan3A_227 step %scan3A_228  : i32 {
        %mul3A_283 = arith.constant 32 : i32
        %mul3A_284 = arith.muli %scan3A_282, %mul3A_283 : i32
        %add3A_285 = arith.constant 0 : i32
        %add3A_286 = arith.addi %mul3A_284, %add3A_285 : i32
        %mul3A_287 = arith.constant 16 : i32
        %mul3A_288 = arith.muli %add3A_286, %mul3A_287 : i32
        %add3A_289 = arith.constant 4096 : i32
        %add3A_290 = arith.addi %add3A_289, %mul3A_288 : i32
        %get3A = arith.index_cast %add3A_290 : i32 to index
        %get3A_291 = tpu.vector_load %arg9[%get3A] {strides = array<i32>} : memref<16384xi32, #tpu.memory_space<vmem>>, vector<16xi32>,
        %gather3A = tpu.vector_load_idx %arg8[%get3A_291] : memref<100096xf32, #tpu.memory_space<vmem>>[vector<16xi32>], vector<16xf32>,
        %swap3A = arith.index_cast %mul3A_288 : i32 to index
        %swap3A_292 = tpu.vector_load %arg11[%swap3A] {strides = array<i32>} : memref<4096xf32, #tpu.memory_space<vmem>>, vector<16xf32>,
        tpu.vector_store %arg11[%swap3A], %gather3A {strides = array<i32>} : memref<4096xf32, #tpu.memory_space<vmem>>, vector<16xf32>,
        %mul3A_293 = arith.constant 32 : i32
        %mul3A_294 = arith.muli %scan3A_282, %mul3A_293 : i32
        %add3A_295 = arith.constant 1 : i32
        %add3A_296 = arith.addi %mul3A_294, %add3A_295 : i32
        %mul3A_297 = arith.constant 16 : i32
        %mul3A_298 = arith.muli %add3A_296, %mul3A_297 : i32
        %add3A_299 = arith.constant 4096 : i32
        %add3A_300 = arith.addi %add3A_299, %mul3A_298 : i32
        %get3A_301 = arith.index_cast %add3A_300 : i32 to index
        %get3A_302 = tpu.vector_load %arg9[%get3A_301] {strides = array<i32>} : memref<16384xi32, #tpu.memory_space<vmem>>, vector<16xi32>,
        %gather3A_303 = tpu.vector_load_idx %arg8[%get3A_302] : memref<100096xf32, #tpu.memory_space<vmem>>[vector<16xi32>], vector<16xf32>,
        %swap3A_304 = arith.index_cast %mul3A_298 : i32 to index
        %swap3A_305 = tpu.vector_load %arg11[%swap3A_304] {strides = array<i32>} : memref<4096xf32, #tpu.memory_space<vmem>>, vector<16xf32>,
        tpu.vector_store %arg11[%swap3A_304], %gather3A_303 {strides = array<i32>} : memref<4096xf32, #tpu.memory_space<vmem>>, vector<16xf32>,
        %mul3A_306 = arith.constant 32 : i32
        %mul3A_307 = arith.muli %scan3A_282, %mul3A_306 : i32
        %add3A_308 = arith.constant 2 : i32
        %add3A_309 = arith.addi %mul3A_307, %add3A_308 : i32
        %mul3A_310 = arith.constant 16 : i32
        %mul3A_311 = arith.muli %add3A_309, %mul3A_310 : i32
        %add3A_312 = arith.constant 4096 : i32
        %add3A_313 = arith.addi %add3A_312, %mul3A_311 : i32
        %get3A_314 = arith.index_cast %add3A_313 : i32 to index
        %get3A_315 = tpu.vector_load %arg9[%get3A_314] {strides = array<i32>} : memref<16384xi32, #tpu.memory_space<vmem>>, vector<16xi32>,
        %gather3A_316 = tpu.vector_load_idx %arg8[%get3A_315] : memref<100096xf32, #tpu.memory_space<vmem>>[vector<16xi32>], vector<16xf32>,
        %swap3A_317 = arith.index_cast %mul3A_311 : i32 to index
        %swap3A_318 = tpu.vector_load %arg11[%swap3A_317] {strides = array<i32>} : memref<4096xf32, #tpu.memory_space<vmem>>, vector<16xf32>,
        tpu.vector_store %arg11[%swap3A_317], %gather3A_316 {strides = array<i32>} : memref<4096xf32, #tpu.memory_space<vmem>>, vector<16xf32>,
        %mul3A_319 = arith.constant 32 : i32
        %mul3A_320 = arith.muli %scan3A_282, %mul3A_319 : i32
        %add3A_321 = arith.constant 3 : i32
        %add3A_322 = arith.addi %mul3A_320, %add3A_321 : i32
        %mul3A_323 = arith.constant 16 : i32
        %mul3A_324 = arith.muli %add3A_322, %mul3A_323 : i32
        %add3A_325 = arith.constant 4096 : i32
        %add3A_326 = arith.addi %add3A_325, %mul3A_324 : i32
        %get3A_327 = arith.index_cast %add3A_326 : i32 to index
        %get3A_328 = tpu.vector_load %arg9[%get3A_327] {strides = array<i32>} : memref<16384xi32, #tpu.memory_space<vmem>>, vector<16xi32>,
        %gather3A_329 = tpu.vector_load_idx %arg8[%get3A_328] : memref<100096xf32, #tpu.memory_space<vmem>>[vector<16xi32>], vector<16xf32>,
        %swap3A_330 = arith.index_cast %mul3A_324 : i32 to index
        %swap3A_331 = tpu.vector_load %arg11[%swap3A_330] {strides = array<i32>} : memref<4096xf32, #tpu.memory_space<vmem>>, vector<16xf32>,
        tpu.vector_store %arg11[%swap3A_330], %gather3A_329 {strides = array<i32>} : memref<4096xf32, #tpu.memory_space<vmem>>, vector<16xf32>,
        %mul3A_332 = arith.constant 32 : i32
        %mul3A_333 = arith.muli %scan3A_282, %mul3A_332 : i32
        %add3A_334 = arith.constant 4 : i32
        %add3A_335 = arith.addi %mul3A_333, %add3A_334 : i32
        %mul3A_336 = arith.constant 16 : i32
        %mul3A_337 = arith.muli %add3A_335, %mul3A_336 : i32
        %add3A_338 = arith.constant 4096 : i32
        %add3A_339 = arith.addi %add3A_338, %mul3A_337 : i32
        %get3A_340 = arith.index_cast %add3A_339 : i32 to index
        %get3A_341 = tpu.vector_load %arg9[%get3A_340] {strides = array<i32>} : memref<16384xi32, #tpu.memory_space<vmem>>, vector<16xi32>,
        %gather3A_342 = tpu.vector_load_idx %arg8[%get3A_341] : memref<100096xf32, #tpu.memory_space<vmem>>[vector<16xi32>], vector<16xf32>,
        %swap3A_343 = arith.index_cast %mul3A_337 : i32 to index
        %swap3A_344 = tpu.vector_load %arg11[%swap3A_343] {strides = array<i32>} : memref<4096xf32, #tpu.memory_space<vmem>>, vector<16xf32>,
        tpu.vector_store %arg11[%swap3A_343], %gather3A_342 {strides = array<i32>} : memref<4096xf32, #tpu.memory_space<vmem>>, vector<16xf32>,
        %mul3A_345 = arith.constant 32 : i32
        %mul3A_346 = arith.muli %scan3A_282, %mul3A_345 : i32
        %add3A_347 = arith.constant 5 : i32
        %add3A_348 = arith.addi %mul3A_346, %add3A_347 : i32
        %mul3A_349 = arith.constant 16 : i32
        %mul3A_350 = arith.muli %add3A_348, %mul3A_349 : i32
        %add3A_351 = arith.constant 4096 : i32
        %add3A_352 = arith.addi %add3A_351, %mul3A_350 : i32
        %get3A_353 = arith.index_cast %add3A_352 : i32 to index
        %get3A_354 = tpu.vector_load %arg9[%get3A_353] {strides = array<i32>} : memref<16384xi32, #tpu.memory_space<vmem>>, vector<16xi32>,
        %gather3A_355 = tpu.vector_load_idx %arg8[%get3A_354] : memref<100096xf32, #tpu.memory_space<vmem>>[vector<16xi32>], vector<16xf32>,
        %swap3A_356 = arith.index_cast %mul3A_350 : i32 to index
        %swap3A_357 = tpu.vector_load %arg11[%swap3A_356] {strides = array<i32>} : memref<4096xf32, #tpu.memory_space<vmem>>, vector<16xf32>,
        tpu.vector_store %arg11[%swap3A_356], %gather3A_355 {strides = array<i32>} : memref<4096xf32, #tpu.memory_space<vmem>>, vector<16xf32>,
        %mul3A_358 = arith.constant 32 : i32
        %mul3A_359 = arith.muli %scan3A_282, %mul3A_358 : i32
        %add3A_360 = arith.constant 6 : i32
        %add3A_361 = arith.addi %mul3A_359, %add3A_360 : i32
        %mul3A_362 = arith.constant 16 : i32
        %mul3A_363 = arith.muli %add3A_361, %mul3A_362 : i32
        %add3A_364 = arith.constant 4096 : i32
        %add3A_365 = arith.addi %add3A_364, %mul3A_363 : i32
        %get3A_366 = arith.index_cast %add3A_365 : i32 to index
        %get3A_367 = tpu.vector_load %arg9[%get3A_366] {strides = array<i32>} : memref<16384xi32, #tpu.memory_space<vmem>>, vector<16xi32>,
        %gather3A_368 = tpu.vector_load_idx %arg8[%get3A_367] : memref<100096xf32, #tpu.memory_space<vmem>>[vector<16xi32>], vector<16xf32>,
        %swap3A_369 = arith.index_cast %mul3A_363 : i32 to index
        %swap3A_370 = tpu.vector_load %arg11[%swap3A_369] {strides = array<i32>} : memref<4096xf32, #tpu.memory_space<vmem>>, vector<16xf32>,
        tpu.vector_store %arg11[%swap3A_369], %gather3A_368 {strides = array<i32>} : memref<4096xf32, #tpu.memory_space<vmem>>, vector<16xf32>,
        %mul3A_371 = arith.constant 32 : i32
        %mul3A_372 = arith.muli %scan3A_282, %mul3A_371 : i32
        %add3A_373 = arith.constant 7 : i32
        %add3A_374 = arith.addi %mul3A_372, %add3A_373 : i32
        %mul3A_375 = arith.constant 16 : i32
        %mul3A_376 = arith.muli %add3A_374, %mul3A_375 : i32
        %add3A_377 = arith.constant 4096 : i32
        %add3A_378 = arith.addi %add3A_377, %mul3A_376 : i32
        %get3A_379 = arith.index_cast %add3A_378 : i32 to index
        %get3A_380 = tpu.vector_load %arg9[%get3A_379] {strides = array<i32>} : memref<16384xi32, #tpu.memory_space<vmem>>, vector<16xi32>,
        %gather3A_381 = tpu.vector_load_idx %arg8[%get3A_380] : memref<100096xf32, #tpu.memory_space<vmem>>[vector<16xi32>], vector<16xf32>,
        %swap3A_382 = arith.index_cast %mul3A_376 : i32 to index
        %swap3A_383 = tpu.vector_load %arg11[%swap3A_382] {strides = array<i32>} : memref<4096xf32, #tpu.memory_space<vmem>>, vector<16xf32>,
        tpu.vector_store %arg11[%swap3A_382], %gather3A_381 {strides = array<i32>} : memref<4096xf32, #tpu.memory_space<vmem>>, vector<16xf32>,
        %mul3A_384 = arith.constant 32 : i32
        %mul3A_385 = arith.muli %scan3A_282, %mul3A_384 : i32
        %add3A_386 = arith.constant 8 : i32
        %add3A_387 = arith.addi %mul3A_385, %add3A_386 : i32
        %mul3A_388 = arith.constant 16 : i32
        %mul3A_389 = arith.muli %add3A_387, %mul3A_388 : i32
        %add3A_390 = arith.constant 4096 : i32
        %add3A_391 = arith.addi %add3A_390, %mul3A_389 : i32
        %get3A_392 = arith.index_cast %add3A_391 : i32 to index
        %get3A_393 = tpu.vector_load %arg9[%get3A_392] {strides = array<i32>} : memref<16384xi32, #tpu.memory_space<vmem>>, vector<16xi32>,
        %gather3A_394 = tpu.vector_load_idx %arg8[%get3A_393] : memref<100096xf32, #tpu.memory_space<vmem>>[vector<16xi32>], vector<16xf32>,
        %swap3A_395 = arith.index_cast %mul3A_389 : i32 to index
        %swap3A_396 = tpu.vector_load %arg11[%swap3A_395] {strides = array<i32>} : memref<4096xf32, #tpu.memory_space<vmem>>, vector<16xf32>,
        tpu.vector_store %arg11[%swap3A_395], %gather3A_394 {strides = array<i32>} : memref<4096xf32, #tpu.memory_space<vmem>>, vector<16xf32>,
        %mul3A_397 = arith.constant 32 : i32
        %mul3A_398 = arith.muli %scan3A_282, %mul3A_397 : i32
        %add3A_399 = arith.constant 9 : i32
        %add3A_400 = arith.addi %mul3A_398, %add3A_399 : i32
        %mul3A_401 = arith.constant 16 : i32
        %mul3A_402 = arith.muli %add3A_400, %mul3A_401 : i32
        %add3A_403 = arith.constant 4096 : i32
        %add3A_404 = arith.addi %add3A_403, %mul3A_402 : i32
        %get3A_405 = arith.index_cast %add3A_404 : i32 to index
        %get3A_406 = tpu.vector_load %arg9[%get3A_405] {strides = array<i32>} : memref<16384xi32, #tpu.memory_space<vmem>>, vector<16xi32>,
        %gather3A_407 = tpu.vector_load_idx %arg8[%get3A_406] : memref<100096xf32, #tpu.memory_space<vmem>>[vector<16xi32>], vector<16xf32>,
        %swap3A_408 = arith.index_cast %mul3A_402 : i32 to index
        %swap3A_409 = tpu.vector_load %arg11[%swap3A_408] {strides = array<i32>} : memref<4096xf32, #tpu.memory_space<vmem>>, vector<16xf32>,
        tpu.vector_store %arg11[%swap3A_408], %gather3A_407 {strides = array<i32>} : memref<4096xf32, #tpu.memory_space<vmem>>, vector<16xf32>,
        %mul3A_410 = arith.constant 32 : i32
        %mul3A_411 = arith.muli %scan3A_282, %mul3A_410 : i32
        %add3A_412 = arith.constant 10 : i32
        %add3A_413 = arith.addi %mul3A_411, %add3A_412 : i32
        %mul3A_414 = arith.constant 16 : i32
        %mul3A_415 = arith.muli %add3A_413, %mul3A_414 : i32
        %add3A_416 = arith.constant 4096 : i32
        %add3A_417 = arith.addi %add3A_416, %mul3A_415 : i32
        %get3A_418 = arith.index_cast %add3A_417 : i32 to index
        %get3A_419 = tpu.vector_load %arg9[%get3A_418] {strides = array<i32>} : memref<16384xi32, #tpu.memory_space<vmem>>, vector<16xi32>,
        %gather3A_420 = tpu.vector_load_idx %arg8[%get3A_419] : memref<100096xf32, #tpu.memory_space<vmem>>[vector<16xi32>], vector<16xf32>,
        %swap3A_421 = arith.index_cast %mul3A_415 : i32 to index
        %swap3A_422 = tpu.vector_load %arg11[%swap3A_421] {strides = array<i32>} : memref<4096xf32, #tpu.memory_space<vmem>>, vector<16xf32>,
        tpu.vector_store %arg11[%swap3A_421], %gather3A_420 {strides = array<i32>} : memref<4096xf32, #tpu.memory_space<vmem>>, vector<16xf32>,
        %mul3A_423 = arith.constant 32 : i32
        %mul3A_424 = arith.muli %scan3A_282, %mul3A_423 : i32
        %add3A_425 = arith.constant 11 : i32
        %add3A_426 = arith.addi %mul3A_424, %add3A_425 : i32
        %mul3A_427 = arith.constant 16 : i32
        %mul3A_428 = arith.muli %add3A_426, %mul3A_427 : i32
        %add3A_429 = arith.constant 4096 : i32
        %add3A_430 = arith.addi %add3A_429, %mul3A_428 : i32
        %get3A_431 = arith.index_cast %add3A_430 : i32 to index
        %get3A_432 = tpu.vector_load %arg9[%get3A_431] {strides = array<i32>} : memref<16384xi32, #tpu.memory_space<vmem>>, vector<16xi32>,
        %gather3A_433 = tpu.vector_load_idx %arg8[%get3A_432] : memref<100096xf32, #tpu.memory_space<vmem>>[vector<16xi32>], vector<16xf32>,
        %swap3A_434 = arith.index_cast %mul3A_428 : i32 to index
        %swap3A_435 = tpu.vector_load %arg11[%swap3A_434] {strides = array<i32>} : memref<4096xf32, #tpu.memory_space<vmem>>, vector<16xf32>,
        tpu.vector_store %arg11[%swap3A_434], %gather3A_433 {strides = array<i32>} : memref<4096xf32, #tpu.memory_space<vmem>>, vector<16xf32>,
        %mul3A_436 = arith.constant 32 : i32
        %mul3A_437 = arith.muli %scan3A_282, %mul3A_436 : i32
        %add3A_438 = arith.constant 12 : i32
        %add3A_439 = arith.addi %mul3A_437, %add3A_438 : i32
        %mul3A_440 = arith.constant 16 : i32
        %mul3A_441 = arith.muli %add3A_439, %mul3A_440 : i32
        %add3A_442 = arith.constant 4096 : i32
        %add3A_443 = arith.addi %add3A_442, %mul3A_441 : i32
        %get3A_444 = arith.index_cast %add3A_443 : i32 to index
        %get3A_445 = tpu.vector_load %arg9[%get3A_444] {strides = array<i32>} : memref<16384xi32, #tpu.memory_space<vmem>>, vector<16xi32>,
        %gather3A_446 = tpu.vector_load_idx %arg8[%get3A_445] : memref<100096xf32, #tpu.memory_space<vmem>>[vector<16xi32>], vector<16xf32>,
        %swap3A_447 = arith.index_cast %mul3A_441 : i32 to index
        %swap3A_448 = tpu.vector_load %arg11[%swap3A_447] {strides = array<i32>} : memref<4096xf32, #tpu.memory_space<vmem>>, vector<16xf32>,
        tpu.vector_store %arg11[%swap3A_447], %gather3A_446 {strides = array<i32>} : memref<4096xf32, #tpu.memory_space<vmem>>, vector<16xf32>,
        %mul3A_449 = arith.constant 32 : i32
        %mul3A_450 = arith.muli %scan3A_282, %mul3A_449 : i32
        %add3A_451 = arith.constant 13 : i32
        %add3A_452 = arith.addi %mul3A_450, %add3A_451 : i32
        %mul3A_453 = arith.constant 16 : i32
        %mul3A_454 = arith.muli %add3A_452, %mul3A_453 : i32
        %add3A_455 = arith.constant 4096 : i32
        %add3A_456 = arith.addi %add3A_455, %mul3A_454 : i32
        %get3A_457 = arith.index_cast %add3A_456 : i32 to index
        %get3A_458 = tpu.vector_load %arg9[%get3A_457] {strides = array<i32>} : memref<16384xi32, #tpu.memory_space<vmem>>, vector<16xi32>,
        %gather3A_459 = tpu.vector_load_idx %arg8[%get3A_458] : memref<100096xf32, #tpu.memory_space<vmem>>[vector<16xi32>], vector<16xf32>,
        %swap3A_460 = arith.index_cast %mul3A_454 : i32 to index
        %swap3A_461 = tpu.vector_load %arg11[%swap3A_460] {strides = array<i32>} : memref<4096xf32, #tpu.memory_space<vmem>>, vector<16xf32>,
        tpu.vector_store %arg11[%swap3A_460], %gather3A_459 {strides = array<i32>} : memref<4096xf32, #tpu.memory_space<vmem>>, vector<16xf32>,
        %mul3A_462 = arith.constant 32 : i32
        %mul3A_463 = arith.muli %scan3A_282, %mul3A_462 : i32
        %add3A_464 = arith.constant 14 : i32
        %add3A_465 = arith.addi %mul3A_463, %add3A_464 : i32
        %mul3A_466 = arith.constant 16 : i32
        %mul3A_467 = arith.muli %add3A_465, %mul3A_466 : i32
        %add3A_468 = arith.constant 4096 : i32
        %add3A_469 = arith.addi %add3A_468, %mul3A_467 : i32
        %get3A_470 = arith.index_cast %add3A_469 : i32 to index
        %get3A_471 = tpu.vector_load %arg9[%get3A_470] {strides = array<i32>} : memref<16384xi32, #tpu.memory_space<vmem>>, vector<16xi32>,
        %gather3A_472 = tpu.vector_load_idx %arg8[%get3A_471] : memref<100096xf32, #tpu.memory_space<vmem>>[vector<16xi32>], vector<16xf32>,
        %swap3A_473 = arith.index_cast %mul3A_467 : i32 to index
        %swap3A_474 = tpu.vector_load %arg11[%swap3A_473] {strides = array<i32>} : memref<4096xf32, #tpu.memory_space<vmem>>, vector<16xf32>,
        tpu.vector_store %arg11[%swap3A_473], %gather3A_472 {strides = array<i32>} : memref<4096xf32, #tpu.memory_space<vmem>>, vector<16xf32>,
        %mul3A_475 = arith.constant 32 : i32
        %mul3A_476 = arith.muli %scan3A_282, %mul3A_475 : i32
        %add3A_477 = arith.constant 15 : i32
        %add3A_478 = arith.addi %mul3A_476, %add3A_477 : i32
        %mul3A_479 = arith.constant 16 : i32
        %mul3A_480 = arith.muli %add3A_478, %mul3A_479 : i32
        %add3A_481 = arith.constant 4096 : i32
        %add3A_482 = arith.addi %add3A_481, %mul3A_480 : i32
        %get3A_483 = arith.index_cast %add3A_482 : i32 to index
        %get3A_484 = tpu.vector_load %arg9[%get3A_483] {strides = array<i32>} : memref<16384xi32, #tpu.memory_space<vmem>>, vector<16xi32>,
        %gather3A_485 = tpu.vector_load_idx %arg8[%get3A_484] : memref<100096xf32, #tpu.memory_space<vmem>>[vector<16xi32>], vector<16xf32>,
        %swap3A_486 = arith.index_cast %mul3A_480 : i32 to index
        %swap3A_487 = tpu.vector_load %arg11[%swap3A_486] {strides = array<i32>} : memref<4096xf32, #tpu.memory_space<vmem>>, vector<16xf32>,
        tpu.vector_store %arg11[%swap3A_486], %gather3A_485 {strides = array<i32>} : memref<4096xf32, #tpu.memory_space<vmem>>, vector<16xf32>,
        %mul3A_488 = arith.constant 32 : i32
        %mul3A_489 = arith.muli %scan3A_282, %mul3A_488 : i32
        %add3A_490 = arith.constant 16 : i32
        %add3A_491 = arith.addi %mul3A_489, %add3A_490 : i32
        %mul3A_492 = arith.constant 16 : i32
        %mul3A_493 = arith.muli %add3A_491, %mul3A_492 : i32
        %add3A_494 = arith.constant 4096 : i32
        %add3A_495 = arith.addi %add3A_494, %mul3A_493 : i32
        %get3A_496 = arith.index_cast %add3A_495 : i32 to index
        %get3A_497 = tpu.vector_load %arg9[%get3A_496] {strides = array<i32>} : memref<16384xi32, #tpu.memory_space<vmem>>, vector<16xi32>,
        %gather3A_498 = tpu.vector_load_idx %arg8[%get3A_497] : memref<100096xf32, #tpu.memory_space<vmem>>[vector<16xi32>], vector<16xf32>,
        %swap3A_499 = arith.index_cast %mul3A_493 : i32 to index
        %swap3A_500 = tpu.vector_load %arg11[%swap3A_499] {strides = array<i32>} : memref<4096xf32, #tpu.memory_space<vmem>>, vector<16xf32>,
        tpu.vector_store %arg11[%swap3A_499], %gather3A_498 {strides = array<i32>} : memref<4096xf32, #tpu.memory_space<vmem>>, vector<16xf32>,
        %mul3A_501 = arith.constant 32 : i32
        %mul3A_502 = arith.muli %scan3A_282, %mul3A_501 : i32
        %add3A_503 = arith.constant 17 : i32
        %add3A_504 = arith.addi %mul3A_502, %add3A_503 : i32
        %mul3A_505 = arith.constant 16 : i32
        %mul3A_506 = arith.muli %add3A_504, %mul3A_505 : i32
        %add3A_507 = arith.constant 4096 : i32
        %add3A_508 = arith.addi %add3A_507, %mul3A_506 : i32
        %get3A_509 = arith.index_cast %add3A_508 : i32 to index
        %get3A_510 = tpu.vector_load %arg9[%get3A_509] {strides = array<i32>} : memref<16384xi32, #tpu.memory_space<vmem>>, vector<16xi32>,
        %gather3A_511 = tpu.vector_load_idx %arg8[%get3A_510] : memref<100096xf32, #tpu.memory_space<vmem>>[vector<16xi32>], vector<16xf32>,
        %swap3A_512 = arith.index_cast %mul3A_506 : i32 to index
        %swap3A_513 = tpu.vector_load %arg11[%swap3A_512] {strides = array<i32>} : memref<4096xf32, #tpu.memory_space<vmem>>, vector<16xf32>,
        tpu.vector_store %arg11[%swap3A_512], %gather3A_511 {strides = array<i32>} : memref<4096xf32, #tpu.memory_space<vmem>>, vector<16xf32>,
        %mul3A_514 = arith.constant 32 : i32
        %mul3A_515 = arith.muli %scan3A_282, %mul3A_514 : i32
        %add3A_516 = arith.constant 18 : i32
        %add3A_517 = arith.addi %mul3A_515, %add3A_516 : i32
        %mul3A_518 = arith.constant 16 : i32
        %mul3A_519 = arith.muli %add3A_517, %mul3A_518 : i32
        %add3A_520 = arith.constant 4096 : i32
        %add3A_521 = arith.addi %add3A_520, %mul3A_519 : i32
        %get3A_522 = arith.index_cast %add3A_521 : i32 to index
        %get3A_523 = tpu.vector_load %arg9[%get3A_522] {strides = array<i32>} : memref<16384xi32, #tpu.memory_space<vmem>>, vector<16xi32>,
        %gather3A_524 = tpu.vector_load_idx %arg8[%get3A_523] : memref<100096xf32, #tpu.memory_space<vmem>>[vector<16xi32>], vector<16xf32>,
        %swap3A_525 = arith.index_cast %mul3A_519 : i32 to index
        %swap3A_526 = tpu.vector_load %arg11[%swap3A_525] {strides = array<i32>} : memref<4096xf32, #tpu.memory_space<vmem>>, vector<16xf32>,
        tpu.vector_store %arg11[%swap3A_525], %gather3A_524 {strides = array<i32>} : memref<4096xf32, #tpu.memory_space<vmem>>, vector<16xf32>,
        %mul3A_527 = arith.constant 32 : i32
        %mul3A_528 = arith.muli %scan3A_282, %mul3A_527 : i32
        %add3A_529 = arith.constant 19 : i32
        %add3A_530 = arith.addi %mul3A_528, %add3A_529 : i32
        %mul3A_531 = arith.constant 16 : i32
        %mul3A_532 = arith.muli %add3A_530, %mul3A_531 : i32
        %add3A_533 = arith.constant 4096 : i32
        %add3A_534 = arith.addi %add3A_533, %mul3A_532 : i32
        %get3A_535 = arith.index_cast %add3A_534 : i32 to index
        %get3A_536 = tpu.vector_load %arg9[%get3A_535] {strides = array<i32>} : memref<16384xi32, #tpu.memory_space<vmem>>, vector<16xi32>,
        %gather3A_537 = tpu.vector_load_idx %arg8[%get3A_536] : memref<100096xf32, #tpu.memory_space<vmem>>[vector<16xi32>], vector<16xf32>,
        %swap3A_538 = arith.index_cast %mul3A_532 : i32 to index
        %swap3A_539 = tpu.vector_load %arg11[%swap3A_538] {strides = array<i32>} : memref<4096xf32, #tpu.memory_space<vmem>>, vector<16xf32>,
        tpu.vector_store %arg11[%swap3A_538], %gather3A_537 {strides = array<i32>} : memref<4096xf32, #tpu.memory_space<vmem>>, vector<16xf32>,
        %mul3A_540 = arith.constant 32 : i32
        %mul3A_541 = arith.muli %scan3A_282, %mul3A_540 : i32
        %add3A_542 = arith.constant 20 : i32
        %add3A_543 = arith.addi %mul3A_541, %add3A_542 : i32
        %mul3A_544 = arith.constant 16 : i32
        %mul3A_545 = arith.muli %add3A_543, %mul3A_544 : i32
        %add3A_546 = arith.constant 4096 : i32
        %add3A_547 = arith.addi %add3A_546, %mul3A_545 : i32
        %get3A_548 = arith.index_cast %add3A_547 : i32 to index
        %get3A_549 = tpu.vector_load %arg9[%get3A_548] {strides = array<i32>} : memref<16384xi32, #tpu.memory_space<vmem>>, vector<16xi32>,
        %gather3A_550 = tpu.vector_load_idx %arg8[%get3A_549] : memref<100096xf32, #tpu.memory_space<vmem>>[vector<16xi32>], vector<16xf32>,
        %swap3A_551 = arith.index_cast %mul3A_545 : i32 to index
        %swap3A_552 = tpu.vector_load %arg11[%swap3A_551] {strides = array<i32>} : memref<4096xf32, #tpu.memory_space<vmem>>, vector<16xf32>,
        tpu.vector_store %arg11[%swap3A_551], %gather3A_550 {strides = array<i32>} : memref<4096xf32, #tpu.memory_space<vmem>>, vector<16xf32>,
        %mul3A_553 = arith.constant 32 : i32
        %mul3A_554 = arith.muli %scan3A_282, %mul3A_553 : i32
        %add3A_555 = arith.constant 21 : i32
        %add3A_556 = arith.addi %mul3A_554, %add3A_555 : i32
        %mul3A_557 = arith.constant 16 : i32
        %mul3A_558 = arith.muli %add3A_556, %mul3A_557 : i32
        %add3A_559 = arith.constant 4096 : i32
        %add3A_560 = arith.addi %add3A_559, %mul3A_558 : i32
        %get3A_561 = arith.index_cast %add3A_560 : i32 to index
        %get3A_562 = tpu.vector_load %arg9[%get3A_561] {strides = array<i32>} : memref<16384xi32, #tpu.memory_space<vmem>>, vector<16xi32>,
        %gather3A_563 = tpu.vector_load_idx %arg8[%get3A_562] : memref<100096xf32, #tpu.memory_space<vmem>>[vector<16xi32>], vector<16xf32>,
        %swap3A_564 = arith.index_cast %mul3A_558 : i32 to index
        %swap3A_565 = tpu.vector_load %arg11[%swap3A_564] {strides = array<i32>} : memref<4096xf32, #tpu.memory_space<vmem>>, vector<16xf32>,
        tpu.vector_store %arg11[%swap3A_564], %gather3A_563 {strides = array<i32>} : memref<4096xf32, #tpu.memory_space<vmem>>, vector<16xf32>,
        %mul3A_566 = arith.constant 32 : i32
        %mul3A_567 = arith.muli %scan3A_282, %mul3A_566 : i32
        %add3A_568 = arith.constant 22 : i32
        %add3A_569 = arith.addi %mul3A_567, %add3A_568 : i32
        %mul3A_570 = arith.constant 16 : i32
        %mul3A_571 = arith.muli %add3A_569, %mul3A_570 : i32
        %add3A_572 = arith.constant 4096 : i32
        %add3A_573 = arith.addi %add3A_572, %mul3A_571 : i32
        %get3A_574 = arith.index_cast %add3A_573 : i32 to index
        %get3A_575 = tpu.vector_load %arg9[%get3A_574] {strides = array<i32>} : memref<16384xi32, #tpu.memory_space<vmem>>, vector<16xi32>,
        %gather3A_576 = tpu.vector_load_idx %arg8[%get3A_575] : memref<100096xf32, #tpu.memory_space<vmem>>[vector<16xi32>], vector<16xf32>,
        %swap3A_577 = arith.index_cast %mul3A_571 : i32 to index
        %swap3A_578 = tpu.vector_load %arg11[%swap3A_577] {strides = array<i32>} : memref<4096xf32, #tpu.memory_space<vmem>>, vector<16xf32>,
        tpu.vector_store %arg11[%swap3A_577], %gather3A_576 {strides = array<i32>} : memref<4096xf32, #tpu.memory_space<vmem>>, vector<16xf32>,
        %mul3A_579 = arith.constant 32 : i32
        %mul3A_580 = arith.muli %scan3A_282, %mul3A_579 : i32
        %add3A_581 = arith.constant 23 : i32
        %add3A_582 = arith.addi %mul3A_580, %add3A_581 : i32
        %mul3A_583 = arith.constant 16 : i32
        %mul3A_584 = arith.muli %add3A_582, %mul3A_583 : i32
        %add3A_585 = arith.constant 4096 : i32
        %add3A_586 = arith.addi %add3A_585, %mul3A_584 : i32
        %get3A_587 = arith.index_cast %add3A_586 : i32 to index
        %get3A_588 = tpu.vector_load %arg9[%get3A_587] {strides = array<i32>} : memref<16384xi32, #tpu.memory_space<vmem>>, vector<16xi32>,
        %gather3A_589 = tpu.vector_load_idx %arg8[%get3A_588] : memref<100096xf32, #tpu.memory_space<vmem>>[vector<16xi32>], vector<16xf32>,
        %swap3A_590 = arith.index_cast %mul3A_584 : i32 to index
        %swap3A_591 = tpu.vector_load %arg11[%swap3A_590] {strides = array<i32>} : memref<4096xf32, #tpu.memory_space<vmem>>, vector<16xf32>,
        tpu.vector_store %arg11[%swap3A_590], %gather3A_589 {strides = array<i32>} : memref<4096xf32, #tpu.memory_space<vmem>>, vector<16xf32>,
        %mul3A_592 = arith.constant 32 : i32
        %mul3A_593 = arith.muli %scan3A_282, %mul3A_592 : i32
        %add3A_594 = arith.constant 24 : i32
        %add3A_595 = arith.addi %mul3A_593, %add3A_594 : i32
        %mul3A_596 = arith.constant 16 : i32
        %mul3A_597 = arith.muli %add3A_595, %mul3A_596 : i32
        %add3A_598 = arith.constant 4096 : i32
        %add3A_599 = arith.addi %add3A_598, %mul3A_597 : i32
        %get3A_600 = arith.index_cast %add3A_599 : i32 to index
        %get3A_601 = tpu.vector_load %arg9[%get3A_600] {strides = array<i32>} : memref<16384xi32, #tpu.memory_space<vmem>>, vector<16xi32>,
        %gather3A_602 = tpu.vector_load_idx %arg8[%get3A_601] : memref<100096xf32, #tpu.memory_space<vmem>>[vector<16xi32>], vector<16xf32>,
        %swap3A_603 = arith.index_cast %mul3A_597 : i32 to index
        %swap3A_604 = tpu.vector_load %arg11[%swap3A_603] {strides = array<i32>} : memref<4096xf32, #tpu.memory_space<vmem>>, vector<16xf32>,
        tpu.vector_store %arg11[%swap3A_603], %gather3A_602 {strides = array<i32>} : memref<4096xf32, #tpu.memory_space<vmem>>, vector<16xf32>,
        %mul3A_605 = arith.constant 32 : i32
        %mul3A_606 = arith.muli %scan3A_282, %mul3A_605 : i32
        %add3A_607 = arith.constant 25 : i32
        %add3A_608 = arith.addi %mul3A_606, %add3A_607 : i32
        %mul3A_609 = arith.constant 16 : i32
        %mul3A_610 = arith.muli %add3A_608, %mul3A_609 : i32
        %add3A_611 = arith.constant 4096 : i32
        %add3A_612 = arith.addi %add3A_611, %mul3A_610 : i32
        %get3A_613 = arith.index_cast %add3A_612 : i32 to index
        %get3A_614 = tpu.vector_load %arg9[%get3A_613] {strides = array<i32>} : memref<16384xi32, #tpu.memory_space<vmem>>, vector<16xi32>,
        %gather3A_615 = tpu.vector_load_idx %arg8[%get3A_614] : memref<100096xf32, #tpu.memory_space<vmem>>[vector<16xi32>], vector<16xf32>,
        %swap3A_616 = arith.index_cast %mul3A_610 : i32 to index
        %swap3A_617 = tpu.vector_load %arg11[%swap3A_616] {strides = array<i32>} : memref<4096xf32, #tpu.memory_space<vmem>>, vector<16xf32>,
        tpu.vector_store %arg11[%swap3A_616], %gather3A_615 {strides = array<i32>} : memref<4096xf32, #tpu.memory_space<vmem>>, vector<16xf32>,
        %mul3A_618 = arith.constant 32 : i32
        %mul3A_619 = arith.muli %scan3A_282, %mul3A_618 : i32
        %add3A_620 = arith.constant 26 : i32
        %add3A_621 = arith.addi %mul3A_619, %add3A_620 : i32
        %mul3A_622 = arith.constant 16 : i32
        %mul3A_623 = arith.muli %add3A_621, %mul3A_622 : i32
        %add3A_624 = arith.constant 4096 : i32
        %add3A_625 = arith.addi %add3A_624, %mul3A_623 : i32
        %get3A_626 = arith.index_cast %add3A_625 : i32 to index
        %get3A_627 = tpu.vector_load %arg9[%get3A_626] {strides = array<i32>} : memref<16384xi32, #tpu.memory_space<vmem>>, vector<16xi32>,
        %gather3A_628 = tpu.vector_load_idx %arg8[%get3A_627] : memref<100096xf32, #tpu.memory_space<vmem>>[vector<16xi32>], vector<16xf32>,
        %swap3A_629 = arith.index_cast %mul3A_623 : i32 to index
        %swap3A_630 = tpu.vector_load %arg11[%swap3A_629] {strides = array<i32>} : memref<4096xf32, #tpu.memory_space<vmem>>, vector<16xf32>,
        tpu.vector_store %arg11[%swap3A_629], %gather3A_628 {strides = array<i32>} : memref<4096xf32, #tpu.memory_space<vmem>>, vector<16xf32>,
        %mul3A_631 = arith.constant 32 : i32
        %mul3A_632 = arith.muli %scan3A_282, %mul3A_631 : i32
        %add3A_633 = arith.constant 27 : i32
        %add3A_634 = arith.addi %mul3A_632, %add3A_633 : i32
        %mul3A_635 = arith.constant 16 : i32
        %mul3A_636 = arith.muli %add3A_634, %mul3A_635 : i32
        %add3A_637 = arith.constant 4096 : i32
        %add3A_638 = arith.addi %add3A_637, %mul3A_636 : i32
        %get3A_639 = arith.index_cast %add3A_638 : i32 to index
        %get3A_640 = tpu.vector_load %arg9[%get3A_639] {strides = array<i32>} : memref<16384xi32, #tpu.memory_space<vmem>>, vector<16xi32>,
        %gather3A_641 = tpu.vector_load_idx %arg8[%get3A_640] : memref<100096xf32, #tpu.memory_space<vmem>>[vector<16xi32>], vector<16xf32>,
        %swap3A_642 = arith.index_cast %mul3A_636 : i32 to index
        %swap3A_643 = tpu.vector_load %arg11[%swap3A_642] {strides = array<i32>} : memref<4096xf32, #tpu.memory_space<vmem>>, vector<16xf32>,
        tpu.vector_store %arg11[%swap3A_642], %gather3A_641 {strides = array<i32>} : memref<4096xf32, #tpu.memory_space<vmem>>, vector<16xf32>,
        %mul3A_644 = arith.constant 32 : i32
        %mul3A_645 = arith.muli %scan3A_282, %mul3A_644 : i32
        %add3A_646 = arith.constant 28 : i32
        %add3A_647 = arith.addi %mul3A_645, %add3A_646 : i32
        %mul3A_648 = arith.constant 16 : i32
        %mul3A_649 = arith.muli %add3A_647, %mul3A_648 : i32
        %add3A_650 = arith.constant 4096 : i32
        %add3A_651 = arith.addi %add3A_650, %mul3A_649 : i32
        %get3A_652 = arith.index_cast %add3A_651 : i32 to index
        %get3A_653 = tpu.vector_load %arg9[%get3A_652] {strides = array<i32>} : memref<16384xi32, #tpu.memory_space<vmem>>, vector<16xi32>,
        %gather3A_654 = tpu.vector_load_idx %arg8[%get3A_653] : memref<100096xf32, #tpu.memory_space<vmem>>[vector<16xi32>], vector<16xf32>,
        %swap3A_655 = arith.index_cast %mul3A_649 : i32 to index
        %swap3A_656 = tpu.vector_load %arg11[%swap3A_655] {strides = array<i32>} : memref<4096xf32, #tpu.memory_space<vmem>>, vector<16xf32>,
        tpu.vector_store %arg11[%swap3A_655], %gather3A_654 {strides = array<i32>} : memref<4096xf32, #tpu.memory_space<vmem>>, vector<16xf32>,
        %mul3A_657 = arith.constant 32 : i32
        %mul3A_658 = arith.muli %scan3A_282, %mul3A_657 : i32
        %add3A_659 = arith.constant 29 : i32
        %add3A_660 = arith.addi %mul3A_658, %add3A_659 : i32
        %mul3A_661 = arith.constant 16 : i32
        %mul3A_662 = arith.muli %add3A_660, %mul3A_661 : i32
        %add3A_663 = arith.constant 4096 : i32
        %add3A_664 = arith.addi %add3A_663, %mul3A_662 : i32
        %get3A_665 = arith.index_cast %add3A_664 : i32 to index
        %get3A_666 = tpu.vector_load %arg9[%get3A_665] {strides = array<i32>} : memref<16384xi32, #tpu.memory_space<vmem>>, vector<16xi32>,
        %gather3A_667 = tpu.vector_load_idx %arg8[%get3A_666] : memref<100096xf32, #tpu.memory_space<vmem>>[vector<16xi32>], vector<16xf32>,
        %swap3A_668 = arith.index_cast %mul3A_662 : i32 to index
        %swap3A_669 = tpu.vector_load %arg11[%swap3A_668] {strides = array<i32>} : memref<4096xf32, #tpu.memory_space<vmem>>, vector<16xf32>,
        tpu.vector_store %arg11[%swap3A_668], %gather3A_667 {strides = array<i32>} : memref<4096xf32, #tpu.memory_space<vmem>>, vector<16xf32>,
        %mul3A_670 = arith.constant 32 : i32
        %mul3A_671 = arith.muli %scan3A_282, %mul3A_670 : i32
        %add3A_672 = arith.constant 30 : i32
        %add3A_673 = arith.addi %mul3A_671, %add3A_672 : i32
        %mul3A_674 = arith.constant 16 : i32
        %mul3A_675 = arith.muli %add3A_673, %mul3A_674 : i32
        %add3A_676 = arith.constant 4096 : i32
        %add3A_677 = arith.addi %add3A_676, %mul3A_675 : i32
        %get3A_678 = arith.index_cast %add3A_677 : i32 to index
        %get3A_679 = tpu.vector_load %arg9[%get3A_678] {strides = array<i32>} : memref<16384xi32, #tpu.memory_space<vmem>>, vector<16xi32>,
        %gather3A_680 = tpu.vector_load_idx %arg8[%get3A_679] : memref<100096xf32, #tpu.memory_space<vmem>>[vector<16xi32>], vector<16xf32>,
        %swap3A_681 = arith.index_cast %mul3A_675 : i32 to index
        %swap3A_682 = tpu.vector_load %arg11[%swap3A_681] {strides = array<i32>} : memref<4096xf32, #tpu.memory_space<vmem>>, vector<16xf32>,
        tpu.vector_store %arg11[%swap3A_681], %gather3A_680 {strides = array<i32>} : memref<4096xf32, #tpu.memory_space<vmem>>, vector<16xf32>,
        %mul3A_683 = arith.constant 32 : i32
        %mul3A_684 = arith.muli %scan3A_282, %mul3A_683 : i32
        %add3A_685 = arith.constant 31 : i32
        %add3A_686 = arith.addi %mul3A_684, %add3A_685 : i32
        %mul3A_687 = arith.constant 16 : i32
        %mul3A_688 = arith.muli %add3A_686, %mul3A_687 : i32
        %add3A_689 = arith.constant 4096 : i32
        %add3A_690 = arith.addi %add3A_689, %mul3A_688 : i32
        %get3A_691 = arith.index_cast %add3A_690 : i32 to index
        %get3A_692 = tpu.vector_load %arg9[%get3A_691] {strides = array<i32>} : memref<16384xi32, #tpu.memory_space<vmem>>, vector<16xi32>,
        %gather3A_693 = tpu.vector_load_idx %arg8[%get3A_692] : memref<100096xf32, #tpu.memory_space<vmem>>[vector<16xi32>], vector<16xf32>,
        %swap3A_694 = arith.index_cast %mul3A_688 : i32 to index
        %swap3A_695 = tpu.vector_load %arg11[%swap3A_694] {strides = array<i32>} : memref<4096xf32, #tpu.memory_space<vmem>>, vector<16xf32>,
        tpu.vector_store %arg11[%swap3A_694], %gather3A_693 {strides = array<i32>} : memref<4096xf32, #tpu.memory_space<vmem>>, vector<16xf32>,
      }
      %scan3A_229 = arith.constant 8 : i32
      %add3A_230 = arith.constant 832 : i32
      %add3A_231 = arith.addi %add3A_230, %add3A_45 : i32
      %dma_start3A_232 = arith.constant 4096 : i32
      %dma_start3A_233 = tpu.memref_slice %arg7[%add3A_231, %dma_start3A_232] : memref<2496x16384xf32, #tpu.memory_space<hbm>> -> memref<1x4096xf32, #tpu.memory_space<hbm>>
      %dma_start3A_234 = tpu.memref_squeeze %dma_start3A_233 : memref<1x4096xf32, #tpu.memory_space<hbm>> -> memref<4096xf32, #tpu.memory_space<hbm>>
      %dma_start3A_235 = arith.constant 4096 : i32
      %dma_start3A_236 = tpu.memref_slice %arg7[%add3A_231, %dma_start3A_235] : memref<2496x16384xf32, #tpu.memory_space<hbm>> -> memref<1x4096xf32, #tpu.memory_space<hbm>>
      %dma_start3A_237 = tpu.memref_squeeze %dma_start3A_236 : memref<1x4096xf32, #tpu.memory_space<hbm>> -> memref<4096xf32, #tpu.memory_space<hbm>>
      tpu.enqueue_dma source(%arg11 : memref<4096xf32, #tpu.memory_space<vmem>>) target(%dma_start3A_237 : memref<4096xf32, #tpu.memory_space<hbm>>) target_semaphore(%arg15 : memref<!tpu.dma_semaphore, #tpu.memory_space<semaphore_mem>>)
      %mul3A_238 = arith.constant 4 : i32
      %mul3A_239 = arith.muli %scan3A_41, %mul3A_238 : i32
      %add3A_240 = arith.constant 2 : i32
      %add3A_241 = arith.addi %mul3A_239, %add3A_240 : i32
      %ge3A_242 = arith.constant 2 : i32
      %ge3A_243 = arith.cmpi sge, %add3A_241, %ge3A_242 : i32
      %convert_element_type3A_244 = arith.extui %ge3A_243 : i1 to i32
      %cond3A_245 = arith.constant 0 : i32
      %cond3A_246 = arith.cmpi ne, %convert_element_type3A_244, %cond3A_245 : i32
      scf.if %cond3A_246 {
        %add3A_282 = arith.constant 832 : i32
        %add3A_283 = arith.addi %add3A_282, %add3A_45 : i32
        %dma_wait3A_284 = arith.constant 8192 : i32
        %dma_wait3A_285 = tpu.memref_slice %arg7[%add3A_283, %dma_wait3A_284] : memref<2496x16384xf32, #tpu.memory_space<hbm>> -> memref<1x4096xf32, #tpu.memory_space<hbm>>
        %dma_wait3A_286 = tpu.memref_squeeze %dma_wait3A_285 : memref<1x4096xf32, #tpu.memory_space<hbm>> -> memref<4096xf32, #tpu.memory_space<hbm>>
        %dma_wait3A_287 = arith.constant 8192 : i32
        %dma_wait3A_288 = tpu.memref_slice %arg7[%add3A_283, %dma_wait3A_287] : memref<2496x16384xf32, #tpu.memory_space<hbm>> -> memref<1x4096xf32, #tpu.memory_space<hbm>>
        %dma_wait3A_289 = tpu.memref_squeeze %dma_wait3A_288 : memref<1x4096xf32, #tpu.memory_space<hbm>> -> memref<4096xf32, #tpu.memory_space<hbm>>
        tpu.wait_dma2 semaphore(%arg14 : memref<!tpu.dma_semaphore, #tpu.memory_space<semaphore_mem>>) src(%arg10 : memref<4096xf32, #tpu.memory_space<vmem>>) dst(%dma_wait3A_289 : memref<4096xf32, #tpu.memory_space<hbm>>)
      } else {
      }
      %scan3A_247 = arith.constant 0 : i32
      %scan3A_248 = arith.constant 8 : i32
      %scan3A_249 = arith.addi %scan3A_247, %scan3A_248 : i32
      %scan3A_250 = arith.constant 1 : i32
      scf.for %scan3A_282 = %scan3A_247 to %scan3A_249 step %scan3A_250  : i32 {
        %mul3A_283 = arith.constant 32 : i32
        %mul3A_284 = arith.muli %scan3A_282, %mul3A_283 : i32
        %add3A_285 = arith.constant 0 : i32
        %add3A_286 = arith.addi %mul3A_284, %add3A_285 : i32
        %mul3A_287 = arith.constant 16 : i32
        %mul3A_288 = arith.muli %add3A_286, %mul3A_287 : i32
        %add3A_289 = arith.constant 8192 : i32
        %add3A_290 = arith.addi %add3A_289, %mul3A_288 : i32
        %get3A = arith.index_cast %add3A_290 : i32 to index
        %get3A_291 = tpu.vector_load %arg9[%get3A] {strides = array<i32>} : memref<16384xi32, #tpu.memory_space<vmem>>, vector<16xi32>,
        %gather3A = tpu.vector_load_idx %arg8[%get3A_291] : memref<100096xf32, #tpu.memory_space<vmem>>[vector<16xi32>], vector<16xf32>,
        %swap3A = arith.index_cast %mul3A_288 : i32 to index
        %swap3A_292 = tpu.vector_load %arg10[%swap3A] {strides = array<i32>} : memref<4096xf32, #tpu.memory_space<vmem>>, vector<16xf32>,
        tpu.vector_store %arg10[%swap3A], %gather3A {strides = array<i32>} : memref<4096xf32, #tpu.memory_space<vmem>>, vector<16xf32>,
        %mul3A_293 = arith.constant 32 : i32
        %mul3A_294 = arith.muli %scan3A_282, %mul3A_293 : i32
        %add3A_295 = arith.constant 1 : i32
        %add3A_296 = arith.addi %mul3A_294, %add3A_295 : i32
        %mul3A_297 = arith.constant 16 : i32
        %mul3A_298 = arith.muli %add3A_296, %mul3A_297 : i32
        %add3A_299 = arith.constant 8192 : i32
        %add3A_300 = arith.addi %add3A_299, %mul3A_298 : i32
        %get3A_301 = arith.index_cast %add3A_300 : i32 to index
        %get3A_302 = tpu.vector_load %arg9[%get3A_301] {strides = array<i32>} : memref<16384xi32, #tpu.memory_space<vmem>>, vector<16xi32>,
        %gather3A_303 = tpu.vector_load_idx %arg8[%get3A_302] : memref<100096xf32, #tpu.memory_space<vmem>>[vector<16xi32>], vector<16xf32>,
        %swap3A_304 = arith.index_cast %mul3A_298 : i32 to index
        %swap3A_305 = tpu.vector_load %arg10[%swap3A_304] {strides = array<i32>} : memref<4096xf32, #tpu.memory_space<vmem>>, vector<16xf32>,
        tpu.vector_store %arg10[%swap3A_304], %gather3A_303 {strides = array<i32>} : memref<4096xf32, #tpu.memory_space<vmem>>, vector<16xf32>,
        %mul3A_306 = arith.constant 32 : i32
        %mul3A_307 = arith.muli %scan3A_282, %mul3A_306 : i32
        %add3A_308 = arith.constant 2 : i32
        %add3A_309 = arith.addi %mul3A_307, %add3A_308 : i32
        %mul3A_310 = arith.constant 16 : i32
        %mul3A_311 = arith.muli %add3A_309, %mul3A_310 : i32
        %add3A_312 = arith.constant 8192 : i32
        %add3A_313 = arith.addi %add3A_312, %mul3A_311 : i32
        %get3A_314 = arith.index_cast %add3A_313 : i32 to index
        %get3A_315 = tpu.vector_load %arg9[%get3A_314] {strides = array<i32>} : memref<16384xi32, #tpu.memory_space<vmem>>, vector<16xi32>,
        %gather3A_316 = tpu.vector_load_idx %arg8[%get3A_315] : memref<100096xf32, #tpu.memory_space<vmem>>[vector<16xi32>], vector<16xf32>,
        %swap3A_317 = arith.index_cast %mul3A_311 : i32 to index
        %swap3A_318 = tpu.vector_load %arg10[%swap3A_317] {strides = array<i32>} : memref<4096xf32, #tpu.memory_space<vmem>>, vector<16xf32>,
        tpu.vector_store %arg10[%swap3A_317], %gather3A_316 {strides = array<i32>} : memref<4096xf32, #tpu.memory_space<vmem>>, vector<16xf32>,
        %mul3A_319 = arith.constant 32 : i32
        %mul3A_320 = arith.muli %scan3A_282, %mul3A_319 : i32
        %add3A_321 = arith.constant 3 : i32
        %add3A_322 = arith.addi %mul3A_320, %add3A_321 : i32
        %mul3A_323 = arith.constant 16 : i32
        %mul3A_324 = arith.muli %add3A_322, %mul3A_323 : i32
        %add3A_325 = arith.constant 8192 : i32
        %add3A_326 = arith.addi %add3A_325, %mul3A_324 : i32
        %get3A_327 = arith.index_cast %add3A_326 : i32 to index
        %get3A_328 = tpu.vector_load %arg9[%get3A_327] {strides = array<i32>} : memref<16384xi32, #tpu.memory_space<vmem>>, vector<16xi32>,
        %gather3A_329 = tpu.vector_load_idx %arg8[%get3A_328] : memref<100096xf32, #tpu.memory_space<vmem>>[vector<16xi32>], vector<16xf32>,
        %swap3A_330 = arith.index_cast %mul3A_324 : i32 to index
        %swap3A_331 = tpu.vector_load %arg10[%swap3A_330] {strides = array<i32>} : memref<4096xf32, #tpu.memory_space<vmem>>, vector<16xf32>,
        tpu.vector_store %arg10[%swap3A_330], %gather3A_329 {strides = array<i32>} : memref<4096xf32, #tpu.memory_space<vmem>>, vector<16xf32>,
        %mul3A_332 = arith.constant 32 : i32
        %mul3A_333 = arith.muli %scan3A_282, %mul3A_332 : i32
        %add3A_334 = arith.constant 4 : i32
        %add3A_335 = arith.addi %mul3A_333, %add3A_334 : i32
        %mul3A_336 = arith.constant 16 : i32
        %mul3A_337 = arith.muli %add3A_335, %mul3A_336 : i32
        %add3A_338 = arith.constant 8192 : i32
        %add3A_339 = arith.addi %add3A_338, %mul3A_337 : i32
        %get3A_340 = arith.index_cast %add3A_339 : i32 to index
        %get3A_341 = tpu.vector_load %arg9[%get3A_340] {strides = array<i32>} : memref<16384xi32, #tpu.memory_space<vmem>>, vector<16xi32>,
        %gather3A_342 = tpu.vector_load_idx %arg8[%get3A_341] : memref<100096xf32, #tpu.memory_space<vmem>>[vector<16xi32>], vector<16xf32>,
        %swap3A_343 = arith.index_cast %mul3A_337 : i32 to index
        %swap3A_344 = tpu.vector_load %arg10[%swap3A_343] {strides = array<i32>} : memref<4096xf32, #tpu.memory_space<vmem>>, vector<16xf32>,
        tpu.vector_store %arg10[%swap3A_343], %gather3A_342 {strides = array<i32>} : memref<4096xf32, #tpu.memory_space<vmem>>, vector<16xf32>,
        %mul3A_345 = arith.constant 32 : i32
        %mul3A_346 = arith.muli %scan3A_282, %mul3A_345 : i32
        %add3A_347 = arith.constant 5 : i32
        %add3A_348 = arith.addi %mul3A_346, %add3A_347 : i32
        %mul3A_349 = arith.constant 16 : i32
        %mul3A_350 = arith.muli %add3A_348, %mul3A_349 : i32
        %add3A_351 = arith.constant 8192 : i32
        %add3A_352 = arith.addi %add3A_351, %mul3A_350 : i32
        %get3A_353 = arith.index_cast %add3A_352 : i32 to index
        %get3A_354 = tpu.vector_load %arg9[%get3A_353] {strides = array<i32>} : memref<16384xi32, #tpu.memory_space<vmem>>, vector<16xi32>,
        %gather3A_355 = tpu.vector_load_idx %arg8[%get3A_354] : memref<100096xf32, #tpu.memory_space<vmem>>[vector<16xi32>], vector<16xf32>,
        %swap3A_356 = arith.index_cast %mul3A_350 : i32 to index
        %swap3A_357 = tpu.vector_load %arg10[%swap3A_356] {strides = array<i32>} : memref<4096xf32, #tpu.memory_space<vmem>>, vector<16xf32>,
        tpu.vector_store %arg10[%swap3A_356], %gather3A_355 {strides = array<i32>} : memref<4096xf32, #tpu.memory_space<vmem>>, vector<16xf32>,
        %mul3A_358 = arith.constant 32 : i32
        %mul3A_359 = arith.muli %scan3A_282, %mul3A_358 : i32
        %add3A_360 = arith.constant 6 : i32
        %add3A_361 = arith.addi %mul3A_359, %add3A_360 : i32
        %mul3A_362 = arith.constant 16 : i32
        %mul3A_363 = arith.muli %add3A_361, %mul3A_362 : i32
        %add3A_364 = arith.constant 8192 : i32
        %add3A_365 = arith.addi %add3A_364, %mul3A_363 : i32
        %get3A_366 = arith.index_cast %add3A_365 : i32 to index
        %get3A_367 = tpu.vector_load %arg9[%get3A_366] {strides = array<i32>} : memref<16384xi32, #tpu.memory_space<vmem>>, vector<16xi32>,
        %gather3A_368 = tpu.vector_load_idx %arg8[%get3A_367] : memref<100096xf32, #tpu.memory_space<vmem>>[vector<16xi32>], vector<16xf32>,
        %swap3A_369 = arith.index_cast %mul3A_363 : i32 to index
        %swap3A_370 = tpu.vector_load %arg10[%swap3A_369] {strides = array<i32>} : memref<4096xf32, #tpu.memory_space<vmem>>, vector<16xf32>,
        tpu.vector_store %arg10[%swap3A_369], %gather3A_368 {strides = array<i32>} : memref<4096xf32, #tpu.memory_space<vmem>>, vector<16xf32>,
        %mul3A_371 = arith.constant 32 : i32
        %mul3A_372 = arith.muli %scan3A_282, %mul3A_371 : i32
        %add3A_373 = arith.constant 7 : i32
        %add3A_374 = arith.addi %mul3A_372, %add3A_373 : i32
        %mul3A_375 = arith.constant 16 : i32
        %mul3A_376 = arith.muli %add3A_374, %mul3A_375 : i32
        %add3A_377 = arith.constant 8192 : i32
        %add3A_378 = arith.addi %add3A_377, %mul3A_376 : i32
        %get3A_379 = arith.index_cast %add3A_378 : i32 to index
        %get3A_380 = tpu.vector_load %arg9[%get3A_379] {strides = array<i32>} : memref<16384xi32, #tpu.memory_space<vmem>>, vector<16xi32>,
        %gather3A_381 = tpu.vector_load_idx %arg8[%get3A_380] : memref<100096xf32, #tpu.memory_space<vmem>>[vector<16xi32>], vector<16xf32>,
        %swap3A_382 = arith.index_cast %mul3A_376 : i32 to index
        %swap3A_383 = tpu.vector_load %arg10[%swap3A_382] {strides = array<i32>} : memref<4096xf32, #tpu.memory_space<vmem>>, vector<16xf32>,
        tpu.vector_store %arg10[%swap3A_382], %gather3A_381 {strides = array<i32>} : memref<4096xf32, #tpu.memory_space<vmem>>, vector<16xf32>,
        %mul3A_384 = arith.constant 32 : i32
        %mul3A_385 = arith.muli %scan3A_282, %mul3A_384 : i32
        %add3A_386 = arith.constant 8 : i32
        %add3A_387 = arith.addi %mul3A_385, %add3A_386 : i32
        %mul3A_388 = arith.constant 16 : i32
        %mul3A_389 = arith.muli %add3A_387, %mul3A_388 : i32
        %add3A_390 = arith.constant 8192 : i32
        %add3A_391 = arith.addi %add3A_390, %mul3A_389 : i32
        %get3A_392 = arith.index_cast %add3A_391 : i32 to index
        %get3A_393 = tpu.vector_load %arg9[%get3A_392] {strides = array<i32>} : memref<16384xi32, #tpu.memory_space<vmem>>, vector<16xi32>,
        %gather3A_394 = tpu.vector_load_idx %arg8[%get3A_393] : memref<100096xf32, #tpu.memory_space<vmem>>[vector<16xi32>], vector<16xf32>,
        %swap3A_395 = arith.index_cast %mul3A_389 : i32 to index
        %swap3A_396 = tpu.vector_load %arg10[%swap3A_395] {strides = array<i32>} : memref<4096xf32, #tpu.memory_space<vmem>>, vector<16xf32>,
        tpu.vector_store %arg10[%swap3A_395], %gather3A_394 {strides = array<i32>} : memref<4096xf32, #tpu.memory_space<vmem>>, vector<16xf32>,
        %mul3A_397 = arith.constant 32 : i32
        %mul3A_398 = arith.muli %scan3A_282, %mul3A_397 : i32
        %add3A_399 = arith.constant 9 : i32
        %add3A_400 = arith.addi %mul3A_398, %add3A_399 : i32
        %mul3A_401 = arith.constant 16 : i32
        %mul3A_402 = arith.muli %add3A_400, %mul3A_401 : i32
        %add3A_403 = arith.constant 8192 : i32
        %add3A_404 = arith.addi %add3A_403, %mul3A_402 : i32
        %get3A_405 = arith.index_cast %add3A_404 : i32 to index
        %get3A_406 = tpu.vector_load %arg9[%get3A_405] {strides = array<i32>} : memref<16384xi32, #tpu.memory_space<vmem>>, vector<16xi32>,
        %gather3A_407 = tpu.vector_load_idx %arg8[%get3A_406] : memref<100096xf32, #tpu.memory_space<vmem>>[vector<16xi32>], vector<16xf32>,
        %swap3A_408 = arith.index_cast %mul3A_402 : i32 to index
        %swap3A_409 = tpu.vector_load %arg10[%swap3A_408] {strides = array<i32>} : memref<4096xf32, #tpu.memory_space<vmem>>, vector<16xf32>,
        tpu.vector_store %arg10[%swap3A_408], %gather3A_407 {strides = array<i32>} : memref<4096xf32, #tpu.memory_space<vmem>>, vector<16xf32>,
        %mul3A_410 = arith.constant 32 : i32
        %mul3A_411 = arith.muli %scan3A_282, %mul3A_410 : i32
        %add3A_412 = arith.constant 10 : i32
        %add3A_413 = arith.addi %mul3A_411, %add3A_412 : i32
        %mul3A_414 = arith.constant 16 : i32
        %mul3A_415 = arith.muli %add3A_413, %mul3A_414 : i32
        %add3A_416 = arith.constant 8192 : i32
        %add3A_417 = arith.addi %add3A_416, %mul3A_415 : i32
        %get3A_418 = arith.index_cast %add3A_417 : i32 to index
        %get3A_419 = tpu.vector_load %arg9[%get3A_418] {strides = array<i32>} : memref<16384xi32, #tpu.memory_space<vmem>>, vector<16xi32>,
        %gather3A_420 = tpu.vector_load_idx %arg8[%get3A_419] : memref<100096xf32, #tpu.memory_space<vmem>>[vector<16xi32>], vector<16xf32>,
        %swap3A_421 = arith.index_cast %mul3A_415 : i32 to index
        %swap3A_422 = tpu.vector_load %arg10[%swap3A_421] {strides = array<i32>} : memref<4096xf32, #tpu.memory_space<vmem>>, vector<16xf32>,
        tpu.vector_store %arg10[%swap3A_421], %gather3A_420 {strides = array<i32>} : memref<4096xf32, #tpu.memory_space<vmem>>, vector<16xf32>,
        %mul3A_423 = arith.constant 32 : i32
        %mul3A_424 = arith.muli %scan3A_282, %mul3A_423 : i32
        %add3A_425 = arith.constant 11 : i32
        %add3A_426 = arith.addi %mul3A_424, %add3A_425 : i32
        %mul3A_427 = arith.constant 16 : i32
        %mul3A_428 = arith.muli %add3A_426, %mul3A_427 : i32
        %add3A_429 = arith.constant 8192 : i32
        %add3A_430 = arith.addi %add3A_429, %mul3A_428 : i32
        %get3A_431 = arith.index_cast %add3A_430 : i32 to index
        %get3A_432 = tpu.vector_load %arg9[%get3A_431] {strides = array<i32>} : memref<16384xi32, #tpu.memory_space<vmem>>, vector<16xi32>,
        %gather3A_433 = tpu.vector_load_idx %arg8[%get3A_432] : memref<100096xf32, #tpu.memory_space<vmem>>[vector<16xi32>], vector<16xf32>,
        %swap3A_434 = arith.index_cast %mul3A_428 : i32 to index
        %swap3A_435 = tpu.vector_load %arg10[%swap3A_434] {strides = array<i32>} : memref<4096xf32, #tpu.memory_space<vmem>>, vector<16xf32>,
        tpu.vector_store %arg10[%swap3A_434], %gather3A_433 {strides = array<i32>} : memref<4096xf32, #tpu.memory_space<vmem>>, vector<16xf32>,
        %mul3A_436 = arith.constant 32 : i32
        %mul3A_437 = arith.muli %scan3A_282, %mul3A_436 : i32
        %add3A_438 = arith.constant 12 : i32
        %add3A_439 = arith.addi %mul3A_437, %add3A_438 : i32
        %mul3A_440 = arith.constant 16 : i32
        %mul3A_441 = arith.muli %add3A_439, %mul3A_440 : i32
        %add3A_442 = arith.constant 8192 : i32
        %add3A_443 = arith.addi %add3A_442, %mul3A_441 : i32
        %get3A_444 = arith.index_cast %add3A_443 : i32 to index
        %get3A_445 = tpu.vector_load %arg9[%get3A_444] {strides = array<i32>} : memref<16384xi32, #tpu.memory_space<vmem>>, vector<16xi32>,
        %gather3A_446 = tpu.vector_load_idx %arg8[%get3A_445] : memref<100096xf32, #tpu.memory_space<vmem>>[vector<16xi32>], vector<16xf32>,
        %swap3A_447 = arith.index_cast %mul3A_441 : i32 to index
        %swap3A_448 = tpu.vector_load %arg10[%swap3A_447] {strides = array<i32>} : memref<4096xf32, #tpu.memory_space<vmem>>, vector<16xf32>,
        tpu.vector_store %arg10[%swap3A_447], %gather3A_446 {strides = array<i32>} : memref<4096xf32, #tpu.memory_space<vmem>>, vector<16xf32>,
        %mul3A_449 = arith.constant 32 : i32
        %mul3A_450 = arith.muli %scan3A_282, %mul3A_449 : i32
        %add3A_451 = arith.constant 13 : i32
        %add3A_452 = arith.addi %mul3A_450, %add3A_451 : i32
        %mul3A_453 = arith.constant 16 : i32
        %mul3A_454 = arith.muli %add3A_452, %mul3A_453 : i32
        %add3A_455 = arith.constant 8192 : i32
        %add3A_456 = arith.addi %add3A_455, %mul3A_454 : i32
        %get3A_457 = arith.index_cast %add3A_456 : i32 to index
        %get3A_458 = tpu.vector_load %arg9[%get3A_457] {strides = array<i32>} : memref<16384xi32, #tpu.memory_space<vmem>>, vector<16xi32>,
        %gather3A_459 = tpu.vector_load_idx %arg8[%get3A_458] : memref<100096xf32, #tpu.memory_space<vmem>>[vector<16xi32>], vector<16xf32>,
        %swap3A_460 = arith.index_cast %mul3A_454 : i32 to index
        %swap3A_461 = tpu.vector_load %arg10[%swap3A_460] {strides = array<i32>} : memref<4096xf32, #tpu.memory_space<vmem>>, vector<16xf32>,
        tpu.vector_store %arg10[%swap3A_460], %gather3A_459 {strides = array<i32>} : memref<4096xf32, #tpu.memory_space<vmem>>, vector<16xf32>,
        %mul3A_462 = arith.constant 32 : i32
        %mul3A_463 = arith.muli %scan3A_282, %mul3A_462 : i32
        %add3A_464 = arith.constant 14 : i32
        %add3A_465 = arith.addi %mul3A_463, %add3A_464 : i32
        %mul3A_466 = arith.constant 16 : i32
        %mul3A_467 = arith.muli %add3A_465, %mul3A_466 : i32
        %add3A_468 = arith.constant 8192 : i32
        %add3A_469 = arith.addi %add3A_468, %mul3A_467 : i32
        %get3A_470 = arith.index_cast %add3A_469 : i32 to index
        %get3A_471 = tpu.vector_load %arg9[%get3A_470] {strides = array<i32>} : memref<16384xi32, #tpu.memory_space<vmem>>, vector<16xi32>,
        %gather3A_472 = tpu.vector_load_idx %arg8[%get3A_471] : memref<100096xf32, #tpu.memory_space<vmem>>[vector<16xi32>], vector<16xf32>,
        %swap3A_473 = arith.index_cast %mul3A_467 : i32 to index
        %swap3A_474 = tpu.vector_load %arg10[%swap3A_473] {strides = array<i32>} : memref<4096xf32, #tpu.memory_space<vmem>>, vector<16xf32>,
        tpu.vector_store %arg10[%swap3A_473], %gather3A_472 {strides = array<i32>} : memref<4096xf32, #tpu.memory_space<vmem>>, vector<16xf32>,
        %mul3A_475 = arith.constant 32 : i32
        %mul3A_476 = arith.muli %scan3A_282, %mul3A_475 : i32
        %add3A_477 = arith.constant 15 : i32
        %add3A_478 = arith.addi %mul3A_476, %add3A_477 : i32
        %mul3A_479 = arith.constant 16 : i32
        %mul3A_480 = arith.muli %add3A_478, %mul3A_479 : i32
        %add3A_481 = arith.constant 8192 : i32
        %add3A_482 = arith.addi %add3A_481, %mul3A_480 : i32
        %get3A_483 = arith.index_cast %add3A_482 : i32 to index
        %get3A_484 = tpu.vector_load %arg9[%get3A_483] {strides = array<i32>} : memref<16384xi32, #tpu.memory_space<vmem>>, vector<16xi32>,
        %gather3A_485 = tpu.vector_load_idx %arg8[%get3A_484] : memref<100096xf32, #tpu.memory_space<vmem>>[vector<16xi32>], vector<16xf32>,
        %swap3A_486 = arith.index_cast %mul3A_480 : i32 to index
        %swap3A_487 = tpu.vector_load %arg10[%swap3A_486] {strides = array<i32>} : memref<4096xf32, #tpu.memory_space<vmem>>, vector<16xf32>,
        tpu.vector_store %arg10[%swap3A_486], %gather3A_485 {strides = array<i32>} : memref<4096xf32, #tpu.memory_space<vmem>>, vector<16xf32>,
        %mul3A_488 = arith.constant 32 : i32
        %mul3A_489 = arith.muli %scan3A_282, %mul3A_488 : i32
        %add3A_490 = arith.constant 16 : i32
        %add3A_491 = arith.addi %mul3A_489, %add3A_490 : i32
        %mul3A_492 = arith.constant 16 : i32
        %mul3A_493 = arith.muli %add3A_491, %mul3A_492 : i32
        %add3A_494 = arith.constant 8192 : i32
        %add3A_495 = arith.addi %add3A_494, %mul3A_493 : i32
        %get3A_496 = arith.index_cast %add3A_495 : i32 to index
        %get3A_497 = tpu.vector_load %arg9[%get3A_496] {strides = array<i32>} : memref<16384xi32, #tpu.memory_space<vmem>>, vector<16xi32>,
        %gather3A_498 = tpu.vector_load_idx %arg8[%get3A_497] : memref<100096xf32, #tpu.memory_space<vmem>>[vector<16xi32>], vector<16xf32>,
        %swap3A_499 = arith.index_cast %mul3A_493 : i32 to index
        %swap3A_500 = tpu.vector_load %arg10[%swap3A_499] {strides = array<i32>} : memref<4096xf32, #tpu.memory_space<vmem>>, vector<16xf32>,
        tpu.vector_store %arg10[%swap3A_499], %gather3A_498 {strides = array<i32>} : memref<4096xf32, #tpu.memory_space<vmem>>, vector<16xf32>,
        %mul3A_501 = arith.constant 32 : i32
        %mul3A_502 = arith.muli %scan3A_282, %mul3A_501 : i32
        %add3A_503 = arith.constant 17 : i32
        %add3A_504 = arith.addi %mul3A_502, %add3A_503 : i32
        %mul3A_505 = arith.constant 16 : i32
        %mul3A_506 = arith.muli %add3A_504, %mul3A_505 : i32
        %add3A_507 = arith.constant 8192 : i32
        %add3A_508 = arith.addi %add3A_507, %mul3A_506 : i32
        %get3A_509 = arith.index_cast %add3A_508 : i32 to index
        %get3A_510 = tpu.vector_load %arg9[%get3A_509] {strides = array<i32>} : memref<16384xi32, #tpu.memory_space<vmem>>, vector<16xi32>,
        %gather3A_511 = tpu.vector_load_idx %arg8[%get3A_510] : memref<100096xf32, #tpu.memory_space<vmem>>[vector<16xi32>], vector<16xf32>,
        %swap3A_512 = arith.index_cast %mul3A_506 : i32 to index
        %swap3A_513 = tpu.vector_load %arg10[%swap3A_512] {strides = array<i32>} : memref<4096xf32, #tpu.memory_space<vmem>>, vector<16xf32>,
        tpu.vector_store %arg10[%swap3A_512], %gather3A_511 {strides = array<i32>} : memref<4096xf32, #tpu.memory_space<vmem>>, vector<16xf32>,
        %mul3A_514 = arith.constant 32 : i32
        %mul3A_515 = arith.muli %scan3A_282, %mul3A_514 : i32
        %add3A_516 = arith.constant 18 : i32
        %add3A_517 = arith.addi %mul3A_515, %add3A_516 : i32
        %mul3A_518 = arith.constant 16 : i32
        %mul3A_519 = arith.muli %add3A_517, %mul3A_518 : i32
        %add3A_520 = arith.constant 8192 : i32
        %add3A_521 = arith.addi %add3A_520, %mul3A_519 : i32
        %get3A_522 = arith.index_cast %add3A_521 : i32 to index
        %get3A_523 = tpu.vector_load %arg9[%get3A_522] {strides = array<i32>} : memref<16384xi32, #tpu.memory_space<vmem>>, vector<16xi32>,
        %gather3A_524 = tpu.vector_load_idx %arg8[%get3A_523] : memref<100096xf32, #tpu.memory_space<vmem>>[vector<16xi32>], vector<16xf32>,
        %swap3A_525 = arith.index_cast %mul3A_519 : i32 to index
        %swap3A_526 = tpu.vector_load %arg10[%swap3A_525] {strides = array<i32>} : memref<4096xf32, #tpu.memory_space<vmem>>, vector<16xf32>,
        tpu.vector_store %arg10[%swap3A_525], %gather3A_524 {strides = array<i32>} : memref<4096xf32, #tpu.memory_space<vmem>>, vector<16xf32>,
        %mul3A_527 = arith.constant 32 : i32
        %mul3A_528 = arith.muli %scan3A_282, %mul3A_527 : i32
        %add3A_529 = arith.constant 19 : i32
        %add3A_530 = arith.addi %mul3A_528, %add3A_529 : i32
        %mul3A_531 = arith.constant 16 : i32
        %mul3A_532 = arith.muli %add3A_530, %mul3A_531 : i32
        %add3A_533 = arith.constant 8192 : i32
        %add3A_534 = arith.addi %add3A_533, %mul3A_532 : i32
        %get3A_535 = arith.index_cast %add3A_534 : i32 to index
        %get3A_536 = tpu.vector_load %arg9[%get3A_535] {strides = array<i32>} : memref<16384xi32, #tpu.memory_space<vmem>>, vector<16xi32>,
        %gather3A_537 = tpu.vector_load_idx %arg8[%get3A_536] : memref<100096xf32, #tpu.memory_space<vmem>>[vector<16xi32>], vector<16xf32>,
        %swap3A_538 = arith.index_cast %mul3A_532 : i32 to index
        %swap3A_539 = tpu.vector_load %arg10[%swap3A_538] {strides = array<i32>} : memref<4096xf32, #tpu.memory_space<vmem>>, vector<16xf32>,
        tpu.vector_store %arg10[%swap3A_538], %gather3A_537 {strides = array<i32>} : memref<4096xf32, #tpu.memory_space<vmem>>, vector<16xf32>,
        %mul3A_540 = arith.constant 32 : i32
        %mul3A_541 = arith.muli %scan3A_282, %mul3A_540 : i32
        %add3A_542 = arith.constant 20 : i32
        %add3A_543 = arith.addi %mul3A_541, %add3A_542 : i32
        %mul3A_544 = arith.constant 16 : i32
        %mul3A_545 = arith.muli %add3A_543, %mul3A_544 : i32
        %add3A_546 = arith.constant 8192 : i32
        %add3A_547 = arith.addi %add3A_546, %mul3A_545 : i32
        %get3A_548 = arith.index_cast %add3A_547 : i32 to index
        %get3A_549 = tpu.vector_load %arg9[%get3A_548] {strides = array<i32>} : memref<16384xi32, #tpu.memory_space<vmem>>, vector<16xi32>,
        %gather3A_550 = tpu.vector_load_idx %arg8[%get3A_549] : memref<100096xf32, #tpu.memory_space<vmem>>[vector<16xi32>], vector<16xf32>,
        %swap3A_551 = arith.index_cast %mul3A_545 : i32 to index
        %swap3A_552 = tpu.vector_load %arg10[%swap3A_551] {strides = array<i32>} : memref<4096xf32, #tpu.memory_space<vmem>>, vector<16xf32>,
        tpu.vector_store %arg10[%swap3A_551], %gather3A_550 {strides = array<i32>} : memref<4096xf32, #tpu.memory_space<vmem>>, vector<16xf32>,
        %mul3A_553 = arith.constant 32 : i32
        %mul3A_554 = arith.muli %scan3A_282, %mul3A_553 : i32
        %add3A_555 = arith.constant 21 : i32
        %add3A_556 = arith.addi %mul3A_554, %add3A_555 : i32
        %mul3A_557 = arith.constant 16 : i32
        %mul3A_558 = arith.muli %add3A_556, %mul3A_557 : i32
        %add3A_559 = arith.constant 8192 : i32
        %add3A_560 = arith.addi %add3A_559, %mul3A_558 : i32
        %get3A_561 = arith.index_cast %add3A_560 : i32 to index
        %get3A_562 = tpu.vector_load %arg9[%get3A_561] {strides = array<i32>} : memref<16384xi32, #tpu.memory_space<vmem>>, vector<16xi32>,
        %gather3A_563 = tpu.vector_load_idx %arg8[%get3A_562] : memref<100096xf32, #tpu.memory_space<vmem>>[vector<16xi32>], vector<16xf32>,
        %swap3A_564 = arith.index_cast %mul3A_558 : i32 to index
        %swap3A_565 = tpu.vector_load %arg10[%swap3A_564] {strides = array<i32>} : memref<4096xf32, #tpu.memory_space<vmem>>, vector<16xf32>,
        tpu.vector_store %arg10[%swap3A_564], %gather3A_563 {strides = array<i32>} : memref<4096xf32, #tpu.memory_space<vmem>>, vector<16xf32>,
        %mul3A_566 = arith.constant 32 : i32
        %mul3A_567 = arith.muli %scan3A_282, %mul3A_566 : i32
        %add3A_568 = arith.constant 22 : i32
        %add3A_569 = arith.addi %mul3A_567, %add3A_568 : i32
        %mul3A_570 = arith.constant 16 : i32
        %mul3A_571 = arith.muli %add3A_569, %mul3A_570 : i32
        %add3A_572 = arith.constant 8192 : i32
        %add3A_573 = arith.addi %add3A_572, %mul3A_571 : i32
        %get3A_574 = arith.index_cast %add3A_573 : i32 to index
        %get3A_575 = tpu.vector_load %arg9[%get3A_574] {strides = array<i32>} : memref<16384xi32, #tpu.memory_space<vmem>>, vector<16xi32>,
        %gather3A_576 = tpu.vector_load_idx %arg8[%get3A_575] : memref<100096xf32, #tpu.memory_space<vmem>>[vector<16xi32>], vector<16xf32>,
        %swap3A_577 = arith.index_cast %mul3A_571 : i32 to index
        %swap3A_578 = tpu.vector_load %arg10[%swap3A_577] {strides = array<i32>} : memref<4096xf32, #tpu.memory_space<vmem>>, vector<16xf32>,
        tpu.vector_store %arg10[%swap3A_577], %gather3A_576 {strides = array<i32>} : memref<4096xf32, #tpu.memory_space<vmem>>, vector<16xf32>,
        %mul3A_579 = arith.constant 32 : i32
        %mul3A_580 = arith.muli %scan3A_282, %mul3A_579 : i32
        %add3A_581 = arith.constant 23 : i32
        %add3A_582 = arith.addi %mul3A_580, %add3A_581 : i32
        %mul3A_583 = arith.constant 16 : i32
        %mul3A_584 = arith.muli %add3A_582, %mul3A_583 : i32
        %add3A_585 = arith.constant 8192 : i32
        %add3A_586 = arith.addi %add3A_585, %mul3A_584 : i32
        %get3A_587 = arith.index_cast %add3A_586 : i32 to index
        %get3A_588 = tpu.vector_load %arg9[%get3A_587] {strides = array<i32>} : memref<16384xi32, #tpu.memory_space<vmem>>, vector<16xi32>,
        %gather3A_589 = tpu.vector_load_idx %arg8[%get3A_588] : memref<100096xf32, #tpu.memory_space<vmem>>[vector<16xi32>], vector<16xf32>,
        %swap3A_590 = arith.index_cast %mul3A_584 : i32 to index
        %swap3A_591 = tpu.vector_load %arg10[%swap3A_590] {strides = array<i32>} : memref<4096xf32, #tpu.memory_space<vmem>>, vector<16xf32>,
        tpu.vector_store %arg10[%swap3A_590], %gather3A_589 {strides = array<i32>} : memref<4096xf32, #tpu.memory_space<vmem>>, vector<16xf32>,
        %mul3A_592 = arith.constant 32 : i32
        %mul3A_593 = arith.muli %scan3A_282, %mul3A_592 : i32
        %add3A_594 = arith.constant 24 : i32
        %add3A_595 = arith.addi %mul3A_593, %add3A_594 : i32
        %mul3A_596 = arith.constant 16 : i32
        %mul3A_597 = arith.muli %add3A_595, %mul3A_596 : i32
        %add3A_598 = arith.constant 8192 : i32
        %add3A_599 = arith.addi %add3A_598, %mul3A_597 : i32
        %get3A_600 = arith.index_cast %add3A_599 : i32 to index
        %get3A_601 = tpu.vector_load %arg9[%get3A_600] {strides = array<i32>} : memref<16384xi32, #tpu.memory_space<vmem>>, vector<16xi32>,
        %gather3A_602 = tpu.vector_load_idx %arg8[%get3A_601] : memref<100096xf32, #tpu.memory_space<vmem>>[vector<16xi32>], vector<16xf32>,
        %swap3A_603 = arith.index_cast %mul3A_597 : i32 to index
        %swap3A_604 = tpu.vector_load %arg10[%swap3A_603] {strides = array<i32>} : memref<4096xf32, #tpu.memory_space<vmem>>, vector<16xf32>,
        tpu.vector_store %arg10[%swap3A_603], %gather3A_602 {strides = array<i32>} : memref<4096xf32, #tpu.memory_space<vmem>>, vector<16xf32>,
        %mul3A_605 = arith.constant 32 : i32
        %mul3A_606 = arith.muli %scan3A_282, %mul3A_605 : i32
        %add3A_607 = arith.constant 25 : i32
        %add3A_608 = arith.addi %mul3A_606, %add3A_607 : i32
        %mul3A_609 = arith.constant 16 : i32
        %mul3A_610 = arith.muli %add3A_608, %mul3A_609 : i32
        %add3A_611 = arith.constant 8192 : i32
        %add3A_612 = arith.addi %add3A_611, %mul3A_610 : i32
        %get3A_613 = arith.index_cast %add3A_612 : i32 to index
        %get3A_614 = tpu.vector_load %arg9[%get3A_613] {strides = array<i32>} : memref<16384xi32, #tpu.memory_space<vmem>>, vector<16xi32>,
        %gather3A_615 = tpu.vector_load_idx %arg8[%get3A_614] : memref<100096xf32, #tpu.memory_space<vmem>>[vector<16xi32>], vector<16xf32>,
        %swap3A_616 = arith.index_cast %mul3A_610 : i32 to index
        %swap3A_617 = tpu.vector_load %arg10[%swap3A_616] {strides = array<i32>} : memref<4096xf32, #tpu.memory_space<vmem>>, vector<16xf32>,
        tpu.vector_store %arg10[%swap3A_616], %gather3A_615 {strides = array<i32>} : memref<4096xf32, #tpu.memory_space<vmem>>, vector<16xf32>,
        %mul3A_618 = arith.constant 32 : i32
        %mul3A_619 = arith.muli %scan3A_282, %mul3A_618 : i32
        %add3A_620 = arith.constant 26 : i32
        %add3A_621 = arith.addi %mul3A_619, %add3A_620 : i32
        %mul3A_622 = arith.constant 16 : i32
        %mul3A_623 = arith.muli %add3A_621, %mul3A_622 : i32
        %add3A_624 = arith.constant 8192 : i32
        %add3A_625 = arith.addi %add3A_624, %mul3A_623 : i32
        %get3A_626 = arith.index_cast %add3A_625 : i32 to index
        %get3A_627 = tpu.vector_load %arg9[%get3A_626] {strides = array<i32>} : memref<16384xi32, #tpu.memory_space<vmem>>, vector<16xi32>,
        %gather3A_628 = tpu.vector_load_idx %arg8[%get3A_627] : memref<100096xf32, #tpu.memory_space<vmem>>[vector<16xi32>], vector<16xf32>,
        %swap3A_629 = arith.index_cast %mul3A_623 : i32 to index
        %swap3A_630 = tpu.vector_load %arg10[%swap3A_629] {strides = array<i32>} : memref<4096xf32, #tpu.memory_space<vmem>>, vector<16xf32>,
        tpu.vector_store %arg10[%swap3A_629], %gather3A_628 {strides = array<i32>} : memref<4096xf32, #tpu.memory_space<vmem>>, vector<16xf32>,
        %mul3A_631 = arith.constant 32 : i32
        %mul3A_632 = arith.muli %scan3A_282, %mul3A_631 : i32
        %add3A_633 = arith.constant 27 : i32
        %add3A_634 = arith.addi %mul3A_632, %add3A_633 : i32
        %mul3A_635 = arith.constant 16 : i32
        %mul3A_636 = arith.muli %add3A_634, %mul3A_635 : i32
        %add3A_637 = arith.constant 8192 : i32
        %add3A_638 = arith.addi %add3A_637, %mul3A_636 : i32
        %get3A_639 = arith.index_cast %add3A_638 : i32 to index
        %get3A_640 = tpu.vector_load %arg9[%get3A_639] {strides = array<i32>} : memref<16384xi32, #tpu.memory_space<vmem>>, vector<16xi32>,
        %gather3A_641 = tpu.vector_load_idx %arg8[%get3A_640] : memref<100096xf32, #tpu.memory_space<vmem>>[vector<16xi32>], vector<16xf32>,
        %swap3A_642 = arith.index_cast %mul3A_636 : i32 to index
        %swap3A_643 = tpu.vector_load %arg10[%swap3A_642] {strides = array<i32>} : memref<4096xf32, #tpu.memory_space<vmem>>, vector<16xf32>,
        tpu.vector_store %arg10[%swap3A_642], %gather3A_641 {strides = array<i32>} : memref<4096xf32, #tpu.memory_space<vmem>>, vector<16xf32>,
        %mul3A_644 = arith.constant 32 : i32
        %mul3A_645 = arith.muli %scan3A_282, %mul3A_644 : i32
        %add3A_646 = arith.constant 28 : i32
        %add3A_647 = arith.addi %mul3A_645, %add3A_646 : i32
        %mul3A_648 = arith.constant 16 : i32
        %mul3A_649 = arith.muli %add3A_647, %mul3A_648 : i32
        %add3A_650 = arith.constant 8192 : i32
        %add3A_651 = arith.addi %add3A_650, %mul3A_649 : i32
        %get3A_652 = arith.index_cast %add3A_651 : i32 to index
        %get3A_653 = tpu.vector_load %arg9[%get3A_652] {strides = array<i32>} : memref<16384xi32, #tpu.memory_space<vmem>>, vector<16xi32>,
        %gather3A_654 = tpu.vector_load_idx %arg8[%get3A_653] : memref<100096xf32, #tpu.memory_space<vmem>>[vector<16xi32>], vector<16xf32>,
        %swap3A_655 = arith.index_cast %mul3A_649 : i32 to index
        %swap3A_656 = tpu.vector_load %arg10[%swap3A_655] {strides = array<i32>} : memref<4096xf32, #tpu.memory_space<vmem>>, vector<16xf32>,
        tpu.vector_store %arg10[%swap3A_655], %gather3A_654 {strides = array<i32>} : memref<4096xf32, #tpu.memory_space<vmem>>, vector<16xf32>,
        %mul3A_657 = arith.constant 32 : i32
        %mul3A_658 = arith.muli %scan3A_282, %mul3A_657 : i32
        %add3A_659 = arith.constant 29 : i32
        %add3A_660 = arith.addi %mul3A_658, %add3A_659 : i32
        %mul3A_661 = arith.constant 16 : i32
        %mul3A_662 = arith.muli %add3A_660, %mul3A_661 : i32
        %add3A_663 = arith.constant 8192 : i32
        %add3A_664 = arith.addi %add3A_663, %mul3A_662 : i32
        %get3A_665 = arith.index_cast %add3A_664 : i32 to index
        %get3A_666 = tpu.vector_load %arg9[%get3A_665] {strides = array<i32>} : memref<16384xi32, #tpu.memory_space<vmem>>, vector<16xi32>,
        %gather3A_667 = tpu.vector_load_idx %arg8[%get3A_666] : memref<100096xf32, #tpu.memory_space<vmem>>[vector<16xi32>], vector<16xf32>,
        %swap3A_668 = arith.index_cast %mul3A_662 : i32 to index
        %swap3A_669 = tpu.vector_load %arg10[%swap3A_668] {strides = array<i32>} : memref<4096xf32, #tpu.memory_space<vmem>>, vector<16xf32>,
        tpu.vector_store %arg10[%swap3A_668], %gather3A_667 {strides = array<i32>} : memref<4096xf32, #tpu.memory_space<vmem>>, vector<16xf32>,
        %mul3A_670 = arith.constant 32 : i32
        %mul3A_671 = arith.muli %scan3A_282, %mul3A_670 : i32
        %add3A_672 = arith.constant 30 : i32
        %add3A_673 = arith.addi %mul3A_671, %add3A_672 : i32
        %mul3A_674 = arith.constant 16 : i32
        %mul3A_675 = arith.muli %add3A_673, %mul3A_674 : i32
        %add3A_676 = arith.constant 8192 : i32
        %add3A_677 = arith.addi %add3A_676, %mul3A_675 : i32
        %get3A_678 = arith.index_cast %add3A_677 : i32 to index
        %get3A_679 = tpu.vector_load %arg9[%get3A_678] {strides = array<i32>} : memref<16384xi32, #tpu.memory_space<vmem>>, vector<16xi32>,
        %gather3A_680 = tpu.vector_load_idx %arg8[%get3A_679] : memref<100096xf32, #tpu.memory_space<vmem>>[vector<16xi32>], vector<16xf32>,
        %swap3A_681 = arith.index_cast %mul3A_675 : i32 to index
        %swap3A_682 = tpu.vector_load %arg10[%swap3A_681] {strides = array<i32>} : memref<4096xf32, #tpu.memory_space<vmem>>, vector<16xf32>,
        tpu.vector_store %arg10[%swap3A_681], %gather3A_680 {strides = array<i32>} : memref<4096xf32, #tpu.memory_space<vmem>>, vector<16xf32>,
        %mul3A_683 = arith.constant 32 : i32
        %mul3A_684 = arith.muli %scan3A_282, %mul3A_683 : i32
        %add3A_685 = arith.constant 31 : i32
        %add3A_686 = arith.addi %mul3A_684, %add3A_685 : i32
        %mul3A_687 = arith.constant 16 : i32
        %mul3A_688 = arith.muli %add3A_686, %mul3A_687 : i32
        %add3A_689 = arith.constant 8192 : i32
        %add3A_690 = arith.addi %add3A_689, %mul3A_688 : i32
        %get3A_691 = arith.index_cast %add3A_690 : i32 to index
        %get3A_692 = tpu.vector_load %arg9[%get3A_691] {strides = array<i32>} : memref<16384xi32, #tpu.memory_space<vmem>>, vector<16xi32>,
        %gather3A_693 = tpu.vector_load_idx %arg8[%get3A_692] : memref<100096xf32, #tpu.memory_space<vmem>>[vector<16xi32>], vector<16xf32>,
        %swap3A_694 = arith.index_cast %mul3A_688 : i32 to index
        %swap3A_695 = tpu.vector_load %arg10[%swap3A_694] {strides = array<i32>} : memref<4096xf32, #tpu.memory_space<vmem>>, vector<16xf32>,
        tpu.vector_store %arg10[%swap3A_694], %gather3A_693 {strides = array<i32>} : memref<4096xf32, #tpu.memory_space<vmem>>, vector<16xf32>,
      }
      %scan3A_251 = arith.constant 8 : i32
      %add3A_252 = arith.constant 832 : i32
      %add3A_253 = arith.addi %add3A_252, %add3A_45 : i32
      %dma_start3A_254 = arith.constant 8192 : i32
      %dma_start3A_255 = tpu.memref_slice %arg7[%add3A_253, %dma_start3A_254] : memref<2496x16384xf32, #tpu.memory_space<hbm>> -> memref<1x4096xf32, #tpu.memory_space<hbm>>
      %dma_start3A_256 = tpu.memref_squeeze %dma_start3A_255 : memref<1x4096xf32, #tpu.memory_space<hbm>> -> memref<4096xf32, #tpu.memory_space<hbm>>
      %dma_start3A_257 = arith.constant 8192 : i32
      %dma_start3A_258 = tpu.memref_slice %arg7[%add3A_253, %dma_start3A_257] : memref<2496x16384xf32, #tpu.memory_space<hbm>> -> memref<1x4096xf32, #tpu.memory_space<hbm>>
      %dma_start3A_259 = tpu.memref_squeeze %dma_start3A_258 : memref<1x4096xf32, #tpu.memory_space<hbm>> -> memref<4096xf32, #tpu.memory_space<hbm>>
      tpu.enqueue_dma source(%arg10 : memref<4096xf32, #tpu.memory_space<vmem>>) target(%dma_start3A_259 : memref<4096xf32, #tpu.memory_space<hbm>>) target_semaphore(%arg14 : memref<!tpu.dma_semaphore, #tpu.memory_space<semaphore_mem>>)
      %mul3A_260 = arith.constant 4 : i32
      %mul3A_261 = arith.muli %scan3A_41, %mul3A_260 : i32
      %add3A_262 = arith.constant 3 : i32
      %add3A_263 = arith.addi %mul3A_261, %add3A_262 : i32
      %ge3A_264 = arith.constant 2 : i32
      %ge3A_265 = arith.cmpi sge, %add3A_263, %ge3A_264 : i32
      %convert_element_type3A_266 = arith.extui %ge3A_265 : i1 to i32
      %cond3A_267 = arith.constant 0 : i32
      %cond3A_268 = arith.cmpi ne, %convert_element_type3A_266, %cond3A_267 : i32
      scf.if %cond3A_268 {
        %add3A_282 = arith.constant 832 : i32
        %add3A_283 = arith.addi %add3A_282, %add3A_45 : i32
        %dma_wait3A_284 = arith.constant 12288 : i32
        %dma_wait3A_285 = tpu.memref_slice %arg7[%add3A_283, %dma_wait3A_284] : memref<2496x16384xf32, #tpu.memory_space<hbm>> -> memref<1x4096xf32, #tpu.memory_space<hbm>>
        %dma_wait3A_286 = tpu.memref_squeeze %dma_wait3A_285 : memref<1x4096xf32, #tpu.memory_space<hbm>> -> memref<4096xf32, #tpu.memory_space<hbm>>
        %dma_wait3A_287 = arith.constant 12288 : i32
        %dma_wait3A_288 = tpu.memref_slice %arg7[%add3A_283, %dma_wait3A_287] : memref<2496x16384xf32, #tpu.memory_space<hbm>> -> memref<1x4096xf32, #tpu.memory_space<hbm>>
        %dma_wait3A_289 = tpu.memref_squeeze %dma_wait3A_288 : memref<1x4096xf32, #tpu.memory_space<hbm>> -> memref<4096xf32, #tpu.memory_space<hbm>>
        tpu.wait_dma2 semaphore(%arg15 : memref<!tpu.dma_semaphore, #tpu.memory_space<semaphore_mem>>) src(%arg11 : memref<4096xf32, #tpu.memory_space<vmem>>) dst(%dma_wait3A_289 : memref<4096xf32, #tpu.memory_space<hbm>>)
      } else {
      }
      %scan3A_269 = arith.constant 0 : i32
      %scan3A_270 = arith.constant 8 : i32
      %scan3A_271 = arith.addi %scan3A_269, %scan3A_270 : i32
      %scan3A_272 = arith.constant 1 : i32
      scf.for %scan3A_282 = %scan3A_269 to %scan3A_271 step %scan3A_272  : i32 {
        %mul3A_283 = arith.constant 32 : i32
        %mul3A_284 = arith.muli %scan3A_282, %mul3A_283 : i32
        %add3A_285 = arith.constant 0 : i32
        %add3A_286 = arith.addi %mul3A_284, %add3A_285 : i32
        %mul3A_287 = arith.constant 16 : i32
        %mul3A_288 = arith.muli %add3A_286, %mul3A_287 : i32
        %add3A_289 = arith.constant 12288 : i32
        %add3A_290 = arith.addi %add3A_289, %mul3A_288 : i32
        %get3A = arith.index_cast %add3A_290 : i32 to index
        %get3A_291 = tpu.vector_load %arg9[%get3A] {strides = array<i32>} : memref<16384xi32, #tpu.memory_space<vmem>>, vector<16xi32>,
        %gather3A = tpu.vector_load_idx %arg8[%get3A_291] : memref<100096xf32, #tpu.memory_space<vmem>>[vector<16xi32>], vector<16xf32>,
        %swap3A = arith.index_cast %mul3A_288 : i32 to index
        %swap3A_292 = tpu.vector_load %arg11[%swap3A] {strides = array<i32>} : memref<4096xf32, #tpu.memory_space<vmem>>, vector<16xf32>,
        tpu.vector_store %arg11[%swap3A], %gather3A {strides = array<i32>} : memref<4096xf32, #tpu.memory_space<vmem>>, vector<16xf32>,
        %mul3A_293 = arith.constant 32 : i32
        %mul3A_294 = arith.muli %scan3A_282, %mul3A_293 : i32
        %add3A_295 = arith.constant 1 : i32
        %add3A_296 = arith.addi %mul3A_294, %add3A_295 : i32
        %mul3A_297 = arith.constant 16 : i32
        %mul3A_298 = arith.muli %add3A_296, %mul3A_297 : i32
        %add3A_299 = arith.constant 12288 : i32
        %add3A_300 = arith.addi %add3A_299, %mul3A_298 : i32
        %get3A_301 = arith.index_cast %add3A_300 : i32 to index
        %get3A_302 = tpu.vector_load %arg9[%get3A_301] {strides = array<i32>} : memref<16384xi32, #tpu.memory_space<vmem>>, vector<16xi32>,
        %gather3A_303 = tpu.vector_load_idx %arg8[%get3A_302] : memref<100096xf32, #tpu.memory_space<vmem>>[vector<16xi32>], vector<16xf32>,
        %swap3A_304 = arith.index_cast %mul3A_298 : i32 to index
        %swap3A_305 = tpu.vector_load %arg11[%swap3A_304] {strides = array<i32>} : memref<4096xf32, #tpu.memory_space<vmem>>, vector<16xf32>,
        tpu.vector_store %arg11[%swap3A_304], %gather3A_303 {strides = array<i32>} : memref<4096xf32, #tpu.memory_space<vmem>>, vector<16xf32>,
        %mul3A_306 = arith.constant 32 : i32
        %mul3A_307 = arith.muli %scan3A_282, %mul3A_306 : i32
        %add3A_308 = arith.constant 2 : i32
        %add3A_309 = arith.addi %mul3A_307, %add3A_308 : i32
        %mul3A_310 = arith.constant 16 : i32
        %mul3A_311 = arith.muli %add3A_309, %mul3A_310 : i32
        %add3A_312 = arith.constant 12288 : i32
        %add3A_313 = arith.addi %add3A_312, %mul3A_311 : i32
        %get3A_314 = arith.index_cast %add3A_313 : i32 to index
        %get3A_315 = tpu.vector_load %arg9[%get3A_314] {strides = array<i32>} : memref<16384xi32, #tpu.memory_space<vmem>>, vector<16xi32>,
        %gather3A_316 = tpu.vector_load_idx %arg8[%get3A_315] : memref<100096xf32, #tpu.memory_space<vmem>>[vector<16xi32>], vector<16xf32>,
        %swap3A_317 = arith.index_cast %mul3A_311 : i32 to index
        %swap3A_318 = tpu.vector_load %arg11[%swap3A_317] {strides = array<i32>} : memref<4096xf32, #tpu.memory_space<vmem>>, vector<16xf32>,
        tpu.vector_store %arg11[%swap3A_317], %gather3A_316 {strides = array<i32>} : memref<4096xf32, #tpu.memory_space<vmem>>, vector<16xf32>,
        %mul3A_319 = arith.constant 32 : i32
        %mul3A_320 = arith.muli %scan3A_282, %mul3A_319 : i32
        %add3A_321 = arith.constant 3 : i32
        %add3A_322 = arith.addi %mul3A_320, %add3A_321 : i32
        %mul3A_323 = arith.constant 16 : i32
        %mul3A_324 = arith.muli %add3A_322, %mul3A_323 : i32
        %add3A_325 = arith.constant 12288 : i32
        %add3A_326 = arith.addi %add3A_325, %mul3A_324 : i32
        %get3A_327 = arith.index_cast %add3A_326 : i32 to index
        %get3A_328 = tpu.vector_load %arg9[%get3A_327] {strides = array<i32>} : memref<16384xi32, #tpu.memory_space<vmem>>, vector<16xi32>,
        %gather3A_329 = tpu.vector_load_idx %arg8[%get3A_328] : memref<100096xf32, #tpu.memory_space<vmem>>[vector<16xi32>], vector<16xf32>,
        %swap3A_330 = arith.index_cast %mul3A_324 : i32 to index
        %swap3A_331 = tpu.vector_load %arg11[%swap3A_330] {strides = array<i32>} : memref<4096xf32, #tpu.memory_space<vmem>>, vector<16xf32>,
        tpu.vector_store %arg11[%swap3A_330], %gather3A_329 {strides = array<i32>} : memref<4096xf32, #tpu.memory_space<vmem>>, vector<16xf32>,
        %mul3A_332 = arith.constant 32 : i32
        %mul3A_333 = arith.muli %scan3A_282, %mul3A_332 : i32
        %add3A_334 = arith.constant 4 : i32
        %add3A_335 = arith.addi %mul3A_333, %add3A_334 : i32
        %mul3A_336 = arith.constant 16 : i32
        %mul3A_337 = arith.muli %add3A_335, %mul3A_336 : i32
        %add3A_338 = arith.constant 12288 : i32
        %add3A_339 = arith.addi %add3A_338, %mul3A_337 : i32
        %get3A_340 = arith.index_cast %add3A_339 : i32 to index
        %get3A_341 = tpu.vector_load %arg9[%get3A_340] {strides = array<i32>} : memref<16384xi32, #tpu.memory_space<vmem>>, vector<16xi32>,
        %gather3A_342 = tpu.vector_load_idx %arg8[%get3A_341] : memref<100096xf32, #tpu.memory_space<vmem>>[vector<16xi32>], vector<16xf32>,
        %swap3A_343 = arith.index_cast %mul3A_337 : i32 to index
        %swap3A_344 = tpu.vector_load %arg11[%swap3A_343] {strides = array<i32>} : memref<4096xf32, #tpu.memory_space<vmem>>, vector<16xf32>,
        tpu.vector_store %arg11[%swap3A_343], %gather3A_342 {strides = array<i32>} : memref<4096xf32, #tpu.memory_space<vmem>>, vector<16xf32>,
        %mul3A_345 = arith.constant 32 : i32
        %mul3A_346 = arith.muli %scan3A_282, %mul3A_345 : i32
        %add3A_347 = arith.constant 5 : i32
        %add3A_348 = arith.addi %mul3A_346, %add3A_347 : i32
        %mul3A_349 = arith.constant 16 : i32
        %mul3A_350 = arith.muli %add3A_348, %mul3A_349 : i32
        %add3A_351 = arith.constant 12288 : i32
        %add3A_352 = arith.addi %add3A_351, %mul3A_350 : i32
        %get3A_353 = arith.index_cast %add3A_352 : i32 to index
        %get3A_354 = tpu.vector_load %arg9[%get3A_353] {strides = array<i32>} : memref<16384xi32, #tpu.memory_space<vmem>>, vector<16xi32>,
        %gather3A_355 = tpu.vector_load_idx %arg8[%get3A_354] : memref<100096xf32, #tpu.memory_space<vmem>>[vector<16xi32>], vector<16xf32>,
        %swap3A_356 = arith.index_cast %mul3A_350 : i32 to index
        %swap3A_357 = tpu.vector_load %arg11[%swap3A_356] {strides = array<i32>} : memref<4096xf32, #tpu.memory_space<vmem>>, vector<16xf32>,
        tpu.vector_store %arg11[%swap3A_356], %gather3A_355 {strides = array<i32>} : memref<4096xf32, #tpu.memory_space<vmem>>, vector<16xf32>,
        %mul3A_358 = arith.constant 32 : i32
        %mul3A_359 = arith.muli %scan3A_282, %mul3A_358 : i32
        %add3A_360 = arith.constant 6 : i32
        %add3A_361 = arith.addi %mul3A_359, %add3A_360 : i32
        %mul3A_362 = arith.constant 16 : i32
        %mul3A_363 = arith.muli %add3A_361, %mul3A_362 : i32
        %add3A_364 = arith.constant 12288 : i32
        %add3A_365 = arith.addi %add3A_364, %mul3A_363 : i32
        %get3A_366 = arith.index_cast %add3A_365 : i32 to index
        %get3A_367 = tpu.vector_load %arg9[%get3A_366] {strides = array<i32>} : memref<16384xi32, #tpu.memory_space<vmem>>, vector<16xi32>,
        %gather3A_368 = tpu.vector_load_idx %arg8[%get3A_367] : memref<100096xf32, #tpu.memory_space<vmem>>[vector<16xi32>], vector<16xf32>,
        %swap3A_369 = arith.index_cast %mul3A_363 : i32 to index
        %swap3A_370 = tpu.vector_load %arg11[%swap3A_369] {strides = array<i32>} : memref<4096xf32, #tpu.memory_space<vmem>>, vector<16xf32>,
        tpu.vector_store %arg11[%swap3A_369], %gather3A_368 {strides = array<i32>} : memref<4096xf32, #tpu.memory_space<vmem>>, vector<16xf32>,
        %mul3A_371 = arith.constant 32 : i32
        %mul3A_372 = arith.muli %scan3A_282, %mul3A_371 : i32
        %add3A_373 = arith.constant 7 : i32
        %add3A_374 = arith.addi %mul3A_372, %add3A_373 : i32
        %mul3A_375 = arith.constant 16 : i32
        %mul3A_376 = arith.muli %add3A_374, %mul3A_375 : i32
        %add3A_377 = arith.constant 12288 : i32
        %add3A_378 = arith.addi %add3A_377, %mul3A_376 : i32
        %get3A_379 = arith.index_cast %add3A_378 : i32 to index
        %get3A_380 = tpu.vector_load %arg9[%get3A_379] {strides = array<i32>} : memref<16384xi32, #tpu.memory_space<vmem>>, vector<16xi32>,
        %gather3A_381 = tpu.vector_load_idx %arg8[%get3A_380] : memref<100096xf32, #tpu.memory_space<vmem>>[vector<16xi32>], vector<16xf32>,
        %swap3A_382 = arith.index_cast %mul3A_376 : i32 to index
        %swap3A_383 = tpu.vector_load %arg11[%swap3A_382] {strides = array<i32>} : memref<4096xf32, #tpu.memory_space<vmem>>, vector<16xf32>,
        tpu.vector_store %arg11[%swap3A_382], %gather3A_381 {strides = array<i32>} : memref<4096xf32, #tpu.memory_space<vmem>>, vector<16xf32>,
        %mul3A_384 = arith.constant 32 : i32
        %mul3A_385 = arith.muli %scan3A_282, %mul3A_384 : i32
        %add3A_386 = arith.constant 8 : i32
        %add3A_387 = arith.addi %mul3A_385, %add3A_386 : i32
        %mul3A_388 = arith.constant 16 : i32
        %mul3A_389 = arith.muli %add3A_387, %mul3A_388 : i32
        %add3A_390 = arith.constant 12288 : i32
        %add3A_391 = arith.addi %add3A_390, %mul3A_389 : i32
        %get3A_392 = arith.index_cast %add3A_391 : i32 to index
        %get3A_393 = tpu.vector_load %arg9[%get3A_392] {strides = array<i32>} : memref<16384xi32, #tpu.memory_space<vmem>>, vector<16xi32>,
        %gather3A_394 = tpu.vector_load_idx %arg8[%get3A_393] : memref<100096xf32, #tpu.memory_space<vmem>>[vector<16xi32>], vector<16xf32>,
        %swap3A_395 = arith.index_cast %mul3A_389 : i32 to index
        %swap3A_396 = tpu.vector_load %arg11[%swap3A_395] {strides = array<i32>} : memref<4096xf32, #tpu.memory_space<vmem>>, vector<16xf32>,
        tpu.vector_store %arg11[%swap3A_395], %gather3A_394 {strides = array<i32>} : memref<4096xf32, #tpu.memory_space<vmem>>, vector<16xf32>,
        %mul3A_397 = arith.constant 32 : i32
        %mul3A_398 = arith.muli %scan3A_282, %mul3A_397 : i32
        %add3A_399 = arith.constant 9 : i32
        %add3A_400 = arith.addi %mul3A_398, %add3A_399 : i32
        %mul3A_401 = arith.constant 16 : i32
        %mul3A_402 = arith.muli %add3A_400, %mul3A_401 : i32
        %add3A_403 = arith.constant 12288 : i32
        %add3A_404 = arith.addi %add3A_403, %mul3A_402 : i32
        %get3A_405 = arith.index_cast %add3A_404 : i32 to index
        %get3A_406 = tpu.vector_load %arg9[%get3A_405] {strides = array<i32>} : memref<16384xi32, #tpu.memory_space<vmem>>, vector<16xi32>,
        %gather3A_407 = tpu.vector_load_idx %arg8[%get3A_406] : memref<100096xf32, #tpu.memory_space<vmem>>[vector<16xi32>], vector<16xf32>,
        %swap3A_408 = arith.index_cast %mul3A_402 : i32 to index
        %swap3A_409 = tpu.vector_load %arg11[%swap3A_408] {strides = array<i32>} : memref<4096xf32, #tpu.memory_space<vmem>>, vector<16xf32>,
        tpu.vector_store %arg11[%swap3A_408], %gather3A_407 {strides = array<i32>} : memref<4096xf32, #tpu.memory_space<vmem>>, vector<16xf32>,
        %mul3A_410 = arith.constant 32 : i32
        %mul3A_411 = arith.muli %scan3A_282, %mul3A_410 : i32
        %add3A_412 = arith.constant 10 : i32
        %add3A_413 = arith.addi %mul3A_411, %add3A_412 : i32
        %mul3A_414 = arith.constant 16 : i32
        %mul3A_415 = arith.muli %add3A_413, %mul3A_414 : i32
        %add3A_416 = arith.constant 12288 : i32
        %add3A_417 = arith.addi %add3A_416, %mul3A_415 : i32
        %get3A_418 = arith.index_cast %add3A_417 : i32 to index
        %get3A_419 = tpu.vector_load %arg9[%get3A_418] {strides = array<i32>} : memref<16384xi32, #tpu.memory_space<vmem>>, vector<16xi32>,
        %gather3A_420 = tpu.vector_load_idx %arg8[%get3A_419] : memref<100096xf32, #tpu.memory_space<vmem>>[vector<16xi32>], vector<16xf32>,
        %swap3A_421 = arith.index_cast %mul3A_415 : i32 to index
        %swap3A_422 = tpu.vector_load %arg11[%swap3A_421] {strides = array<i32>} : memref<4096xf32, #tpu.memory_space<vmem>>, vector<16xf32>,
        tpu.vector_store %arg11[%swap3A_421], %gather3A_420 {strides = array<i32>} : memref<4096xf32, #tpu.memory_space<vmem>>, vector<16xf32>,
        %mul3A_423 = arith.constant 32 : i32
        %mul3A_424 = arith.muli %scan3A_282, %mul3A_423 : i32
        %add3A_425 = arith.constant 11 : i32
        %add3A_426 = arith.addi %mul3A_424, %add3A_425 : i32
        %mul3A_427 = arith.constant 16 : i32
        %mul3A_428 = arith.muli %add3A_426, %mul3A_427 : i32
        %add3A_429 = arith.constant 12288 : i32
        %add3A_430 = arith.addi %add3A_429, %mul3A_428 : i32
        %get3A_431 = arith.index_cast %add3A_430 : i32 to index
        %get3A_432 = tpu.vector_load %arg9[%get3A_431] {strides = array<i32>} : memref<16384xi32, #tpu.memory_space<vmem>>, vector<16xi32>,
        %gather3A_433 = tpu.vector_load_idx %arg8[%get3A_432] : memref<100096xf32, #tpu.memory_space<vmem>>[vector<16xi32>], vector<16xf32>,
        %swap3A_434 = arith.index_cast %mul3A_428 : i32 to index
        %swap3A_435 = tpu.vector_load %arg11[%swap3A_434] {strides = array<i32>} : memref<4096xf32, #tpu.memory_space<vmem>>, vector<16xf32>,
        tpu.vector_store %arg11[%swap3A_434], %gather3A_433 {strides = array<i32>} : memref<4096xf32, #tpu.memory_space<vmem>>, vector<16xf32>,
        %mul3A_436 = arith.constant 32 : i32
        %mul3A_437 = arith.muli %scan3A_282, %mul3A_436 : i32
        %add3A_438 = arith.constant 12 : i32
        %add3A_439 = arith.addi %mul3A_437, %add3A_438 : i32
        %mul3A_440 = arith.constant 16 : i32
        %mul3A_441 = arith.muli %add3A_439, %mul3A_440 : i32
        %add3A_442 = arith.constant 12288 : i32
        %add3A_443 = arith.addi %add3A_442, %mul3A_441 : i32
        %get3A_444 = arith.index_cast %add3A_443 : i32 to index
        %get3A_445 = tpu.vector_load %arg9[%get3A_444] {strides = array<i32>} : memref<16384xi32, #tpu.memory_space<vmem>>, vector<16xi32>,
        %gather3A_446 = tpu.vector_load_idx %arg8[%get3A_445] : memref<100096xf32, #tpu.memory_space<vmem>>[vector<16xi32>], vector<16xf32>,
        %swap3A_447 = arith.index_cast %mul3A_441 : i32 to index
        %swap3A_448 = tpu.vector_load %arg11[%swap3A_447] {strides = array<i32>} : memref<4096xf32, #tpu.memory_space<vmem>>, vector<16xf32>,
        tpu.vector_store %arg11[%swap3A_447], %gather3A_446 {strides = array<i32>} : memref<4096xf32, #tpu.memory_space<vmem>>, vector<16xf32>,
        %mul3A_449 = arith.constant 32 : i32
        %mul3A_450 = arith.muli %scan3A_282, %mul3A_449 : i32
        %add3A_451 = arith.constant 13 : i32
        %add3A_452 = arith.addi %mul3A_450, %add3A_451 : i32
        %mul3A_453 = arith.constant 16 : i32
        %mul3A_454 = arith.muli %add3A_452, %mul3A_453 : i32
        %add3A_455 = arith.constant 12288 : i32
        %add3A_456 = arith.addi %add3A_455, %mul3A_454 : i32
        %get3A_457 = arith.index_cast %add3A_456 : i32 to index
        %get3A_458 = tpu.vector_load %arg9[%get3A_457] {strides = array<i32>} : memref<16384xi32, #tpu.memory_space<vmem>>, vector<16xi32>,
        %gather3A_459 = tpu.vector_load_idx %arg8[%get3A_458] : memref<100096xf32, #tpu.memory_space<vmem>>[vector<16xi32>], vector<16xf32>,
        %swap3A_460 = arith.index_cast %mul3A_454 : i32 to index
        %swap3A_461 = tpu.vector_load %arg11[%swap3A_460] {strides = array<i32>} : memref<4096xf32, #tpu.memory_space<vmem>>, vector<16xf32>,
        tpu.vector_store %arg11[%swap3A_460], %gather3A_459 {strides = array<i32>} : memref<4096xf32, #tpu.memory_space<vmem>>, vector<16xf32>,
        %mul3A_462 = arith.constant 32 : i32
        %mul3A_463 = arith.muli %scan3A_282, %mul3A_462 : i32
        %add3A_464 = arith.constant 14 : i32
        %add3A_465 = arith.addi %mul3A_463, %add3A_464 : i32
        %mul3A_466 = arith.constant 16 : i32
        %mul3A_467 = arith.muli %add3A_465, %mul3A_466 : i32
        %add3A_468 = arith.constant 12288 : i32
        %add3A_469 = arith.addi %add3A_468, %mul3A_467 : i32
        %get3A_470 = arith.index_cast %add3A_469 : i32 to index
        %get3A_471 = tpu.vector_load %arg9[%get3A_470] {strides = array<i32>} : memref<16384xi32, #tpu.memory_space<vmem>>, vector<16xi32>,
        %gather3A_472 = tpu.vector_load_idx %arg8[%get3A_471] : memref<100096xf32, #tpu.memory_space<vmem>>[vector<16xi32>], vector<16xf32>,
        %swap3A_473 = arith.index_cast %mul3A_467 : i32 to index
        %swap3A_474 = tpu.vector_load %arg11[%swap3A_473] {strides = array<i32>} : memref<4096xf32, #tpu.memory_space<vmem>>, vector<16xf32>,
        tpu.vector_store %arg11[%swap3A_473], %gather3A_472 {strides = array<i32>} : memref<4096xf32, #tpu.memory_space<vmem>>, vector<16xf32>,
        %mul3A_475 = arith.constant 32 : i32
        %mul3A_476 = arith.muli %scan3A_282, %mul3A_475 : i32
        %add3A_477 = arith.constant 15 : i32
        %add3A_478 = arith.addi %mul3A_476, %add3A_477 : i32
        %mul3A_479 = arith.constant 16 : i32
        %mul3A_480 = arith.muli %add3A_478, %mul3A_479 : i32
        %add3A_481 = arith.constant 12288 : i32
        %add3A_482 = arith.addi %add3A_481, %mul3A_480 : i32
        %get3A_483 = arith.index_cast %add3A_482 : i32 to index
        %get3A_484 = tpu.vector_load %arg9[%get3A_483] {strides = array<i32>} : memref<16384xi32, #tpu.memory_space<vmem>>, vector<16xi32>,
        %gather3A_485 = tpu.vector_load_idx %arg8[%get3A_484] : memref<100096xf32, #tpu.memory_space<vmem>>[vector<16xi32>], vector<16xf32>,
        %swap3A_486 = arith.index_cast %mul3A_480 : i32 to index
        %swap3A_487 = tpu.vector_load %arg11[%swap3A_486] {strides = array<i32>} : memref<4096xf32, #tpu.memory_space<vmem>>, vector<16xf32>,
        tpu.vector_store %arg11[%swap3A_486], %gather3A_485 {strides = array<i32>} : memref<4096xf32, #tpu.memory_space<vmem>>, vector<16xf32>,
        %mul3A_488 = arith.constant 32 : i32
        %mul3A_489 = arith.muli %scan3A_282, %mul3A_488 : i32
        %add3A_490 = arith.constant 16 : i32
        %add3A_491 = arith.addi %mul3A_489, %add3A_490 : i32
        %mul3A_492 = arith.constant 16 : i32
        %mul3A_493 = arith.muli %add3A_491, %mul3A_492 : i32
        %add3A_494 = arith.constant 12288 : i32
        %add3A_495 = arith.addi %add3A_494, %mul3A_493 : i32
        %get3A_496 = arith.index_cast %add3A_495 : i32 to index
        %get3A_497 = tpu.vector_load %arg9[%get3A_496] {strides = array<i32>} : memref<16384xi32, #tpu.memory_space<vmem>>, vector<16xi32>,
        %gather3A_498 = tpu.vector_load_idx %arg8[%get3A_497] : memref<100096xf32, #tpu.memory_space<vmem>>[vector<16xi32>], vector<16xf32>,
        %swap3A_499 = arith.index_cast %mul3A_493 : i32 to index
        %swap3A_500 = tpu.vector_load %arg11[%swap3A_499] {strides = array<i32>} : memref<4096xf32, #tpu.memory_space<vmem>>, vector<16xf32>,
        tpu.vector_store %arg11[%swap3A_499], %gather3A_498 {strides = array<i32>} : memref<4096xf32, #tpu.memory_space<vmem>>, vector<16xf32>,
        %mul3A_501 = arith.constant 32 : i32
        %mul3A_502 = arith.muli %scan3A_282, %mul3A_501 : i32
        %add3A_503 = arith.constant 17 : i32
        %add3A_504 = arith.addi %mul3A_502, %add3A_503 : i32
        %mul3A_505 = arith.constant 16 : i32
        %mul3A_506 = arith.muli %add3A_504, %mul3A_505 : i32
        %add3A_507 = arith.constant 12288 : i32
        %add3A_508 = arith.addi %add3A_507, %mul3A_506 : i32
        %get3A_509 = arith.index_cast %add3A_508 : i32 to index
        %get3A_510 = tpu.vector_load %arg9[%get3A_509] {strides = array<i32>} : memref<16384xi32, #tpu.memory_space<vmem>>, vector<16xi32>,
        %gather3A_511 = tpu.vector_load_idx %arg8[%get3A_510] : memref<100096xf32, #tpu.memory_space<vmem>>[vector<16xi32>], vector<16xf32>,
        %swap3A_512 = arith.index_cast %mul3A_506 : i32 to index
        %swap3A_513 = tpu.vector_load %arg11[%swap3A_512] {strides = array<i32>} : memref<4096xf32, #tpu.memory_space<vmem>>, vector<16xf32>,
        tpu.vector_store %arg11[%swap3A_512], %gather3A_511 {strides = array<i32>} : memref<4096xf32, #tpu.memory_space<vmem>>, vector<16xf32>,
        %mul3A_514 = arith.constant 32 : i32
        %mul3A_515 = arith.muli %scan3A_282, %mul3A_514 : i32
        %add3A_516 = arith.constant 18 : i32
        %add3A_517 = arith.addi %mul3A_515, %add3A_516 : i32
        %mul3A_518 = arith.constant 16 : i32
        %mul3A_519 = arith.muli %add3A_517, %mul3A_518 : i32
        %add3A_520 = arith.constant 12288 : i32
        %add3A_521 = arith.addi %add3A_520, %mul3A_519 : i32
        %get3A_522 = arith.index_cast %add3A_521 : i32 to index
        %get3A_523 = tpu.vector_load %arg9[%get3A_522] {strides = array<i32>} : memref<16384xi32, #tpu.memory_space<vmem>>, vector<16xi32>,
        %gather3A_524 = tpu.vector_load_idx %arg8[%get3A_523] : memref<100096xf32, #tpu.memory_space<vmem>>[vector<16xi32>], vector<16xf32>,
        %swap3A_525 = arith.index_cast %mul3A_519 : i32 to index
        %swap3A_526 = tpu.vector_load %arg11[%swap3A_525] {strides = array<i32>} : memref<4096xf32, #tpu.memory_space<vmem>>, vector<16xf32>,
        tpu.vector_store %arg11[%swap3A_525], %gather3A_524 {strides = array<i32>} : memref<4096xf32, #tpu.memory_space<vmem>>, vector<16xf32>,
        %mul3A_527 = arith.constant 32 : i32
        %mul3A_528 = arith.muli %scan3A_282, %mul3A_527 : i32
        %add3A_529 = arith.constant 19 : i32
        %add3A_530 = arith.addi %mul3A_528, %add3A_529 : i32
        %mul3A_531 = arith.constant 16 : i32
        %mul3A_532 = arith.muli %add3A_530, %mul3A_531 : i32
        %add3A_533 = arith.constant 12288 : i32
        %add3A_534 = arith.addi %add3A_533, %mul3A_532 : i32
        %get3A_535 = arith.index_cast %add3A_534 : i32 to index
        %get3A_536 = tpu.vector_load %arg9[%get3A_535] {strides = array<i32>} : memref<16384xi32, #tpu.memory_space<vmem>>, vector<16xi32>,
        %gather3A_537 = tpu.vector_load_idx %arg8[%get3A_536] : memref<100096xf32, #tpu.memory_space<vmem>>[vector<16xi32>], vector<16xf32>,
        %swap3A_538 = arith.index_cast %mul3A_532 : i32 to index
        %swap3A_539 = tpu.vector_load %arg11[%swap3A_538] {strides = array<i32>} : memref<4096xf32, #tpu.memory_space<vmem>>, vector<16xf32>,
        tpu.vector_store %arg11[%swap3A_538], %gather3A_537 {strides = array<i32>} : memref<4096xf32, #tpu.memory_space<vmem>>, vector<16xf32>,
        %mul3A_540 = arith.constant 32 : i32
        %mul3A_541 = arith.muli %scan3A_282, %mul3A_540 : i32
        %add3A_542 = arith.constant 20 : i32
        %add3A_543 = arith.addi %mul3A_541, %add3A_542 : i32
        %mul3A_544 = arith.constant 16 : i32
        %mul3A_545 = arith.muli %add3A_543, %mul3A_544 : i32
        %add3A_546 = arith.constant 12288 : i32
        %add3A_547 = arith.addi %add3A_546, %mul3A_545 : i32
        %get3A_548 = arith.index_cast %add3A_547 : i32 to index
        %get3A_549 = tpu.vector_load %arg9[%get3A_548] {strides = array<i32>} : memref<16384xi32, #tpu.memory_space<vmem>>, vector<16xi32>,
        %gather3A_550 = tpu.vector_load_idx %arg8[%get3A_549] : memref<100096xf32, #tpu.memory_space<vmem>>[vector<16xi32>], vector<16xf32>,
        %swap3A_551 = arith.index_cast %mul3A_545 : i32 to index
        %swap3A_552 = tpu.vector_load %arg11[%swap3A_551] {strides = array<i32>} : memref<4096xf32, #tpu.memory_space<vmem>>, vector<16xf32>,
        tpu.vector_store %arg11[%swap3A_551], %gather3A_550 {strides = array<i32>} : memref<4096xf32, #tpu.memory_space<vmem>>, vector<16xf32>,
        %mul3A_553 = arith.constant 32 : i32
        %mul3A_554 = arith.muli %scan3A_282, %mul3A_553 : i32
        %add3A_555 = arith.constant 21 : i32
        %add3A_556 = arith.addi %mul3A_554, %add3A_555 : i32
        %mul3A_557 = arith.constant 16 : i32
        %mul3A_558 = arith.muli %add3A_556, %mul3A_557 : i32
        %add3A_559 = arith.constant 12288 : i32
        %add3A_560 = arith.addi %add3A_559, %mul3A_558 : i32
        %get3A_561 = arith.index_cast %add3A_560 : i32 to index
        %get3A_562 = tpu.vector_load %arg9[%get3A_561] {strides = array<i32>} : memref<16384xi32, #tpu.memory_space<vmem>>, vector<16xi32>,
        %gather3A_563 = tpu.vector_load_idx %arg8[%get3A_562] : memref<100096xf32, #tpu.memory_space<vmem>>[vector<16xi32>], vector<16xf32>,
        %swap3A_564 = arith.index_cast %mul3A_558 : i32 to index
        %swap3A_565 = tpu.vector_load %arg11[%swap3A_564] {strides = array<i32>} : memref<4096xf32, #tpu.memory_space<vmem>>, vector<16xf32>,
        tpu.vector_store %arg11[%swap3A_564], %gather3A_563 {strides = array<i32>} : memref<4096xf32, #tpu.memory_space<vmem>>, vector<16xf32>,
        %mul3A_566 = arith.constant 32 : i32
        %mul3A_567 = arith.muli %scan3A_282, %mul3A_566 : i32
        %add3A_568 = arith.constant 22 : i32
        %add3A_569 = arith.addi %mul3A_567, %add3A_568 : i32
        %mul3A_570 = arith.constant 16 : i32
        %mul3A_571 = arith.muli %add3A_569, %mul3A_570 : i32
        %add3A_572 = arith.constant 12288 : i32
        %add3A_573 = arith.addi %add3A_572, %mul3A_571 : i32
        %get3A_574 = arith.index_cast %add3A_573 : i32 to index
        %get3A_575 = tpu.vector_load %arg9[%get3A_574] {strides = array<i32>} : memref<16384xi32, #tpu.memory_space<vmem>>, vector<16xi32>,
        %gather3A_576 = tpu.vector_load_idx %arg8[%get3A_575] : memref<100096xf32, #tpu.memory_space<vmem>>[vector<16xi32>], vector<16xf32>,
        %swap3A_577 = arith.index_cast %mul3A_571 : i32 to index
        %swap3A_578 = tpu.vector_load %arg11[%swap3A_577] {strides = array<i32>} : memref<4096xf32, #tpu.memory_space<vmem>>, vector<16xf32>,
        tpu.vector_store %arg11[%swap3A_577], %gather3A_576 {strides = array<i32>} : memref<4096xf32, #tpu.memory_space<vmem>>, vector<16xf32>,
        %mul3A_579 = arith.constant 32 : i32
        %mul3A_580 = arith.muli %scan3A_282, %mul3A_579 : i32
        %add3A_581 = arith.constant 23 : i32
        %add3A_582 = arith.addi %mul3A_580, %add3A_581 : i32
        %mul3A_583 = arith.constant 16 : i32
        %mul3A_584 = arith.muli %add3A_582, %mul3A_583 : i32
        %add3A_585 = arith.constant 12288 : i32
        %add3A_586 = arith.addi %add3A_585, %mul3A_584 : i32
        %get3A_587 = arith.index_cast %add3A_586 : i32 to index
        %get3A_588 = tpu.vector_load %arg9[%get3A_587] {strides = array<i32>} : memref<16384xi32, #tpu.memory_space<vmem>>, vector<16xi32>,
        %gather3A_589 = tpu.vector_load_idx %arg8[%get3A_588] : memref<100096xf32, #tpu.memory_space<vmem>>[vector<16xi32>], vector<16xf32>,
        %swap3A_590 = arith.index_cast %mul3A_584 : i32 to index
        %swap3A_591 = tpu.vector_load %arg11[%swap3A_590] {strides = array<i32>} : memref<4096xf32, #tpu.memory_space<vmem>>, vector<16xf32>,
        tpu.vector_store %arg11[%swap3A_590], %gather3A_589 {strides = array<i32>} : memref<4096xf32, #tpu.memory_space<vmem>>, vector<16xf32>,
        %mul3A_592 = arith.constant 32 : i32
        %mul3A_593 = arith.muli %scan3A_282, %mul3A_592 : i32
        %add3A_594 = arith.constant 24 : i32
        %add3A_595 = arith.addi %mul3A_593, %add3A_594 : i32
        %mul3A_596 = arith.constant 16 : i32
        %mul3A_597 = arith.muli %add3A_595, %mul3A_596 : i32
        %add3A_598 = arith.constant 12288 : i32
        %add3A_599 = arith.addi %add3A_598, %mul3A_597 : i32
        %get3A_600 = arith.index_cast %add3A_599 : i32 to index
        %get3A_601 = tpu.vector_load %arg9[%get3A_600] {strides = array<i32>} : memref<16384xi32, #tpu.memory_space<vmem>>, vector<16xi32>,
        %gather3A_602 = tpu.vector_load_idx %arg8[%get3A_601] : memref<100096xf32, #tpu.memory_space<vmem>>[vector<16xi32>], vector<16xf32>,
        %swap3A_603 = arith.index_cast %mul3A_597 : i32 to index
        %swap3A_604 = tpu.vector_load %arg11[%swap3A_603] {strides = array<i32>} : memref<4096xf32, #tpu.memory_space<vmem>>, vector<16xf32>,
        tpu.vector_store %arg11[%swap3A_603], %gather3A_602 {strides = array<i32>} : memref<4096xf32, #tpu.memory_space<vmem>>, vector<16xf32>,
        %mul3A_605 = arith.constant 32 : i32
        %mul3A_606 = arith.muli %scan3A_282, %mul3A_605 : i32
        %add3A_607 = arith.constant 25 : i32
        %add3A_608 = arith.addi %mul3A_606, %add3A_607 : i32
        %mul3A_609 = arith.constant 16 : i32
        %mul3A_610 = arith.muli %add3A_608, %mul3A_609 : i32
        %add3A_611 = arith.constant 12288 : i32
        %add3A_612 = arith.addi %add3A_611, %mul3A_610 : i32
        %get3A_613 = arith.index_cast %add3A_612 : i32 to index
        %get3A_614 = tpu.vector_load %arg9[%get3A_613] {strides = array<i32>} : memref<16384xi32, #tpu.memory_space<vmem>>, vector<16xi32>,
        %gather3A_615 = tpu.vector_load_idx %arg8[%get3A_614] : memref<100096xf32, #tpu.memory_space<vmem>>[vector<16xi32>], vector<16xf32>,
        %swap3A_616 = arith.index_cast %mul3A_610 : i32 to index
        %swap3A_617 = tpu.vector_load %arg11[%swap3A_616] {strides = array<i32>} : memref<4096xf32, #tpu.memory_space<vmem>>, vector<16xf32>,
        tpu.vector_store %arg11[%swap3A_616], %gather3A_615 {strides = array<i32>} : memref<4096xf32, #tpu.memory_space<vmem>>, vector<16xf32>,
        %mul3A_618 = arith.constant 32 : i32
        %mul3A_619 = arith.muli %scan3A_282, %mul3A_618 : i32
        %add3A_620 = arith.constant 26 : i32
        %add3A_621 = arith.addi %mul3A_619, %add3A_620 : i32
        %mul3A_622 = arith.constant 16 : i32
        %mul3A_623 = arith.muli %add3A_621, %mul3A_622 : i32
        %add3A_624 = arith.constant 12288 : i32
        %add3A_625 = arith.addi %add3A_624, %mul3A_623 : i32
        %get3A_626 = arith.index_cast %add3A_625 : i32 to index
        %get3A_627 = tpu.vector_load %arg9[%get3A_626] {strides = array<i32>} : memref<16384xi32, #tpu.memory_space<vmem>>, vector<16xi32>,
        %gather3A_628 = tpu.vector_load_idx %arg8[%get3A_627] : memref<100096xf32, #tpu.memory_space<vmem>>[vector<16xi32>], vector<16xf32>,
        %swap3A_629 = arith.index_cast %mul3A_623 : i32 to index
        %swap3A_630 = tpu.vector_load %arg11[%swap3A_629] {strides = array<i32>} : memref<4096xf32, #tpu.memory_space<vmem>>, vector<16xf32>,
        tpu.vector_store %arg11[%swap3A_629], %gather3A_628 {strides = array<i32>} : memref<4096xf32, #tpu.memory_space<vmem>>, vector<16xf32>,
        %mul3A_631 = arith.constant 32 : i32
        %mul3A_632 = arith.muli %scan3A_282, %mul3A_631 : i32
        %add3A_633 = arith.constant 27 : i32
        %add3A_634 = arith.addi %mul3A_632, %add3A_633 : i32
        %mul3A_635 = arith.constant 16 : i32
        %mul3A_636 = arith.muli %add3A_634, %mul3A_635 : i32
        %add3A_637 = arith.constant 12288 : i32
        %add3A_638 = arith.addi %add3A_637, %mul3A_636 : i32
        %get3A_639 = arith.index_cast %add3A_638 : i32 to index
        %get3A_640 = tpu.vector_load %arg9[%get3A_639] {strides = array<i32>} : memref<16384xi32, #tpu.memory_space<vmem>>, vector<16xi32>,
        %gather3A_641 = tpu.vector_load_idx %arg8[%get3A_640] : memref<100096xf32, #tpu.memory_space<vmem>>[vector<16xi32>], vector<16xf32>,
        %swap3A_642 = arith.index_cast %mul3A_636 : i32 to index
        %swap3A_643 = tpu.vector_load %arg11[%swap3A_642] {strides = array<i32>} : memref<4096xf32, #tpu.memory_space<vmem>>, vector<16xf32>,
        tpu.vector_store %arg11[%swap3A_642], %gather3A_641 {strides = array<i32>} : memref<4096xf32, #tpu.memory_space<vmem>>, vector<16xf32>,
        %mul3A_644 = arith.constant 32 : i32
        %mul3A_645 = arith.muli %scan3A_282, %mul3A_644 : i32
        %add3A_646 = arith.constant 28 : i32
        %add3A_647 = arith.addi %mul3A_645, %add3A_646 : i32
        %mul3A_648 = arith.constant 16 : i32
        %mul3A_649 = arith.muli %add3A_647, %mul3A_648 : i32
        %add3A_650 = arith.constant 12288 : i32
        %add3A_651 = arith.addi %add3A_650, %mul3A_649 : i32
        %get3A_652 = arith.index_cast %add3A_651 : i32 to index
        %get3A_653 = tpu.vector_load %arg9[%get3A_652] {strides = array<i32>} : memref<16384xi32, #tpu.memory_space<vmem>>, vector<16xi32>,
        %gather3A_654 = tpu.vector_load_idx %arg8[%get3A_653] : memref<100096xf32, #tpu.memory_space<vmem>>[vector<16xi32>], vector<16xf32>,
        %swap3A_655 = arith.index_cast %mul3A_649 : i32 to index
        %swap3A_656 = tpu.vector_load %arg11[%swap3A_655] {strides = array<i32>} : memref<4096xf32, #tpu.memory_space<vmem>>, vector<16xf32>,
        tpu.vector_store %arg11[%swap3A_655], %gather3A_654 {strides = array<i32>} : memref<4096xf32, #tpu.memory_space<vmem>>, vector<16xf32>,
        %mul3A_657 = arith.constant 32 : i32
        %mul3A_658 = arith.muli %scan3A_282, %mul3A_657 : i32
        %add3A_659 = arith.constant 29 : i32
        %add3A_660 = arith.addi %mul3A_658, %add3A_659 : i32
        %mul3A_661 = arith.constant 16 : i32
        %mul3A_662 = arith.muli %add3A_660, %mul3A_661 : i32
        %add3A_663 = arith.constant 12288 : i32
        %add3A_664 = arith.addi %add3A_663, %mul3A_662 : i32
        %get3A_665 = arith.index_cast %add3A_664 : i32 to index
        %get3A_666 = tpu.vector_load %arg9[%get3A_665] {strides = array<i32>} : memref<16384xi32, #tpu.memory_space<vmem>>, vector<16xi32>,
        %gather3A_667 = tpu.vector_load_idx %arg8[%get3A_666] : memref<100096xf32, #tpu.memory_space<vmem>>[vector<16xi32>], vector<16xf32>,
        %swap3A_668 = arith.index_cast %mul3A_662 : i32 to index
        %swap3A_669 = tpu.vector_load %arg11[%swap3A_668] {strides = array<i32>} : memref<4096xf32, #tpu.memory_space<vmem>>, vector<16xf32>,
        tpu.vector_store %arg11[%swap3A_668], %gather3A_667 {strides = array<i32>} : memref<4096xf32, #tpu.memory_space<vmem>>, vector<16xf32>,
        %mul3A_670 = arith.constant 32 : i32
        %mul3A_671 = arith.muli %scan3A_282, %mul3A_670 : i32
        %add3A_672 = arith.constant 30 : i32
        %add3A_673 = arith.addi %mul3A_671, %add3A_672 : i32
        %mul3A_674 = arith.constant 16 : i32
        %mul3A_675 = arith.muli %add3A_673, %mul3A_674 : i32
        %add3A_676 = arith.constant 12288 : i32
        %add3A_677 = arith.addi %add3A_676, %mul3A_675 : i32
        %get3A_678 = arith.index_cast %add3A_677 : i32 to index
        %get3A_679 = tpu.vector_load %arg9[%get3A_678] {strides = array<i32>} : memref<16384xi32, #tpu.memory_space<vmem>>, vector<16xi32>,
        %gather3A_680 = tpu.vector_load_idx %arg8[%get3A_679] : memref<100096xf32, #tpu.memory_space<vmem>>[vector<16xi32>], vector<16xf32>,
        %swap3A_681 = arith.index_cast %mul3A_675 : i32 to index
        %swap3A_682 = tpu.vector_load %arg11[%swap3A_681] {strides = array<i32>} : memref<4096xf32, #tpu.memory_space<vmem>>, vector<16xf32>,
        tpu.vector_store %arg11[%swap3A_681], %gather3A_680 {strides = array<i32>} : memref<4096xf32, #tpu.memory_space<vmem>>, vector<16xf32>,
        %mul3A_683 = arith.constant 32 : i32
        %mul3A_684 = arith.muli %scan3A_282, %mul3A_683 : i32
        %add3A_685 = arith.constant 31 : i32
        %add3A_686 = arith.addi %mul3A_684, %add3A_685 : i32
        %mul3A_687 = arith.constant 16 : i32
        %mul3A_688 = arith.muli %add3A_686, %mul3A_687 : i32
        %add3A_689 = arith.constant 12288 : i32
        %add3A_690 = arith.addi %add3A_689, %mul3A_688 : i32
        %get3A_691 = arith.index_cast %add3A_690 : i32 to index
        %get3A_692 = tpu.vector_load %arg9[%get3A_691] {strides = array<i32>} : memref<16384xi32, #tpu.memory_space<vmem>>, vector<16xi32>,
        %gather3A_693 = tpu.vector_load_idx %arg8[%get3A_692] : memref<100096xf32, #tpu.memory_space<vmem>>[vector<16xi32>], vector<16xf32>,
        %swap3A_694 = arith.index_cast %mul3A_688 : i32 to index
        %swap3A_695 = tpu.vector_load %arg11[%swap3A_694] {strides = array<i32>} : memref<4096xf32, #tpu.memory_space<vmem>>, vector<16xf32>,
        tpu.vector_store %arg11[%swap3A_694], %gather3A_693 {strides = array<i32>} : memref<4096xf32, #tpu.memory_space<vmem>>, vector<16xf32>,
      }
      %scan3A_273 = arith.constant 8 : i32
      %add3A_274 = arith.constant 832 : i32
      %add3A_275 = arith.addi %add3A_274, %add3A_45 : i32
      %dma_start3A_276 = arith.constant 12288 : i32
      %dma_start3A_277 = tpu.memref_slice %arg7[%add3A_275, %dma_start3A_276] : memref<2496x16384xf32, #tpu.memory_space<hbm>> -> memref<1x4096xf32, #tpu.memory_space<hbm>>
      %dma_start3A_278 = tpu.memref_squeeze %dma_start3A_277 : memref<1x4096xf32, #tpu.memory_space<hbm>> -> memref<4096xf32, #tpu.memory_space<hbm>>
      %dma_start3A_279 = arith.constant 12288 : i32
      %dma_start3A_280 = tpu.memref_slice %arg7[%add3A_275, %dma_start3A_279] : memref<2496x16384xf32, #tpu.memory_space<hbm>> -> memref<1x4096xf32, #tpu.memory_space<hbm>>
      %dma_start3A_281 = tpu.memref_squeeze %dma_start3A_280 : memref<1x4096xf32, #tpu.memory_space<hbm>> -> memref<4096xf32, #tpu.memory_space<hbm>>
      tpu.enqueue_dma source(%arg11 : memref<4096xf32, #tpu.memory_space<vmem>>) target(%dma_start3A_281 : memref<4096xf32, #tpu.memory_space<hbm>>) target_semaphore(%arg15 : memref<!tpu.dma_semaphore, #tpu.memory_space<semaphore_mem>>)
      scf.yield %select_n3A : i32
    }
    %scan3A_26 = arith.constant 52 : i32
    %dma_wait3A_27 = arith.constant 832 : i32
    %dma_wait3A_28 = arith.constant 0 : i32
    %dma_wait3A_29 = tpu.memref_slice %arg7[%dma_wait3A_27, %dma_wait3A_28] : memref<2496x16384xf32, #tpu.memory_space<hbm>> -> memref<1x4096xf32, #tpu.memory_space<hbm>>
    %dma_wait3A_30 = tpu.memref_squeeze %dma_wait3A_29 : memref<1x4096xf32, #tpu.memory_space<hbm>> -> memref<4096xf32, #tpu.memory_space<hbm>>
    %dma_wait3A_31 = arith.constant 0 : i32
    %dma_wait3A_32 = tpu.memref_slice %arg7[%dma_wait3A_27, %dma_wait3A_31] : memref<2496x16384xf32, #tpu.memory_space<hbm>> -> memref<1x4096xf32, #tpu.memory_space<hbm>>
    %dma_wait3A_33 = tpu.memref_squeeze %dma_wait3A_32 : memref<1x4096xf32, #tpu.memory_space<hbm>> -> memref<4096xf32, #tpu.memory_space<hbm>>
    tpu.wait_dma2 semaphore(%arg14 : memref<!tpu.dma_semaphore, #tpu.memory_space<semaphore_mem>>) src(%arg10 : memref<4096xf32, #tpu.memory_space<vmem>>) dst(%dma_wait3A_33 : memref<4096xf32, #tpu.memory_space<hbm>>)
    %dma_wait3A_34 = arith.constant 832 : i32
    %dma_wait3A_35 = arith.constant 4096 : i32
    %dma_wait3A_36 = tpu.memref_slice %arg7[%dma_wait3A_34, %dma_wait3A_35] : memref<2496x16384xf32, #tpu.memory_space<hbm>> -> memref<1x4096xf32, #tpu.memory_space<hbm>>
    %dma_wait3A_37 = tpu.memref_squeeze %dma_wait3A_36 : memref<1x4096xf32, #tpu.memory_space<hbm>> -> memref<4096xf32, #tpu.memory_space<hbm>>
    %dma_wait3A_38 = arith.constant 4096 : i32
    %dma_wait3A_39 = tpu.memref_slice %arg7[%dma_wait3A_34, %dma_wait3A_38] : memref<2496x16384xf32, #tpu.memory_space<hbm>> -> memref<1x4096xf32, #tpu.memory_space<hbm>>
    %dma_wait3A_40 = tpu.memref_squeeze %dma_wait3A_39 : memref<1x4096xf32, #tpu.memory_space<hbm>> -> memref<4096xf32, #tpu.memory_space<hbm>>
    tpu.wait_dma2 semaphore(%arg15 : memref<!tpu.dma_semaphore, #tpu.memory_space<semaphore_mem>>) src(%arg11 : memref<4096xf32, #tpu.memory_space<vmem>>) dst(%dma_wait3A_40 : memref<4096xf32, #tpu.memory_space<hbm>>)
    return
  }
}

</mosaic_0001>

<sc_bundles>
// kernel: kernel.3.cloned.1.call-start
scs
__scs_entry_jumppad:
0x0: {  	(pc) =	sbr.rel $0x88, $3  }
0x1: {  	(tag) =	ssettag $0x0;
	lr =	simm.s32 $0x1  }
0x2: {  	[smem:$0x3F9D] =	sst lr;
	_ =	strace $0xD0000000  }
0x3: {  	_ = 	snop  }
0x4: {  	_ = 	snop  }
0x5: {  	_ = 	snop  }
0x6: {  	_ = 	snop  }
0x7: {  	_ = 	snop  }
__scs_overlays_trampoline_lowered:
0x8: {  	[smem:$0x3FAC] =	sst s0  }
0x9: {  	[smem:$0x3FAD] =	sst s1  }
0xa: {  	[smem:$0x3FAE] =	sst s2  }
0xb: {  	[smem:$0x3FAF] =	sst s3  }
0xc: {  	[smem:$0x3FB0] =	sst s4  }
0xd: {  	[smem:$0x3FB1] =	sst s5  }
0xe: {  	[smem:$0x3FB2] =	sst s6  }
0xf: {  	[smem:$0x3FB3] =	sst s7  }
0x10: {  	[smem:$0x3FB4] =	sst s8  }
0x11: {  	[smem:$0x3FB5] =	sst s9;
	s0 =	simm.s32 @!p0 $0x0  }
0x12: {  	s1 =	sld [smem:$0x3F9B];
	s0 =	simm.s32 @p0 $0x1  }
0x13: {  	[smem:$0x3FB6] =	sst s0;
	s0 =	simm.s32 @!p1 $0x0  }
0x14: {  	s2 =	sld [smem:$0x3F9A];
	s0 =	simm.s32 @p1 $0x1  }
0x15: {  	[smem:$0x3FB7] =	sst s0;
	s0 =	simm.s32 @!p2 $0x0  }
0x16: {  	s3 =	sld [smem:$0x3FDB];
	s0 =	simm.s32 @p2 $0x1  }
0x17: {  	s4 =	simm.s32 $0x1BF5;
	[smem:$0x3FB9] =	sst s0  }
0x18: {  	s0 =	sld [smem:$0x3F9C];
	_ =	swait.ge [sflag:s4], $0x0  }
0x19: {  	s7 =	sld [smem:$0x3F9D]  }
0x1a: {  	s8 =	sadd.s32 $0xFFFFE003, lr  }
0x1b: {  	s9 =	sadd.s32 $0xFFFFFEF7, lr;
	s5 =	simm.s32 $0xFFFFFFFF;
	p2 =	slt.u32 s8, $0xFFFFF086  }
0x1c: {  	p1 =	slt.u32 s9, $0xF7A;
	s5 =	simm.s32 @!p2 $0x0  }
0x1d: {  	s5 =	simm.s32 @p1 $0x1;
	p0 =	seq.s32 s7, s2  }
0x1e: {  	s7 =	smul.u32 @!p0 $0xF7A, s2;
	p2 =	seq.s32 @!p0 s5, $0x0  }
0x1f: {  	s9 =	smul.u32 $0xF7A, s1;
	s8 =	simm.s32 @!p0 $0x1BF5;
	p2 =	por !p2, p0  }
0x20: {  	[sflag:s8] =	ssyncset.s32 @!p0 $0xFFFFF086;
	s6 =	sadd.s32 @!p0 s3, s7;
	s7 =	simm.s32 @!p0 $0x108  }
0x21: {  	s3 =	sadd.s32 s3, s9;
	s6 =	sadd.s32 @!p0 $0x88, s6;
	s7 =	simm.s32 @p2 $0x1082  }
0x22: {  	[simem:s7], [sflag:s8] =	dma.local @!p0 [hbm:s6], $0xF7A  }
0x23: {  	s9 =	sor.u32 $0xD0000000, s2;
	s6 =	simm.s32 $0x108;
	_ =	swait.ge @!p0 [sflag:s8], $0x0  }
0x24: {  	s3 =	sadd.s32 $0x88, s3;
	s6 =	simm.s32 @!p1 $0x1082;
	[sflag:s4] =	ssyncset.s32 $0xFFFFF086  }
0x25: {  	[simem:s6], [sflag:s4] =	dma.local [hbm:s3], $0xF7A  }
0x26: {  	[smem:$0x3F9D] =	sst s1;
	(tag) =	ssettag s2;
	_ =	strace s9  }
0x27: {  	s1 =	sld [smem:$0x3FAD]  }
0x28: {  	s2 =	sld [smem:$0x3FAE]  }
0x29: {  	s4 =	sld [smem:$0x3FB0]  }
0x2a: {  	p0 =	seq.s32 s5, $0x0;
	s5 =	sld [smem:$0x3FB1]  }
0x2b: {  	s6 =	sld [smem:$0x3FB2]  }
0x2c: {  	s7 =	sld [smem:$0x3FB3]  }
0x2d: {  	s3 =	simm.s32 $0x108;
	s8 =	sld [smem:$0x3FB4]  }
0x2e: {  	s3 =	simm.s32 @!p0 $0x1082;
	s9 =	sld [smem:$0x3FB5]  }
0x2f: {  	lr =	sadd.s32 s0, s3;
	s0 =	sld [smem:$0x3FAC]  }
0x30: {  	s3 =	sld [smem:$0x3FAF]  }
0x31: {  	[smem:$0x3FB8] =	sst s10  }
0x32: {  	s10 =	sld [smem:$0x3FB6];
	_ =	sdelay $0x3  }
0x33: {  	p0 =	seq.s32 s10, $0x1;
	s10 =	sld [smem:$0x3FB8];
	_ =	sdelay $0x3  }
0x34: {  	[smem:$0x3FB8] =	sst s10  }
0x35: {  	s10 =	sld [smem:$0x3FB7];
	_ =	sdelay $0x3  }
0x36: {  	p1 =	seq.s32 s10, $0x1;
	s10 =	sld [smem:$0x3FB8];
	_ =	sdelay $0x3  }
0x37: {  	[smem:$0x3FB8] =	sst s10  }
0x38: {  	s10 =	sld [smem:$0x3FB9]  }
0x39: {  	_ = 	snop;
	(pc) =	sbr.ind lr, $3  }
0x3a: {  	_ = 	snop  }
0x3b: {  	_ = 	snop  }
0x3c: {  	p2 =	seq.s32 s10, $0x1;
	s10 =	sld [smem:$0x3FB8]  }
0x3d: {  	_ =	shalt  }
0x3e: {  	_ =	shalt  }
0x3f: {  	_ =	shalt  }
0x40: {  	_ =	shalt  }
0x41: {  	_ =	shalt  }
0x42: {  	_ =	shalt  }
0x43: {  	_ =	shalt  }
0x44: {  	_ =	shalt  }
0x45: {  	_ =	shalt  }
0x46: {  	_ =	shalt  }
0x47: {  	_ =	shalt  }
0x48: {  	_ =	shalt  }
0x49: {  	_ =	shalt  }
0x4a: {  	_ =	shalt  }
0x4b: {  	_ =	shalt  }
0x4c: {  	_ =	shalt  }
0x4d: {  	_ =	shalt  }
0x4e: {  	_ =	shalt  }
0x4f: {  	_ =	shalt  }
0x50: {  	_ =	shalt  }
0x51: {  	_ =	shalt  }
0x52: {  	_ =	shalt  }
0x53: {  	_ =	shalt  }
0x54: {  	_ =	shalt  }
0x55: {  	_ =	shalt  }
0x56: {  	_ =	shalt  }
0x57: {  	_ =	shalt  }
0x58: {  	_ =	shalt  }
0x59: {  	_ =	shalt  }
0x5a: {  	_ =	shalt  }
0x5b: {  	_ =	shalt  }
0x5c: {  	_ =	shalt  }
0x5d: {  	_ =	shalt  }
0x5e: {  	_ =	shalt  }
0x5f: {  	_ =	shalt  }
0x60: {  	_ =	shalt  }
0x61: {  	_ =	shalt  }
0x62: {  	_ =	shalt  }
0x63: {  	_ =	shalt  }
0x64: {  	_ =	shalt  }
0x65: {  	_ =	shalt  }
0x66: {  	_ =	shalt  }
0x67: {  	_ =	shalt  }
0x68: {  	_ =	shalt  }
0x69: {  	_ =	shalt  }
0x6a: {  	_ =	shalt  }
0x6b: {  	_ =	shalt  }
0x6c: {  	_ =	shalt  }
0x6d: {  	_ =	shalt  }
0x6e: {  	_ =	shalt  }
0x6f: {  	_ =	shalt  }
0x70: {  	_ =	shalt  }
0x71: {  	_ =	shalt  }
0x72: {  	_ =	shalt  }
0x73: {  	_ =	shalt  }
0x74: {  	_ =	shalt  }
0x75: {  	_ =	shalt  }
0x76: {  	_ =	shalt  }
0x77: {  	_ =	shalt  }
0x78: {  	_ =	shalt  }
0x79: {  	_ =	shalt  }
0x7a: {  	_ =	shalt  }
0x7b: {  	_ =	shalt  }
0x7c: {  	_ =	shalt  }
0x7d: {  	_ =	shalt  }
0x7e: {  	_ =	shalt  }
0x7f: {  	_ =	shalt  }
0x80: {  	_ =	shalt  }
0x81: {  	_ =	shalt  }
0x82: {  	_ =	shalt  }
0x83: {  	_ =	shalt  }
0x84: {  	_ =	shalt  }
0x85: {  	_ =	shalt  }
0x86: {  	_ =	shalt  }
0x87: {  	_ =	shalt  }
.Lfunc_end0:
.L_simem_size_0:
called_computation_lowered:
.L_overlay_start_0:
0x88: {  	s2 =	sld [smem:$0x3FD9]  }
0x89: {  	s3 =	sld [smem:$0x3FFE];
	_ =	sdelay $0x1  }
0x8a: {  	s1 =	srdreg.scid  }
0x8b: {  	s0 =	sand.u32 $0x1, s1  }
0x8c: {  	s17 =	sshll.u32 s0, $0xA;
	s2 =	sadd.s32 s3, s2  }
0x8d: {  	s2 =	sadd.s32 s2, s17  }
0x8e: {  	[smem:$0x3FC4] =	sst s2  }
0x8f: {  	_ = 	snop  }
0x90: {  	s2 =	sld [smem:$0x3FC9]  }
0x91: {  	s18 =	sld [smem:$0x3FC8]  }
0x92: {  	s4 =	sld [smem:$0x3FC7]  }
0x93: {  	s5 =	sld [smem:$0x3FD0];
	(tm) =	ssettm $0x1  }
0x94: {  	s6 =	sld [smem:$0x3FFB];
	_ =	sdelay $0x3  }
0x95: {  	_ =	strace s6  }
0x96: {  	s6 =	sld [smem:$0x3FFC];
	_ =	sdelay $0x3  }
0x97: {  	_ =	strace s6  }
0x98: {  	s6 =	sld [smem:$0x3FFD];
	_ =	sdelay $0x3  }
0x99: {  	_ =	strace s6  }
0x9a: {  	_ =	strace $0x8FFFFFFF  }
0x9b: {  	s19 =	sld [smem:$0x3FDB];
	_ =	sdelay $0x1  }
0x9c: {  	s7 =	simm.s32 $_scs_section_size  }
0x9d: {  	s8 =	simm.s32 $_size__tile_overlayer_lowered;
	s9 =	simm.s32 $_tile_overlayer_lowered  }
0x9e: {  	s22 =	simm.s32 $0x1BFF;
	s21 =	sshll.u32 s9, $0x1;
	s6 =	sadd.s32 s7, s19  }
0x9f: {  	s10 =	simm.s32 $0x0;
	s20 =	sshll.u32 s8, $0x1;
	s8 =	sadd.s32 s21, s6  }
0xa0: {  	[timem:s10], [sflag:s22] =	dma.local [hbm:s8], s20  }
0xa1: {  	_ =	swait.ge [sflag:s22], s20  }
0xa2: {  	s7 =	ssub.s32 $0x0, s20;
	[sflag:s22] =	ssyncset.done $0x0  }
0xa3: {  	[sflag:s22] =	ssyncadd.s32 s7;
	_ =	sdelay $0x1  }
0xa4: {  	s23 =	simm.s32 $0x1B8B  }
0xa5: {  	_ =	swait.ge [sflag:s23], $0x1  }
0xa6: {  	[sflag:s23] =	ssyncset.done $0x0  }
0xa7: {  	s25 =	simm.s32 $0x1B8E;
	s24 =	sld [smem:$0x3FFE];
	[sflag:s23] =	ssyncadd.s32 $0xFFFFFFFF  }
0xa8: {  	s26 =	simm.s32 $execute0_lowered;
	[smem:$0x3FD2] =	sst s25  }
0xa9: {  	s8 =	sshll.u32 s26, $0x1;
	_ =	strace $0x80000046;
	[dreg:$0x1] =	wrdreg $0xFFFFFFFF  }
0xaa: {  	s28 =	simm.s32 $_size_execute0_lowered;
	s6 =	sadd.s32 s6, s8;
	[dreg:$0x0] =	wrdreg $0x0  }
0xab: {  	s8 =	sshll.u32 s28, $0x1;
	[dreg:$0x2] =	wrdreg s6  }
0xac: {  	[dreg:$0x3] =	wrdreg s8  }
0xad: {  	[dreg:$0x4] =	wrdreg $0xC0  }
0xae: {  	_ =	task [dreg:s10], $0x5FFFF  }
0xaf: {  	[dreg:$0x1] =	wrdreg $0xFFFFFFFF  }
0xb0: {  	[dreg:$0x0] =	wrdreg $0x60  }
0xb1: {  	[dreg:$0x2] =	wrdreg s2  }
0xb2: {  	[dreg:$0x3] =	wrdreg s18  }
0xb3: {  	[dreg:$0x4] =	wrdreg s4  }
0xb4: {  	[dreg:$0x5] =	wrdreg s24  }
0xb5: {  	[dreg:$0x6] =	wrdreg s5  }
0xb6: {  	[dreg:$0x7] =	wrdreg $0x9  }
0xb7: {  	_ =	task.clear_ibuf [dreg:s10], $0x8FFFF;
	_ =	strace $0x90000046  }
0xb8: {  	s29 =	simm.s32 $0x9;
	_ =	strace $0x80000048  }
0xb9: {  	_ =	swait.ge [sflag:s29], $0x1  }
0xba: {  	[sflag:s29] =	ssyncadd.s32 $0xFFFFFFFF  }
0xbb: {  	_ =	strace $0x90000048  }
0xbc: {  	_ =	sfence  }
0xbd: {  	s30 =	sld [smem:$0x0];
	_ =	sdelay $0x2  }
0xbe: {  	s31 =	sshll.u32 s1, $0xD;
	s1 =	sshrl.u32 s1, $0x2  }
0xbf: {  	s3 =	sand.u32 $0x4000, s31;
	s1 =	sadd.s32 s1, s30  }
0xc0: {  	s0 =	sor.u32 s3, s0;
	s1 =	sshll.u32 s1, $0x11  }
0xc1: {  	s0 =	sor.u32 s1, s0  }
0xc2: {  	s0 =	sadd.s32 $0x8F2B, s0  }
0xc3: {  	[sflag:s0] =	ssyncadd.remote.s32 $0x1  }
0xc4: {  	_ =	sfence.sel $0xFFFF  }
0xc5: {  	[dreg:$0x0] =	wrdreg $0xFFFFFFFF;
	(pc) =	sbr.abs _section_cstart, $3  }
0xc6: {  	[dreg:$0x1] =	wrdreg $0xFFFFFFFF  }
0xc7: {  	_ =	task.clear_ibuf [dreg:s10], $0x2FFFF;
	_ =	strace $0x9FFFFFFF  }
0xc8: {  	(tm) =	ssettm $0x7FFFFFFF  }
0xc9: {  	_ =	shalt  }
tec
execute0_lowered:
.L_overlay_start_1:
0x0: {  	(tag) =	ssettag $0x1  }
0x1: {  	s1 =	rddreg [dreg:$0x0]  }
0x2: {  	s2 =	rddreg [dreg:$0x1]  }
0x3: {  	s3 =	rddreg [dreg:$0x2]  }
0x4: {  	s0 =	rddreg [dreg:$0x3]  }
0x5: {  	s4 =	rddreg [dreg:$0x4];
	s6 =	simm.s32 $0x0  }
0x6: {  	s5 =	srdreg.scid;
	s9 =	stileid.u32;
	s15 =	simm.s32 $0x1E700  }
0x7: {  	s17 =	simm.s32 $0x80;
	s18 =	simm.s32 $0x400;
	s19 =	simm.s32 $0x1C700  }
0x8: {  	s20 =	simm.s32 $0x1D700;
	s21 =	simm.s32 $0x2;
	s22 =	simm.s32 $0x3  }
0x9: {  	s23 =	simm.s32 $0x6200;
	s24 =	simm.s32 $0xC400;
	s25 =	simm.s32 $0x12600  }
0xa: {  	s26 =	simm.s32 $0x18680;
	s28 =	simm.s32 $0x1;
	s29 =	simm.s32 $0x0  }
0xb: {  	[smem:$0x7FF] =	sst s6;
	s5 =	sand.u32 $0x1, s5;
	s7 =	sadd.s32 $0x600, s0  }
0xc: {  	s9 =	sshll.u32 s9, $0x1;
	s0 =	sadd.s32 $0x400, s0;
	s8 =	ssub.s32 $0x2, s5  }
0xd: {  	s10 =	sadd.s32 $0x1000, s4;
	_ =	strace $0x80000047;
	s31 =	sshrl.u32 s8, $0x1  }
0xe: {  	[dreg:$0x6] =	wrdreg s0;
	s5 =	sor.u32 s5, s9;
	s0 =	ssub.s32 s8, s31  }
0xf: {  	s11 =	sadd.s32 $0x2000, s4;
	s9 =	smul.u32 $0x1A, s5;
	s0 =	smax.u32 s0, $0x1  }
0x10: {  	s12 =	sadd.s32 $0x3000, s4;
	s13 =	smul.u32 $0x34, s5;
	[dreg:$0x7] =	wrdreg s0  }
.LBB2_1:
0x11: {  	s0 =	rddreg [dreg:$0x6];
	s16 =	simm.s32 $0x4  }
0x12: {  	[tilespmem:s15], [sflag:$0x4] =	stream.linear.gather [hbm4b:s0+s6], $0x380, $0x38;
	[tilespmem:$0x1EA80] =	vst v63  }
0x13: {  	_ =	swait.ge [sflag:s16], $0x380  }
0x14: {  	[sflag:s16] =	ssyncset.done $0x0  }
0x15: {  	s31 =	simm.s32 $0xFFFFFFFF;
	s30 =	simm.s32 $0x0;
	[sflag:s16] =	ssyncadd.s32 $0xFFFFFC80  }
.LBB2_2:
0x16: {  	s0 =	sadd.s32 s9, s30  }
0x17: {  	s5 =	smov.u32 s31;
	s31 =	sshrl.u32 s0, $0x6  }
0x18: {  	p0 =	seq.s32 s31, s5  }
0x19: {  	s5 =	sshll.u32 @!p0 s31, $0x4  }
0x1a: {  	s8 =	sshll.u32 @!p0 s31, $0xB;
	s5 =	sand.u32 @!p0 $0x70, s5  }
0x1b: {  	s14 =	simm.s32 @!p0 $0x400;
	s8 =	sand.u32 @!p0 $0xFFFC000, s8;
	s5 =	sadd.s32 @!p0 s1, s5  }
0x1c: {  	s16 =	simm.s32 @!p0 $0x0;
	s5 =	sadd.s32 @!p0 s8, s5;
	s8 =	simm.s32 @!p0 $0x80  }
0x1d: {  	[tilespmem:s16], [sflag:$0x4] =	stream.strided.gather @!p0 [hbm4b:s5+s8], $0x4000, s14, s8, $0x38;
	[tilespmem:$0x1EA80] =	vst v63  }
0x1e: {  	v0 =	vmov s0;
	s5 =	simm.s32 @!p0 $0x4  }
0x1f: {  	_ =	swait.ge @!p0 [sflag:s5], $0x4000  }
0x20: {  	[sflag:s5] =	ssyncset.done @!p0 $0x0  }
0x21: {  	[sflag:s5] =	ssyncadd.s32 @!p0 $0xFFFFC000;
	p0 =	seq.s32 s30, $0x0  }
0x22: {  	s5 =	simm.s32 @!p0 $0x2  }
0x23: {  	v0 =	vld.idx.msk [tilespmem:v0+s15+$0x0], $0xffff;
	_ =	swait.ge @!p0 [sflag:s5], $0x1000  }
0x24: {  	[sflag:s5] =	ssyncset.done @!p0 $0x0  }
0x25: {  	[sflag:s5] =	ssyncadd.s32 @!p0 $0xFFFFF000;
	s5 =	simm.s32 $0x0  }
0x26: {  	v1 =	vld [tilespmem:s5+$0x1F0]  }
0x27: {  	v2 =	vld [tilespmem:s5+$0x0];
	_ =	sdelay $0x1  }
0x28: {  	v3 =	vld [tilespmem:s5+$0x10]  }
0x29: {  	v4 =	vld [tilespmem:s5+$0x20]  }
0x2a: {  	v5 =	vld [tilespmem:s5+$0x30];
	v1 =	vmul.f32 v1, v0  }
0x2b: {  	v6 =	vld [tilespmem:s5+$0x40];
	v2 =	vmul.f32 v2, v0  }
0x2c: {  	v7 =	vld [tilespmem:s5+$0x50];
	[tilespmem:s5+$0x1C8F0] =	vst v1  }
0x2d: {  	v1 =	vmul.f32 v3, v0;
	[tilespmem:s5+$0x1C700] =	vst v2;
	v2 =	vld [tilespmem:s5+$0x70]  }
0x2e: {  	v8 =	vld [tilespmem:s5+$0x60];
	v3 =	vmul.f32 v4, v0  }
0x2f: {  	v4 =	vmul.f32 v5, v0;
	[tilespmem:s5+$0x1C710] =	vst v1;
	v1 =	vld [tilespmem:s5+$0x80]  }
0x30: {  	v5 =	vmul.f32 v6, v0;
	[tilespmem:s5+$0x1C720] =	vst v3;
	v3 =	vld [tilespmem:s5+$0x90]  }
0x31: {  	v6 =	vmul.f32 v7, v0;
	[tilespmem:s5+$0x1C730] =	vst v4;
	v4 =	vld [tilespmem:s5+$0xA0]  }
0x32: {  	[tilespmem:s5+$0x1C740] =	vst v5;
	v5 =	vld [tilespmem:s5+$0xB0];
	v2 =	vmul.f32 v2, v0  }
0x33: {  	v7 =	vmul.f32 v8, v0;
	[tilespmem:s5+$0x1C750] =	vst v6;
	v6 =	vld [tilespmem:s5+$0xC0]  }
0x34: {  	v1 =	vmul.f32 v1, v0;
	[tilespmem:s5+$0x1C770] =	vst v2;
	v2 =	vld [tilespmem:s5+$0xE0]  }
0x35: {  	[tilespmem:s5+$0x1C760] =	vst v7;
	v7 =	vld [tilespmem:s5+$0xD0];
	v3 =	vmul.f32 v3, v0  }
0x36: {  	v4 =	vmul.f32 v4, v0;
	[tilespmem:s5+$0x1C780] =	vst v1;
	v1 =	vld [tilespmem:s5+$0xF0]  }
0x37: {  	v5 =	vmul.f32 v5, v0;
	[tilespmem:s5+$0x1C790] =	vst v3;
	v3 =	vld [tilespmem:s5+$0x100]  }
0x38: {  	v6 =	vmul.f32 v6, v0;
	[tilespmem:s5+$0x1C7A0] =	vst v4;
	v4 =	vld [tilespmem:s5+$0x110]  }
0x39: {  	[tilespmem:s5+$0x1C7B0] =	vst v5;
	v5 =	vld [tilespmem:s5+$0x120];
	v2 =	vmul.f32 v2, v0  }
0x3a: {  	v7 =	vmul.f32 v7, v0;
	[tilespmem:s5+$0x1C7C0] =	vst v6;
	v6 =	vld [tilespmem:s5+$0x130]  }
0x3b: {  	v1 =	vmul.f32 v1, v0;
	[tilespmem:s5+$0x1C7E0] =	vst v2;
	v2 =	vld [tilespmem:s5+$0x150]  }
0x3c: {  	[tilespmem:s5+$0x1C7D0] =	vst v7;
	v7 =	vld [tilespmem:s5+$0x140];
	v3 =	vmul.f32 v3, v0  }
0x3d: {  	[tilespmem:s5+$0x1C7F0] =	vst v1;
	v1 =	vmul.f32 v4, v0;
	v4 =	vld [tilespmem:s5+$0x170]  }
0x3e: {  	v8 =	vld [tilespmem:s5+$0x160];
	[tilespmem:s5+$0x1C800] =	vst v3;
	v3 =	vmul.f32 v5, v0  }
0x3f: {  	v5 =	vld [tilespmem:s5+$0x180];
	[tilespmem:s5+$0x1C810] =	vst v1;
	v1 =	vmul.f32 v6, v0  }
0x40: {  	v9 =	vld [tilespmem:s5+$0x190];
	[tilespmem:s5+$0x1C820] =	vst v3;
	v6 =	vmul.f32 v2, v0  }
0x41: {  	v3 =	vmul.f32 v7, v0;
	[tilespmem:s5+$0x1C830] =	vst v1;
	v1 =	vld [tilespmem:s5+$0x1A0]  }
0x42: {  	v2 =	vld [tilespmem:s5+$0x1B0];
	[tilespmem:s5+$0x1C850] =	vst v6;
	v6 =	vmul.f32 v4, v0  }
0x43: {  	v7 =	vmul.f32 v8, v0;
	[tilespmem:s5+$0x1C840] =	vst v3;
	v3 =	vld [tilespmem:s5+$0x1C0]  }
0x44: {  	v4 =	vld [tilespmem:s5+$0x1D0];
	[tilespmem:s5+$0x1C870] =	vst v6;
	v6 =	vmul.f32 v5, v0  }
0x45: {  	s8 =	simm.s32 $0x200;
	s14 =	simm.s32 $0x1000;
	[tilespmem:s5+$0x1C860] =	vst v7;
	v7 =	vmul.f32 v9, v0;
	v5 =	vld [tilespmem:s5+$0x1E0]  }
.LBB2_3:
0x46: {  	p1 =	sne.s32 s14, $0x3800;
	v8 =	vld [tilespmem:s8+$0x1F0];
	[tilespmem:s5+$0x1C880] =	vst v6;
	v1 =	vmul.f32 v1, v0  }
0x47: {  	v6 =	vld [tilespmem:s8+$0x0];
	[tilespmem:s5+$0x1C890] =	vst v7;
	v2 =	vmul.f32 v2, v0  }
0x48: {  	v7 =	vld [tilespmem:s8+$0x10];
	[tilespmem:s5+$0x1C8A0] =	vst v1;
	v1 =	vmul.f32 v3, v0  }
0x49: {  	v3 =	vld [tilespmem:s8+$0x20];
	[tilespmem:s5+$0x1C8B0] =	vst v2;
	v2 =	vmul.f32 v4, v0  }
0x4a: {  	v4 =	vld [tilespmem:s8+$0x30];
	[tilespmem:s5+$0x1C8C0] =	vst v1;
	v1 =	vmul.f32 v5, v0  }
0x4b: {  	v5 =	vld [tilespmem:s8+$0x40];
	v8 =	vmul.f32 v8, v0;
	[tilespmem:s5+$0x1C8D0] =	vst v2  }
0x4c: {  	v2 =	vmul.f32 v6, v0;
	v6 =	vld [tilespmem:s8+$0x50];
	[tilespmem:s5+$0x1C8E0] =	vst v1;
	s5 =	smov.u32 s8  }
0x4d: {  	v1 =	vmul.f32 v7, v0;
	v7 =	vld [tilespmem:s5+$0x60];
	[tilespmem:s5+$0x1C8F0] =	vst v8  }
0x4e: {  	[tilespmem:s5+$0x1C700] =	vst v2;
	v2 =	vmul.f32 v3, v0;
	v3 =	vld [tilespmem:s5+$0x70]  }
0x4f: {  	[tilespmem:s5+$0x1C710] =	vst v1;
	v1 =	vmul.f32 v4, v0;
	v4 =	vld [tilespmem:s5+$0x80]  }
0x50: {  	[tilespmem:s5+$0x1C720] =	vst v2;
	v2 =	vmul.f32 v5, v0;
	v5 =	vld [tilespmem:s5+$0x90]  }
0x51: {  	[tilespmem:s5+$0x1C730] =	vst v1;
	v1 =	vmul.f32 v6, v0;
	v6 =	vld [tilespmem:s5+$0xA0]  }
0x52: {  	[tilespmem:s5+$0x1C740] =	vst v2;
	v2 =	vmul.f32 v7, v0;
	v7 =	vld [tilespmem:s5+$0xB0]  }
0x53: {  	[tilespmem:s5+$0x1C750] =	vst v1;
	v1 =	vmul.f32 v3, v0;
	v3 =	vld [tilespmem:s5+$0xC0]  }
0x54: {  	[tilespmem:s5+$0x1C760] =	vst v2;
	v2 =	vmul.f32 v4, v0;
	v4 =	vld [tilespmem:s5+$0xD0]  }
0x55: {  	[tilespmem:s5+$0x1C770] =	vst v1;
	v1 =	vmul.f32 v5, v0;
	v5 =	vld [tilespmem:s5+$0xE0]  }
0x56: {  	[tilespmem:s5+$0x1C780] =	vst v2;
	v2 =	vmul.f32 v6, v0;
	v6 =	vld [tilespmem:s5+$0xF0]  }
0x57: {  	[tilespmem:s5+$0x1C790] =	vst v1;
	v1 =	vmul.f32 v7, v0;
	v7 =	vld [tilespmem:s5+$0x100]  }
0x58: {  	[tilespmem:s5+$0x1C7A0] =	vst v2;
	v2 =	vmul.f32 v3, v0;
	v3 =	vld [tilespmem:s5+$0x110]  }
0x59: {  	[tilespmem:s5+$0x1C7B0] =	vst v1;
	v1 =	vmul.f32 v4, v0;
	v4 =	vld [tilespmem:s5+$0x120]  }
0x5a: {  	[tilespmem:s5+$0x1C7C0] =	vst v2;
	v2 =	vmul.f32 v5, v0;
	v5 =	vld [tilespmem:s5+$0x130]  }
0x5b: {  	[tilespmem:s5+$0x1C7D0] =	vst v1;
	v1 =	vmul.f32 v6, v0;
	v6 =	vld [tilespmem:s5+$0x140]  }
0x5c: {  	[tilespmem:s5+$0x1C7E0] =	vst v2;
	v2 =	vmul.f32 v7, v0;
	v7 =	vld [tilespmem:s5+$0x150]  }
0x5d: {  	[tilespmem:s5+$0x1C7F0] =	vst v1;
	v1 =	vmul.f32 v3, v0;
	v3 =	vld [tilespmem:s5+$0x160]  }
0x5e: {  	[tilespmem:s5+$0x1C800] =	vst v2;
	v2 =	vmul.f32 v4, v0;
	v4 =	vld [tilespmem:s5+$0x170]  }
0x5f: {  	[tilespmem:s5+$0x1C810] =	vst v1;
	v1 =	vmul.f32 v5, v0;
	v5 =	vld [tilespmem:s5+$0x180]  }
0x60: {  	[tilespmem:s5+$0x1C820] =	vst v2;
	v2 =	vmul.f32 v6, v0;
	v8 =	vld [tilespmem:s5+$0x190]  }
.Ltmp0:
0x61: {  	[tilespmem:s5+$0x1C830] =	vst v1;
	v6 =	vmul.f32 v7, v0;
	v1 =	vld [tilespmem:s5+$0x1A0];
	(pc) =	sbr.rel @p1 .LBB2_3-.Ltmp0, $4  }
0x62: {  	[tilespmem:s5+$0x1C840] =	vst v2;
	v7 =	vmul.f32 v3, v0;
	v2 =	vld [tilespmem:s5+$0x1B0]  }
0x63: {  	[tilespmem:s5+$0x1C850] =	vst v6;
	v9 =	vmul.f32 v4, v0;
	v3 =	vld [tilespmem:s5+$0x1C0]  }
0x64: {  	[tilespmem:s5+$0x1C860] =	vst v7;
	v6 =	vmul.f32 v5, v0;
	v4 =	vld [tilespmem:s5+$0x1D0]  }
0x65: {  	s8 =	sshra.s32 s14, $0x2;
	s14 =	sadd.s32 $0x800, s14;
	[tilespmem:s5+$0x1C870] =	vst v9;
	v7 =	vmul.f32 v8, v0;
	v5 =	vld [tilespmem:s5+$0x1E0]  }
0x66: {  	v8 =	vld [tilespmem:s8+$0x1F0];
	[tilespmem:s5+$0x1C880] =	vst v6;
	v1 =	vmul.f32 v1, v0  }
0x67: {  	v6 =	vld [tilespmem:s8+$0x0];
	[tilespmem:s5+$0x1C890] =	vst v7;
	v2 =	vmul.f32 v2, v0  }
0x68: {  	v7 =	vld [tilespmem:s8+$0x10];
	[tilespmem:s5+$0x1C8A0] =	vst v1;
	v3 =	vmul.f32 v3, v0  }
0x69: {  	v1 =	vld [tilespmem:s8+$0x20];
	[tilespmem:s5+$0x1C8B0] =	vst v2;
	v4 =	vmul.f32 v4, v0  }
0x6a: {  	v2 =	vld [tilespmem:s8+$0x30];
	[tilespmem:s5+$0x1C8C0] =	vst v3;
	v5 =	vmul.f32 v5, v0  }
0x6b: {  	v3 =	vld [tilespmem:s8+$0x40];
	[tilespmem:s5+$0x1C8D0] =	vst v4;
	v8 =	vmul.f32 v8, v0  }
0x6c: {  	v4 =	vld [tilespmem:s8+$0x50];
	[tilespmem:s5+$0x1C8E0] =	vst v5;
	v5 =	vmul.f32 v6, v0  }
0x6d: {  	v6 =	vld [tilespmem:s8+$0x60];
	[tilespmem:s8+$0x1C8F0] =	vst v8;
	v7 =	vmul.f32 v7, v0  }
0x6e: {  	[tilespmem:s8+$0x1C700] =	vst v5;
	v5 =	vld [tilespmem:s8+$0x70];
	v1 =	vmul.f32 v1, v0  }
0x6f: {  	[tilespmem:s8+$0x1C710] =	vst v7;
	v7 =	vld [tilespmem:s8+$0x80];
	v2 =	vmul.f32 v2, v0  }
0x70: {  	[tilespmem:s8+$0x1C720] =	vst v1;
	v1 =	vld [tilespmem:s8+$0x90];
	v3 =	vmul.f32 v3, v0  }
0x71: {  	[tilespmem:s8+$0x1C730] =	vst v2;
	v2 =	vld [tilespmem:s8+$0xA0];
	v4 =	vmul.f32 v4, v0  }
0x72: {  	[tilespmem:s8+$0x1C740] =	vst v3;
	v3 =	vld [tilespmem:s8+$0xB0];
	v6 =	vmul.f32 v6, v0  }
0x73: {  	[tilespmem:s8+$0x1C750] =	vst v4;
	v4 =	vld [tilespmem:s8+$0xC0];
	v5 =	vmul.f32 v5, v0  }
0x74: {  	[tilespmem:s8+$0x1C760] =	vst v6;
	v6 =	vld [tilespmem:s8+$0xD0];
	v7 =	vmul.f32 v7, v0  }
0x75: {  	[tilespmem:s8+$0x1C770] =	vst v5;
	v5 =	vld [tilespmem:s8+$0xE0];
	v1 =	vmul.f32 v1, v0  }
0x76: {  	[tilespmem:s8+$0x1C780] =	vst v7;
	v7 =	vld [tilespmem:s8+$0xF0];
	v2 =	vmul.f32 v2, v0  }
0x77: {  	[tilespmem:s8+$0x1C790] =	vst v1;
	v1 =	vld [tilespmem:s8+$0x100];
	v3 =	vmul.f32 v3, v0  }
0x78: {  	[tilespmem:s8+$0x1C7A0] =	vst v2;
	v2 =	vld [tilespmem:s8+$0x110];
	v4 =	vmul.f32 v4, v0  }
0x79: {  	[tilespmem:s8+$0x1C7B0] =	vst v3;
	v3 =	vld [tilespmem:s8+$0x120];
	v6 =	vmul.f32 v6, v0  }
0x7a: {  	[tilespmem:s8+$0x1C7C0] =	vst v4;
	v4 =	vld [tilespmem:s8+$0x130];
	v5 =	vmul.f32 v5, v0  }
0x7b: {  	[tilespmem:s8+$0x1C7D0] =	vst v6;
	v6 =	vld [tilespmem:s8+$0x140];
	v7 =	vmul.f32 v7, v0  }
0x7c: {  	[tilespmem:s8+$0x1C7E0] =	vst v5;
	v5 =	vld [tilespmem:s8+$0x150];
	v1 =	vmul.f32 v1, v0  }
0x7d: {  	[tilespmem:s8+$0x1C7F0] =	vst v7;
	v7 =	vld [tilespmem:s8+$0x160];
	v2 =	vmul.f32 v2, v0  }
0x7e: {  	[tilespmem:s8+$0x1C800] =	vst v1;
	v1 =	vld [tilespmem:s8+$0x170];
	v3 =	vmul.f32 v3, v0  }
0x7f: {  	[tilespmem:s8+$0x1C810] =	vst v2;
	v2 =	vld [tilespmem:s8+$0x180];
	v4 =	vmul.f32 v4, v0  }
0x80: {  	[tilespmem:s8+$0x1C820] =	vst v3;
	v3 =	vld [tilespmem:s8+$0x190];
	v6 =	vmul.f32 v6, v0  }
0x81: {  	[tilespmem:s8+$0x1C830] =	vst v4;
	v4 =	vld [tilespmem:s8+$0x1A0];
	v5 =	vmul.f32 v5, v0  }
0x82: {  	[tilespmem:s8+$0x1C840] =	vst v6;
	v6 =	vld [tilespmem:s8+$0x1B0];
	v7 =	vmul.f32 v7, v0  }
0x83: {  	[tilespmem:s8+$0x1C850] =	vst v5;
	v5 =	vld [tilespmem:s8+$0x1C0];
	v1 =	vmul.f32 v1, v0  }
0x84: {  	[tilespmem:s8+$0x1C860] =	vst v7;
	v7 =	vld [tilespmem:s8+$0x1D0];
	v2 =	vmul.f32 v2, v0  }
0x85: {  	[tilespmem:s8+$0x1C870] =	vst v1;
	v1 =	vmul.f32 v3, v0;
	v3 =	vld [tilespmem:s8+$0x1E0]  }
0x86: {  	[tilespmem:s8+$0x1C880] =	vst v2;
	v2 =	vmul.f32 v4, v0  }
0x87: {  	[tilespmem:s8+$0x1C890] =	vst v1;
	v1 =	vmul.f32 v6, v0  }
0x88: {  	[tilespmem:s8+$0x1C8A0] =	vst v2;
	v2 =	vmul.f32 v5, v0  }
0x89: {  	s14 =	sshll.u32 s0, $0xB;
	s16 =	sshll.u32 s0, $0x4;
	[tilespmem:s8+$0x1C8B0] =	vst v1;
	v1 =	vmul.f32 v7, v0  }
0x8a: {  	s0 =	sand.u32 $0x70, s16;
	s5 =	sand.u32 $0xFFFC000, s14;
	[tilespmem:s8+$0x1C8C0] =	vst v2;
	v2 =	vmul.f32 v3, v0  }
0x8b: {  	s0 =	sor.u32 s0, s5;
	[tilespmem:s8+$0x1C8D0] =	vst v1  }
0x8c: {  	s5 =	sadd.s32 s4, s0;
	[tilespmem:s8+$0x1C8E0] =	vst v2  }
0x8d: {  	[hbm4b:s5+s17] =	stream.strided.scatter [tilespmem:s19], [sflag:$0x2], $0x1000, s18, s17, $0x38;
	[tilespmem:$0x1EA80] =	vst v63  }
0x8e: {  	s5 =	simm.s32 @!p0 $0x3  }
0x8f: {  	_ =	swait.ge @!p0 [sflag:s5], $0x1000  }
0x90: {  	[sflag:s5] =	ssyncset.done @!p0 $0x0  }
0x91: {  	[sflag:s5] =	ssyncadd.s32 @!p0 $0xFFFFF000;
	s5 =	simm.s32 $0x0  }
0x92: {  	v1 =	vld [tilespmem:s5+$0x11F0]  }
0x93: {  	v2 =	vld [tilespmem:s5+$0x1000];
	_ =	sdelay $0x1  }
0x94: {  	v3 =	vld [tilespmem:s5+$0x1010]  }
0x95: {  	v4 =	vld [tilespmem:s5+$0x1020]  }
0x96: {  	v5 =	vld [tilespmem:s5+$0x1030];
	v1 =	vmul.f32 v1, v0  }
0x97: {  	v6 =	vld [tilespmem:s5+$0x1040];
	v2 =	vmul.f32 v2, v0  }
0x98: {  	v7 =	vld [tilespmem:s5+$0x1050];
	[tilespmem:s5+$0x1D8F0] =	vst v1  }
0x99: {  	v1 =	vmul.f32 v3, v0;
	[tilespmem:s5+$0x1D700] =	vst v2;
	v2 =	vld [tilespmem:s5+$0x1070]  }
0x9a: {  	v8 =	vld [tilespmem:s5+$0x1060];
	v3 =	vmul.f32 v4, v0  }
0x9b: {  	v4 =	vmul.f32 v5, v0;
	[tilespmem:s5+$0x1D710] =	vst v1;
	v1 =	vld [tilespmem:s5+$0x1080]  }
0x9c: {  	v5 =	vmul.f32 v6, v0;
	[tilespmem:s5+$0x1D720] =	vst v3;
	v3 =	vld [tilespmem:s5+$0x1090]  }
0x9d: {  	v6 =	vmul.f32 v7, v0;
	[tilespmem:s5+$0x1D730] =	vst v4;
	v4 =	vld [tilespmem:s5+$0x10A0]  }
0x9e: {  	[tilespmem:s5+$0x1D740] =	vst v5;
	v5 =	vld [tilespmem:s5+$0x10B0];
	v2 =	vmul.f32 v2, v0  }
0x9f: {  	v7 =	vmul.f32 v8, v0;
	[tilespmem:s5+$0x1D750] =	vst v6;
	v6 =	vld [tilespmem:s5+$0x10C0]  }
0xa0: {  	v1 =	vmul.f32 v1, v0;
	[tilespmem:s5+$0x1D770] =	vst v2;
	v2 =	vld [tilespmem:s5+$0x10E0]  }
0xa1: {  	[tilespmem:s5+$0x1D760] =	vst v7;
	v7 =	vld [tilespmem:s5+$0x10D0];
	v3 =	vmul.f32 v3, v0  }
0xa2: {  	v4 =	vmul.f32 v4, v0;
	[tilespmem:s5+$0x1D780] =	vst v1;
	v1 =	vld [tilespmem:s5+$0x10F0]  }
0xa3: {  	v5 =	vmul.f32 v5, v0;
	[tilespmem:s5+$0x1D790] =	vst v3;
	v3 =	vld [tilespmem:s5+$0x1100]  }
0xa4: {  	v6 =	vmul.f32 v6, v0;
	[tilespmem:s5+$0x1D7A0] =	vst v4;
	v4 =	vld [tilespmem:s5+$0x1110]  }
0xa5: {  	[tilespmem:s5+$0x1D7B0] =	vst v5;
	v5 =	vld [tilespmem:s5+$0x1120];
	v2 =	vmul.f32 v2, v0  }
0xa6: {  	v7 =	vmul.f32 v7, v0;
	[tilespmem:s5+$0x1D7C0] =	vst v6;
	v6 =	vld [tilespmem:s5+$0x1130]  }
0xa7: {  	v1 =	vmul.f32 v1, v0;
	[tilespmem:s5+$0x1D7E0] =	vst v2;
	v2 =	vld [tilespmem:s5+$0x1150]  }
0xa8: {  	[tilespmem:s5+$0x1D7D0] =	vst v7;
	v7 =	vld [tilespmem:s5+$0x1140];
	v3 =	vmul.f32 v3, v0  }
0xa9: {  	[tilespmem:s5+$0x1D7F0] =	vst v1;
	v1 =	vmul.f32 v4, v0;
	v4 =	vld [tilespmem:s5+$0x1170]  }
0xaa: {  	v8 =	vld [tilespmem:s5+$0x1160];
	[tilespmem:s5+$0x1D800] =	vst v3;
	v3 =	vmul.f32 v5, v0  }
0xab: {  	v5 =	vld [tilespmem:s5+$0x1180];
	[tilespmem:s5+$0x1D810] =	vst v1;
	v1 =	vmul.f32 v6, v0  }
0xac: {  	v9 =	vld [tilespmem:s5+$0x1190];
	[tilespmem:s5+$0x1D820] =	vst v3;
	v6 =	vmul.f32 v2, v0  }
0xad: {  	v3 =	vmul.f32 v7, v0;
	[tilespmem:s5+$0x1D830] =	vst v1;
	v1 =	vld [tilespmem:s5+$0x11A0]  }
0xae: {  	v2 =	vld [tilespmem:s5+$0x11B0];
	[tilespmem:s5+$0x1D850] =	vst v6;
	v6 =	vmul.f32 v4, v0  }
0xaf: {  	v7 =	vmul.f32 v8, v0;
	[tilespmem:s5+$0x1D840] =	vst v3;
	v3 =	vld [tilespmem:s5+$0x11C0]  }
0xb0: {  	v4 =	vld [tilespmem:s5+$0x11D0];
	[tilespmem:s5+$0x1D870] =	vst v6;
	v6 =	vmul.f32 v5, v0  }
0xb1: {  	s14 =	simm.s32 $0x1000;
	s8 =	simm.s32 $0x200;
	[tilespmem:s5+$0x1D860] =	vst v7;
	v7 =	vmul.f32 v9, v0;
	v5 =	vld [tilespmem:s5+$0x11E0]  }
.LBB2_5:
0xb2: {  	p0 =	sne.s32 s14, $0x3800;
	v8 =	vld [tilespmem:s8+$0x11F0];
	[tilespmem:s5+$0x1D880] =	vst v6;
	v1 =	vmul.f32 v1, v0  }
0xb3: {  	v6 =	vld [tilespmem:s8+$0x1000];
	[tilespmem:s5+$0x1D890] =	vst v7;
	v2 =	vmul.f32 v2, v0  }
0xb4: {  	v7 =	vld [tilespmem:s8+$0x1010];
	[tilespmem:s5+$0x1D8A0] =	vst v1;
	v1 =	vmul.f32 v3, v0  }
0xb5: {  	v3 =	vld [tilespmem:s8+$0x1020];
	[tilespmem:s5+$0x1D8B0] =	vst v2;
	v2 =	vmul.f32 v4, v0  }
0xb6: {  	v4 =	vld [tilespmem:s8+$0x1030];
	[tilespmem:s5+$0x1D8C0] =	vst v1;
	v1 =	vmul.f32 v5, v0  }
0xb7: {  	v5 =	vld [tilespmem:s8+$0x1040];
	v8 =	vmul.f32 v8, v0;
	[tilespmem:s5+$0x1D8D0] =	vst v2  }
0xb8: {  	v2 =	vmul.f32 v6, v0;
	v6 =	vld [tilespmem:s8+$0x1050];
	[tilespmem:s5+$0x1D8E0] =	vst v1;
	s5 =	smov.u32 s8  }
0xb9: {  	v1 =	vmul.f32 v7, v0;
	v7 =	vld [tilespmem:s5+$0x1060];
	[tilespmem:s5+$0x1D8F0] =	vst v8  }
0xba: {  	[tilespmem:s5+$0x1D700] =	vst v2;
	v2 =	vmul.f32 v3, v0;
	v3 =	vld [tilespmem:s5+$0x1070]  }
0xbb: {  	[tilespmem:s5+$0x1D710] =	vst v1;
	v1 =	vmul.f32 v4, v0;
	v4 =	vld [tilespmem:s5+$0x1080]  }
0xbc: {  	[tilespmem:s5+$0x1D720] =	vst v2;
	v2 =	vmul.f32 v5, v0;
	v5 =	vld [tilespmem:s5+$0x1090]  }
0xbd: {  	[tilespmem:s5+$0x1D730] =	vst v1;
	v1 =	vmul.f32 v6, v0;
	v6 =	vld [tilespmem:s5+$0x10A0]  }
0xbe: {  	[tilespmem:s5+$0x1D740] =	vst v2;
	v2 =	vmul.f32 v7, v0;
	v7 =	vld [tilespmem:s5+$0x10B0]  }
0xbf: {  	[tilespmem:s5+$0x1D750] =	vst v1;
	v1 =	vmul.f32 v3, v0;
	v3 =	vld [tilespmem:s5+$0x10C0]  }
0xc0: {  	[tilespmem:s5+$0x1D760] =	vst v2;
	v2 =	vmul.f32 v4, v0;
	v4 =	vld [tilespmem:s5+$0x10D0]  }
0xc1: {  	[tilespmem:s5+$0x1D770] =	vst v1;
	v1 =	vmul.f32 v5, v0;
	v5 =	vld [tilespmem:s5+$0x10E0]  }
0xc2: {  	[tilespmem:s5+$0x1D780] =	vst v2;
	v2 =	vmul.f32 v6, v0;
	v6 =	vld [tilespmem:s5+$0x10F0]  }
0xc3: {  	[tilespmem:s5+$0x1D790] =	vst v1;
	v1 =	vmul.f32 v7, v0;
	v7 =	vld [tilespmem:s5+$0x1100]  }
0xc4: {  	[tilespmem:s5+$0x1D7A0] =	vst v2;
	v2 =	vmul.f32 v3, v0;
	v3 =	vld [tilespmem:s5+$0x1110]  }
0xc5: {  	[tilespmem:s5+$0x1D7B0] =	vst v1;
	v1 =	vmul.f32 v4, v0;
	v4 =	vld [tilespmem:s5+$0x1120]  }
0xc6: {  	[tilespmem:s5+$0x1D7C0] =	vst v2;
	v2 =	vmul.f32 v5, v0;
	v5 =	vld [tilespmem:s5+$0x1130]  }
0xc7: {  	[tilespmem:s5+$0x1D7D0] =	vst v1;
	v1 =	vmul.f32 v6, v0;
	v6 =	vld [tilespmem:s5+$0x1140]  }
0xc8: {  	[tilespmem:s5+$0x1D7E0] =	vst v2;
	v2 =	vmul.f32 v7, v0;
	v7 =	vld [tilespmem:s5+$0x1150]  }
0xc9: {  	[tilespmem:s5+$0x1D7F0] =	vst v1;
	v1 =	vmul.f32 v3, v0;
	v3 =	vld [tilespmem:s5+$0x1160]  }
0xca: {  	[tilespmem:s5+$0x1D800] =	vst v2;
	v2 =	vmul.f32 v4, v0;
	v4 =	vld [tilespmem:s5+$0x1170]  }
0xcb: {  	[tilespmem:s5+$0x1D810] =	vst v1;
	v1 =	vmul.f32 v5, v0;
	v5 =	vld [tilespmem:s5+$0x1180]  }
0xcc: {  	[tilespmem:s5+$0x1D820] =	vst v2;
	v2 =	vmul.f32 v6, v0;
	v8 =	vld [tilespmem:s5+$0x1190]  }
.Ltmp1:
0xcd: {  	[tilespmem:s5+$0x1D830] =	vst v1;
	v6 =	vmul.f32 v7, v0;
	v1 =	vld [tilespmem:s5+$0x11A0];
	(pc) =	sbr.rel @p0 .LBB2_5-.Ltmp1, $4  }
0xce: {  	[tilespmem:s5+$0x1D840] =	vst v2;
	v7 =	vmul.f32 v3, v0;
	v2 =	vld [tilespmem:s5+$0x11B0]  }
0xcf: {  	[tilespmem:s5+$0x1D850] =	vst v6;
	v9 =	vmul.f32 v4, v0;
	v3 =	vld [tilespmem:s5+$0x11C0]  }
0xd0: {  	[tilespmem:s5+$0x1D860] =	vst v7;
	v6 =	vmul.f32 v5, v0;
	v4 =	vld [tilespmem:s5+$0x11D0]  }
0xd1: {  	s8 =	sshra.s32 s14, $0x2;
	s14 =	sadd.s32 $0x800, s14;
	[tilespmem:s5+$0x1D870] =	vst v9;
	v7 =	vmul.f32 v8, v0;
	v5 =	vld [tilespmem:s5+$0x11E0]  }
0xd2: {  	v8 =	vld [tilespmem:s8+$0x11F0];
	[tilespmem:s5+$0x1D880] =	vst v6;
	v1 =	vmul.f32 v1, v0  }
0xd3: {  	v6 =	vld [tilespmem:s8+$0x1000];
	[tilespmem:s5+$0x1D890] =	vst v7;
	v2 =	vmul.f32 v2, v0  }
0xd4: {  	v7 =	vld [tilespmem:s8+$0x1010];
	[tilespmem:s5+$0x1D8A0] =	vst v1;
	v3 =	vmul.f32 v3, v0  }
0xd5: {  	v1 =	vld [tilespmem:s8+$0x1020];
	[tilespmem:s5+$0x1D8B0] =	vst v2;
	v4 =	vmul.f32 v4, v0  }
0xd6: {  	v2 =	vld [tilespmem:s8+$0x1030];
	[tilespmem:s5+$0x1D8C0] =	vst v3;
	v5 =	vmul.f32 v5, v0  }
0xd7: {  	v3 =	vld [tilespmem:s8+$0x1040];
	[tilespmem:s5+$0x1D8D0] =	vst v4;
	v8 =	vmul.f32 v8, v0  }
0xd8: {  	v4 =	vld [tilespmem:s8+$0x1050];
	[tilespmem:s5+$0x1D8E0] =	vst v5;
	v5 =	vmul.f32 v6, v0  }
0xd9: {  	v6 =	vld [tilespmem:s8+$0x1060];
	[tilespmem:s8+$0x1D8F0] =	vst v8;
	v7 =	vmul.f32 v7, v0  }
0xda: {  	[tilespmem:s8+$0x1D700] =	vst v5;
	v5 =	vld [tilespmem:s8+$0x1070];
	v1 =	vmul.f32 v1, v0  }
0xdb: {  	[tilespmem:s8+$0x1D710] =	vst v7;
	v7 =	vld [tilespmem:s8+$0x1080];
	v2 =	vmul.f32 v2, v0  }
0xdc: {  	[tilespmem:s8+$0x1D720] =	vst v1;
	v1 =	vld [tilespmem:s8+$0x1090];
	v3 =	vmul.f32 v3, v0  }
0xdd: {  	[tilespmem:s8+$0x1D730] =	vst v2;
	v2 =	vld [tilespmem:s8+$0x10A0];
	v4 =	vmul.f32 v4, v0  }
0xde: {  	[tilespmem:s8+$0x1D740] =	vst v3;
	v3 =	vld [tilespmem:s8+$0x10B0];
	v6 =	vmul.f32 v6, v0  }
0xdf: {  	[tilespmem:s8+$0x1D750] =	vst v4;
	v4 =	vld [tilespmem:s8+$0x10C0];
	v5 =	vmul.f32 v5, v0  }
0xe0: {  	[tilespmem:s8+$0x1D760] =	vst v6;
	v6 =	vld [tilespmem:s8+$0x10D0];
	v7 =	vmul.f32 v7, v0  }
0xe1: {  	[tilespmem:s8+$0x1D770] =	vst v5;
	v5 =	vld [tilespmem:s8+$0x10E0];
	v1 =	vmul.f32 v1, v0  }
0xe2: {  	[tilespmem:s8+$0x1D780] =	vst v7;
	v7 =	vld [tilespmem:s8+$0x10F0];
	v2 =	vmul.f32 v2, v0  }
0xe3: {  	[tilespmem:s8+$0x1D790] =	vst v1;
	v1 =	vld [tilespmem:s8+$0x1100];
	v3 =	vmul.f32 v3, v0  }
0xe4: {  	[tilespmem:s8+$0x1D7A0] =	vst v2;
	v2 =	vld [tilespmem:s8+$0x1110];
	v4 =	vmul.f32 v4, v0  }
0xe5: {  	[tilespmem:s8+$0x1D7B0] =	vst v3;
	v3 =	vld [tilespmem:s8+$0x1120];
	v6 =	vmul.f32 v6, v0  }
0xe6: {  	[tilespmem:s8+$0x1D7C0] =	vst v4;
	v4 =	vld [tilespmem:s8+$0x1130];
	v5 =	vmul.f32 v5, v0  }
0xe7: {  	[tilespmem:s8+$0x1D7D0] =	vst v6;
	v6 =	vld [tilespmem:s8+$0x1140];
	v7 =	vmul.f32 v7, v0  }
0xe8: {  	[tilespmem:s8+$0x1D7E0] =	vst v5;
	v5 =	vld [tilespmem:s8+$0x1150];
	v1 =	vmul.f32 v1, v0  }
0xe9: {  	[tilespmem:s8+$0x1D7F0] =	vst v7;
	v7 =	vld [tilespmem:s8+$0x1160];
	v2 =	vmul.f32 v2, v0  }
0xea: {  	[tilespmem:s8+$0x1D800] =	vst v1;
	v1 =	vld [tilespmem:s8+$0x1170];
	v3 =	vmul.f32 v3, v0  }
0xeb: {  	[tilespmem:s8+$0x1D810] =	vst v2;
	v2 =	vld [tilespmem:s8+$0x1180];
	v4 =	vmul.f32 v4, v0  }
0xec: {  	[tilespmem:s8+$0x1D820] =	vst v3;
	v3 =	vld [tilespmem:s8+$0x1190];
	v6 =	vmul.f32 v6, v0  }
0xed: {  	[tilespmem:s8+$0x1D830] =	vst v4;
	v4 =	vld [tilespmem:s8+$0x11A0];
	v5 =	vmul.f32 v5, v0  }
0xee: {  	[tilespmem:s8+$0x1D840] =	vst v6;
	v6 =	vld [tilespmem:s8+$0x11B0];
	v7 =	vmul.f32 v7, v0  }
0xef: {  	[tilespmem:s8+$0x1D850] =	vst v5;
	v5 =	vld [tilespmem:s8+$0x11C0];
	v1 =	vmul.f32 v1, v0  }
0xf0: {  	[tilespmem:s8+$0x1D860] =	vst v7;
	v7 =	vld [tilespmem:s8+$0x11D0];
	v2 =	vmul.f32 v2, v0  }
0xf1: {  	[tilespmem:s8+$0x1D870] =	vst v1;
	v1 =	vmul.f32 v3, v0;
	v3 =	vld [tilespmem:s8+$0x11E0]  }
0xf2: {  	[tilespmem:s8+$0x1D880] =	vst v2;
	v2 =	vmul.f32 v4, v0  }
0xf3: {  	[tilespmem:s8+$0x1D890] =	vst v1;
	v1 =	vmul.f32 v6, v0  }
0xf4: {  	[tilespmem:s8+$0x1D8A0] =	vst v2;
	v2 =	vmul.f32 v5, v0  }
0xf5: {  	[tilespmem:s8+$0x1D8B0] =	vst v1;
	v1 =	vmul.f32 v7, v0  }
0xf6: {  	[tilespmem:s8+$0x1D8C0] =	vst v2;
	v2 =	vmul.f32 v3, v0  }
0xf7: {  	[tilespmem:s8+$0x1D8D0] =	vst v1  }
0xf8: {  	s16 =	sadd.s32 s0, s10;
	[tilespmem:s8+$0x1D8E0] =	vst v2  }
0xf9: {  	[hbm4b:s16+s17] =	stream.strided.scatter [tilespmem:s20], [sflag:$0x3], $0x1000, s18, s17, $0x38;
	[tilespmem:$0x1EA80] =	vst v63  }
0xfa: {  	_ =	swait.ge [sflag:s21], $0x1000  }
0xfb: {  	[sflag:s21] =	ssyncset.done $0x0  }
0xfc: {  	s5 =	simm.s32 $0x0;
	[sflag:s21] =	ssyncadd.s32 $0xFFFFF000  }
0xfd: {  	v1 =	vld [tilespmem:s5+$0x21F0]  }
0xfe: {  	v2 =	vld [tilespmem:s5+$0x2000];
	_ =	sdelay $0x1  }
0xff: {  	v3 =	vld [tilespmem:s5+$0x2010]  }
0x100: {  	v4 =	vld [tilespmem:s5+$0x2020]  }
0x101: {  	v5 =	vld [tilespmem:s5+$0x2030];
	v1 =	vmul.f32 v1, v0  }
0x102: {  	v6 =	vld [tilespmem:s5+$0x2040];
	v2 =	vmul.f32 v2, v0  }
0x103: {  	v7 =	vld [tilespmem:s5+$0x2050];
	[tilespmem:s5+$0x1C8F0] =	vst v1  }
0x104: {  	v1 =	vmul.f32 v3, v0;
	[tilespmem:s5+$0x1C700] =	vst v2;
	v2 =	vld [tilespmem:s5+$0x2070]  }
0x105: {  	v8 =	vld [tilespmem:s5+$0x2060];
	v3 =	vmul.f32 v4, v0  }
0x106: {  	v4 =	vmul.f32 v5, v0;
	[tilespmem:s5+$0x1C710] =	vst v1;
	v1 =	vld [tilespmem:s5+$0x2080]  }
0x107: {  	v5 =	vmul.f32 v6, v0;
	[tilespmem:s5+$0x1C720] =	vst v3;
	v3 =	vld [tilespmem:s5+$0x2090]  }
0x108: {  	v6 =	vmul.f32 v7, v0;
	[tilespmem:s5+$0x1C730] =	vst v4;
	v4 =	vld [tilespmem:s5+$0x20A0]  }
0x109: {  	[tilespmem:s5+$0x1C740] =	vst v5;
	v5 =	vld [tilespmem:s5+$0x20B0];
	v2 =	vmul.f32 v2, v0  }
0x10a: {  	v7 =	vmul.f32 v8, v0;
	[tilespmem:s5+$0x1C750] =	vst v6;
	v6 =	vld [tilespmem:s5+$0x20C0]  }
0x10b: {  	v1 =	vmul.f32 v1, v0;
	[tilespmem:s5+$0x1C770] =	vst v2;
	v2 =	vld [tilespmem:s5+$0x20E0]  }
0x10c: {  	[tilespmem:s5+$0x1C760] =	vst v7;
	v7 =	vld [tilespmem:s5+$0x20D0];
	v3 =	vmul.f32 v3, v0  }
0x10d: {  	v4 =	vmul.f32 v4, v0;
	[tilespmem:s5+$0x1C780] =	vst v1;
	v1 =	vld [tilespmem:s5+$0x20F0]  }
0x10e: {  	v5 =	vmul.f32 v5, v0;
	[tilespmem:s5+$0x1C790] =	vst v3;
	v3 =	vld [tilespmem:s5+$0x2100]  }
0x10f: {  	v6 =	vmul.f32 v6, v0;
	[tilespmem:s5+$0x1C7A0] =	vst v4;
	v4 =	vld [tilespmem:s5+$0x2110]  }
0x110: {  	[tilespmem:s5+$0x1C7B0] =	vst v5;
	v5 =	vld [tilespmem:s5+$0x2120];
	v2 =	vmul.f32 v2, v0  }
0x111: {  	v7 =	vmul.f32 v7, v0;
	[tilespmem:s5+$0x1C7C0] =	vst v6;
	v6 =	vld [tilespmem:s5+$0x2130]  }
0x112: {  	v1 =	vmul.f32 v1, v0;
	[tilespmem:s5+$0x1C7E0] =	vst v2;
	v2 =	vld [tilespmem:s5+$0x2150]  }
0x113: {  	[tilespmem:s5+$0x1C7D0] =	vst v7;
	v7 =	vld [tilespmem:s5+$0x2140];
	v3 =	vmul.f32 v3, v0  }
0x114: {  	[tilespmem:s5+$0x1C7F0] =	vst v1;
	v1 =	vmul.f32 v4, v0;
	v4 =	vld [tilespmem:s5+$0x2170]  }
0x115: {  	v8 =	vld [tilespmem:s5+$0x2160];
	[tilespmem:s5+$0x1C800] =	vst v3;
	v3 =	vmul.f32 v5, v0  }
0x116: {  	v5 =	vld [tilespmem:s5+$0x2180];
	[tilespmem:s5+$0x1C810] =	vst v1;
	v1 =	vmul.f32 v6, v0  }
0x117: {  	v9 =	vld [tilespmem:s5+$0x2190];
	[tilespmem:s5+$0x1C820] =	vst v3;
	v6 =	vmul.f32 v2, v0  }
0x118: {  	v3 =	vmul.f32 v7, v0;
	[tilespmem:s5+$0x1C830] =	vst v1;
	v1 =	vld [tilespmem:s5+$0x21A0]  }
0x119: {  	v2 =	vld [tilespmem:s5+$0x21B0];
	[tilespmem:s5+$0x1C850] =	vst v6;
	v6 =	vmul.f32 v4, v0  }
0x11a: {  	v7 =	vmul.f32 v8, v0;
	[tilespmem:s5+$0x1C840] =	vst v3;
	v3 =	vld [tilespmem:s5+$0x21C0]  }
0x11b: {  	v4 =	vld [tilespmem:s5+$0x21D0];
	[tilespmem:s5+$0x1C870] =	vst v6;
	v6 =	vmul.f32 v5, v0  }
0x11c: {  	s14 =	simm.s32 $0x1000;
	s8 =	simm.s32 $0x200;
	[tilespmem:s5+$0x1C860] =	vst v7;
	v7 =	vmul.f32 v9, v0;
	v5 =	vld [tilespmem:s5+$0x21E0]  }
.LBB2_7:
0x11d: {  	p0 =	sne.s32 s14, $0x3800;
	v8 =	vld [tilespmem:s8+$0x21F0];
	[tilespmem:s5+$0x1C880] =	vst v6;
	v1 =	vmul.f32 v1, v0  }
0x11e: {  	v6 =	vld [tilespmem:s8+$0x2000];
	[tilespmem:s5+$0x1C890] =	vst v7;
	v2 =	vmul.f32 v2, v0  }
0x11f: {  	v7 =	vld [tilespmem:s8+$0x2010];
	[tilespmem:s5+$0x1C8A0] =	vst v1;
	v1 =	vmul.f32 v3, v0  }
0x120: {  	v3 =	vld [tilespmem:s8+$0x2020];
	[tilespmem:s5+$0x1C8B0] =	vst v2;
	v2 =	vmul.f32 v4, v0  }
0x121: {  	v4 =	vld [tilespmem:s8+$0x2030];
	[tilespmem:s5+$0x1C8C0] =	vst v1;
	v1 =	vmul.f32 v5, v0  }
0x122: {  	v5 =	vld [tilespmem:s8+$0x2040];
	v8 =	vmul.f32 v8, v0;
	[tilespmem:s5+$0x1C8D0] =	vst v2  }
0x123: {  	v2 =	vmul.f32 v6, v0;
	v6 =	vld [tilespmem:s8+$0x2050];
	[tilespmem:s5+$0x1C8E0] =	vst v1;
	s5 =	smov.u32 s8  }
0x124: {  	v1 =	vmul.f32 v7, v0;
	v7 =	vld [tilespmem:s5+$0x2060];
	[tilespmem:s5+$0x1C8F0] =	vst v8  }
0x125: {  	[tilespmem:s5+$0x1C700] =	vst v2;
	v2 =	vmul.f32 v3, v0;
	v3 =	vld [tilespmem:s5+$0x2070]  }
0x126: {  	[tilespmem:s5+$0x1C710] =	vst v1;
	v1 =	vmul.f32 v4, v0;
	v4 =	vld [tilespmem:s5+$0x2080]  }
0x127: {  	[tilespmem:s5+$0x1C720] =	vst v2;
	v2 =	vmul.f32 v5, v0;
	v5 =	vld [tilespmem:s5+$0x2090]  }
0x128: {  	[tilespmem:s5+$0x1C730] =	vst v1;
	v1 =	vmul.f32 v6, v0;
	v6 =	vld [tilespmem:s5+$0x20A0]  }
0x129: {  	[tilespmem:s5+$0x1C740] =	vst v2;
	v2 =	vmul.f32 v7, v0;
	v7 =	vld [tilespmem:s5+$0x20B0]  }
0x12a: {  	[tilespmem:s5+$0x1C750] =	vst v1;
	v1 =	vmul.f32 v3, v0;
	v3 =	vld [tilespmem:s5+$0x20C0]  }
0x12b: {  	[tilespmem:s5+$0x1C760] =	vst v2;
	v2 =	vmul.f32 v4, v0;
	v4 =	vld [tilespmem:s5+$0x20D0]  }
0x12c: {  	[tilespmem:s5+$0x1C770] =	vst v1;
	v1 =	vmul.f32 v5, v0;
	v5 =	vld [tilespmem:s5+$0x20E0]  }
0x12d: {  	[tilespmem:s5+$0x1C780] =	vst v2;
	v2 =	vmul.f32 v6, v0;
	v6 =	vld [tilespmem:s5+$0x20F0]  }
0x12e: {  	[tilespmem:s5+$0x1C790] =	vst v1;
	v1 =	vmul.f32 v7, v0;
	v7 =	vld [tilespmem:s5+$0x2100]  }
0x12f: {  	[tilespmem:s5+$0x1C7A0] =	vst v2;
	v2 =	vmul.f32 v3, v0;
	v3 =	vld [tilespmem:s5+$0x2110]  }
0x130: {  	[tilespmem:s5+$0x1C7B0] =	vst v1;
	v1 =	vmul.f32 v4, v0;
	v4 =	vld [tilespmem:s5+$0x2120]  }
0x131: {  	[tilespmem:s5+$0x1C7C0] =	vst v2;
	v2 =	vmul.f32 v5, v0;
	v5 =	vld [tilespmem:s5+$0x2130]  }
0x132: {  	[tilespmem:s5+$0x1C7D0] =	vst v1;
	v1 =	vmul.f32 v6, v0;
	v6 =	vld [tilespmem:s5+$0x2140]  }
0x133: {  	[tilespmem:s5+$0x1C7E0] =	vst v2;
	v2 =	vmul.f32 v7, v0;
	v7 =	vld [tilespmem:s5+$0x2150]  }
0x134: {  	[tilespmem:s5+$0x1C7F0] =	vst v1;
	v1 =	vmul.f32 v3, v0;
	v3 =	vld [tilespmem:s5+$0x2160]  }
0x135: {  	[tilespmem:s5+$0x1C800] =	vst v2;
	v2 =	vmul.f32 v4, v0;
	v4 =	vld [tilespmem:s5+$0x2170]  }
0x136: {  	[tilespmem:s5+$0x1C810] =	vst v1;
	v1 =	vmul.f32 v5, v0;
	v5 =	vld [tilespmem:s5+$0x2180]  }
0x137: {  	[tilespmem:s5+$0x1C820] =	vst v2;
	v2 =	vmul.f32 v6, v0;
	v8 =	vld [tilespmem:s5+$0x2190]  }
.Ltmp2:
0x138: {  	[tilespmem:s5+$0x1C830] =	vst v1;
	v6 =	vmul.f32 v7, v0;
	v1 =	vld [tilespmem:s5+$0x21A0];
	(pc) =	sbr.rel @p0 .LBB2_7-.Ltmp2, $4  }
0x139: {  	[tilespmem:s5+$0x1C840] =	vst v2;
	v7 =	vmul.f32 v3, v0;
	v2 =	vld [tilespmem:s5+$0x21B0]  }
0x13a: {  	[tilespmem:s5+$0x1C850] =	vst v6;
	v9 =	vmul.f32 v4, v0;
	v3 =	vld [tilespmem:s5+$0x21C0]  }
0x13b: {  	[tilespmem:s5+$0x1C860] =	vst v7;
	v6 =	vmul.f32 v5, v0;
	v4 =	vld [tilespmem:s5+$0x21D0]  }
0x13c: {  	s8 =	sshra.s32 s14, $0x2;
	s14 =	sadd.s32 $0x800, s14;
	[tilespmem:s5+$0x1C870] =	vst v9;
	v7 =	vmul.f32 v8, v0;
	v5 =	vld [tilespmem:s5+$0x21E0]  }
0x13d: {  	v8 =	vld [tilespmem:s8+$0x21F0];
	[tilespmem:s5+$0x1C880] =	vst v6;
	v1 =	vmul.f32 v1, v0  }
0x13e: {  	v6 =	vld [tilespmem:s8+$0x2000];
	[tilespmem:s5+$0x1C890] =	vst v7;
	v2 =	vmul.f32 v2, v0  }
0x13f: {  	v7 =	vld [tilespmem:s8+$0x2010];
	[tilespmem:s5+$0x1C8A0] =	vst v1;
	v3 =	vmul.f32 v3, v0  }
0x140: {  	v1 =	vld [tilespmem:s8+$0x2020];
	[tilespmem:s5+$0x1C8B0] =	vst v2;
	v4 =	vmul.f32 v4, v0  }
0x141: {  	v2 =	vld [tilespmem:s8+$0x2030];
	[tilespmem:s5+$0x1C8C0] =	vst v3;
	v5 =	vmul.f32 v5, v0  }
0x142: {  	v3 =	vld [tilespmem:s8+$0x2040];
	[tilespmem:s5+$0x1C8D0] =	vst v4;
	v8 =	vmul.f32 v8, v0  }
0x143: {  	v4 =	vld [tilespmem:s8+$0x2050];
	[tilespmem:s5+$0x1C8E0] =	vst v5;
	v5 =	vmul.f32 v6, v0  }
0x144: {  	v6 =	vld [tilespmem:s8+$0x2060];
	[tilespmem:s8+$0x1C8F0] =	vst v8;
	v7 =	vmul.f32 v7, v0  }
0x145: {  	[tilespmem:s8+$0x1C700] =	vst v5;
	v5 =	vld [tilespmem:s8+$0x2070];
	v1 =	vmul.f32 v1, v0  }
0x146: {  	[tilespmem:s8+$0x1C710] =	vst v7;
	v7 =	vld [tilespmem:s8+$0x2080];
	v2 =	vmul.f32 v2, v0  }
0x147: {  	[tilespmem:s8+$0x1C720] =	vst v1;
	v1 =	vld [tilespmem:s8+$0x2090];
	v3 =	vmul.f32 v3, v0  }
0x148: {  	[tilespmem:s8+$0x1C730] =	vst v2;
	v2 =	vld [tilespmem:s8+$0x20A0];
	v4 =	vmul.f32 v4, v0  }
0x149: {  	[tilespmem:s8+$0x1C740] =	vst v3;
	v3 =	vld [tilespmem:s8+$0x20B0];
	v6 =	vmul.f32 v6, v0  }
0x14a: {  	[tilespmem:s8+$0x1C750] =	vst v4;
	v4 =	vld [tilespmem:s8+$0x20C0];
	v5 =	vmul.f32 v5, v0  }
0x14b: {  	[tilespmem:s8+$0x1C760] =	vst v6;
	v6 =	vld [tilespmem:s8+$0x20D0];
	v7 =	vmul.f32 v7, v0  }
0x14c: {  	[tilespmem:s8+$0x1C770] =	vst v5;
	v5 =	vld [tilespmem:s8+$0x20E0];
	v1 =	vmul.f32 v1, v0  }
0x14d: {  	[tilespmem:s8+$0x1C780] =	vst v7;
	v7 =	vld [tilespmem:s8+$0x20F0];
	v2 =	vmul.f32 v2, v0  }
0x14e: {  	[tilespmem:s8+$0x1C790] =	vst v1;
	v1 =	vld [tilespmem:s8+$0x2100];
	v3 =	vmul.f32 v3, v0  }
0x14f: {  	[tilespmem:s8+$0x1C7A0] =	vst v2;
	v2 =	vld [tilespmem:s8+$0x2110];
	v4 =	vmul.f32 v4, v0  }
0x150: {  	[tilespmem:s8+$0x1C7B0] =	vst v3;
	v3 =	vld [tilespmem:s8+$0x2120];
	v6 =	vmul.f32 v6, v0  }
0x151: {  	[tilespmem:s8+$0x1C7C0] =	vst v4;
	v4 =	vld [tilespmem:s8+$0x2130];
	v5 =	vmul.f32 v5, v0  }
0x152: {  	[tilespmem:s8+$0x1C7D0] =	vst v6;
	v6 =	vld [tilespmem:s8+$0x2140];
	v7 =	vmul.f32 v7, v0  }
0x153: {  	[tilespmem:s8+$0x1C7E0] =	vst v5;
	v5 =	vld [tilespmem:s8+$0x2150];
	v1 =	vmul.f32 v1, v0  }
0x154: {  	[tilespmem:s8+$0x1C7F0] =	vst v7;
	v7 =	vld [tilespmem:s8+$0x2160];
	v2 =	vmul.f32 v2, v0  }
0x155: {  	[tilespmem:s8+$0x1C800] =	vst v1;
	v1 =	vld [tilespmem:s8+$0x2170];
	v3 =	vmul.f32 v3, v0  }
0x156: {  	[tilespmem:s8+$0x1C810] =	vst v2;
	v2 =	vld [tilespmem:s8+$0x2180];
	v4 =	vmul.f32 v4, v0  }
0x157: {  	[tilespmem:s8+$0x1C820] =	vst v3;
	v3 =	vld [tilespmem:s8+$0x2190];
	v6 =	vmul.f32 v6, v0  }
0x158: {  	[tilespmem:s8+$0x1C830] =	vst v4;
	v4 =	vld [tilespmem:s8+$0x21A0];
	v5 =	vmul.f32 v5, v0  }
0x159: {  	[tilespmem:s8+$0x1C840] =	vst v6;
	v6 =	vld [tilespmem:s8+$0x21B0];
	v7 =	vmul.f32 v7, v0  }
0x15a: {  	[tilespmem:s8+$0x1C850] =	vst v5;
	v5 =	vld [tilespmem:s8+$0x21C0];
	v1 =	vmul.f32 v1, v0  }
0x15b: {  	[tilespmem:s8+$0x1C860] =	vst v7;
	v7 =	vld [tilespmem:s8+$0x21D0];
	v2 =	vmul.f32 v2, v0  }
0x15c: {  	[tilespmem:s8+$0x1C870] =	vst v1;
	v1 =	vmul.f32 v3, v0;
	v3 =	vld [tilespmem:s8+$0x21E0]  }
0x15d: {  	[tilespmem:s8+$0x1C880] =	vst v2;
	v2 =	vmul.f32 v4, v0  }
0x15e: {  	[tilespmem:s8+$0x1C890] =	vst v1;
	v1 =	vmul.f32 v6, v0  }
0x15f: {  	[tilespmem:s8+$0x1C8A0] =	vst v2;
	v2 =	vmul.f32 v5, v0  }
0x160: {  	[tilespmem:s8+$0x1C8B0] =	vst v1;
	v1 =	vmul.f32 v7, v0  }
0x161: {  	[tilespmem:s8+$0x1C8C0] =	vst v2;
	v2 =	vmul.f32 v3, v0  }
0x162: {  	[tilespmem:s8+$0x1C8D0] =	vst v1  }
0x163: {  	s16 =	sadd.s32 s0, s11;
	[tilespmem:s8+$0x1C8E0] =	vst v2  }
0x164: {  	[hbm4b:s16+s17] =	stream.strided.scatter [tilespmem:s19], [sflag:$0x2], $0x1000, s18, s17, $0x38;
	[tilespmem:$0x1EA80] =	vst v63  }
0x165: {  	_ =	swait.ge [sflag:s22], $0x1000  }
0x166: {  	[sflag:s22] =	ssyncset.done $0x0  }
0x167: {  	s5 =	simm.s32 $0x0;
	[sflag:s22] =	ssyncadd.s32 $0xFFFFF000  }
0x168: {  	v1 =	vld [tilespmem:s5+$0x31F0]  }
0x169: {  	v2 =	vld [tilespmem:s5+$0x3000];
	_ =	sdelay $0x1  }
0x16a: {  	v3 =	vld [tilespmem:s5+$0x3010]  }
0x16b: {  	v4 =	vld [tilespmem:s5+$0x3020]  }
0x16c: {  	v5 =	vld [tilespmem:s5+$0x3030];
	v1 =	vmul.f32 v1, v0  }
0x16d: {  	v6 =	vld [tilespmem:s5+$0x3040];
	v2 =	vmul.f32 v2, v0  }
0x16e: {  	v7 =	vld [tilespmem:s5+$0x3050];
	[tilespmem:s5+$0x1D8F0] =	vst v1  }
0x16f: {  	v1 =	vmul.f32 v3, v0;
	[tilespmem:s5+$0x1D700] =	vst v2;
	v2 =	vld [tilespmem:s5+$0x3070]  }
0x170: {  	v8 =	vld [tilespmem:s5+$0x3060];
	v3 =	vmul.f32 v4, v0  }
0x171: {  	v4 =	vmul.f32 v5, v0;
	[tilespmem:s5+$0x1D710] =	vst v1;
	v1 =	vld [tilespmem:s5+$0x3080]  }
0x172: {  	v5 =	vmul.f32 v6, v0;
	[tilespmem:s5+$0x1D720] =	vst v3;
	v3 =	vld [tilespmem:s5+$0x3090]  }
0x173: {  	v6 =	vmul.f32 v7, v0;
	[tilespmem:s5+$0x1D730] =	vst v4;
	v4 =	vld [tilespmem:s5+$0x30A0]  }
0x174: {  	[tilespmem:s5+$0x1D740] =	vst v5;
	v5 =	vld [tilespmem:s5+$0x30B0];
	v2 =	vmul.f32 v2, v0  }
0x175: {  	v7 =	vmul.f32 v8, v0;
	[tilespmem:s5+$0x1D750] =	vst v6;
	v6 =	vld [tilespmem:s5+$0x30C0]  }
0x176: {  	v1 =	vmul.f32 v1, v0;
	[tilespmem:s5+$0x1D770] =	vst v2;
	v2 =	vld [tilespmem:s5+$0x30E0]  }
0x177: {  	[tilespmem:s5+$0x1D760] =	vst v7;
	v7 =	vld [tilespmem:s5+$0x30D0];
	v3 =	vmul.f32 v3, v0  }
0x178: {  	v4 =	vmul.f32 v4, v0;
	[tilespmem:s5+$0x1D780] =	vst v1;
	v1 =	vld [tilespmem:s5+$0x30F0]  }
0x179: {  	v5 =	vmul.f32 v5, v0;
	[tilespmem:s5+$0x1D790] =	vst v3;
	v3 =	vld [tilespmem:s5+$0x3100]  }
0x17a: {  	v6 =	vmul.f32 v6, v0;
	[tilespmem:s5+$0x1D7A0] =	vst v4;
	v4 =	vld [tilespmem:s5+$0x3110]  }
0x17b: {  	[tilespmem:s5+$0x1D7B0] =	vst v5;
	v5 =	vld [tilespmem:s5+$0x3120];
	v2 =	vmul.f32 v2, v0  }
0x17c: {  	v7 =	vmul.f32 v7, v0;
	[tilespmem:s5+$0x1D7C0] =	vst v6;
	v6 =	vld [tilespmem:s5+$0x3130]  }
0x17d: {  	v1 =	vmul.f32 v1, v0;
	[tilespmem:s5+$0x1D7E0] =	vst v2;
	v2 =	vld [tilespmem:s5+$0x3150]  }
0x17e: {  	[tilespmem:s5+$0x1D7D0] =	vst v7;
	v7 =	vld [tilespmem:s5+$0x3140];
	v3 =	vmul.f32 v3, v0  }
0x17f: {  	[tilespmem:s5+$0x1D7F0] =	vst v1;
	v1 =	vmul.f32 v4, v0;
	v4 =	vld [tilespmem:s5+$0x3170]  }
0x180: {  	v8 =	vld [tilespmem:s5+$0x3160];
	[tilespmem:s5+$0x1D800] =	vst v3;
	v3 =	vmul.f32 v5, v0  }
0x181: {  	v5 =	vld [tilespmem:s5+$0x3180];
	[tilespmem:s5+$0x1D810] =	vst v1;
	v1 =	vmul.f32 v6, v0  }
0x182: {  	v9 =	vld [tilespmem:s5+$0x3190];
	[tilespmem:s5+$0x1D820] =	vst v3;
	v6 =	vmul.f32 v2, v0  }
0x183: {  	v3 =	vmul.f32 v7, v0;
	[tilespmem:s5+$0x1D830] =	vst v1;
	v1 =	vld [tilespmem:s5+$0x31A0]  }
0x184: {  	v2 =	vld [tilespmem:s5+$0x31B0];
	[tilespmem:s5+$0x1D850] =	vst v6;
	v6 =	vmul.f32 v4, v0  }
0x185: {  	v7 =	vmul.f32 v8, v0;
	[tilespmem:s5+$0x1D840] =	vst v3;
	v3 =	vld [tilespmem:s5+$0x31C0]  }
0x186: {  	v4 =	vld [tilespmem:s5+$0x31D0];
	[tilespmem:s5+$0x1D870] =	vst v6;
	v6 =	vmul.f32 v5, v0  }
0x187: {  	s14 =	simm.s32 $0x1000;
	s8 =	simm.s32 $0x200;
	[tilespmem:s5+$0x1D860] =	vst v7;
	v7 =	vmul.f32 v9, v0;
	v5 =	vld [tilespmem:s5+$0x31E0]  }
.LBB2_9:
0x188: {  	p0 =	sne.s32 s14, $0x3800;
	v8 =	vld [tilespmem:s8+$0x31F0];
	[tilespmem:s5+$0x1D880] =	vst v6;
	v1 =	vmul.f32 v1, v0  }
0x189: {  	v6 =	vld [tilespmem:s8+$0x3000];
	[tilespmem:s5+$0x1D890] =	vst v7;
	v2 =	vmul.f32 v2, v0  }
0x18a: {  	v7 =	vld [tilespmem:s8+$0x3010];
	[tilespmem:s5+$0x1D8A0] =	vst v1;
	v1 =	vmul.f32 v3, v0  }
0x18b: {  	v3 =	vld [tilespmem:s8+$0x3020];
	[tilespmem:s5+$0x1D8B0] =	vst v2;
	v2 =	vmul.f32 v4, v0  }
0x18c: {  	v4 =	vld [tilespmem:s8+$0x3030];
	[tilespmem:s5+$0x1D8C0] =	vst v1;
	v1 =	vmul.f32 v5, v0  }
0x18d: {  	v5 =	vld [tilespmem:s8+$0x3040];
	v8 =	vmul.f32 v8, v0;
	[tilespmem:s5+$0x1D8D0] =	vst v2  }
0x18e: {  	v2 =	vmul.f32 v6, v0;
	v6 =	vld [tilespmem:s8+$0x3050];
	[tilespmem:s5+$0x1D8E0] =	vst v1;
	s5 =	smov.u32 s8  }
0x18f: {  	v1 =	vmul.f32 v7, v0;
	v7 =	vld [tilespmem:s5+$0x3060];
	[tilespmem:s5+$0x1D8F0] =	vst v8  }
0x190: {  	[tilespmem:s5+$0x1D700] =	vst v2;
	v2 =	vmul.f32 v3, v0;
	v3 =	vld [tilespmem:s5+$0x3070]  }
0x191: {  	[tilespmem:s5+$0x1D710] =	vst v1;
	v1 =	vmul.f32 v4, v0;
	v4 =	vld [tilespmem:s5+$0x3080]  }
0x192: {  	[tilespmem:s5+$0x1D720] =	vst v2;
	v2 =	vmul.f32 v5, v0;
	v5 =	vld [tilespmem:s5+$0x3090]  }
0x193: {  	[tilespmem:s5+$0x1D730] =	vst v1;
	v1 =	vmul.f32 v6, v0;
	v6 =	vld [tilespmem:s5+$0x30A0]  }
0x194: {  	[tilespmem:s5+$0x1D740] =	vst v2;
	v2 =	vmul.f32 v7, v0;
	v7 =	vld [tilespmem:s5+$0x30B0]  }
0x195: {  	[tilespmem:s5+$0x1D750] =	vst v1;
	v1 =	vmul.f32 v3, v0;
	v3 =	vld [tilespmem:s5+$0x30C0]  }
0x196: {  	[tilespmem:s5+$0x1D760] =	vst v2;
	v2 =	vmul.f32 v4, v0;
	v4 =	vld [tilespmem:s5+$0x30D0]  }
0x197: {  	[tilespmem:s5+$0x1D770] =	vst v1;
	v1 =	vmul.f32 v5, v0;
	v5 =	vld [tilespmem:s5+$0x30E0]  }
0x198: {  	[tilespmem:s5+$0x1D780] =	vst v2;
	v2 =	vmul.f32 v6, v0;
	v6 =	vld [tilespmem:s5+$0x30F0]  }
0x199: {  	[tilespmem:s5+$0x1D790] =	vst v1;
	v1 =	vmul.f32 v7, v0;
	v7 =	vld [tilespmem:s5+$0x3100]  }
0x19a: {  	[tilespmem:s5+$0x1D7A0] =	vst v2;
	v2 =	vmul.f32 v3, v0;
	v3 =	vld [tilespmem:s5+$0x3110]  }
0x19b: {  	[tilespmem:s5+$0x1D7B0] =	vst v1;
	v1 =	vmul.f32 v4, v0;
	v4 =	vld [tilespmem:s5+$0x3120]  }
0x19c: {  	[tilespmem:s5+$0x1D7C0] =	vst v2;
	v2 =	vmul.f32 v5, v0;
	v5 =	vld [tilespmem:s5+$0x3130]  }
0x19d: {  	[tilespmem:s5+$0x1D7D0] =	vst v1;
	v1 =	vmul.f32 v6, v0;
	v6 =	vld [tilespmem:s5+$0x3140]  }
0x19e: {  	[tilespmem:s5+$0x1D7E0] =	vst v2;
	v2 =	vmul.f32 v7, v0;
	v7 =	vld [tilespmem:s5+$0x3150]  }
0x19f: {  	[tilespmem:s5+$0x1D7F0] =	vst v1;
	v1 =	vmul.f32 v3, v0;
	v3 =	vld [tilespmem:s5+$0x3160]  }
0x1a0: {  	[tilespmem:s5+$0x1D800] =	vst v2;
	v2 =	vmul.f32 v4, v0;
	v4 =	vld [tilespmem:s5+$0x3170]  }
0x1a1: {  	[tilespmem:s5+$0x1D810] =	vst v1;
	v1 =	vmul.f32 v5, v0;
	v5 =	vld [tilespmem:s5+$0x3180]  }
0x1a2: {  	[tilespmem:s5+$0x1D820] =	vst v2;
	v2 =	vmul.f32 v6, v0;
	v8 =	vld [tilespmem:s5+$0x3190]  }
.Ltmp3:
0x1a3: {  	[tilespmem:s5+$0x1D830] =	vst v1;
	v6 =	vmul.f32 v7, v0;
	v1 =	vld [tilespmem:s5+$0x31A0];
	(pc) =	sbr.rel @p0 .LBB2_9-.Ltmp3, $4  }
0x1a4: {  	[tilespmem:s5+$0x1D840] =	vst v2;
	v7 =	vmul.f32 v3, v0;
	v2 =	vld [tilespmem:s5+$0x31B0]  }
0x1a5: {  	[tilespmem:s5+$0x1D850] =	vst v6;
	v9 =	vmul.f32 v4, v0;
	v3 =	vld [tilespmem:s5+$0x31C0]  }
0x1a6: {  	[tilespmem:s5+$0x1D860] =	vst v7;
	v6 =	vmul.f32 v5, v0;
	v4 =	vld [tilespmem:s5+$0x31D0]  }
0x1a7: {  	s8 =	sshra.s32 s14, $0x2;
	s14 =	sadd.s32 $0x800, s14;
	[tilespmem:s5+$0x1D870] =	vst v9;
	v7 =	vmul.f32 v8, v0;
	v5 =	vld [tilespmem:s5+$0x31E0]  }
0x1a8: {  	v8 =	vld [tilespmem:s8+$0x31F0];
	[tilespmem:s5+$0x1D880] =	vst v6;
	v1 =	vmul.f32 v1, v0  }
0x1a9: {  	v6 =	vld [tilespmem:s8+$0x3000];
	[tilespmem:s5+$0x1D890] =	vst v7;
	v2 =	vmul.f32 v2, v0  }
0x1aa: {  	v7 =	vld [tilespmem:s8+$0x3010];
	[tilespmem:s5+$0x1D8A0] =	vst v1;
	v3 =	vmul.f32 v3, v0  }
0x1ab: {  	v1 =	vld [tilespmem:s8+$0x3020];
	[tilespmem:s5+$0x1D8B0] =	vst v2;
	v4 =	vmul.f32 v4, v0  }
0x1ac: {  	v2 =	vld [tilespmem:s8+$0x3030];
	[tilespmem:s5+$0x1D8C0] =	vst v3;
	v5 =	vmul.f32 v5, v0  }
0x1ad: {  	v3 =	vld [tilespmem:s8+$0x3040];
	[tilespmem:s5+$0x1D8D0] =	vst v4;
	v8 =	vmul.f32 v8, v0  }
0x1ae: {  	v4 =	vld [tilespmem:s8+$0x3050];
	[tilespmem:s5+$0x1D8E0] =	vst v5;
	v32 =	vmul.f32 v6, v0  }
0x1af: {  	v33 =	vld [tilespmem:s8+$0x3060];
	[tilespmem:s8+$0x1D8F0] =	vst v8;
	v7 =	vmul.f32 v7, v0  }
0x1b0: {  	v34 =	vld [tilespmem:s8+$0x3070];
	[tilespmem:s8+$0x1D700] =	vst v32;
	v1 =	vmul.f32 v1, v0  }
0x1b1: {  	v35 =	vld [tilespmem:s8+$0x3080];
	[tilespmem:s8+$0x1D710] =	vst v7;
	v2 =	vmul.f32 v2, v0  }
0x1b2: {  	v36 =	vld [tilespmem:s8+$0x3090];
	[tilespmem:s8+$0x1D720] =	vst v1;
	v3 =	vmul.f32 v3, v0  }
0x1b3: {  	v37 =	vld [tilespmem:s8+$0x30A0];
	[tilespmem:s8+$0x1D730] =	vst v2;
	v4 =	vmul.f32 v4, v0  }
0x1b4: {  	v38 =	vld [tilespmem:s8+$0x30B0];
	[tilespmem:s8+$0x1D740] =	vst v3;
	v6 =	vmul.f32 v33, v0  }
0x1b5: {  	v52 =	vld [tilespmem:s8+$0x3190];
	v5 =	vmul.f32 v34, v0;
	[tilespmem:s8+$0x1D750] =	vst v4  }
0x1b6: {  	v53 =	vld [tilespmem:s8+$0x31A0];
	v7 =	vmul.f32 v35, v0;
	[tilespmem:s8+$0x1D760] =	vst v6  }
0x1b7: {  	v54 =	vld [tilespmem:s8+$0x31B0];
	v1 =	vmul.f32 v36, v0;
	[tilespmem:s8+$0x1D770] =	vst v5  }
0x1b8: {  	v55 =	vld [tilespmem:s8+$0x31C0];
	v2 =	vmul.f32 v37, v0;
	[tilespmem:s8+$0x1D780] =	vst v7  }
0x1b9: {  	v56 =	vld [tilespmem:s8+$0x31D0];
	v3 =	vmul.f32 v38, v0;
	[tilespmem:s8+$0x1D790] =	vst v1  }
0x1ba: {  	v58 =	vld [tilespmem:s8+$0x31E0];
	v57 =	vmul.f32 v52, v0;
	[tilespmem:s8+$0x1D7A0] =	vst v2  }
0x1bb: {  	v39 =	vld [tilespmem:s8+$0x30C0];
	v59 =	vmul.f32 v53, v0;
	[tilespmem:s8+$0x1D7B0] =	vst v3  }
0x1bc: {  	v40 =	vld [tilespmem:s8+$0x30D0];
	v60 =	vmul.f32 v54, v0;
	[tilespmem:s8+$0x1D890] =	vst v57  }
0x1bd: {  	v41 =	vld [tilespmem:s8+$0x30E0];
	v61 =	vmul.f32 v55, v0;
	[tilespmem:s8+$0x1D8A0] =	vst v59  }
0x1be: {  	v42 =	vld [tilespmem:s8+$0x30F0];
	v62 =	vmul.f32 v56, v0;
	[tilespmem:s8+$0x1D8B0] =	vst v60  }
0x1bf: {  	v43 =	vld [tilespmem:s8+$0x3100];
	v63 =	vmul.f32 v58, v0;
	[tilespmem:s8+$0x1D8C0] =	vst v61  }
0x1c0: {  	v44 =	vld [tilespmem:s8+$0x3110];
	v4 =	vmul.f32 v39, v0;
	[tilespmem:s8+$0x1D8D0] =	vst v62  }
0x1c1: {  	v45 =	vld [tilespmem:s8+$0x3120];
	v6 =	vmul.f32 v40, v0;
	[tilespmem:s8+$0x1D8E0] =	vst v63  }
0x1c2: {  	v46 =	vld [tilespmem:s8+$0x3130];
	v5 =	vmul.f32 v41, v0;
	[tilespmem:s8+$0x1D7C0] =	vst v4  }
0x1c3: {  	v47 =	vld [tilespmem:s8+$0x3140];
	v7 =	vmul.f32 v42, v0;
	[tilespmem:s8+$0x1D7D0] =	vst v6  }
0x1c4: {  	v48 =	vld [tilespmem:s8+$0x3150];
	v1 =	vmul.f32 v43, v0;
	[tilespmem:s8+$0x1D7E0] =	vst v5  }
0x1c5: {  	v49 =	vld [tilespmem:s8+$0x3160];
	v2 =	vmul.f32 v44, v0;
	[tilespmem:s8+$0x1D7F0] =	vst v7  }
0x1c6: {  	v50 =	vld [tilespmem:s8+$0x3170];
	v3 =	vmul.f32 v45, v0;
	[tilespmem:s8+$0x1D800] =	vst v1  }
0x1c7: {  	v51 =	vld [tilespmem:s8+$0x3180];
	v4 =	vmul.f32 v46, v0;
	[tilespmem:s8+$0x1D810] =	vst v2  }
0x1c8: {  	[tilespmem:s8+$0x1D820] =	vst v3;
	v6 =	vmul.f32 v47, v0  }
0x1c9: {  	s30 =	sadd.s32 $0x1, s30;
	v5 =	vmul.f32 v48, v0;
	[tilespmem:s8+$0x1D830] =	vst v4  }
0x1ca: {  	p0 =	sne.s32 s30, $0x1A;
	v7 =	vmul.f32 v49, v0;
	[tilespmem:s8+$0x1D840] =	vst v6  }
.Ltmp4:
0x1cb: {  	v1 =	vmul.f32 v50, v0;
	[tilespmem:s8+$0x1D850] =	vst v5;
	(pc) =	sbr.rel @p0 .LBB2_2-.Ltmp4, $4  }
0x1cc: {  	v2 =	vmul.f32 v51, v0;
	[tilespmem:s8+$0x1D860] =	vst v7  }
0x1cd: {  	[tilespmem:s8+$0x1D870] =	vst v1  }
0x1ce: {  	s0 =	sadd.s32 s0, s12;
	[tilespmem:s8+$0x1D880] =	vst v2  }
0x1cf: {  	[hbm4b:s0+s17] =	stream.strided.scatter [tilespmem:s20], [sflag:$0x3], $0x1000, s18, s17, $0x38;
	[tilespmem:$0x1EA80] =	vst v63  }
0x1d0: {  	_ =	swait.ge [sflag:s21], $0x1000  }
0x1d1: {  	[sflag:s21] =	ssyncset.done $0x0  }
0x1d2: {  	[sflag:s21] =	ssyncadd.s32 $0xFFFFF000  }
0x1d3: {  	_ =	swait.ge [sflag:s22], $0x1000  }
0x1d4: {  	[sflag:s22] =	ssyncset.done $0x0  }
0x1d5: {  	s30 =	simm.s32 $0x0;
	s31 =	simm.s32 $0xFFFFFFFF;
	[sflag:s22] =	ssyncadd.s32 $0xFFFFF000  }
.LBB2_12:
0x1d6: {  	s5 =	sadd.s32 s13, s30  }
0x1d7: {  	s0 =	smov.u32 s31;
	s31 =	sshrl.u32 s5, $0x6  }
0x1d8: {  	p0 =	seq.s32 s31, s0  }
0x1d9: {  	s0 =	sshll.u32 @!p0 s31, $0x4  }
0x1da: {  	s8 =	sshll.u32 @!p0 s31, $0xB;
	s0 =	sand.u32 @!p0 $0x70, s0  }
0x1db: {  	s14 =	simm.s32 @!p0 $0x400;
	s8 =	sand.u32 @!p0 $0xFFFC000, s8;
	s0 =	sadd.s32 @!p0 s2, s0  }
0x1dc: {  	s16 =	simm.s32 @!p0 $0x18700;
	s0 =	sadd.s32 @!p0 s8, s0;
	s8 =	simm.s32 @!p0 $0x80  }
0x1dd: {  	[tilespmem:s16], [sflag:$0x4] =	stream.strided.gather @!p0 [hbm4b:s0+s8], $0x4000, s14, s8, $0x38;
	[tilespmem:$0x1EA80] =	vst v63  }
0x1de: {  	s8 =	sshrl.u32 s5, $0x3  }
0x1df: {  	s0 =	sshll.u32 s5, $0x7;
	s14 =	smul.u32 $0xC3800, s8  }
0x1e0: {  	s16 =	simm.s32 @!p0 $0x4;
	s0 =	sand.u32 $0x380, s0  }
0x1e1: {  	_ =	swait.ge @!p0 [sflag:s16], $0x4000;
	s14 =	sor.u32 s0, s14  }
0x1e2: {  	[sflag:s16] =	ssyncset.done @!p0 $0x0;
	s14 =	sshrl.u32 s14, $0x3  }
0x1e3: {  	[sflag:s16] =	ssyncadd.s32 @!p0 $0xFFFFC000;
	s14 =	sadd.s32 s3, s14  }
0x1e4: {  	[tilespmem:s6], [sflag:$0x1] =	stream.strided.gather [hbm4b:s14+s17], $0x6200, s18, s17, $0x38;
	[tilespmem:$0x1EA80] =	vst v63  }
0x1e5: {  	s8 =	sshll.u32 s8, $0xA;
	s16 =	sadd.s32 $0x6200, s14  }
0x1e6: {  	[tilespmem:s23], [sflag:$0x1] =	stream.strided.gather [hbm4b:s16+s17], $0x6200, s18, s17, $0x38;
	[tilespmem:$0x1EA80] =	vst v63  }
0x1e7: {  	s8 =	sor.u32 s0, s8;
	s16 =	sadd.s32 $0xC400, s14  }
0x1e8: {  	[tilespmem:s24], [sflag:$0x1] =	stream.strided.gather [hbm4b:s16+s17], $0x6200, s18, s17, $0x38;
	[tilespmem:$0x1EA80] =	vst v63  }
0x1e9: {  	s8 =	sshrl.u32 s8, $0x3;
	s14 =	sadd.s32 $0x12600, s14  }
0x1ea: {  	[tilespmem:s25], [sflag:$0x1] =	stream.strided.gather [hbm4b:s14+s17], $0x6080, s18, s17, $0x38;
	[tilespmem:$0x1EA80] =	vst v63  }
0x1eb: {  	s8 =	sadd.s32 s7, s8  }
0x1ec: {  	[tilespmem:s26], [sflag:$0x1] =	stream.linear.gather [hbm4b:s8+s6], $0x80, $0x38;
	[tilespmem:$0x1EA80] =	vst v63  }
0x1ed: {  	_ =	swait.ge [sflag:s28], $0x6200  }
0x1ee: {  	[sflag:s28] =	ssyncset.done $0x0  }
0x1ef: {  	[sflag:s28] =	ssyncadd.s32 $0xFFFF9E00  }
0x1f0: {  	_ =	swait.ge [sflag:s28], $0x6200  }
0x1f1: {  	[sflag:s28] =	ssyncset.done $0x0  }
0x1f2: {  	[sflag:s28] =	ssyncadd.s32 $0xFFFF9E00  }
0x1f3: {  	_ =	swait.ge [sflag:s28], $0x6200  }
0x1f4: {  	[sflag:s28] =	ssyncset.done $0x0  }
0x1f5: {  	[sflag:s28] =	ssyncadd.s32 $0xFFFF9E00  }
0x1f6: {  	_ =	swait.ge [sflag:s28], $0x6080  }
0x1f7: {  	[sflag:s28] =	ssyncset.done $0x0  }
0x1f8: {  	[sflag:s28] =	ssyncadd.s32 $0xFFFF9F80  }
0x1f9: {  	_ =	swait.ge [sflag:s28], $0x80  }
0x1fa: {  	p0 =	seq.s32 s30, $0x0;
	[sflag:s28] =	ssyncset.done $0x0  }
0x1fb: {  	s8 =	simm.s32 @!p0 $0x2;
	[sflag:s28] =	ssyncadd.s32 $0xFFFFFF80  }
0x1fc: {  	_ =	swait.ge @!p0 [sflag:s8], $0x1000  }
0x1fd: {  	[sflag:s8] =	ssyncset.done @!p0 $0x0  }
0x1fe: {  	[sflag:s8] =	ssyncadd.s32 @!p0 $0xFFFFF000;
	s8 =	simm.s32 $0x0  }
0x1ff: {  	v0 =	vld [tilespmem:s8+$0x18700];
	_ =	sdelay $0x5  }
0x200: {  	v1 =	vld [tilespmem:s8+$0x18710];
	_ =	sdelay $0x1  }
0x201: {  	v0 =	vld.idx.msk [tilespmem:v0+s6+$0x0], $0xffff;
	_ =	sdelay $0x4  }
0x202: {  	[tilespmem:s8+$0x1C700] =	vst v0;
	v0 =	vld [tilespmem:s8+$0x18720]  }
0x203: {  	v1 =	vld.idx.msk [tilespmem:v1+s6+$0x0], $0xffff;
	_ =	sdelay $0x4  }
0x204: {  	[tilespmem:s8+$0x1C710] =	vst v1;
	v1 =	vld [tilespmem:s8+$0x18730];
	_ =	sdelay $0x1  }
0x205: {  	v0 =	vld.idx.msk [tilespmem:v0+s6+$0x0], $0xffff;
	_ =	sdelay $0x4  }
0x206: {  	[tilespmem:s8+$0x1C720] =	vst v0;
	v0 =	vld [tilespmem:s8+$0x18740]  }
0x207: {  	v1 =	vld.idx.msk [tilespmem:v1+s6+$0x0], $0xffff;
	_ =	sdelay $0x4  }
0x208: {  	[tilespmem:s8+$0x1C730] =	vst v1;
	v1 =	vld [tilespmem:s8+$0x18750];
	_ =	sdelay $0x1  }
0x209: {  	v0 =	vld.idx.msk [tilespmem:v0+s6+$0x0], $0xffff;
	_ =	sdelay $0x4  }
0x20a: {  	[tilespmem:s8+$0x1C740] =	vst v0;
	v0 =	vld [tilespmem:s8+$0x18760]  }
0x20b: {  	v1 =	vld.idx.msk [tilespmem:v1+s6+$0x0], $0xffff;
	_ =	sdelay $0x4  }
0x20c: {  	[tilespmem:s8+$0x1C750] =	vst v1;
	v1 =	vld [tilespmem:s8+$0x18770];
	_ =	sdelay $0x1  }
0x20d: {  	v0 =	vld.idx.msk [tilespmem:v0+s6+$0x0], $0xffff;
	_ =	sdelay $0x4  }
0x20e: {  	[tilespmem:s8+$0x1C760] =	vst v0;
	v0 =	vld [tilespmem:s8+$0x18780]  }
0x20f: {  	v1 =	vld.idx.msk [tilespmem:v1+s6+$0x0], $0xffff;
	_ =	sdelay $0x4  }
0x210: {  	[tilespmem:s8+$0x1C770] =	vst v1;
	v1 =	vld [tilespmem:s8+$0x18790];
	_ =	sdelay $0x1  }
0x211: {  	v0 =	vld.idx.msk [tilespmem:v0+s6+$0x0], $0xffff;
	_ =	sdelay $0x4  }
0x212: {  	[tilespmem:s8+$0x1C780] =	vst v0;
	v0 =	vld [tilespmem:s8+$0x187A0]  }
0x213: {  	v1 =	vld.idx.msk [tilespmem:v1+s6+$0x0], $0xffff;
	_ =	sdelay $0x4  }
0x214: {  	[tilespmem:s8+$0x1C790] =	vst v1;
	v1 =	vld [tilespmem:s8+$0x187B0];
	_ =	sdelay $0x1  }
0x215: {  	v0 =	vld.idx.msk [tilespmem:v0+s6+$0x0], $0xffff;
	_ =	sdelay $0x4  }
0x216: {  	[tilespmem:s8+$0x1C7A0] =	vst v0;
	v0 =	vld [tilespmem:s8+$0x187C0]  }
0x217: {  	v1 =	vld.idx.msk [tilespmem:v1+s6+$0x0], $0xffff;
	_ =	sdelay $0x4  }
0x218: {  	[tilespmem:s8+$0x1C7B0] =	vst v1;
	v1 =	vld [tilespmem:s8+$0x187D0];
	_ =	sdelay $0x1  }
0x219: {  	v0 =	vld.idx.msk [tilespmem:v0+s6+$0x0], $0xffff;
	_ =	sdelay $0x4  }
0x21a: {  	[tilespmem:s8+$0x1C7C0] =	vst v0;
	v0 =	vld [tilespmem:s8+$0x187E0]  }
0x21b: {  	v1 =	vld.idx.msk [tilespmem:v1+s6+$0x0], $0xffff;
	_ =	sdelay $0x4  }
0x21c: {  	[tilespmem:s8+$0x1C7D0] =	vst v1;
	v1 =	vld [tilespmem:s8+$0x187F0];
	_ =	sdelay $0x1  }
0x21d: {  	v0 =	vld.idx.msk [tilespmem:v0+s6+$0x0], $0xffff;
	_ =	sdelay $0x4  }
0x21e: {  	[tilespmem:s8+$0x1C7E0] =	vst v0;
	v0 =	vld [tilespmem:s8+$0x18800]  }
0x21f: {  	v1 =	vld.idx.msk [tilespmem:v1+s6+$0x0], $0xffff;
	_ =	sdelay $0x4  }
0x220: {  	[tilespmem:s8+$0x1C7F0] =	vst v1;
	v1 =	vld [tilespmem:s8+$0x18810];
	_ =	sdelay $0x1  }
0x221: {  	v0 =	vld.idx.msk [tilespmem:v0+s6+$0x0], $0xffff;
	_ =	sdelay $0x4  }
0x222: {  	[tilespmem:s8+$0x1C800] =	vst v0;
	v0 =	vld [tilespmem:s8+$0x18820]  }
0x223: {  	v1 =	vld.idx.msk [tilespmem:v1+s6+$0x0], $0xffff;
	_ =	sdelay $0x4  }
0x224: {  	[tilespmem:s8+$0x1C810] =	vst v1;
	v1 =	vld [tilespmem:s8+$0x18830];
	_ =	sdelay $0x1  }
0x225: {  	v0 =	vld.idx.msk [tilespmem:v0+s6+$0x0], $0xffff;
	_ =	sdelay $0x4  }
0x226: {  	[tilespmem:s8+$0x1C820] =	vst v0;
	v0 =	vld [tilespmem:s8+$0x18840]  }
0x227: {  	v1 =	vld.idx.msk [tilespmem:v1+s6+$0x0], $0xffff;
	_ =	sdelay $0x4  }
0x228: {  	[tilespmem:s8+$0x1C830] =	vst v1;
	v1 =	vld [tilespmem:s8+$0x18850];
	_ =	sdelay $0x1  }
0x229: {  	v0 =	vld.idx.msk [tilespmem:v0+s6+$0x0], $0xffff;
	_ =	sdelay $0x4  }
0x22a: {  	[tilespmem:s8+$0x1C840] =	vst v0;
	v0 =	vld [tilespmem:s8+$0x18860]  }
0x22b: {  	v1 =	vld.idx.msk [tilespmem:v1+s6+$0x0], $0xffff;
	_ =	sdelay $0x4  }
0x22c: {  	[tilespmem:s8+$0x1C850] =	vst v1;
	v1 =	vld [tilespmem:s8+$0x18870];
	_ =	sdelay $0x1  }
0x22d: {  	v0 =	vld.idx.msk [tilespmem:v0+s6+$0x0], $0xffff;
	_ =	sdelay $0x4  }
0x22e: {  	[tilespmem:s8+$0x1C860] =	vst v0;
	v0 =	vld [tilespmem:s8+$0x18880]  }
0x22f: {  	v1 =	vld.idx.msk [tilespmem:v1+s6+$0x0], $0xffff;
	_ =	sdelay $0x4  }
0x230: {  	[tilespmem:s8+$0x1C870] =	vst v1;
	v1 =	vld [tilespmem:s8+$0x18890];
	_ =	sdelay $0x1  }
0x231: {  	v0 =	vld.idx.msk [tilespmem:v0+s6+$0x0], $0xffff;
	_ =	sdelay $0x4  }
0x232: {  	[tilespmem:s8+$0x1C880] =	vst v0;
	v0 =	vld [tilespmem:s8+$0x188A0]  }
0x233: {  	v1 =	vld.idx.msk [tilespmem:v1+s6+$0x0], $0xffff;
	_ =	sdelay $0x4  }
0x234: {  	[tilespmem:s8+$0x1C890] =	vst v1;
	v1 =	vld [tilespmem:s8+$0x188B0];
	_ =	sdelay $0x1  }
0x235: {  	v0 =	vld.idx.msk [tilespmem:v0+s6+$0x0], $0xffff;
	_ =	sdelay $0x4  }
0x236: {  	[tilespmem:s8+$0x1C8A0] =	vst v0;
	v0 =	vld [tilespmem:s8+$0x188C0]  }
0x237: {  	v1 =	vld.idx.msk [tilespmem:v1+s6+$0x0], $0xffff;
	_ =	sdelay $0x4  }
0x238: {  	[tilespmem:s8+$0x1C8B0] =	vst v1;
	v1 =	vld [tilespmem:s8+$0x188D0];
	_ =	sdelay $0x1  }
0x239: {  	v0 =	vld.idx.msk [tilespmem:v0+s6+$0x0], $0xffff;
	_ =	sdelay $0x4  }
0x23a: {  	v2 =	vld [tilespmem:s8+$0x188E0];
	[tilespmem:s8+$0x1C8C0] =	vst v0  }
0x23b: {  	v0 =	vld.idx.msk [tilespmem:v1+s6+$0x0], $0xffff;
	_ =	sdelay $0x4  }
0x23c: {  	[tilespmem:s8+$0x1C8D0] =	vst v0;
	v0 =	vld [tilespmem:s8+$0x188F0];
	_ =	sdelay $0x1  }
0x23d: {  	v1 =	vld.idx.msk [tilespmem:v2+s6+$0x0], $0xffff;
	_ =	sdelay $0x3  }
0x23e: {  	s16 =	simm.s32 $0x200;
	s14 =	simm.s32 $0x1000  }
.LBB2_13:
0x23f: {  	p1 =	sne.s32 s14, $0x3800;
	v2 =	vld [tilespmem:s16+$0x18700];
	[tilespmem:s8+$0x1C8E0] =	vst v1  }
0x240: {  	v0 =	vld.idx.msk [tilespmem:v0+s6+$0x0], $0xffff;
	_ =	sdelay $0x5  }
0x241: {  	v1 =	vld [tilespmem:s16+$0x18710];
	[tilespmem:s8+$0x1C8F0] =	vst v0;
	s8 =	smov.u32 s16  }
0x242: {  	v0 =	vld.idx.msk [tilespmem:v2+s6+$0x0], $0xffff;
	_ =	sdelay $0x5  }
0x243: {  	[tilespmem:s8+$0x1C700] =	vst v0;
	v0 =	vld [tilespmem:s8+$0x18720]  }
0x244: {  	v1 =	vld.idx.msk [tilespmem:v1+s6+$0x0], $0xffff;
	_ =	sdelay $0x5  }
0x245: {  	[tilespmem:s8+$0x1C710] =	vst v1;
	v1 =	vld [tilespmem:s8+$0x18730]  }
0x246: {  	v0 =	vld.idx.msk [tilespmem:v0+s6+$0x0], $0xffff;
	_ =	sdelay $0x5  }
0x247: {  	[tilespmem:s8+$0x1C720] =	vst v0;
	v0 =	vld [tilespmem:s8+$0x18740]  }
0x248: {  	v1 =	vld.idx.msk [tilespmem:v1+s6+$0x0], $0xffff;
	_ =	sdelay $0x5  }
0x249: {  	[tilespmem:s8+$0x1C730] =	vst v1;
	v1 =	vld [tilespmem:s8+$0x18750]  }
0x24a: {  	v0 =	vld.idx.msk [tilespmem:v0+s6+$0x0], $0xffff;
	_ =	sdelay $0x5  }
0x24b: {  	[tilespmem:s8+$0x1C740] =	vst v0;
	v0 =	vld [tilespmem:s8+$0x18760]  }
0x24c: {  	v1 =	vld.idx.msk [tilespmem:v1+s6+$0x0], $0xffff;
	_ =	sdelay $0x5  }
0x24d: {  	[tilespmem:s8+$0x1C750] =	vst v1;
	v1 =	vld [tilespmem:s8+$0x18770]  }
0x24e: {  	v0 =	vld.idx.msk [tilespmem:v0+s6+$0x0], $0xffff;
	_ =	sdelay $0x5  }
0x24f: {  	[tilespmem:s8+$0x1C760] =	vst v0;
	v0 =	vld [tilespmem:s8+$0x18780]  }
0x250: {  	v1 =	vld.idx.msk [tilespmem:v1+s6+$0x0], $0xffff;
	_ =	sdelay $0x5  }
0x251: {  	[tilespmem:s8+$0x1C770] =	vst v1;
	v1 =	vld [tilespmem:s8+$0x18790]  }
0x252: {  	v0 =	vld.idx.msk [tilespmem:v0+s6+$0x0], $0xffff;
	_ =	sdelay $0x5  }
0x253: {  	[tilespmem:s8+$0x1C780] =	vst v0;
	v0 =	vld [tilespmem:s8+$0x187A0]  }
0x254: {  	v1 =	vld.idx.msk [tilespmem:v1+s6+$0x0], $0xffff;
	_ =	sdelay $0x5  }
0x255: {  	[tilespmem:s8+$0x1C790] =	vst v1;
	v1 =	vld [tilespmem:s8+$0x187B0]  }
0x256: {  	v0 =	vld.idx.msk [tilespmem:v0+s6+$0x0], $0xffff;
	_ =	sdelay $0x5  }
0x257: {  	[tilespmem:s8+$0x1C7A0] =	vst v0;
	v0 =	vld [tilespmem:s8+$0x187C0]  }
0x258: {  	v1 =	vld.idx.msk [tilespmem:v1+s6+$0x0], $0xffff;
	_ =	sdelay $0x5  }
0x259: {  	[tilespmem:s8+$0x1C7B0] =	vst v1;
	v1 =	vld [tilespmem:s8+$0x187D0]  }
0x25a: {  	v0 =	vld.idx.msk [tilespmem:v0+s6+$0x0], $0xffff;
	_ =	sdelay $0x5  }
0x25b: {  	[tilespmem:s8+$0x1C7C0] =	vst v0;
	v0 =	vld [tilespmem:s8+$0x187E0]  }
0x25c: {  	v1 =	vld.idx.msk [tilespmem:v1+s6+$0x0], $0xffff;
	_ =	sdelay $0x5  }
0x25d: {  	[tilespmem:s8+$0x1C7D0] =	vst v1;
	v1 =	vld [tilespmem:s8+$0x187F0]  }
0x25e: {  	v0 =	vld.idx.msk [tilespmem:v0+s6+$0x0], $0xffff;
	_ =	sdelay $0x5  }
0x25f: {  	[tilespmem:s8+$0x1C7E0] =	vst v0;
	v0 =	vld [tilespmem:s8+$0x18800]  }
0x260: {  	v1 =	vld.idx.msk [tilespmem:v1+s6+$0x0], $0xffff;
	_ =	sdelay $0x5  }
0x261: {  	[tilespmem:s8+$0x1C7F0] =	vst v1;
	v1 =	vld [tilespmem:s8+$0x18810]  }
0x262: {  	v0 =	vld.idx.msk [tilespmem:v0+s6+$0x0], $0xffff;
	_ =	sdelay $0x5  }
0x263: {  	[tilespmem:s8+$0x1C800] =	vst v0;
	v0 =	vld [tilespmem:s8+$0x18820]  }
0x264: {  	v1 =	vld.idx.msk [tilespmem:v1+s6+$0x0], $0xffff;
	_ =	sdelay $0x5  }
0x265: {  	[tilespmem:s8+$0x1C810] =	vst v1;
	v1 =	vld [tilespmem:s8+$0x18830]  }
0x266: {  	v0 =	vld.idx.msk [tilespmem:v0+s6+$0x0], $0xffff;
	_ =	sdelay $0x5  }
0x267: {  	[tilespmem:s8+$0x1C820] =	vst v0;
	v0 =	vld [tilespmem:s8+$0x18840]  }
0x268: {  	v1 =	vld.idx.msk [tilespmem:v1+s6+$0x0], $0xffff;
	_ =	sdelay $0x5  }
0x269: {  	[tilespmem:s8+$0x1C830] =	vst v1;
	v1 =	vld [tilespmem:s8+$0x18850]  }
0x26a: {  	v0 =	vld.idx.msk [tilespmem:v0+s6+$0x0], $0xffff;
	_ =	sdelay $0x5  }
0x26b: {  	[tilespmem:s8+$0x1C840] =	vst v0;
	v0 =	vld [tilespmem:s8+$0x18860]  }
0x26c: {  	v1 =	vld.idx.msk [tilespmem:v1+s6+$0x0], $0xffff;
	_ =	sdelay $0x5  }
0x26d: {  	[tilespmem:s8+$0x1C850] =	vst v1;
	v1 =	vld [tilespmem:s8+$0x18870]  }
0x26e: {  	v0 =	vld.idx.msk [tilespmem:v0+s6+$0x0], $0xffff;
	_ =	sdelay $0x5  }
0x26f: {  	[tilespmem:s8+$0x1C860] =	vst v0;
	v0 =	vld [tilespmem:s8+$0x18880]  }
0x270: {  	v1 =	vld.idx.msk [tilespmem:v1+s6+$0x0], $0xffff;
	_ =	sdelay $0x5  }
0x271: {  	[tilespmem:s8+$0x1C870] =	vst v1;
	v1 =	vld [tilespmem:s8+$0x18890]  }
0x272: {  	v0 =	vld.idx.msk [tilespmem:v0+s6+$0x0], $0xffff;
	_ =	sdelay $0x5  }
0x273: {  	[tilespmem:s8+$0x1C880] =	vst v0;
	v0 =	vld [tilespmem:s8+$0x188A0]  }
0x274: {  	v1 =	vld.idx.msk [tilespmem:v1+s6+$0x0], $0xffff;
	_ =	sdelay $0x5  }
0x275: {  	[tilespmem:s8+$0x1C890] =	vst v1;
	v1 =	vld [tilespmem:s8+$0x188B0]  }
0x276: {  	v0 =	vld.idx.msk [tilespmem:v0+s6+$0x0], $0xffff;
	_ =	sdelay $0x5  }
0x277: {  	[tilespmem:s8+$0x1C8A0] =	vst v0;
	v0 =	vld [tilespmem:s8+$0x188C0]  }
0x278: {  	v1 =	vld.idx.msk [tilespmem:v1+s6+$0x0], $0xffff;
	_ =	sdelay $0x5  }
0x279: {  	[tilespmem:s8+$0x1C8B0] =	vst v1;
	v1 =	vld [tilespmem:s8+$0x188D0]  }
0x27a: {  	v0 =	vld.idx.msk [tilespmem:v0+s6+$0x0], $0xffff;
	_ =	sdelay $0x5  }
0x27b: {  	[tilespmem:s8+$0x1C8C0] =	vst v0;
	v2 =	vld [tilespmem:s8+$0x188E0]  }
0x27c: {  	v0 =	vld.idx.msk [tilespmem:v1+s6+$0x0], $0xffff;
	_ =	sdelay $0x5  }
0x27d: {  	[tilespmem:s8+$0x1C8D0] =	vst v0;
	v0 =	vld [tilespmem:s8+$0x188F0]  }
0x27e: {  	v1 =	vld.idx.msk [tilespmem:v2+s6+$0x0], $0xffff  }
.Ltmp5:
0x27f: {  	(pc) =	sbr.rel @p1 .LBB2_13-.Ltmp5, $2  }
0x280: {  	_ =	sdelay $0x2  }
0x281: {  	s16 =	sshra.s32 s14, $0x2;
	s14 =	sadd.s32 $0x800, s14  }
0x282: {  	_ =	sdelay $0x1  }
0x283: {  	v2 =	vld [tilespmem:s16+$0x18700]  }
0x284: {  	[tilespmem:s8+$0x1C8E0] =	vst v1  }
0x285: {  	v0 =	vld.idx.msk [tilespmem:v0+s6+$0x0], $0xffff;
	_ =	sdelay $0x3  }
0x286: {  	v1 =	vld [tilespmem:s16+$0x18710]  }
0x287: {  	[tilespmem:s8+$0x1C8F0] =	vst v0  }
0x288: {  	v0 =	vld.idx.msk [tilespmem:v2+s6+$0x0], $0xffff;
	_ =	sdelay $0x4  }
0x289: {  	[tilespmem:s16+$0x1C700] =	vst v0;
	v0 =	vld [tilespmem:s16+$0x18720]  }
0x28a: {  	v1 =	vld.idx.msk [tilespmem:v1+s6+$0x0], $0xffff;
	_ =	sdelay $0x4  }
0x28b: {  	[tilespmem:s16+$0x1C710] =	vst v1;
	v1 =	vld [tilespmem:s16+$0x18730];
	_ =	sdelay $0x1  }
0x28c: {  	v0 =	vld.idx.msk [tilespmem:v0+s6+$0x0], $0xffff;
	_ =	sdelay $0x4  }
0x28d: {  	[tilespmem:s16+$0x1C720] =	vst v0;
	v0 =	vld [tilespmem:s16+$0x18740]  }
0x28e: {  	v1 =	vld.idx.msk [tilespmem:v1+s6+$0x0], $0xffff;
	_ =	sdelay $0x4  }
0x28f: {  	[tilespmem:s16+$0x1C730] =	vst v1;
	v1 =	vld [tilespmem:s16+$0x18750];
	_ =	sdelay $0x1  }
0x290: {  	v0 =	vld.idx.msk [tilespmem:v0+s6+$0x0], $0xffff;
	_ =	sdelay $0x4  }
0x291: {  	[tilespmem:s16+$0x1C740] =	vst v0;
	v0 =	vld [tilespmem:s16+$0x18760]  }
0x292: {  	v1 =	vld.idx.msk [tilespmem:v1+s6+$0x0], $0xffff;
	_ =	sdelay $0x4  }
0x293: {  	[tilespmem:s16+$0x1C750] =	vst v1;
	v1 =	vld [tilespmem:s16+$0x18770];
	_ =	sdelay $0x1  }
0x294: {  	v0 =	vld.idx.msk [tilespmem:v0+s6+$0x0], $0xffff;
	_ =	sdelay $0x4  }
0x295: {  	[tilespmem:s16+$0x1C760] =	vst v0;
	v0 =	vld [tilespmem:s16+$0x18780]  }
0x296: {  	v1 =	vld.idx.msk [tilespmem:v1+s6+$0x0], $0xffff;
	_ =	sdelay $0x4  }
0x297: {  	[tilespmem:s16+$0x1C770] =	vst v1;
	v1 =	vld [tilespmem:s16+$0x18790];
	_ =	sdelay $0x1  }
0x298: {  	v0 =	vld.idx.msk [tilespmem:v0+s6+$0x0], $0xffff;
	_ =	sdelay $0x4  }
0x299: {  	[tilespmem:s16+$0x1C780] =	vst v0;
	v0 =	vld [tilespmem:s16+$0x187A0]  }
0x29a: {  	v1 =	vld.idx.msk [tilespmem:v1+s6+$0x0], $0xffff;
	_ =	sdelay $0x4  }
0x29b: {  	[tilespmem:s16+$0x1C790] =	vst v1;
	v1 =	vld [tilespmem:s16+$0x187B0];
	_ =	sdelay $0x1  }
0x29c: {  	v0 =	vld.idx.msk [tilespmem:v0+s6+$0x0], $0xffff;
	_ =	sdelay $0x4  }
0x29d: {  	[tilespmem:s16+$0x1C7A0] =	vst v0;
	v0 =	vld [tilespmem:s16+$0x187C0]  }
0x29e: {  	v1 =	vld.idx.msk [tilespmem:v1+s6+$0x0], $0xffff;
	_ =	sdelay $0x4  }
0x29f: {  	[tilespmem:s16+$0x1C7B0] =	vst v1;
	v1 =	vld [tilespmem:s16+$0x187D0];
	_ =	sdelay $0x1  }
0x2a0: {  	v0 =	vld.idx.msk [tilespmem:v0+s6+$0x0], $0xffff;
	_ =	sdelay $0x4  }
0x2a1: {  	[tilespmem:s16+$0x1C7C0] =	vst v0;
	v0 =	vld [tilespmem:s16+$0x187E0]  }
0x2a2: {  	v1 =	vld.idx.msk [tilespmem:v1+s6+$0x0], $0xffff;
	_ =	sdelay $0x4  }
0x2a3: {  	[tilespmem:s16+$0x1C7D0] =	vst v1;
	v1 =	vld [tilespmem:s16+$0x187F0];
	_ =	sdelay $0x1  }
0x2a4: {  	v0 =	vld.idx.msk [tilespmem:v0+s6+$0x0], $0xffff;
	_ =	sdelay $0x4  }
0x2a5: {  	[tilespmem:s16+$0x1C7E0] =	vst v0;
	v0 =	vld [tilespmem:s16+$0x18800]  }
0x2a6: {  	v1 =	vld.idx.msk [tilespmem:v1+s6+$0x0], $0xffff;
	_ =	sdelay $0x4  }
0x2a7: {  	[tilespmem:s16+$0x1C7F0] =	vst v1;
	v1 =	vld [tilespmem:s16+$0x18810];
	_ =	sdelay $0x1  }
0x2a8: {  	v0 =	vld.idx.msk [tilespmem:v0+s6+$0x0], $0xffff;
	_ =	sdelay $0x4  }
0x2a9: {  	[tilespmem:s16+$0x1C800] =	vst v0;
	v0 =	vld [tilespmem:s16+$0x18820]  }
0x2aa: {  	v1 =	vld.idx.msk [tilespmem:v1+s6+$0x0], $0xffff;
	_ =	sdelay $0x4  }
0x2ab: {  	[tilespmem:s16+$0x1C810] =	vst v1;
	v1 =	vld [tilespmem:s16+$0x18830];
	_ =	sdelay $0x1  }
0x2ac: {  	v0 =	vld.idx.msk [tilespmem:v0+s6+$0x0], $0xffff;
	_ =	sdelay $0x4  }
0x2ad: {  	[tilespmem:s16+$0x1C820] =	vst v0;
	v0 =	vld [tilespmem:s16+$0x18840]  }
0x2ae: {  	v1 =	vld.idx.msk [tilespmem:v1+s6+$0x0], $0xffff;
	_ =	sdelay $0x4  }
0x2af: {  	[tilespmem:s16+$0x1C830] =	vst v1;
	v1 =	vld [tilespmem:s16+$0x18850];
	_ =	sdelay $0x1  }
0x2b0: {  	v0 =	vld.idx.msk [tilespmem:v0+s6+$0x0], $0xffff;
	_ =	sdelay $0x4  }
0x2b1: {  	[tilespmem:s16+$0x1C840] =	vst v0;
	v0 =	vld [tilespmem:s16+$0x18860]  }
0x2b2: {  	v1 =	vld.idx.msk [tilespmem:v1+s6+$0x0], $0xffff;
	_ =	sdelay $0x4  }
0x2b3: {  	[tilespmem:s16+$0x1C850] =	vst v1;
	v1 =	vld [tilespmem:s16+$0x18870];
	_ =	sdelay $0x1  }
0x2b4: {  	v0 =	vld.idx.msk [tilespmem:v0+s6+$0x0], $0xffff;
	_ =	sdelay $0x4  }
0x2b5: {  	[tilespmem:s16+$0x1C860] =	vst v0;
	v0 =	vld [tilespmem:s16+$0x18880]  }
0x2b6: {  	v1 =	vld.idx.msk [tilespmem:v1+s6+$0x0], $0xffff;
	_ =	sdelay $0x4  }
0x2b7: {  	[tilespmem:s16+$0x1C870] =	vst v1;
	v1 =	vld [tilespmem:s16+$0x18890];
	_ =	sdelay $0x1  }
0x2b8: {  	v0 =	vld.idx.msk [tilespmem:v0+s6+$0x0], $0xffff;
	_ =	sdelay $0x4  }
0x2b9: {  	[tilespmem:s16+$0x1C880] =	vst v0;
	v0 =	vld [tilespmem:s16+$0x188A0]  }
0x2ba: {  	v1 =	vld.idx.msk [tilespmem:v1+s6+$0x0], $0xffff;
	_ =	sdelay $0x4  }
0x2bb: {  	[tilespmem:s16+$0x1C890] =	vst v1;
	v1 =	vld [tilespmem:s16+$0x188B0];
	_ =	sdelay $0x1  }
0x2bc: {  	v0 =	vld.idx.msk [tilespmem:v0+s6+$0x0], $0xffff;
	_ =	sdelay $0x4  }
0x2bd: {  	[tilespmem:s16+$0x1C8A0] =	vst v0;
	v0 =	vld [tilespmem:s16+$0x188C0]  }
0x2be: {  	v1 =	vld.idx.msk [tilespmem:v1+s6+$0x0], $0xffff;
	_ =	sdelay $0x4  }
0x2bf: {  	[tilespmem:s16+$0x1C8B0] =	vst v1;
	v1 =	vld [tilespmem:s16+$0x188D0];
	_ =	sdelay $0x1  }
0x2c0: {  	v0 =	vld.idx.msk [tilespmem:v0+s6+$0x0], $0xffff;
	_ =	sdelay $0x4  }
0x2c1: {  	[tilespmem:s16+$0x1C8C0] =	vst v0;
	v0 =	vld [tilespmem:s16+$0x188E0]  }
0x2c2: {  	v1 =	vld.idx.msk [tilespmem:v1+s6+$0x0], $0xffff;
	_ =	sdelay $0x4  }
0x2c3: {  	[tilespmem:s16+$0x1C8D0] =	vst v1;
	v1 =	vld [tilespmem:s16+$0x188F0];
	_ =	sdelay $0x1  }
0x2c4: {  	v0 =	vld.idx.msk [tilespmem:v0+s6+$0x0], $0xffff;
	_ =	sdelay $0x4  }
0x2c5: {  	[tilespmem:s16+$0x1C8E0] =	vst v0  }
0x2c6: {  	s5 =	sshll.u32 s5, $0xE;
	v0 =	vld.idx.msk [tilespmem:v1+s6+$0x0], $0xffff  }
0x2c7: {  	s5 =	sand.u32 $0x7FFE0000, s5  }
0x2c8: {  	s14 =	sor.u32 s0, s5  }
0x2c9: {  	s8 =	sadd.s32 $0xD00000, s14  }
0x2ca: {  	s8 =	sshrl.u32 s8, $0x3  }
0x2cb: {  	s8 =	sadd.s32 s4, s8;
	[tilespmem:s16+$0x1C8F0] =	vst v0  }
0x2cc: {  	[hbm4b:s8+s17] =	stream.strided.scatter [tilespmem:s19], [sflag:$0x2], $0x1000, s18, s17, $0x38;
	[tilespmem:$0x1EA80] =	vst v63  }
0x2cd: {  	s8 =	simm.s32 @!p0 $0x3  }
0x2ce: {  	_ =	swait.ge @!p0 [sflag:s8], $0x1000  }
0x2cf: {  	[sflag:s8] =	ssyncset.done @!p0 $0x0  }
0x2d0: {  	[sflag:s8] =	ssyncadd.s32 @!p0 $0xFFFFF000;
	s8 =	simm.s32 $0x0  }
0x2d1: {  	v0 =	vld [tilespmem:s8+$0x19700];
	_ =	sdelay $0x5  }
0x2d2: {  	v1 =	vld [tilespmem:s8+$0x19710];
	_ =	sdelay $0x1  }
0x2d3: {  	v0 =	vld.idx.msk [tilespmem:v0+s6+$0x0], $0xffff;
	_ =	sdelay $0x4  }
0x2d4: {  	[tilespmem:s8+$0x1D700] =	vst v0;
	v0 =	vld [tilespmem:s8+$0x19720]  }
0x2d5: {  	v1 =	vld.idx.msk [tilespmem:v1+s6+$0x0], $0xffff;
	_ =	sdelay $0x4  }
0x2d6: {  	[tilespmem:s8+$0x1D710] =	vst v1;
	v1 =	vld [tilespmem:s8+$0x19730];
	_ =	sdelay $0x1  }
0x2d7: {  	v0 =	vld.idx.msk [tilespmem:v0+s6+$0x0], $0xffff;
	_ =	sdelay $0x4  }
0x2d8: {  	[tilespmem:s8+$0x1D720] =	vst v0;
	v0 =	vld [tilespmem:s8+$0x19740]  }
0x2d9: {  	v1 =	vld.idx.msk [tilespmem:v1+s6+$0x0], $0xffff;
	_ =	sdelay $0x4  }
0x2da: {  	[tilespmem:s8+$0x1D730] =	vst v1;
	v1 =	vld [tilespmem:s8+$0x19750];
	_ =	sdelay $0x1  }
0x2db: {  	v0 =	vld.idx.msk [tilespmem:v0+s6+$0x0], $0xffff;
	_ =	sdelay $0x4  }
0x2dc: {  	[tilespmem:s8+$0x1D740] =	vst v0;
	v0 =	vld [tilespmem:s8+$0x19760]  }
0x2dd: {  	v1 =	vld.idx.msk [tilespmem:v1+s6+$0x0], $0xffff;
	_ =	sdelay $0x4  }
0x2de: {  	[tilespmem:s8+$0x1D750] =	vst v1;
	v1 =	vld [tilespmem:s8+$0x19770];
	_ =	sdelay $0x1  }
0x2df: {  	v0 =	vld.idx.msk [tilespmem:v0+s6+$0x0], $0xffff;
	_ =	sdelay $0x4  }
0x2e0: {  	[tilespmem:s8+$0x1D760] =	vst v0;
	v0 =	vld [tilespmem:s8+$0x19780]  }
0x2e1: {  	v1 =	vld.idx.msk [tilespmem:v1+s6+$0x0], $0xffff;
	_ =	sdelay $0x4  }
0x2e2: {  	[tilespmem:s8+$0x1D770] =	vst v1;
	v1 =	vld [tilespmem:s8+$0x19790];
	_ =	sdelay $0x1  }
0x2e3: {  	v0 =	vld.idx.msk [tilespmem:v0+s6+$0x0], $0xffff;
	_ =	sdelay $0x4  }
0x2e4: {  	[tilespmem:s8+$0x1D780] =	vst v0;
	v0 =	vld [tilespmem:s8+$0x197A0]  }
0x2e5: {  	v1 =	vld.idx.msk [tilespmem:v1+s6+$0x0], $0xffff;
	_ =	sdelay $0x4  }
0x2e6: {  	[tilespmem:s8+$0x1D790] =	vst v1;
	v1 =	vld [tilespmem:s8+$0x197B0];
	_ =	sdelay $0x1  }
0x2e7: {  	v0 =	vld.idx.msk [tilespmem:v0+s6+$0x0], $0xffff;
	_ =	sdelay $0x4  }
0x2e8: {  	[tilespmem:s8+$0x1D7A0] =	vst v0;
	v0 =	vld [tilespmem:s8+$0x197C0]  }
0x2e9: {  	v1 =	vld.idx.msk [tilespmem:v1+s6+$0x0], $0xffff;
	_ =	sdelay $0x4  }
0x2ea: {  	[tilespmem:s8+$0x1D7B0] =	vst v1;
	v1 =	vld [tilespmem:s8+$0x197D0];
	_ =	sdelay $0x1  }
0x2eb: {  	v0 =	vld.idx.msk [tilespmem:v0+s6+$0x0], $0xffff;
	_ =	sdelay $0x4  }
0x2ec: {  	[tilespmem:s8+$0x1D7C0] =	vst v0;
	v0 =	vld [tilespmem:s8+$0x197E0]  }
0x2ed: {  	v1 =	vld.idx.msk [tilespmem:v1+s6+$0x0], $0xffff;
	_ =	sdelay $0x4  }
0x2ee: {  	[tilespmem:s8+$0x1D7D0] =	vst v1;
	v1 =	vld [tilespmem:s8+$0x197F0];
	_ =	sdelay $0x1  }
0x2ef: {  	v0 =	vld.idx.msk [tilespmem:v0+s6+$0x0], $0xffff;
	_ =	sdelay $0x4  }
0x2f0: {  	[tilespmem:s8+$0x1D7E0] =	vst v0;
	v0 =	vld [tilespmem:s8+$0x19800]  }
0x2f1: {  	v1 =	vld.idx.msk [tilespmem:v1+s6+$0x0], $0xffff;
	_ =	sdelay $0x4  }
0x2f2: {  	[tilespmem:s8+$0x1D7F0] =	vst v1;
	v1 =	vld [tilespmem:s8+$0x19810];
	_ =	sdelay $0x1  }
0x2f3: {  	v0 =	vld.idx.msk [tilespmem:v0+s6+$0x0], $0xffff;
	_ =	sdelay $0x4  }
0x2f4: {  	[tilespmem:s8+$0x1D800] =	vst v0;
	v0 =	vld [tilespmem:s8+$0x19820]  }
0x2f5: {  	v1 =	vld.idx.msk [tilespmem:v1+s6+$0x0], $0xffff;
	_ =	sdelay $0x4  }
0x2f6: {  	[tilespmem:s8+$0x1D810] =	vst v1;
	v1 =	vld [tilespmem:s8+$0x19830];
	_ =	sdelay $0x1  }
0x2f7: {  	v0 =	vld.idx.msk [tilespmem:v0+s6+$0x0], $0xffff;
	_ =	sdelay $0x4  }
0x2f8: {  	[tilespmem:s8+$0x1D820] =	vst v0;
	v0 =	vld [tilespmem:s8+$0x19840]  }
0x2f9: {  	v1 =	vld.idx.msk [tilespmem:v1+s6+$0x0], $0xffff;
	_ =	sdelay $0x4  }
0x2fa: {  	[tilespmem:s8+$0x1D830] =	vst v1;
	v1 =	vld [tilespmem:s8+$0x19850];
	_ =	sdelay $0x1  }
0x2fb: {  	v0 =	vld.idx.msk [tilespmem:v0+s6+$0x0], $0xffff;
	_ =	sdelay $0x4  }
0x2fc: {  	[tilespmem:s8+$0x1D840] =	vst v0;
	v0 =	vld [tilespmem:s8+$0x19860]  }
0x2fd: {  	v1 =	vld.idx.msk [tilespmem:v1+s6+$0x0], $0xffff;
	_ =	sdelay $0x4  }
0x2fe: {  	[tilespmem:s8+$0x1D850] =	vst v1;
	v1 =	vld [tilespmem:s8+$0x19870];
	_ =	sdelay $0x1  }
0x2ff: {  	v0 =	vld.idx.msk [tilespmem:v0+s6+$0x0], $0xffff;
	_ =	sdelay $0x4  }
0x300: {  	[tilespmem:s8+$0x1D860] =	vst v0;
	v0 =	vld [tilespmem:s8+$0x19880]  }
0x301: {  	v1 =	vld.idx.msk [tilespmem:v1+s6+$0x0], $0xffff;
	_ =	sdelay $0x4  }
0x302: {  	[tilespmem:s8+$0x1D870] =	vst v1;
	v1 =	vld [tilespmem:s8+$0x19890];
	_ =	sdelay $0x1  }
0x303: {  	v0 =	vld.idx.msk [tilespmem:v0+s6+$0x0], $0xffff;
	_ =	sdelay $0x4  }
0x304: {  	[tilespmem:s8+$0x1D880] =	vst v0;
	v0 =	vld [tilespmem:s8+$0x198A0]  }
0x305: {  	v1 =	vld.idx.msk [tilespmem:v1+s6+$0x0], $0xffff;
	_ =	sdelay $0x4  }
0x306: {  	[tilespmem:s8+$0x1D890] =	vst v1;
	v1 =	vld [tilespmem:s8+$0x198B0];
	_ =	sdelay $0x1  }
0x307: {  	v0 =	vld.idx.msk [tilespmem:v0+s6+$0x0], $0xffff;
	_ =	sdelay $0x4  }
0x308: {  	[tilespmem:s8+$0x1D8A0] =	vst v0;
	v0 =	vld [tilespmem:s8+$0x198C0]  }
0x309: {  	v1 =	vld.idx.msk [tilespmem:v1+s6+$0x0], $0xffff;
	_ =	sdelay $0x4  }
0x30a: {  	[tilespmem:s8+$0x1D8B0] =	vst v1;
	v1 =	vld [tilespmem:s8+$0x198D0];
	_ =	sdelay $0x1  }
0x30b: {  	v0 =	vld.idx.msk [tilespmem:v0+s6+$0x0], $0xffff;
	_ =	sdelay $0x4  }
0x30c: {  	v2 =	vld [tilespmem:s8+$0x198E0];
	[tilespmem:s8+$0x1D8C0] =	vst v0  }
0x30d: {  	v0 =	vld.idx.msk [tilespmem:v1+s6+$0x0], $0xffff;
	_ =	sdelay $0x4  }
0x30e: {  	[tilespmem:s8+$0x1D8D0] =	vst v0;
	v0 =	vld [tilespmem:s8+$0x198F0];
	_ =	sdelay $0x1  }
0x30f: {  	v1 =	vld.idx.msk [tilespmem:v2+s6+$0x0], $0xffff;
	_ =	sdelay $0x3  }
0x310: {  	s14 =	simm.s32 $0x1000;
	s16 =	simm.s32 $0x200  }
.LBB2_15:
0x311: {  	p0 =	sne.s32 s14, $0x3800;
	v2 =	vld [tilespmem:s16+$0x19700];
	[tilespmem:s8+$0x1D8E0] =	vst v1  }
0x312: {  	v0 =	vld.idx.msk [tilespmem:v0+s6+$0x0], $0xffff;
	_ =	sdelay $0x5  }
0x313: {  	v1 =	vld [tilespmem:s16+$0x19710];
	[tilespmem:s8+$0x1D8F0] =	vst v0;
	s8 =	smov.u32 s16  }
0x314: {  	v0 =	vld.idx.msk [tilespmem:v2+s6+$0x0], $0xffff;
	_ =	sdelay $0x5  }
0x315: {  	[tilespmem:s8+$0x1D700] =	vst v0;
	v0 =	vld [tilespmem:s8+$0x19720]  }
0x316: {  	v1 =	vld.idx.msk [tilespmem:v1+s6+$0x0], $0xffff;
	_ =	sdelay $0x5  }
0x317: {  	[tilespmem:s8+$0x1D710] =	vst v1;
	v1 =	vld [tilespmem:s8+$0x19730]  }
0x318: {  	v0 =	vld.idx.msk [tilespmem:v0+s6+$0x0], $0xffff;
	_ =	sdelay $0x5  }
0x319: {  	[tilespmem:s8+$0x1D720] =	vst v0;
	v0 =	vld [tilespmem:s8+$0x19740]  }
0x31a: {  	v1 =	vld.idx.msk [tilespmem:v1+s6+$0x0], $0xffff;
	_ =	sdelay $0x5  }
0x31b: {  	[tilespmem:s8+$0x1D730] =	vst v1;
	v1 =	vld [tilespmem:s8+$0x19750]  }
0x31c: {  	v0 =	vld.idx.msk [tilespmem:v0+s6+$0x0], $0xffff;
	_ =	sdelay $0x5  }
0x31d: {  	[tilespmem:s8+$0x1D740] =	vst v0;
	v0 =	vld [tilespmem:s8+$0x19760]  }
0x31e: {  	v1 =	vld.idx.msk [tilespmem:v1+s6+$0x0], $0xffff;
	_ =	sdelay $0x5  }
0x31f: {  	[tilespmem:s8+$0x1D750] =	vst v1;
	v1 =	vld [tilespmem:s8+$0x19770]  }
0x320: {  	v0 =	vld.idx.msk [tilespmem:v0+s6+$0x0], $0xffff;
	_ =	sdelay $0x5  }
0x321: {  	[tilespmem:s8+$0x1D760] =	vst v0;
	v0 =	vld [tilespmem:s8+$0x19780]  }
0x322: {  	v1 =	vld.idx.msk [tilespmem:v1+s6+$0x0], $0xffff;
	_ =	sdelay $0x5  }
0x323: {  	[tilespmem:s8+$0x1D770] =	vst v1;
	v1 =	vld [tilespmem:s8+$0x19790]  }
0x324: {  	v0 =	vld.idx.msk [tilespmem:v0+s6+$0x0], $0xffff;
	_ =	sdelay $0x5  }
0x325: {  	[tilespmem:s8+$0x1D780] =	vst v0;
	v0 =	vld [tilespmem:s8+$0x197A0]  }
0x326: {  	v1 =	vld.idx.msk [tilespmem:v1+s6+$0x0], $0xffff;
	_ =	sdelay $0x5  }
0x327: {  	[tilespmem:s8+$0x1D790] =	vst v1;
	v1 =	vld [tilespmem:s8+$0x197B0]  }
0x328: {  	v0 =	vld.idx.msk [tilespmem:v0+s6+$0x0], $0xffff;
	_ =	sdelay $0x5  }
0x329: {  	[tilespmem:s8+$0x1D7A0] =	vst v0;
	v0 =	vld [tilespmem:s8+$0x197C0]  }
0x32a: {  	v1 =	vld.idx.msk [tilespmem:v1+s6+$0x0], $0xffff;
	_ =	sdelay $0x5  }
0x32b: {  	[tilespmem:s8+$0x1D7B0] =	vst v1;
	v1 =	vld [tilespmem:s8+$0x197D0]  }
0x32c: {  	v0 =	vld.idx.msk [tilespmem:v0+s6+$0x0], $0xffff;
	_ =	sdelay $0x5  }
0x32d: {  	[tilespmem:s8+$0x1D7C0] =	vst v0;
	v0 =	vld [tilespmem:s8+$0x197E0]  }
0x32e: {  	v1 =	vld.idx.msk [tilespmem:v1+s6+$0x0], $0xffff;
	_ =	sdelay $0x5  }
0x32f: {  	[tilespmem:s8+$0x1D7D0] =	vst v1;
	v1 =	vld [tilespmem:s8+$0x197F0]  }
0x330: {  	v0 =	vld.idx.msk [tilespmem:v0+s6+$0x0], $0xffff;
	_ =	sdelay $0x5  }
0x331: {  	[tilespmem:s8+$0x1D7E0] =	vst v0;
	v0 =	vld [tilespmem:s8+$0x19800]  }
0x332: {  	v1 =	vld.idx.msk [tilespmem:v1+s6+$0x0], $0xffff;
	_ =	sdelay $0x5  }
0x333: {  	[tilespmem:s8+$0x1D7F0] =	vst v1;
	v1 =	vld [tilespmem:s8+$0x19810]  }
0x334: {  	v0 =	vld.idx.msk [tilespmem:v0+s6+$0x0], $0xffff;
	_ =	sdelay $0x5  }
0x335: {  	[tilespmem:s8+$0x1D800] =	vst v0;
	v0 =	vld [tilespmem:s8+$0x19820]  }
0x336: {  	v1 =	vld.idx.msk [tilespmem:v1+s6+$0x0], $0xffff;
	_ =	sdelay $0x5  }
0x337: {  	[tilespmem:s8+$0x1D810] =	vst v1;
	v1 =	vld [tilespmem:s8+$0x19830]  }
0x338: {  	v0 =	vld.idx.msk [tilespmem:v0+s6+$0x0], $0xffff;
	_ =	sdelay $0x5  }
0x339: {  	[tilespmem:s8+$0x1D820] =	vst v0;
	v0 =	vld [tilespmem:s8+$0x19840]  }
0x33a: {  	v1 =	vld.idx.msk [tilespmem:v1+s6+$0x0], $0xffff;
	_ =	sdelay $0x5  }
0x33b: {  	[tilespmem:s8+$0x1D830] =	vst v1;
	v1 =	vld [tilespmem:s8+$0x19850]  }
0x33c: {  	v0 =	vld.idx.msk [tilespmem:v0+s6+$0x0], $0xffff;
	_ =	sdelay $0x5  }
0x33d: {  	[tilespmem:s8+$0x1D840] =	vst v0;
	v0 =	vld [tilespmem:s8+$0x19860]  }
0x33e: {  	v1 =	vld.idx.msk [tilespmem:v1+s6+$0x0], $0xffff;
	_ =	sdelay $0x5  }
0x33f: {  	[tilespmem:s8+$0x1D850] =	vst v1;
	v1 =	vld [tilespmem:s8+$0x19870]  }
0x340: {  	v0 =	vld.idx.msk [tilespmem:v0+s6+$0x0], $0xffff;
	_ =	sdelay $0x5  }
0x341: {  	[tilespmem:s8+$0x1D860] =	vst v0;
	v0 =	vld [tilespmem:s8+$0x19880]  }
0x342: {  	v1 =	vld.idx.msk [tilespmem:v1+s6+$0x0], $0xffff;
	_ =	sdelay $0x5  }
0x343: {  	[tilespmem:s8+$0x1D870] =	vst v1;
	v1 =	vld [tilespmem:s8+$0x19890]  }
0x344: {  	v0 =	vld.idx.msk [tilespmem:v0+s6+$0x0], $0xffff;
	_ =	sdelay $0x5  }
0x345: {  	[tilespmem:s8+$0x1D880] =	vst v0;
	v0 =	vld [tilespmem:s8+$0x198A0]  }
0x346: {  	v1 =	vld.idx.msk [tilespmem:v1+s6+$0x0], $0xffff;
	_ =	sdelay $0x5  }
0x347: {  	[tilespmem:s8+$0x1D890] =	vst v1;
	v1 =	vld [tilespmem:s8+$0x198B0]  }
0x348: {  	v0 =	vld.idx.msk [tilespmem:v0+s6+$0x0], $0xffff;
	_ =	sdelay $0x5  }
0x349: {  	[tilespmem:s8+$0x1D8A0] =	vst v0;
	v0 =	vld [tilespmem:s8+$0x198C0]  }
0x34a: {  	v1 =	vld.idx.msk [tilespmem:v1+s6+$0x0], $0xffff;
	_ =	sdelay $0x5  }
0x34b: {  	[tilespmem:s8+$0x1D8B0] =	vst v1;
	v1 =	vld [tilespmem:s8+$0x198D0]  }
0x34c: {  	v0 =	vld.idx.msk [tilespmem:v0+s6+$0x0], $0xffff;
	_ =	sdelay $0x5  }
0x34d: {  	[tilespmem:s8+$0x1D8C0] =	vst v0;
	v2 =	vld [tilespmem:s8+$0x198E0]  }
0x34e: {  	v0 =	vld.idx.msk [tilespmem:v1+s6+$0x0], $0xffff;
	_ =	sdelay $0x5  }
0x34f: {  	[tilespmem:s8+$0x1D8D0] =	vst v0;
	v0 =	vld [tilespmem:s8+$0x198F0]  }
0x350: {  	v1 =	vld.idx.msk [tilespmem:v2+s6+$0x0], $0xffff  }
.Ltmp6:
0x351: {  	(pc) =	sbr.rel @p0 .LBB2_15-.Ltmp6, $2  }
0x352: {  	_ =	sdelay $0x2  }
0x353: {  	s16 =	sshra.s32 s14, $0x2;
	s14 =	sadd.s32 $0x800, s14  }
0x354: {  	_ =	sdelay $0x1  }
0x355: {  	v2 =	vld [tilespmem:s16+$0x19700]  }
0x356: {  	[tilespmem:s8+$0x1D8E0] =	vst v1  }
0x357: {  	v0 =	vld.idx.msk [tilespmem:v0+s6+$0x0], $0xffff;
	_ =	sdelay $0x3  }
0x358: {  	v1 =	vld [tilespmem:s16+$0x19710]  }
0x359: {  	[tilespmem:s8+$0x1D8F0] =	vst v0  }
0x35a: {  	v0 =	vld.idx.msk [tilespmem:v2+s6+$0x0], $0xffff;
	_ =	sdelay $0x4  }
0x35b: {  	[tilespmem:s16+$0x1D700] =	vst v0;
	v0 =	vld [tilespmem:s16+$0x19720]  }
0x35c: {  	v1 =	vld.idx.msk [tilespmem:v1+s6+$0x0], $0xffff;
	_ =	sdelay $0x4  }
0x35d: {  	[tilespmem:s16+$0x1D710] =	vst v1;
	v1 =	vld [tilespmem:s16+$0x19730];
	_ =	sdelay $0x1  }
0x35e: {  	v0 =	vld.idx.msk [tilespmem:v0+s6+$0x0], $0xffff;
	_ =	sdelay $0x4  }
0x35f: {  	[tilespmem:s16+$0x1D720] =	vst v0;
	v0 =	vld [tilespmem:s16+$0x19740]  }
0x360: {  	v1 =	vld.idx.msk [tilespmem:v1+s6+$0x0], $0xffff;
	_ =	sdelay $0x4  }
0x361: {  	[tilespmem:s16+$0x1D730] =	vst v1;
	v1 =	vld [tilespmem:s16+$0x19750];
	_ =	sdelay $0x1  }
0x362: {  	v0 =	vld.idx.msk [tilespmem:v0+s6+$0x0], $0xffff;
	_ =	sdelay $0x4  }
0x363: {  	[tilespmem:s16+$0x1D740] =	vst v0;
	v0 =	vld [tilespmem:s16+$0x19760]  }
0x364: {  	v1 =	vld.idx.msk [tilespmem:v1+s6+$0x0], $0xffff;
	_ =	sdelay $0x4  }
0x365: {  	[tilespmem:s16+$0x1D750] =	vst v1;
	v1 =	vld [tilespmem:s16+$0x19770];
	_ =	sdelay $0x1  }
0x366: {  	v0 =	vld.idx.msk [tilespmem:v0+s6+$0x0], $0xffff;
	_ =	sdelay $0x4  }
0x367: {  	[tilespmem:s16+$0x1D760] =	vst v0;
	v0 =	vld [tilespmem:s16+$0x19780]  }
0x368: {  	v1 =	vld.idx.msk [tilespmem:v1+s6+$0x0], $0xffff;
	_ =	sdelay $0x4  }
0x369: {  	[tilespmem:s16+$0x1D770] =	vst v1;
	v1 =	vld [tilespmem:s16+$0x19790];
	_ =	sdelay $0x1  }
0x36a: {  	v0 =	vld.idx.msk [tilespmem:v0+s6+$0x0], $0xffff;
	_ =	sdelay $0x4  }
0x36b: {  	[tilespmem:s16+$0x1D780] =	vst v0;
	v0 =	vld [tilespmem:s16+$0x197A0]  }
0x36c: {  	v1 =	vld.idx.msk [tilespmem:v1+s6+$0x0], $0xffff;
	_ =	sdelay $0x4  }
0x36d: {  	[tilespmem:s16+$0x1D790] =	vst v1;
	v1 =	vld [tilespmem:s16+$0x197B0];
	_ =	sdelay $0x1  }
0x36e: {  	v0 =	vld.idx.msk [tilespmem:v0+s6+$0x0], $0xffff;
	_ =	sdelay $0x4  }
0x36f: {  	[tilespmem:s16+$0x1D7A0] =	vst v0;
	v0 =	vld [tilespmem:s16+$0x197C0]  }
0x370: {  	v1 =	vld.idx.msk [tilespmem:v1+s6+$0x0], $0xffff;
	_ =	sdelay $0x4  }
0x371: {  	[tilespmem:s16+$0x1D7B0] =	vst v1;
	v1 =	vld [tilespmem:s16+$0x197D0];
	_ =	sdelay $0x1  }
0x372: {  	v0 =	vld.idx.msk [tilespmem:v0+s6+$0x0], $0xffff;
	_ =	sdelay $0x4  }
0x373: {  	[tilespmem:s16+$0x1D7C0] =	vst v0;
	v0 =	vld [tilespmem:s16+$0x197E0]  }
0x374: {  	v1 =	vld.idx.msk [tilespmem:v1+s6+$0x0], $0xffff;
	_ =	sdelay $0x4  }
0x375: {  	[tilespmem:s16+$0x1D7D0] =	vst v1;
	v1 =	vld [tilespmem:s16+$0x197F0];
	_ =	sdelay $0x1  }
0x376: {  	v0 =	vld.idx.msk [tilespmem:v0+s6+$0x0], $0xffff;
	_ =	sdelay $0x4  }
0x377: {  	[tilespmem:s16+$0x1D7E0] =	vst v0;
	v0 =	vld [tilespmem:s16+$0x19800]  }
0x378: {  	v1 =	vld.idx.msk [tilespmem:v1+s6+$0x0], $0xffff;
	_ =	sdelay $0x4  }
0x379: {  	[tilespmem:s16+$0x1D7F0] =	vst v1;
	v1 =	vld [tilespmem:s16+$0x19810];
	_ =	sdelay $0x1  }
0x37a: {  	v0 =	vld.idx.msk [tilespmem:v0+s6+$0x0], $0xffff;
	_ =	sdelay $0x4  }
0x37b: {  	[tilespmem:s16+$0x1D800] =	vst v0;
	v0 =	vld [tilespmem:s16+$0x19820]  }
0x37c: {  	v1 =	vld.idx.msk [tilespmem:v1+s6+$0x0], $0xffff;
	_ =	sdelay $0x4  }
0x37d: {  	[tilespmem:s16+$0x1D810] =	vst v1;
	v1 =	vld [tilespmem:s16+$0x19830];
	_ =	sdelay $0x1  }
0x37e: {  	v0 =	vld.idx.msk [tilespmem:v0+s6+$0x0], $0xffff;
	_ =	sdelay $0x4  }
0x37f: {  	[tilespmem:s16+$0x1D820] =	vst v0;
	v0 =	vld [tilespmem:s16+$0x19840]  }
0x380: {  	v1 =	vld.idx.msk [tilespmem:v1+s6+$0x0], $0xffff;
	_ =	sdelay $0x4  }
0x381: {  	[tilespmem:s16+$0x1D830] =	vst v1;
	v1 =	vld [tilespmem:s16+$0x19850];
	_ =	sdelay $0x1  }
0x382: {  	v0 =	vld.idx.msk [tilespmem:v0+s6+$0x0], $0xffff;
	_ =	sdelay $0x4  }
0x383: {  	[tilespmem:s16+$0x1D840] =	vst v0;
	v0 =	vld [tilespmem:s16+$0x19860]  }
0x384: {  	v1 =	vld.idx.msk [tilespmem:v1+s6+$0x0], $0xffff;
	_ =	sdelay $0x4  }
0x385: {  	[tilespmem:s16+$0x1D850] =	vst v1;
	v1 =	vld [tilespmem:s16+$0x19870];
	_ =	sdelay $0x1  }
0x386: {  	v0 =	vld.idx.msk [tilespmem:v0+s6+$0x0], $0xffff;
	_ =	sdelay $0x4  }
0x387: {  	[tilespmem:s16+$0x1D860] =	vst v0;
	v0 =	vld [tilespmem:s16+$0x19880]  }
0x388: {  	v1 =	vld.idx.msk [tilespmem:v1+s6+$0x0], $0xffff;
	_ =	sdelay $0x4  }
0x389: {  	[tilespmem:s16+$0x1D870] =	vst v1;
	v1 =	vld [tilespmem:s16+$0x19890];
	_ =	sdelay $0x1  }
0x38a: {  	v0 =	vld.idx.msk [tilespmem:v0+s6+$0x0], $0xffff;
	_ =	sdelay $0x4  }
0x38b: {  	[tilespmem:s16+$0x1D880] =	vst v0;
	v0 =	vld [tilespmem:s16+$0x198A0]  }
0x38c: {  	v1 =	vld.idx.msk [tilespmem:v1+s6+$0x0], $0xffff;
	_ =	sdelay $0x4  }
0x38d: {  	[tilespmem:s16+$0x1D890] =	vst v1;
	v1 =	vld [tilespmem:s16+$0x198B0];
	_ =	sdelay $0x1  }
0x38e: {  	v0 =	vld.idx.msk [tilespmem:v0+s6+$0x0], $0xffff;
	_ =	sdelay $0x4  }
0x38f: {  	[tilespmem:s16+$0x1D8A0] =	vst v0;
	v0 =	vld [tilespmem:s16+$0x198C0]  }
0x390: {  	v1 =	vld.idx.msk [tilespmem:v1+s6+$0x0], $0xffff;
	_ =	sdelay $0x4  }
0x391: {  	[tilespmem:s16+$0x1D8B0] =	vst v1;
	v1 =	vld [tilespmem:s16+$0x198D0];
	_ =	sdelay $0x1  }
0x392: {  	v0 =	vld.idx.msk [tilespmem:v0+s6+$0x0], $0xffff;
	_ =	sdelay $0x4  }
0x393: {  	[tilespmem:s16+$0x1D8C0] =	vst v0;
	v0 =	vld [tilespmem:s16+$0x198E0]  }
0x394: {  	v1 =	vld.idx.msk [tilespmem:v1+s6+$0x0], $0xffff;
	_ =	sdelay $0x4  }
0x395: {  	[tilespmem:s16+$0x1D8D0] =	vst v1;
	v1 =	vld [tilespmem:s16+$0x198F0];
	_ =	sdelay $0x1  }
0x396: {  	v0 =	vld.idx.msk [tilespmem:v0+s6+$0x0], $0xffff;
	_ =	sdelay $0x4  }
0x397: {  	[tilespmem:s16+$0x1D8E0] =	vst v0  }
0x398: {  	v0 =	vld.idx.msk [tilespmem:v1+s6+$0x0], $0xffff;
	_ =	sdelay $0x1  }
0x399: {  	s0 =	sadd.s32 s0, s5  }
0x39a: {  	s5 =	sadd.s32 $0xD08000, s0  }
0x39b: {  	s5 =	sshrl.u32 s5, $0x3  }
0x39c: {  	s5 =	sadd.s32 s4, s5;
	[tilespmem:s16+$0x1D8F0] =	vst v0  }
0x39d: {  	[hbm4b:s5+s17] =	stream.strided.scatter [tilespmem:s20], [sflag:$0x3], $0x1000, s18, s17, $0x38;
	[tilespmem:$0x1EA80] =	vst v63  }
0x39e: {  	_ =	swait.ge [sflag:s21], $0x1000  }
0x39f: {  	[sflag:s21] =	ssyncset.done $0x0  }
0x3a0: {  	s5 =	simm.s32 $0x0;
	[sflag:s21] =	ssyncadd.s32 $0xFFFFF000  }
0x3a1: {  	v0 =	vld [tilespmem:s5+$0x1A700];
	_ =	sdelay $0x5  }
0x3a2: {  	v1 =	vld [tilespmem:s5+$0x1A710];
	_ =	sdelay $0x1  }
0x3a3: {  	v0 =	vld.idx.msk [tilespmem:v0+s6+$0x0], $0xffff;
	_ =	sdelay $0x4  }
0x3a4: {  	[tilespmem:s5+$0x1C700] =	vst v0;
	v0 =	vld [tilespmem:s5+$0x1A720]  }
0x3a5: {  	v1 =	vld.idx.msk [tilespmem:v1+s6+$0x0], $0xffff;
	_ =	sdelay $0x4  }
0x3a6: {  	[tilespmem:s5+$0x1C710] =	vst v1;
	v1 =	vld [tilespmem:s5+$0x1A730];
	_ =	sdelay $0x1  }
0x3a7: {  	v0 =	vld.idx.msk [tilespmem:v0+s6+$0x0], $0xffff;
	_ =	sdelay $0x4  }
0x3a8: {  	[tilespmem:s5+$0x1C720] =	vst v0;
	v0 =	vld [tilespmem:s5+$0x1A740]  }
0x3a9: {  	v1 =	vld.idx.msk [tilespmem:v1+s6+$0x0], $0xffff;
	_ =	sdelay $0x4  }
0x3aa: {  	[tilespmem:s5+$0x1C730] =	vst v1;
	v1 =	vld [tilespmem:s5+$0x1A750];
	_ =	sdelay $0x1  }
0x3ab: {  	v0 =	vld.idx.msk [tilespmem:v0+s6+$0x0], $0xffff;
	_ =	sdelay $0x4  }
0x3ac: {  	[tilespmem:s5+$0x1C740] =	vst v0;
	v0 =	vld [tilespmem:s5+$0x1A760]  }
0x3ad: {  	v1 =	vld.idx.msk [tilespmem:v1+s6+$0x0], $0xffff;
	_ =	sdelay $0x4  }
0x3ae: {  	[tilespmem:s5+$0x1C750] =	vst v1;
	v1 =	vld [tilespmem:s5+$0x1A770];
	_ =	sdelay $0x1  }
0x3af: {  	v0 =	vld.idx.msk [tilespmem:v0+s6+$0x0], $0xffff;
	_ =	sdelay $0x4  }
0x3b0: {  	[tilespmem:s5+$0x1C760] =	vst v0;
	v0 =	vld [tilespmem:s5+$0x1A780]  }
0x3b1: {  	v1 =	vld.idx.msk [tilespmem:v1+s6+$0x0], $0xffff;
	_ =	sdelay $0x4  }
0x3b2: {  	[tilespmem:s5+$0x1C770] =	vst v1;
	v1 =	vld [tilespmem:s5+$0x1A790];
	_ =	sdelay $0x1  }
0x3b3: {  	v0 =	vld.idx.msk [tilespmem:v0+s6+$0x0], $0xffff;
	_ =	sdelay $0x4  }
0x3b4: {  	[tilespmem:s5+$0x1C780] =	vst v0;
	v0 =	vld [tilespmem:s5+$0x1A7A0]  }
0x3b5: {  	v1 =	vld.idx.msk [tilespmem:v1+s6+$0x0], $0xffff;
	_ =	sdelay $0x4  }
0x3b6: {  	[tilespmem:s5+$0x1C790] =	vst v1;
	v1 =	vld [tilespmem:s5+$0x1A7B0];
	_ =	sdelay $0x1  }
0x3b7: {  	v0 =	vld.idx.msk [tilespmem:v0+s6+$0x0], $0xffff;
	_ =	sdelay $0x4  }
0x3b8: {  	[tilespmem:s5+$0x1C7A0] =	vst v0;
	v0 =	vld [tilespmem:s5+$0x1A7C0]  }
0x3b9: {  	v1 =	vld.idx.msk [tilespmem:v1+s6+$0x0], $0xffff;
	_ =	sdelay $0x4  }
0x3ba: {  	[tilespmem:s5+$0x1C7B0] =	vst v1;
	v1 =	vld [tilespmem:s5+$0x1A7D0];
	_ =	sdelay $0x1  }
0x3bb: {  	v0 =	vld.idx.msk [tilespmem:v0+s6+$0x0], $0xffff;
	_ =	sdelay $0x4  }
0x3bc: {  	[tilespmem:s5+$0x1C7C0] =	vst v0;
	v0 =	vld [tilespmem:s5+$0x1A7E0]  }
0x3bd: {  	v1 =	vld.idx.msk [tilespmem:v1+s6+$0x0], $0xffff;
	_ =	sdelay $0x4  }
0x3be: {  	[tilespmem:s5+$0x1C7D0] =	vst v1;
	v1 =	vld [tilespmem:s5+$0x1A7F0];
	_ =	sdelay $0x1  }
0x3bf: {  	v0 =	vld.idx.msk [tilespmem:v0+s6+$0x0], $0xffff;
	_ =	sdelay $0x4  }
0x3c0: {  	[tilespmem:s5+$0x1C7E0] =	vst v0;
	v0 =	vld [tilespmem:s5+$0x1A800]  }
0x3c1: {  	v1 =	vld.idx.msk [tilespmem:v1+s6+$0x0], $0xffff;
	_ =	sdelay $0x4  }
0x3c2: {  	[tilespmem:s5+$0x1C7F0] =	vst v1;
	v1 =	vld [tilespmem:s5+$0x1A810];
	_ =	sdelay $0x1  }
0x3c3: {  	v0 =	vld.idx.msk [tilespmem:v0+s6+$0x0], $0xffff;
	_ =	sdelay $0x4  }
0x3c4: {  	[tilespmem:s5+$0x1C800] =	vst v0;
	v0 =	vld [tilespmem:s5+$0x1A820]  }
0x3c5: {  	v1 =	vld.idx.msk [tilespmem:v1+s6+$0x0], $0xffff;
	_ =	sdelay $0x4  }
0x3c6: {  	[tilespmem:s5+$0x1C810] =	vst v1;
	v1 =	vld [tilespmem:s5+$0x1A830];
	_ =	sdelay $0x1  }
0x3c7: {  	v0 =	vld.idx.msk [tilespmem:v0+s6+$0x0], $0xffff;
	_ =	sdelay $0x4  }
0x3c8: {  	[tilespmem:s5+$0x1C820] =	vst v0;
	v0 =	vld [tilespmem:s5+$0x1A840]  }
0x3c9: {  	v1 =	vld.idx.msk [tilespmem:v1+s6+$0x0], $0xffff;
	_ =	sdelay $0x4  }
0x3ca: {  	[tilespmem:s5+$0x1C830] =	vst v1;
	v1 =	vld [tilespmem:s5+$0x1A850];
	_ =	sdelay $0x1  }
0x3cb: {  	v0 =	vld.idx.msk [tilespmem:v0+s6+$0x0], $0xffff;
	_ =	sdelay $0x4  }
0x3cc: {  	[tilespmem:s5+$0x1C840] =	vst v0;
	v0 =	vld [tilespmem:s5+$0x1A860]  }
0x3cd: {  	v1 =	vld.idx.msk [tilespmem:v1+s6+$0x0], $0xffff;
	_ =	sdelay $0x4  }
0x3ce: {  	[tilespmem:s5+$0x1C850] =	vst v1;
	v1 =	vld [tilespmem:s5+$0x1A870];
	_ =	sdelay $0x1  }
0x3cf: {  	v0 =	vld.idx.msk [tilespmem:v0+s6+$0x0], $0xffff;
	_ =	sdelay $0x4  }
0x3d0: {  	[tilespmem:s5+$0x1C860] =	vst v0;
	v0 =	vld [tilespmem:s5+$0x1A880]  }
0x3d1: {  	v1 =	vld.idx.msk [tilespmem:v1+s6+$0x0], $0xffff;
	_ =	sdelay $0x4  }
0x3d2: {  	[tilespmem:s5+$0x1C870] =	vst v1;
	v1 =	vld [tilespmem:s5+$0x1A890];
	_ =	sdelay $0x1  }
0x3d3: {  	v0 =	vld.idx.msk [tilespmem:v0+s6+$0x0], $0xffff;
	_ =	sdelay $0x4  }
0x3d4: {  	[tilespmem:s5+$0x1C880] =	vst v0;
	v0 =	vld [tilespmem:s5+$0x1A8A0]  }
0x3d5: {  	v1 =	vld.idx.msk [tilespmem:v1+s6+$0x0], $0xffff;
	_ =	sdelay $0x4  }
0x3d6: {  	[tilespmem:s5+$0x1C890] =	vst v1;
	v1 =	vld [tilespmem:s5+$0x1A8B0];
	_ =	sdelay $0x1  }
0x3d7: {  	v0 =	vld.idx.msk [tilespmem:v0+s6+$0x0], $0xffff;
	_ =	sdelay $0x4  }
0x3d8: {  	[tilespmem:s5+$0x1C8A0] =	vst v0;
	v0 =	vld [tilespmem:s5+$0x1A8C0]  }
0x3d9: {  	v1 =	vld.idx.msk [tilespmem:v1+s6+$0x0], $0xffff;
	_ =	sdelay $0x4  }
0x3da: {  	[tilespmem:s5+$0x1C8B0] =	vst v1;
	v1 =	vld [tilespmem:s5+$0x1A8D0];
	_ =	sdelay $0x1  }
0x3db: {  	v0 =	vld.idx.msk [tilespmem:v0+s6+$0x0], $0xffff;
	_ =	sdelay $0x4  }
0x3dc: {  	v2 =	vld [tilespmem:s5+$0x1A8E0];
	[tilespmem:s5+$0x1C8C0] =	vst v0  }
0x3dd: {  	v0 =	vld.idx.msk [tilespmem:v1+s6+$0x0], $0xffff;
	_ =	sdelay $0x4  }
0x3de: {  	[tilespmem:s5+$0x1C8D0] =	vst v0;
	v0 =	vld [tilespmem:s5+$0x1A8F0];
	_ =	sdelay $0x1  }
0x3df: {  	v1 =	vld.idx.msk [tilespmem:v2+s6+$0x0], $0xffff;
	_ =	sdelay $0x3  }
0x3e0: {  	s14 =	simm.s32 $0x200;
	s8 =	simm.s32 $0x1000  }
.LBB2_17:
0x3e1: {  	p0 =	sne.s32 s8, $0x3800;
	v2 =	vld [tilespmem:s14+$0x1A700];
	[tilespmem:s5+$0x1C8E0] =	vst v1  }
0x3e2: {  	v0 =	vld.idx.msk [tilespmem:v0+s6+$0x0], $0xffff;
	_ =	sdelay $0x5  }
0x3e3: {  	v1 =	vld [tilespmem:s14+$0x1A710];
	[tilespmem:s5+$0x1C8F0] =	vst v0;
	s5 =	smov.u32 s14  }
0x3e4: {  	v0 =	vld.idx.msk [tilespmem:v2+s6+$0x0], $0xffff;
	_ =	sdelay $0x5  }
0x3e5: {  	[tilespmem:s5+$0x1C700] =	vst v0;
	v0 =	vld [tilespmem:s5+$0x1A720]  }
0x3e6: {  	v1 =	vld.idx.msk [tilespmem:v1+s6+$0x0], $0xffff;
	_ =	sdelay $0x5  }
0x3e7: {  	[tilespmem:s5+$0x1C710] =	vst v1;
	v1 =	vld [tilespmem:s5+$0x1A730]  }
0x3e8: {  	v0 =	vld.idx.msk [tilespmem:v0+s6+$0x0], $0xffff;
	_ =	sdelay $0x5  }
0x3e9: {  	[tilespmem:s5+$0x1C720] =	vst v0;
	v0 =	vld [tilespmem:s5+$0x1A740]  }
0x3ea: {  	v1 =	vld.idx.msk [tilespmem:v1+s6+$0x0], $0xffff;
	_ =	sdelay $0x5  }
0x3eb: {  	[tilespmem:s5+$0x1C730] =	vst v1;
	v1 =	vld [tilespmem:s5+$0x1A750]  }
0x3ec: {  	v0 =	vld.idx.msk [tilespmem:v0+s6+$0x0], $0xffff;
	_ =	sdelay $0x5  }
0x3ed: {  	[tilespmem:s5+$0x1C740] =	vst v0;
	v0 =	vld [tilespmem:s5+$0x1A760]  }
0x3ee: {  	v1 =	vld.idx.msk [tilespmem:v1+s6+$0x0], $0xffff;
	_ =	sdelay $0x5  }
0x3ef: {  	[tilespmem:s5+$0x1C750] =	vst v1;
	v1 =	vld [tilespmem:s5+$0x1A770]  }
0x3f0: {  	v0 =	vld.idx.msk [tilespmem:v0+s6+$0x0], $0xffff;
	_ =	sdelay $0x5  }
0x3f1: {  	[tilespmem:s5+$0x1C760] =	vst v0;
	v0 =	vld [tilespmem:s5+$0x1A780]  }
0x3f2: {  	v1 =	vld.idx.msk [tilespmem:v1+s6+$0x0], $0xffff;
	_ =	sdelay $0x5  }
0x3f3: {  	[tilespmem:s5+$0x1C770] =	vst v1;
	v1 =	vld [tilespmem:s5+$0x1A790]  }
0x3f4: {  	v0 =	vld.idx.msk [tilespmem:v0+s6+$0x0], $0xffff;
	_ =	sdelay $0x5  }
0x3f5: {  	[tilespmem:s5+$0x1C780] =	vst v0;
	v0 =	vld [tilespmem:s5+$0x1A7A0]  }
0x3f6: {  	v1 =	vld.idx.msk [tilespmem:v1+s6+$0x0], $0xffff;
	_ =	sdelay $0x5  }
0x3f7: {  	[tilespmem:s5+$0x1C790] =	vst v1;
	v1 =	vld [tilespmem:s5+$0x1A7B0]  }
0x3f8: {  	v0 =	vld.idx.msk [tilespmem:v0+s6+$0x0], $0xffff;
	_ =	sdelay $0x5  }
0x3f9: {  	[tilespmem:s5+$0x1C7A0] =	vst v0;
	v0 =	vld [tilespmem:s5+$0x1A7C0]  }
0x3fa: {  	v1 =	vld.idx.msk [tilespmem:v1+s6+$0x0], $0xffff;
	_ =	sdelay $0x5  }
0x3fb: {  	[tilespmem:s5+$0x1C7B0] =	vst v1;
	v1 =	vld [tilespmem:s5+$0x1A7D0]  }
0x3fc: {  	v0 =	vld.idx.msk [tilespmem:v0+s6+$0x0], $0xffff;
	_ =	sdelay $0x5  }
0x3fd: {  	[tilespmem:s5+$0x1C7C0] =	vst v0;
	v0 =	vld [tilespmem:s5+$0x1A7E0]  }
0x3fe: {  	v1 =	vld.idx.msk [tilespmem:v1+s6+$0x0], $0xffff;
	_ =	sdelay $0x5  }
0x3ff: {  	[tilespmem:s5+$0x1C7D0] =	vst v1;
	v1 =	vld [tilespmem:s5+$0x1A7F0]  }
0x400: {  	v0 =	vld.idx.msk [tilespmem:v0+s6+$0x0], $0xffff;
	_ =	sdelay $0x5  }
0x401: {  	[tilespmem:s5+$0x1C7E0] =	vst v0;
	v0 =	vld [tilespmem:s5+$0x1A800]  }
0x402: {  	v1 =	vld.idx.msk [tilespmem:v1+s6+$0x0], $0xffff;
	_ =	sdelay $0x5  }
0x403: {  	[tilespmem:s5+$0x1C7F0] =	vst v1;
	v1 =	vld [tilespmem:s5+$0x1A810]  }
0x404: {  	v0 =	vld.idx.msk [tilespmem:v0+s6+$0x0], $0xffff;
	_ =	sdelay $0x5  }
0x405: {  	[tilespmem:s5+$0x1C800] =	vst v0;
	v0 =	vld [tilespmem:s5+$0x1A820]  }
0x406: {  	v1 =	vld.idx.msk [tilespmem:v1+s6+$0x0], $0xffff;
	_ =	sdelay $0x5  }
0x407: {  	[tilespmem:s5+$0x1C810] =	vst v1;
	v1 =	vld [tilespmem:s5+$0x1A830]  }
0x408: {  	v0 =	vld.idx.msk [tilespmem:v0+s6+$0x0], $0xffff;
	_ =	sdelay $0x5  }
0x409: {  	[tilespmem:s5+$0x1C820] =	vst v0;
	v0 =	vld [tilespmem:s5+$0x1A840]  }
0x40a: {  	v1 =	vld.idx.msk [tilespmem:v1+s6+$0x0], $0xffff;
	_ =	sdelay $0x5  }
0x40b: {  	[tilespmem:s5+$0x1C830] =	vst v1;
	v1 =	vld [tilespmem:s5+$0x1A850]  }
0x40c: {  	v0 =	vld.idx.msk [tilespmem:v0+s6+$0x0], $0xffff;
	_ =	sdelay $0x5  }
0x40d: {  	[tilespmem:s5+$0x1C840] =	vst v0;
	v0 =	vld [tilespmem:s5+$0x1A860]  }
0x40e: {  	v1 =	vld.idx.msk [tilespmem:v1+s6+$0x0], $0xffff;
	_ =	sdelay $0x5  }
0x40f: {  	[tilespmem:s5+$0x1C850] =	vst v1;
	v1 =	vld [tilespmem:s5+$0x1A870]  }
0x410: {  	v0 =	vld.idx.msk [tilespmem:v0+s6+$0x0], $0xffff;
	_ =	sdelay $0x5  }
0x411: {  	[tilespmem:s5+$0x1C860] =	vst v0;
	v0 =	vld [tilespmem:s5+$0x1A880]  }
0x412: {  	v1 =	vld.idx.msk [tilespmem:v1+s6+$0x0], $0xffff;
	_ =	sdelay $0x5  }
0x413: {  	[tilespmem:s5+$0x1C870] =	vst v1;
	v1 =	vld [tilespmem:s5+$0x1A890]  }
0x414: {  	v0 =	vld.idx.msk [tilespmem:v0+s6+$0x0], $0xffff;
	_ =	sdelay $0x5  }
0x415: {  	[tilespmem:s5+$0x1C880] =	vst v0;
	v0 =	vld [tilespmem:s5+$0x1A8A0]  }
0x416: {  	v1 =	vld.idx.msk [tilespmem:v1+s6+$0x0], $0xffff;
	_ =	sdelay $0x5  }
0x417: {  	[tilespmem:s5+$0x1C890] =	vst v1;
	v1 =	vld [tilespmem:s5+$0x1A8B0]  }
0x418: {  	v0 =	vld.idx.msk [tilespmem:v0+s6+$0x0], $0xffff;
	_ =	sdelay $0x5  }
0x419: {  	[tilespmem:s5+$0x1C8A0] =	vst v0;
	v0 =	vld [tilespmem:s5+$0x1A8C0]  }
0x41a: {  	v1 =	vld.idx.msk [tilespmem:v1+s6+$0x0], $0xffff;
	_ =	sdelay $0x5  }
0x41b: {  	[tilespmem:s5+$0x1C8B0] =	vst v1;
	v1 =	vld [tilespmem:s5+$0x1A8D0]  }
0x41c: {  	v0 =	vld.idx.msk [tilespmem:v0+s6+$0x0], $0xffff;
	_ =	sdelay $0x5  }
0x41d: {  	[tilespmem:s5+$0x1C8C0] =	vst v0;
	v2 =	vld [tilespmem:s5+$0x1A8E0]  }
0x41e: {  	v0 =	vld.idx.msk [tilespmem:v1+s6+$0x0], $0xffff;
	_ =	sdelay $0x5  }
0x41f: {  	[tilespmem:s5+$0x1C8D0] =	vst v0;
	v0 =	vld [tilespmem:s5+$0x1A8F0]  }
0x420: {  	v1 =	vld.idx.msk [tilespmem:v2+s6+$0x0], $0xffff  }
.Ltmp7:
0x421: {  	(pc) =	sbr.rel @p0 .LBB2_17-.Ltmp7, $2  }
0x422: {  	_ =	sdelay $0x2  }
0x423: {  	s14 =	sshra.s32 s8, $0x2;
	s8 =	sadd.s32 $0x800, s8  }
0x424: {  	_ =	sdelay $0x1  }
0x425: {  	v2 =	vld [tilespmem:s14+$0x1A700]  }
0x426: {  	[tilespmem:s5+$0x1C8E0] =	vst v1  }
0x427: {  	v0 =	vld.idx.msk [tilespmem:v0+s6+$0x0], $0xffff;
	_ =	sdelay $0x3  }
0x428: {  	v1 =	vld [tilespmem:s14+$0x1A710]  }
0x429: {  	[tilespmem:s5+$0x1C8F0] =	vst v0  }
0x42a: {  	v0 =	vld.idx.msk [tilespmem:v2+s6+$0x0], $0xffff;
	_ =	sdelay $0x4  }
0x42b: {  	[tilespmem:s14+$0x1C700] =	vst v0;
	v0 =	vld [tilespmem:s14+$0x1A720]  }
0x42c: {  	v1 =	vld.idx.msk [tilespmem:v1+s6+$0x0], $0xffff;
	_ =	sdelay $0x4  }
0x42d: {  	[tilespmem:s14+$0x1C710] =	vst v1;
	v1 =	vld [tilespmem:s14+$0x1A730];
	_ =	sdelay $0x1  }
0x42e: {  	v0 =	vld.idx.msk [tilespmem:v0+s6+$0x0], $0xffff;
	_ =	sdelay $0x4  }
0x42f: {  	[tilespmem:s14+$0x1C720] =	vst v0;
	v0 =	vld [tilespmem:s14+$0x1A740]  }
0x430: {  	v1 =	vld.idx.msk [tilespmem:v1+s6+$0x0], $0xffff;
	_ =	sdelay $0x4  }
0x431: {  	[tilespmem:s14+$0x1C730] =	vst v1;
	v1 =	vld [tilespmem:s14+$0x1A750];
	_ =	sdelay $0x1  }
0x432: {  	v0 =	vld.idx.msk [tilespmem:v0+s6+$0x0], $0xffff;
	_ =	sdelay $0x4  }
0x433: {  	[tilespmem:s14+$0x1C740] =	vst v0;
	v0 =	vld [tilespmem:s14+$0x1A760]  }
0x434: {  	v1 =	vld.idx.msk [tilespmem:v1+s6+$0x0], $0xffff;
	_ =	sdelay $0x4  }
0x435: {  	[tilespmem:s14+$0x1C750] =	vst v1;
	v1 =	vld [tilespmem:s14+$0x1A770];
	_ =	sdelay $0x1  }
0x436: {  	v0 =	vld.idx.msk [tilespmem:v0+s6+$0x0], $0xffff;
	_ =	sdelay $0x4  }
0x437: {  	[tilespmem:s14+$0x1C760] =	vst v0;
	v0 =	vld [tilespmem:s14+$0x1A780]  }
0x438: {  	v1 =	vld.idx.msk [tilespmem:v1+s6+$0x0], $0xffff;
	_ =	sdelay $0x4  }
0x439: {  	[tilespmem:s14+$0x1C770] =	vst v1;
	v1 =	vld [tilespmem:s14+$0x1A790];
	_ =	sdelay $0x1  }
0x43a: {  	v0 =	vld.idx.msk [tilespmem:v0+s6+$0x0], $0xffff;
	_ =	sdelay $0x4  }
0x43b: {  	[tilespmem:s14+$0x1C780] =	vst v0;
	v0 =	vld [tilespmem:s14+$0x1A7A0]  }
0x43c: {  	v1 =	vld.idx.msk [tilespmem:v1+s6+$0x0], $0xffff;
	_ =	sdelay $0x4  }
0x43d: {  	[tilespmem:s14+$0x1C790] =	vst v1;
	v1 =	vld [tilespmem:s14+$0x1A7B0];
	_ =	sdelay $0x1  }
0x43e: {  	v0 =	vld.idx.msk [tilespmem:v0+s6+$0x0], $0xffff;
	_ =	sdelay $0x4  }
0x43f: {  	[tilespmem:s14+$0x1C7A0] =	vst v0;
	v0 =	vld [tilespmem:s14+$0x1A7C0]  }
0x440: {  	v1 =	vld.idx.msk [tilespmem:v1+s6+$0x0], $0xffff;
	_ =	sdelay $0x4  }
0x441: {  	[tilespmem:s14+$0x1C7B0] =	vst v1;
	v1 =	vld [tilespmem:s14+$0x1A7D0];
	_ =	sdelay $0x1  }
0x442: {  	v0 =	vld.idx.msk [tilespmem:v0+s6+$0x0], $0xffff;
	_ =	sdelay $0x4  }
0x443: {  	[tilespmem:s14+$0x1C7C0] =	vst v0;
	v0 =	vld [tilespmem:s14+$0x1A7E0]  }
0x444: {  	v1 =	vld.idx.msk [tilespmem:v1+s6+$0x0], $0xffff;
	_ =	sdelay $0x4  }
0x445: {  	[tilespmem:s14+$0x1C7D0] =	vst v1;
	v1 =	vld [tilespmem:s14+$0x1A7F0];
	_ =	sdelay $0x1  }
0x446: {  	v0 =	vld.idx.msk [tilespmem:v0+s6+$0x0], $0xffff;
	_ =	sdelay $0x4  }
0x447: {  	[tilespmem:s14+$0x1C7E0] =	vst v0;
	v0 =	vld [tilespmem:s14+$0x1A800]  }
0x448: {  	v1 =	vld.idx.msk [tilespmem:v1+s6+$0x0], $0xffff;
	_ =	sdelay $0x4  }
0x449: {  	[tilespmem:s14+$0x1C7F0] =	vst v1;
	v1 =	vld [tilespmem:s14+$0x1A810];
	_ =	sdelay $0x1  }
0x44a: {  	v0 =	vld.idx.msk [tilespmem:v0+s6+$0x0], $0xffff;
	_ =	sdelay $0x4  }
0x44b: {  	[tilespmem:s14+$0x1C800] =	vst v0;
	v0 =	vld [tilespmem:s14+$0x1A820]  }
0x44c: {  	v1 =	vld.idx.msk [tilespmem:v1+s6+$0x0], $0xffff;
	_ =	sdelay $0x4  }
0x44d: {  	[tilespmem:s14+$0x1C810] =	vst v1;
	v1 =	vld [tilespmem:s14+$0x1A830];
	_ =	sdelay $0x1  }
0x44e: {  	v0 =	vld.idx.msk [tilespmem:v0+s6+$0x0], $0xffff;
	_ =	sdelay $0x4  }
0x44f: {  	[tilespmem:s14+$0x1C820] =	vst v0;
	v0 =	vld [tilespmem:s14+$0x1A840]  }
0x450: {  	v1 =	vld.idx.msk [tilespmem:v1+s6+$0x0], $0xffff;
	_ =	sdelay $0x4  }
0x451: {  	[tilespmem:s14+$0x1C830] =	vst v1;
	v1 =	vld [tilespmem:s14+$0x1A850];
	_ =	sdelay $0x1  }
0x452: {  	v0 =	vld.idx.msk [tilespmem:v0+s6+$0x0], $0xffff;
	_ =	sdelay $0x4  }
0x453: {  	[tilespmem:s14+$0x1C840] =	vst v0;
	v0 =	vld [tilespmem:s14+$0x1A860]  }
0x454: {  	v1 =	vld.idx.msk [tilespmem:v1+s6+$0x0], $0xffff;
	_ =	sdelay $0x4  }
0x455: {  	[tilespmem:s14+$0x1C850] =	vst v1;
	v1 =	vld [tilespmem:s14+$0x1A870];
	_ =	sdelay $0x1  }
0x456: {  	v0 =	vld.idx.msk [tilespmem:v0+s6+$0x0], $0xffff;
	_ =	sdelay $0x4  }
0x457: {  	[tilespmem:s14+$0x1C860] =	vst v0;
	v0 =	vld [tilespmem:s14+$0x1A880]  }
0x458: {  	v1 =	vld.idx.msk [tilespmem:v1+s6+$0x0], $0xffff;
	_ =	sdelay $0x4  }
0x459: {  	[tilespmem:s14+$0x1C870] =	vst v1;
	v1 =	vld [tilespmem:s14+$0x1A890];
	_ =	sdelay $0x1  }
0x45a: {  	v0 =	vld.idx.msk [tilespmem:v0+s6+$0x0], $0xffff;
	_ =	sdelay $0x4  }
0x45b: {  	[tilespmem:s14+$0x1C880] =	vst v0;
	v0 =	vld [tilespmem:s14+$0x1A8A0]  }
0x45c: {  	v1 =	vld.idx.msk [tilespmem:v1+s6+$0x0], $0xffff;
	_ =	sdelay $0x4  }
0x45d: {  	[tilespmem:s14+$0x1C890] =	vst v1;
	v1 =	vld [tilespmem:s14+$0x1A8B0];
	_ =	sdelay $0x1  }
0x45e: {  	v0 =	vld.idx.msk [tilespmem:v0+s6+$0x0], $0xffff;
	_ =	sdelay $0x4  }
0x45f: {  	[tilespmem:s14+$0x1C8A0] =	vst v0;
	v0 =	vld [tilespmem:s14+$0x1A8C0]  }
0x460: {  	v1 =	vld.idx.msk [tilespmem:v1+s6+$0x0], $0xffff;
	_ =	sdelay $0x4  }
0x461: {  	[tilespmem:s14+$0x1C8B0] =	vst v1;
	v1 =	vld [tilespmem:s14+$0x1A8D0];
	_ =	sdelay $0x1  }
0x462: {  	v0 =	vld.idx.msk [tilespmem:v0+s6+$0x0], $0xffff;
	_ =	sdelay $0x4  }
0x463: {  	[tilespmem:s14+$0x1C8C0] =	vst v0;
	v0 =	vld [tilespmem:s14+$0x1A8E0]  }
0x464: {  	v1 =	vld.idx.msk [tilespmem:v1+s6+$0x0], $0xffff;
	_ =	sdelay $0x4  }
0x465: {  	[tilespmem:s14+$0x1C8D0] =	vst v1;
	v1 =	vld [tilespmem:s14+$0x1A8F0];
	_ =	sdelay $0x1  }
0x466: {  	v0 =	vld.idx.msk [tilespmem:v0+s6+$0x0], $0xffff;
	_ =	sdelay $0x4  }
0x467: {  	[tilespmem:s14+$0x1C8E0] =	vst v0  }
0x468: {  	v0 =	vld.idx.msk [tilespmem:v1+s6+$0x0], $0xffff;
	_ =	sdelay $0x2  }
0x469: {  	s16 =	sadd.s32 $0xD10000, s0  }
0x46a: {  	s5 =	sshrl.u32 s16, $0x3  }
0x46b: {  	s5 =	sadd.s32 s4, s5;
	[tilespmem:s14+$0x1C8F0] =	vst v0  }
0x46c: {  	[hbm4b:s5+s17] =	stream.strided.scatter [tilespmem:s19], [sflag:$0x2], $0x1000, s18, s17, $0x38;
	[tilespmem:$0x1EA80] =	vst v63  }
0x46d: {  	_ =	swait.ge [sflag:s22], $0x1000  }
0x46e: {  	[sflag:s22] =	ssyncset.done $0x0  }
0x46f: {  	s5 =	simm.s32 $0x0;
	[sflag:s22] =	ssyncadd.s32 $0xFFFFF000  }
0x470: {  	v0 =	vld [tilespmem:s5+$0x1B700];
	_ =	sdelay $0x5  }
0x471: {  	v1 =	vld [tilespmem:s5+$0x1B710];
	_ =	sdelay $0x1  }
0x472: {  	v0 =	vld.idx.msk [tilespmem:v0+s6+$0x0], $0xffff;
	_ =	sdelay $0x4  }
0x473: {  	[tilespmem:s5+$0x1D700] =	vst v0;
	v0 =	vld [tilespmem:s5+$0x1B720]  }
0x474: {  	v1 =	vld.idx.msk [tilespmem:v1+s6+$0x0], $0xffff;
	_ =	sdelay $0x4  }
0x475: {  	[tilespmem:s5+$0x1D710] =	vst v1;
	v1 =	vld [tilespmem:s5+$0x1B730];
	_ =	sdelay $0x1  }
0x476: {  	v0 =	vld.idx.msk [tilespmem:v0+s6+$0x0], $0xffff;
	_ =	sdelay $0x4  }
0x477: {  	[tilespmem:s5+$0x1D720] =	vst v0;
	v0 =	vld [tilespmem:s5+$0x1B740]  }
0x478: {  	v1 =	vld.idx.msk [tilespmem:v1+s6+$0x0], $0xffff;
	_ =	sdelay $0x4  }
0x479: {  	[tilespmem:s5+$0x1D730] =	vst v1;
	v1 =	vld [tilespmem:s5+$0x1B750];
	_ =	sdelay $0x1  }
0x47a: {  	v0 =	vld.idx.msk [tilespmem:v0+s6+$0x0], $0xffff;
	_ =	sdelay $0x4  }
0x47b: {  	[tilespmem:s5+$0x1D740] =	vst v0;
	v0 =	vld [tilespmem:s5+$0x1B760]  }
0x47c: {  	v1 =	vld.idx.msk [tilespmem:v1+s6+$0x0], $0xffff;
	_ =	sdelay $0x4  }
0x47d: {  	[tilespmem:s5+$0x1D750] =	vst v1;
	v1 =	vld [tilespmem:s5+$0x1B770];
	_ =	sdelay $0x1  }
0x47e: {  	v0 =	vld.idx.msk [tilespmem:v0+s6+$0x0], $0xffff;
	_ =	sdelay $0x4  }
0x47f: {  	[tilespmem:s5+$0x1D760] =	vst v0;
	v0 =	vld [tilespmem:s5+$0x1B780]  }
0x480: {  	v1 =	vld.idx.msk [tilespmem:v1+s6+$0x0], $0xffff;
	_ =	sdelay $0x4  }
0x481: {  	[tilespmem:s5+$0x1D770] =	vst v1;
	v1 =	vld [tilespmem:s5+$0x1B790];
	_ =	sdelay $0x1  }
0x482: {  	v0 =	vld.idx.msk [tilespmem:v0+s6+$0x0], $0xffff;
	_ =	sdelay $0x4  }
0x483: {  	[tilespmem:s5+$0x1D780] =	vst v0;
	v0 =	vld [tilespmem:s5+$0x1B7A0]  }
0x484: {  	v1 =	vld.idx.msk [tilespmem:v1+s6+$0x0], $0xffff;
	_ =	sdelay $0x4  }
0x485: {  	[tilespmem:s5+$0x1D790] =	vst v1;
	v1 =	vld [tilespmem:s5+$0x1B7B0];
	_ =	sdelay $0x1  }
0x486: {  	v0 =	vld.idx.msk [tilespmem:v0+s6+$0x0], $0xffff;
	_ =	sdelay $0x4  }
0x487: {  	[tilespmem:s5+$0x1D7A0] =	vst v0;
	v0 =	vld [tilespmem:s5+$0x1B7C0]  }
0x488: {  	v1 =	vld.idx.msk [tilespmem:v1+s6+$0x0], $0xffff;
	_ =	sdelay $0x4  }
0x489: {  	[tilespmem:s5+$0x1D7B0] =	vst v1;
	v1 =	vld [tilespmem:s5+$0x1B7D0];
	_ =	sdelay $0x1  }
0x48a: {  	v0 =	vld.idx.msk [tilespmem:v0+s6+$0x0], $0xffff;
	_ =	sdelay $0x4  }
0x48b: {  	[tilespmem:s5+$0x1D7C0] =	vst v0;
	v0 =	vld [tilespmem:s5+$0x1B7E0]  }
0x48c: {  	v1 =	vld.idx.msk [tilespmem:v1+s6+$0x0], $0xffff;
	_ =	sdelay $0x4  }
0x48d: {  	[tilespmem:s5+$0x1D7D0] =	vst v1;
	v1 =	vld [tilespmem:s5+$0x1B7F0];
	_ =	sdelay $0x1  }
0x48e: {  	v0 =	vld.idx.msk [tilespmem:v0+s6+$0x0], $0xffff;
	_ =	sdelay $0x4  }
0x48f: {  	[tilespmem:s5+$0x1D7E0] =	vst v0;
	v0 =	vld [tilespmem:s5+$0x1B800]  }
0x490: {  	v1 =	vld.idx.msk [tilespmem:v1+s6+$0x0], $0xffff;
	_ =	sdelay $0x4  }
0x491: {  	[tilespmem:s5+$0x1D7F0] =	vst v1;
	v1 =	vld [tilespmem:s5+$0x1B810];
	_ =	sdelay $0x1  }
0x492: {  	v0 =	vld.idx.msk [tilespmem:v0+s6+$0x0], $0xffff;
	_ =	sdelay $0x4  }
0x493: {  	[tilespmem:s5+$0x1D800] =	vst v0;
	v0 =	vld [tilespmem:s5+$0x1B820]  }
0x494: {  	v1 =	vld.idx.msk [tilespmem:v1+s6+$0x0], $0xffff;
	_ =	sdelay $0x4  }
0x495: {  	[tilespmem:s5+$0x1D810] =	vst v1;
	v1 =	vld [tilespmem:s5+$0x1B830];
	_ =	sdelay $0x1  }
0x496: {  	v0 =	vld.idx.msk [tilespmem:v0+s6+$0x0], $0xffff;
	_ =	sdelay $0x4  }
0x497: {  	[tilespmem:s5+$0x1D820] =	vst v0;
	v0 =	vld [tilespmem:s5+$0x1B840]  }
0x498: {  	v1 =	vld.idx.msk [tilespmem:v1+s6+$0x0], $0xffff;
	_ =	sdelay $0x4  }
0x499: {  	[tilespmem:s5+$0x1D830] =	vst v1;
	v1 =	vld [tilespmem:s5+$0x1B850];
	_ =	sdelay $0x1  }
0x49a: {  	v0 =	vld.idx.msk [tilespmem:v0+s6+$0x0], $0xffff;
	_ =	sdelay $0x4  }
0x49b: {  	[tilespmem:s5+$0x1D840] =	vst v0;
	v0 =	vld [tilespmem:s5+$0x1B860]  }
0x49c: {  	v1 =	vld.idx.msk [tilespmem:v1+s6+$0x0], $0xffff;
	_ =	sdelay $0x4  }
0x49d: {  	[tilespmem:s5+$0x1D850] =	vst v1;
	v1 =	vld [tilespmem:s5+$0x1B870];
	_ =	sdelay $0x1  }
0x49e: {  	v0 =	vld.idx.msk [tilespmem:v0+s6+$0x0], $0xffff;
	_ =	sdelay $0x4  }
0x49f: {  	[tilespmem:s5+$0x1D860] =	vst v0;
	v0 =	vld [tilespmem:s5+$0x1B880]  }
0x4a0: {  	v1 =	vld.idx.msk [tilespmem:v1+s6+$0x0], $0xffff;
	_ =	sdelay $0x4  }
0x4a1: {  	[tilespmem:s5+$0x1D870] =	vst v1;
	v1 =	vld [tilespmem:s5+$0x1B890];
	_ =	sdelay $0x1  }
0x4a2: {  	v0 =	vld.idx.msk [tilespmem:v0+s6+$0x0], $0xffff;
	_ =	sdelay $0x4  }
0x4a3: {  	[tilespmem:s5+$0x1D880] =	vst v0;
	v0 =	vld [tilespmem:s5+$0x1B8A0]  }
0x4a4: {  	v1 =	vld.idx.msk [tilespmem:v1+s6+$0x0], $0xffff;
	_ =	sdelay $0x4  }
0x4a5: {  	[tilespmem:s5+$0x1D890] =	vst v1;
	v1 =	vld [tilespmem:s5+$0x1B8B0];
	_ =	sdelay $0x1  }
0x4a6: {  	v0 =	vld.idx.msk [tilespmem:v0+s6+$0x0], $0xffff;
	_ =	sdelay $0x4  }
0x4a7: {  	[tilespmem:s5+$0x1D8A0] =	vst v0;
	v0 =	vld [tilespmem:s5+$0x1B8C0]  }
0x4a8: {  	v1 =	vld.idx.msk [tilespmem:v1+s6+$0x0], $0xffff;
	_ =	sdelay $0x4  }
0x4a9: {  	[tilespmem:s5+$0x1D8B0] =	vst v1;
	v1 =	vld [tilespmem:s5+$0x1B8D0];
	_ =	sdelay $0x1  }
0x4aa: {  	v0 =	vld.idx.msk [tilespmem:v0+s6+$0x0], $0xffff;
	_ =	sdelay $0x4  }
0x4ab: {  	v2 =	vld [tilespmem:s5+$0x1B8E0];
	[tilespmem:s5+$0x1D8C0] =	vst v0  }
0x4ac: {  	v0 =	vld.idx.msk [tilespmem:v1+s6+$0x0], $0xffff;
	_ =	sdelay $0x4  }
0x4ad: {  	[tilespmem:s5+$0x1D8D0] =	vst v0;
	v0 =	vld [tilespmem:s5+$0x1B8F0];
	_ =	sdelay $0x1  }
0x4ae: {  	v1 =	vld.idx.msk [tilespmem:v2+s6+$0x0], $0xffff;
	_ =	sdelay $0x3  }
0x4af: {  	s8 =	simm.s32 $0x1000;
	s14 =	simm.s32 $0x200  }
.LBB2_19:
0x4b0: {  	p0 =	sne.s32 s8, $0x3800;
	v2 =	vld [tilespmem:s14+$0x1B700];
	[tilespmem:s5+$0x1D8E0] =	vst v1  }
0x4b1: {  	v0 =	vld.idx.msk [tilespmem:v0+s6+$0x0], $0xffff;
	_ =	sdelay $0x5  }
0x4b2: {  	v1 =	vld [tilespmem:s14+$0x1B710];
	[tilespmem:s5+$0x1D8F0] =	vst v0;
	s5 =	smov.u32 s14  }
0x4b3: {  	v0 =	vld.idx.msk [tilespmem:v2+s6+$0x0], $0xffff;
	_ =	sdelay $0x5  }
0x4b4: {  	[tilespmem:s5+$0x1D700] =	vst v0;
	v0 =	vld [tilespmem:s5+$0x1B720]  }
0x4b5: {  	v1 =	vld.idx.msk [tilespmem:v1+s6+$0x0], $0xffff;
	_ =	sdelay $0x5  }
0x4b6: {  	[tilespmem:s5+$0x1D710] =	vst v1;
	v1 =	vld [tilespmem:s5+$0x1B730]  }
0x4b7: {  	v0 =	vld.idx.msk [tilespmem:v0+s6+$0x0], $0xffff;
	_ =	sdelay $0x5  }
0x4b8: {  	[tilespmem:s5+$0x1D720] =	vst v0;
	v0 =	vld [tilespmem:s5+$0x1B740]  }
0x4b9: {  	v1 =	vld.idx.msk [tilespmem:v1+s6+$0x0], $0xffff;
	_ =	sdelay $0x5  }
0x4ba: {  	[tilespmem:s5+$0x1D730] =	vst v1;
	v1 =	vld [tilespmem:s5+$0x1B750]  }
0x4bb: {  	v0 =	vld.idx.msk [tilespmem:v0+s6+$0x0], $0xffff;
	_ =	sdelay $0x5  }
0x4bc: {  	[tilespmem:s5+$0x1D740] =	vst v0;
	v0 =	vld [tilespmem:s5+$0x1B760]  }
0x4bd: {  	v1 =	vld.idx.msk [tilespmem:v1+s6+$0x0], $0xffff;
	_ =	sdelay $0x5  }
0x4be: {  	[tilespmem:s5+$0x1D750] =	vst v1;
	v1 =	vld [tilespmem:s5+$0x1B770]  }
0x4bf: {  	v0 =	vld.idx.msk [tilespmem:v0+s6+$0x0], $0xffff;
	_ =	sdelay $0x5  }
0x4c0: {  	[tilespmem:s5+$0x1D760] =	vst v0;
	v0 =	vld [tilespmem:s5+$0x1B780]  }
0x4c1: {  	v1 =	vld.idx.msk [tilespmem:v1+s6+$0x0], $0xffff;
	_ =	sdelay $0x5  }
0x4c2: {  	[tilespmem:s5+$0x1D770] =	vst v1;
	v1 =	vld [tilespmem:s5+$0x1B790]  }
0x4c3: {  	v0 =	vld.idx.msk [tilespmem:v0+s6+$0x0], $0xffff;
	_ =	sdelay $0x5  }
0x4c4: {  	[tilespmem:s5+$0x1D780] =	vst v0;
	v0 =	vld [tilespmem:s5+$0x1B7A0]  }
0x4c5: {  	v1 =	vld.idx.msk [tilespmem:v1+s6+$0x0], $0xffff;
	_ =	sdelay $0x5  }
0x4c6: {  	[tilespmem:s5+$0x1D790] =	vst v1;
	v1 =	vld [tilespmem:s5+$0x1B7B0]  }
0x4c7: {  	v0 =	vld.idx.msk [tilespmem:v0+s6+$0x0], $0xffff;
	_ =	sdelay $0x5  }
0x4c8: {  	[tilespmem:s5+$0x1D7A0] =	vst v0;
	v0 =	vld [tilespmem:s5+$0x1B7C0]  }
0x4c9: {  	v1 =	vld.idx.msk [tilespmem:v1+s6+$0x0], $0xffff;
	_ =	sdelay $0x5  }
0x4ca: {  	[tilespmem:s5+$0x1D7B0] =	vst v1;
	v1 =	vld [tilespmem:s5+$0x1B7D0]  }
0x4cb: {  	v0 =	vld.idx.msk [tilespmem:v0+s6+$0x0], $0xffff;
	_ =	sdelay $0x5  }
0x4cc: {  	[tilespmem:s5+$0x1D7C0] =	vst v0;
	v0 =	vld [tilespmem:s5+$0x1B7E0]  }
0x4cd: {  	v1 =	vld.idx.msk [tilespmem:v1+s6+$0x0], $0xffff;
	_ =	sdelay $0x5  }
0x4ce: {  	[tilespmem:s5+$0x1D7D0] =	vst v1;
	v1 =	vld [tilespmem:s5+$0x1B7F0]  }
0x4cf: {  	v0 =	vld.idx.msk [tilespmem:v0+s6+$0x0], $0xffff;
	_ =	sdelay $0x5  }
0x4d0: {  	[tilespmem:s5+$0x1D7E0] =	vst v0;
	v0 =	vld [tilespmem:s5+$0x1B800]  }
0x4d1: {  	v1 =	vld.idx.msk [tilespmem:v1+s6+$0x0], $0xffff;
	_ =	sdelay $0x5  }
0x4d2: {  	[tilespmem:s5+$0x1D7F0] =	vst v1;
	v1 =	vld [tilespmem:s5+$0x1B810]  }
0x4d3: {  	v0 =	vld.idx.msk [tilespmem:v0+s6+$0x0], $0xffff;
	_ =	sdelay $0x5  }
0x4d4: {  	[tilespmem:s5+$0x1D800] =	vst v0;
	v0 =	vld [tilespmem:s5+$0x1B820]  }
0x4d5: {  	v1 =	vld.idx.msk [tilespmem:v1+s6+$0x0], $0xffff;
	_ =	sdelay $0x5  }
0x4d6: {  	[tilespmem:s5+$0x1D810] =	vst v1;
	v1 =	vld [tilespmem:s5+$0x1B830]  }
0x4d7: {  	v0 =	vld.idx.msk [tilespmem:v0+s6+$0x0], $0xffff;
	_ =	sdelay $0x5  }
0x4d8: {  	[tilespmem:s5+$0x1D820] =	vst v0;
	v0 =	vld [tilespmem:s5+$0x1B840]  }
0x4d9: {  	v1 =	vld.idx.msk [tilespmem:v1+s6+$0x0], $0xffff;
	_ =	sdelay $0x5  }
0x4da: {  	[tilespmem:s5+$0x1D830] =	vst v1;
	v1 =	vld [tilespmem:s5+$0x1B850]  }
0x4db: {  	v0 =	vld.idx.msk [tilespmem:v0+s6+$0x0], $0xffff;
	_ =	sdelay $0x5  }
0x4dc: {  	[tilespmem:s5+$0x1D840] =	vst v0;
	v0 =	vld [tilespmem:s5+$0x1B860]  }
0x4dd: {  	v1 =	vld.idx.msk [tilespmem:v1+s6+$0x0], $0xffff;
	_ =	sdelay $0x5  }
0x4de: {  	[tilespmem:s5+$0x1D850] =	vst v1;
	v1 =	vld [tilespmem:s5+$0x1B870]  }
0x4df: {  	v0 =	vld.idx.msk [tilespmem:v0+s6+$0x0], $0xffff;
	_ =	sdelay $0x5  }
0x4e0: {  	[tilespmem:s5+$0x1D860] =	vst v0;
	v0 =	vld [tilespmem:s5+$0x1B880]  }
0x4e1: {  	v1 =	vld.idx.msk [tilespmem:v1+s6+$0x0], $0xffff;
	_ =	sdelay $0x5  }
0x4e2: {  	[tilespmem:s5+$0x1D870] =	vst v1;
	v1 =	vld [tilespmem:s5+$0x1B890]  }
0x4e3: {  	v0 =	vld.idx.msk [tilespmem:v0+s6+$0x0], $0xffff;
	_ =	sdelay $0x5  }
0x4e4: {  	[tilespmem:s5+$0x1D880] =	vst v0;
	v0 =	vld [tilespmem:s5+$0x1B8A0]  }
0x4e5: {  	v1 =	vld.idx.msk [tilespmem:v1+s6+$0x0], $0xffff;
	_ =	sdelay $0x5  }
0x4e6: {  	[tilespmem:s5+$0x1D890] =	vst v1;
	v1 =	vld [tilespmem:s5+$0x1B8B0]  }
0x4e7: {  	v0 =	vld.idx.msk [tilespmem:v0+s6+$0x0], $0xffff;
	_ =	sdelay $0x5  }
0x4e8: {  	[tilespmem:s5+$0x1D8A0] =	vst v0;
	v0 =	vld [tilespmem:s5+$0x1B8C0]  }
0x4e9: {  	v1 =	vld.idx.msk [tilespmem:v1+s6+$0x0], $0xffff;
	_ =	sdelay $0x5  }
0x4ea: {  	[tilespmem:s5+$0x1D8B0] =	vst v1;
	v1 =	vld [tilespmem:s5+$0x1B8D0]  }
0x4eb: {  	v0 =	vld.idx.msk [tilespmem:v0+s6+$0x0], $0xffff;
	_ =	sdelay $0x5  }
0x4ec: {  	[tilespmem:s5+$0x1D8C0] =	vst v0;
	v2 =	vld [tilespmem:s5+$0x1B8E0]  }
0x4ed: {  	v0 =	vld.idx.msk [tilespmem:v1+s6+$0x0], $0xffff;
	_ =	sdelay $0x5  }
0x4ee: {  	[tilespmem:s5+$0x1D8D0] =	vst v0;
	v0 =	vld [tilespmem:s5+$0x1B8F0]  }
0x4ef: {  	v1 =	vld.idx.msk [tilespmem:v2+s6+$0x0], $0xffff  }
.Ltmp8:
0x4f0: {  	(pc) =	sbr.rel @p0 .LBB2_19-.Ltmp8, $2  }
0x4f1: {  	_ =	sdelay $0x2  }
0x4f2: {  	s14 =	sshra.s32 s8, $0x2;
	s8 =	sadd.s32 $0x800, s8  }
0x4f3: {  	_ =	sdelay $0x1  }
0x4f4: {  	v2 =	vld [tilespmem:s14+$0x1B700]  }
0x4f5: {  	[tilespmem:s5+$0x1D8E0] =	vst v1  }
0x4f6: {  	v0 =	vld.idx.msk [tilespmem:v0+s6+$0x0], $0xffff;
	_ =	sdelay $0x3  }
0x4f7: {  	v1 =	vld [tilespmem:s14+$0x1B710]  }
0x4f8: {  	[tilespmem:s5+$0x1D8F0] =	vst v0  }
0x4f9: {  	v0 =	vld.idx.msk [tilespmem:v2+s6+$0x0], $0xffff;
	_ =	sdelay $0x3  }
0x4fa: {  	v34 =	vld [tilespmem:s14+$0x1B720]  }
0x4fb: {  	[tilespmem:s14+$0x1D700] =	vst v0  }
0x4fc: {  	v1 =	vld.idx.msk [tilespmem:v1+s6+$0x0], $0xffff;
	_ =	sdelay $0x3  }
0x4fd: {  	v35 =	vld [tilespmem:s14+$0x1B730]  }
0x4fe: {  	[tilespmem:s14+$0x1D710] =	vst v1  }
0x4ff: {  	v0 =	vld.idx.msk [tilespmem:v34+s6+$0x0], $0xffff;
	_ =	sdelay $0x3  }
0x500: {  	v36 =	vld [tilespmem:s14+$0x1B740]  }
0x501: {  	[tilespmem:s14+$0x1D720] =	vst v0  }
0x502: {  	v1 =	vld.idx.msk [tilespmem:v35+s6+$0x0], $0xffff;
	_ =	sdelay $0x3  }
0x503: {  	v37 =	vld [tilespmem:s14+$0x1B750]  }
0x504: {  	[tilespmem:s14+$0x1D730] =	vst v1  }
0x505: {  	v0 =	vld.idx.msk [tilespmem:v36+s6+$0x0], $0xffff;
	_ =	sdelay $0x3  }
0x506: {  	v38 =	vld [tilespmem:s14+$0x1B760]  }
0x507: {  	[tilespmem:s14+$0x1D740] =	vst v0  }
0x508: {  	v1 =	vld.idx.msk [tilespmem:v37+s6+$0x0], $0xffff;
	_ =	sdelay $0x3  }
0x509: {  	v39 =	vld [tilespmem:s14+$0x1B770]  }
0x50a: {  	[tilespmem:s14+$0x1D750] =	vst v1  }
0x50b: {  	v0 =	vld.idx.msk [tilespmem:v38+s6+$0x0], $0xffff;
	_ =	sdelay $0x3  }
0x50c: {  	v40 =	vld [tilespmem:s14+$0x1B780]  }
0x50d: {  	[tilespmem:s14+$0x1D760] =	vst v0  }
0x50e: {  	v1 =	vld.idx.msk [tilespmem:v39+s6+$0x0], $0xffff;
	_ =	sdelay $0x3  }
0x50f: {  	v41 =	vld [tilespmem:s14+$0x1B790]  }
0x510: {  	[tilespmem:s14+$0x1D770] =	vst v1  }
0x511: {  	v0 =	vld.idx.msk [tilespmem:v40+s6+$0x0], $0xffff;
	_ =	sdelay $0x3  }
0x512: {  	v42 =	vld [tilespmem:s14+$0x1B7A0]  }
0x513: {  	[tilespmem:s14+$0x1D780] =	vst v0  }
0x514: {  	v1 =	vld.idx.msk [tilespmem:v41+s6+$0x0], $0xffff;
	_ =	sdelay $0x3  }
0x515: {  	v43 =	vld [tilespmem:s14+$0x1B7B0]  }
0x516: {  	[tilespmem:s14+$0x1D790] =	vst v1  }
0x517: {  	v0 =	vld.idx.msk [tilespmem:v42+s6+$0x0], $0xffff;
	_ =	sdelay $0x3  }
0x518: {  	v44 =	vld [tilespmem:s14+$0x1B7C0]  }
0x519: {  	[tilespmem:s14+$0x1D7A0] =	vst v0  }
0x51a: {  	v1 =	vld.idx.msk [tilespmem:v43+s6+$0x0], $0xffff;
	_ =	sdelay $0x3  }
0x51b: {  	v45 =	vld [tilespmem:s14+$0x1B7D0]  }
0x51c: {  	[tilespmem:s14+$0x1D7B0] =	vst v1  }
0x51d: {  	v0 =	vld.idx.msk [tilespmem:v44+s6+$0x0], $0xffff;
	_ =	sdelay $0x3  }
0x51e: {  	v46 =	vld [tilespmem:s14+$0x1B7E0]  }
0x51f: {  	[tilespmem:s14+$0x1D7C0] =	vst v0  }
0x520: {  	v1 =	vld.idx.msk [tilespmem:v45+s6+$0x0], $0xffff;
	_ =	sdelay $0x3  }
0x521: {  	v47 =	vld [tilespmem:s14+$0x1B7F0]  }
0x522: {  	[tilespmem:s14+$0x1D7D0] =	vst v1  }
0x523: {  	v0 =	vld.idx.msk [tilespmem:v46+s6+$0x0], $0xffff;
	_ =	sdelay $0x3  }
0x524: {  	v48 =	vld [tilespmem:s14+$0x1B800]  }
0x525: {  	[tilespmem:s14+$0x1D7E0] =	vst v0  }
0x526: {  	v1 =	vld.idx.msk [tilespmem:v47+s6+$0x0], $0xffff;
	_ =	sdelay $0x3  }
0x527: {  	v49 =	vld [tilespmem:s14+$0x1B810]  }
0x528: {  	[tilespmem:s14+$0x1D7F0] =	vst v1  }
0x529: {  	v0 =	vld.idx.msk [tilespmem:v48+s6+$0x0], $0xffff;
	_ =	sdelay $0x3  }
0x52a: {  	v50 =	vld [tilespmem:s14+$0x1B820]  }
0x52b: {  	[tilespmem:s14+$0x1D800] =	vst v0  }
0x52c: {  	v1 =	vld.idx.msk [tilespmem:v49+s6+$0x0], $0xffff;
	_ =	sdelay $0x3  }
0x52d: {  	v51 =	vld [tilespmem:s14+$0x1B830]  }
0x52e: {  	[tilespmem:s14+$0x1D810] =	vst v1  }
0x52f: {  	v0 =	vld.idx.msk [tilespmem:v50+s6+$0x0], $0xffff;
	_ =	sdelay $0x3  }
0x530: {  	v52 =	vld [tilespmem:s14+$0x1B840]  }
0x531: {  	[tilespmem:s14+$0x1D820] =	vst v0  }
0x532: {  	v1 =	vld.idx.msk [tilespmem:v51+s6+$0x0], $0xffff;
	_ =	sdelay $0x3  }
0x533: {  	v53 =	vld [tilespmem:s14+$0x1B850]  }
0x534: {  	[tilespmem:s14+$0x1D830] =	vst v1  }
0x535: {  	v0 =	vld.idx.msk [tilespmem:v52+s6+$0x0], $0xffff;
	_ =	sdelay $0x3  }
0x536: {  	v54 =	vld [tilespmem:s14+$0x1B860]  }
0x537: {  	[tilespmem:s14+$0x1D840] =	vst v0  }
0x538: {  	v1 =	vld.idx.msk [tilespmem:v53+s6+$0x0], $0xffff;
	_ =	sdelay $0x3  }
0x539: {  	v55 =	vld [tilespmem:s14+$0x1B870]  }
0x53a: {  	[tilespmem:s14+$0x1D850] =	vst v1  }
0x53b: {  	v0 =	vld.idx.msk [tilespmem:v54+s6+$0x0], $0xffff;
	_ =	sdelay $0x3  }
0x53c: {  	v56 =	vld [tilespmem:s14+$0x1B880]  }
0x53d: {  	[tilespmem:s14+$0x1D860] =	vst v0  }
0x53e: {  	v1 =	vld.idx.msk [tilespmem:v55+s6+$0x0], $0xffff;
	_ =	sdelay $0x3  }
0x53f: {  	v57 =	vld [tilespmem:s14+$0x1B890]  }
0x540: {  	[tilespmem:s14+$0x1D870] =	vst v1  }
0x541: {  	v0 =	vld.idx.msk [tilespmem:v56+s6+$0x0], $0xffff;
	_ =	sdelay $0x3  }
0x542: {  	v58 =	vld [tilespmem:s14+$0x1B8A0]  }
0x543: {  	[tilespmem:s14+$0x1D880] =	vst v0  }
0x544: {  	v1 =	vld.idx.msk [tilespmem:v57+s6+$0x0], $0xffff;
	_ =	sdelay $0x3  }
0x545: {  	v59 =	vld [tilespmem:s14+$0x1B8B0]  }
0x546: {  	[tilespmem:s14+$0x1D890] =	vst v1  }
0x547: {  	v0 =	vld.idx.msk [tilespmem:v58+s6+$0x0], $0xffff;
	_ =	sdelay $0x3  }
0x548: {  	v60 =	vld [tilespmem:s14+$0x1B8C0]  }
0x549: {  	[tilespmem:s14+$0x1D8A0] =	vst v0  }
0x54a: {  	v1 =	vld.idx.msk [tilespmem:v59+s6+$0x0], $0xffff;
	_ =	sdelay $0x3  }
0x54b: {  	v61 =	vld [tilespmem:s14+$0x1B8D0]  }
0x54c: {  	[tilespmem:s14+$0x1D8B0] =	vst v1  }
0x54d: {  	v0 =	vld.idx.msk [tilespmem:v60+s6+$0x0], $0xffff;
	_ =	sdelay $0x3  }
0x54e: {  	v62 =	vld [tilespmem:s14+$0x1B8E0]  }
0x54f: {  	[tilespmem:s14+$0x1D8C0] =	vst v0  }
0x550: {  	v1 =	vld.idx.msk [tilespmem:v61+s6+$0x0], $0xffff;
	_ =	sdelay $0x3  }
0x551: {  	v63 =	vld [tilespmem:s14+$0x1B8F0]  }
0x552: {  	[tilespmem:s14+$0x1D8D0] =	vst v1  }
0x553: {  	v0 =	vld.idx.msk [tilespmem:v62+s6+$0x0], $0xffff;
	_ =	sdelay $0x4  }
0x554: {  	[tilespmem:s14+$0x1D8E0] =	vst v0  }
0x555: {  	s30 =	sadd.s32 $0x1, s30;
	v0 =	vld.idx.msk [tilespmem:v63+s6+$0x0], $0xffff  }
0x556: {  	p0 =	sne.s32 s30, $0x34  }
.Ltmp9:
0x557: {  	_ = 	snop;
	(pc) =	sbr.rel @p0 .LBB2_12-.Ltmp9, $4  }
0x558: {  	s0 =	sadd.s32 $0xD18000, s0  }
0x559: {  	s0 =	sshrl.u32 s0, $0x3  }
0x55a: {  	s0 =	sadd.s32 s4, s0;
	[tilespmem:s14+$0x1D8F0] =	vst v0  }
0x55b: {  	[hbm4b:s0+s17] =	stream.strided.scatter [tilespmem:s20], [sflag:$0x3], $0x1000, s18, s17, $0x38;
	[tilespmem:$0x1EA80] =	vst v63  }
0x55c: {  	_ =	swait.ge [sflag:s21], $0x1000  }
0x55d: {  	[sflag:s21] =	ssyncset.done $0x0  }
0x55e: {  	[sflag:s21] =	ssyncadd.s32 $0xFFFFF000  }
0x55f: {  	_ =	swait.ge [sflag:s22], $0x1000  }
0x560: {  	s29 =	sadd.s32 $0x1, s29;
	s0 =	rddreg [dreg:$0x7]  }
0x561: {  	p0 =	sne.s32 s29, s0  }
.Ltmp10:
0x562: {  	_ = 	snop;
	(pc) =	sbr.rel @p0 .LBB2_1-.Ltmp10, $3  }
0x563: {  	_ =	sdelay $0x1  }
0x564: {  	[sflag:s22] =	ssyncset.done $0x0  }
0x565: {  	[sflag:s22] =	ssyncadd.s32 $0xFFFFF000  }
0x566: {  	_ =	sfence.sel $0x180000  }
0x567: {  	[bflag:$0x0] =	sbarrier.arrive $0xFFFF  }
0x568: {  	_ =	strace $0x90000047  }
0x569: {  	s0 =	stileid.u32;
	[bflag:$0x2] =	sbarrier.arrive $0xFFFF  }
0x56a: {  	p0 =	sne.s32 s0, $0x0;
	s0 =	rddreg [dreg:$0x5]  }
0x56b: {  	s0 =	sadd.s32 @!p0 $0x100000, s0  }
0x56c: {  	[sflag:s0] =	ssyncadd.tile.s32 @!p0 $0x1;
	_ =	shalt  }
.Lfunc_end2:
_tile_overlayer_lowered:
.L_overlay_start_2:
0x56d: {  	(tag) =	ssettag $0x2  }
0x56e: {  	s0 =	rddreg [dreg:$0x0];
	s2 =	stileid.u32  }
0x56f: {  	s1 =	rddreg [dreg:$0x1];
	p0 =	sne.s32 s2, $0x0  }
0x570: {  	s3 =	rddreg [dreg:$0x2];
	[bflag:$0x3] =	sbarrier.arrive $0xFFFF;
	s2 =	simm.s32 @!p0 $0x1C04  }
0x571: {  	[timem:s3], [sflag:s2] =	dma.local @!p0 [hbm:s0], s1  }
0x572: {  	s0 =	simm.s32 @!p0 $0x4  }
0x573: {  	_ =	swait.ge @!p0 [sflag:s0], s1  }
0x574: {  	s1 =	ssub.s32 @!p0 $0x0, s1;
	[sflag:s0] =	ssyncset.done @!p0 $0x0  }
0x575: {  	[sflag:s0] =	ssyncadd.s32 @!p0 s1  }
0x576: {  	[bflag:$0x3] =	sbarrier.arrive $0xFFFF  }
0x577: {  	_ =	shalt  }

</sc_bundles>
